<compile_context>
chip_gen: v7x
topology: tpu7x:2x2x1
jax: 0.10.2.dev20260603
libtpu: 0.0.44.dev20260713+nightly
codegen_flags: <defaults>
</compile_context>

<pallas_src>
import jax
import jax.numpy as jnp
from jax import lax
from jax.experimental import pallas as pl
from jax.experimental.pallas import tpu as pltpu
from jax.experimental.pallas import tpu_sc as plsc

N = 10000
E = 320000
D = 128
NP = 10240
TRASH = N
NC = 2
NS = 16
NW = NC * NS
EP = E
EPW = EP // NW
CH = 80
NCHUNK = EPW // CH
RPT = NP // NS
ZB = 32
G = 5
BR = N // G

_mesh = plsc.VectorSubcoreMesh(core_axis_name="c", subcore_axis_name="s")


def _deg_body(row_hbm, col_hbm, z16_hbm, ones_hbm, deg_out, rowa, cola,
              colb, ones, deg_sp, sem):
    c = lax.axis_index("c")
    s = lax.axis_index("s")
    w = c * NS + s
    pltpu.sync_copy(z16_hbm, deg_sp.at[pl.ds(s * RPT, RPT)])
    pltpu.sync_copy(ones_hbm, ones)
    pltpu.sync_copy(row_hbm.at[pl.ds(w * EPW, EPW)], rowa)
    pltpu.sync_copy(col_hbm.at[pl.ds(w * EPW, EPW)], cola)
    plsc.subcore_barrier()

    def chunk(k, carry):
        for j in range(CH // 16):
            r = rowa[pl.ds(k * CH + j * 16, 16)]
            cl = cola[pl.ds(k * CH + j * 16, 16)]
            colb[pl.ds(j * 16, 16)] = jnp.where(r == cl, TRASH, cl)
        pltpu.sync_copy(ones, deg_sp.at[colb], add=True)
        return carry

    lax.fori_loop(0, NCHUNK, chunk, 0)
    plsc.subcore_barrier()
    for i in range(RPT // ZB):
        pltpu.sync_copy(deg_sp.at[pl.ds(s * RPT + i * ZB, ZB)],
                        deg_out.at[c, pl.ds(s * RPT + i * ZB, ZB)])


_deg_kernel = pl.kernel(
    _deg_body,
    out_type=jax.ShapeDtypeStruct((NC, NP, 16), jnp.float32),
    mesh=_mesh,
    scratch_types=[
        pltpu.VMEM((EPW,), jnp.int32),
        pltpu.VMEM((EPW,), jnp.int32),
        pltpu.VMEM((CH,), jnp.int32),
        pltpu.VMEM((CH, 16), jnp.float32),
        pltpu.VMEM_SHARED((NP, 16), jnp.float32),
        pltpu.SemaphoreType.DMA,
    ],
)


def _spmm_body(xs_hbm, row_hbm, col_hbm, zd_hbm, agg_out, rowa, cola,
               rowb0, colb0, rows0, rowb1, colb1, rows1, agg_sp, sem0, sem1):
    c = lax.axis_index("c")
    s = lax.axis_index("s")
    w = c * NS + s

    pltpu.sync_copy(zd_hbm, agg_sp.at[pl.ds(s * RPT, RPT)])
    pltpu.sync_copy(row_hbm.at[pl.ds(w * EPW, EPW)], rowa)
    pltpu.sync_copy(col_hbm.at[pl.ds(w * EPW, EPW)], cola)
    plsc.subcore_barrier()

    def stage(k, rowb, colb, rows, sem):
        for j in range(CH // 16):
            r = rowa[pl.ds(k * CH + j * 16, 16)]
            cl = cola[pl.ds(k * CH + j * 16, 16)]
            rowb[pl.ds(j * 16, 16)] = r
            colb[pl.ds(j * 16, 16)] = jnp.where(r == cl, TRASH, cl)
        pltpu.async_copy(xs_hbm.at[rowb], rows, sem)

    def drain(rowb, colb, rows, sem):
        pltpu.make_async_copy(xs_hbm.at[rowb], rows, sem).wait()
        pltpu.sync_copy(rows, agg_sp.at[colb], add=True)

    stage(0, rowb0, colb0, rows0, sem0)

    def pair(i, carry):
        k = 2 * i
        stage(k + 1, rowb1, colb1, rows1, sem1)
        drain(rowb0, colb0, rows0, sem0)
        stage(k + 2, rowb0, colb0, rows0, sem0)
        drain(rowb1, colb1, rows1, sem1)
        return carry

    lax.fori_loop(0, (NCHUNK - 1) // 2, pair, 0)
    drain(rowb0, colb0, rows0, sem0)
    plsc.subcore_barrier()
    for i in range(RPT // ZB):
        pltpu.sync_copy(agg_sp.at[pl.ds(s * RPT + i * ZB, ZB)],
                        agg_out.at[c, pl.ds(s * RPT + i * ZB, ZB)])


_spmm_kernel = pl.kernel(
    _spmm_body,
    out_type=jax.ShapeDtypeStruct((NC, NP, D), jnp.float32),
    mesh=_mesh,
    scratch_types=[
        pltpu.VMEM((EPW,), jnp.int32),
        pltpu.VMEM((EPW,), jnp.int32),
        pltpu.VMEM((CH,), jnp.int32),
        pltpu.VMEM((CH,), jnp.int32),
        pltpu.VMEM((CH, D), jnp.float32),
        pltpu.VMEM((CH,), jnp.int32),
        pltpu.VMEM((CH,), jnp.int32),
        pltpu.VMEM((CH, D), jnp.float32),
        pltpu.VMEM_SHARED((NP, D), jnp.float32),
        pltpu.SemaphoreType.DMA,
        pltpu.SemaphoreType.DMA,
    ],
)


def _dinv(deg_ref, off):
    dsum = (deg_ref[0, pl.ds(off, BR), :]
            + deg_ref[1, pl.ds(off, BR), :])
    return lax.rsqrt(1.0 + dsum[:, 0:1])


def _mm_body(x_ref, w_ref, o_ref):
    o_ref[...] = jnp.dot(x_ref[...], w_ref[...],
                         preferred_element_type=jnp.float32)


_mm = pl.pallas_call(
    _mm_body,
    grid=(G,),
    in_specs=[
        pl.BlockSpec((BR, D), lambda i: (i, 0)),
        pl.BlockSpec((D, D), lambda i: (0, 0)),
    ],
    out_specs=pl.BlockSpec((BR, D), lambda i: (i, 0)),
    out_shape=jax.ShapeDtypeStruct((N, D), jnp.float32),
)


_deg_spec = pl.BlockSpec((NC, NP, 16), lambda i: (0, 0, 0))
_agg_spec = pl.BlockSpec((NC, NP, D), lambda i: (0, 0, 0))


def _scale_body(deg_ref, t_ref, o_ref):
    o_ref[...] = _dinv(deg_ref, pl.program_id(0) * BR) * t_ref[...]


_scale = pl.pallas_call(
    _scale_body,
    grid=(G,),
    in_specs=[
        _deg_spec,
        pl.BlockSpec((BR, D), lambda i: (i, 0)),
    ],
    out_specs=pl.BlockSpec((BR, D), lambda i: (i, 0)),
    out_shape=jax.ShapeDtypeStruct((N, D), jnp.float32),
)


def _agg_sum(agg_ref, off):
    return agg_ref[0, pl.ds(off, BR), :] + agg_ref[1, pl.ds(off, BR), :]


def _layer_mid_body(deg_ref, agg_ref, xs_ref, w_ref, b_ref, o_ref):
    off = pl.program_id(0) * BR
    dinv = _dinv(deg_ref, off)
    ssum = _agg_sum(agg_ref, off) + xs_ref[...]
    h = jnp.maximum(dinv * ssum + b_ref[...], 0.0)
    o_ref[...] = dinv * jnp.dot(h, w_ref[...],
                                preferred_element_type=jnp.float32)


_layer_mid = pl.pallas_call(
    _layer_mid_body,
    grid=(G,),
    in_specs=[
        _deg_spec,
        _agg_spec,
        pl.BlockSpec((BR, D), lambda i: (i, 0)),
        pl.BlockSpec((D, D), lambda i: (0, 0)),
        pl.BlockSpec((1, D), lambda i: (0, 0)),
    ],
    out_specs=pl.BlockSpec((BR, D), lambda i: (i, 0)),
    out_shape=jax.ShapeDtypeStruct((N, D), jnp.float32),
)


def _final_body(deg_ref, agg_ref, xs_ref, b_ref, o_ref):
    off = pl.program_id(0) * BR
    dinv = _dinv(deg_ref, off)
    o = dinv * (_agg_sum(agg_ref, off) + xs_ref[...]) + b_ref[...]
    m = jnp.max(o, axis=1, keepdims=True)
    lse = m + jnp.log(jnp.sum(jnp.exp(o - m), axis=1, keepdims=True))
    o_ref[...] = o - lse


_final = pl.pallas_call(
    _final_body,
    grid=(G,),
    in_specs=[
        _deg_spec,
        _agg_spec,
        pl.BlockSpec((BR, D), lambda i: (i, 0)),
        pl.BlockSpec((1, D), lambda i: (0, 0)),
    ],
    out_specs=pl.BlockSpec((BR, D), lambda i: (i, 0)),
    out_shape=jax.ShapeDtypeStruct((N, D), jnp.float32),
)


def kernel(features, edge_index, W1, b1, W2, b2):
    row = edge_index[0]
    col = edge_index[1]
    z16 = jnp.zeros((RPT, 16), jnp.float32)
    zd = jnp.zeros((RPT, D), jnp.float32)
    ones = jnp.concatenate(
        [jnp.ones((CH, 1), jnp.float32), jnp.zeros((CH, 15), jnp.float32)],
        axis=1)
    deg_raw = _deg_kernel(row, col, z16, ones)
    t1 = _mm(features, W1)
    xs1 = _scale(deg_raw, t1)
    agg1 = _spmm_kernel(xs1, row, col, zd)
    xs2 = _layer_mid(deg_raw, agg1, xs1, W2, b1.reshape(1, D))
    agg2 = _spmm_kernel(xs2, row, col, zd)
    return _final(deg_raw, agg2, xs2, b2.reshape(1, D))

# --- scband reference (transcript-rebuilt; emitter-appended) ---
"""Pipeline reference for scband-gcn-19155554140397 (READ-ONLY COPY).

The authoritative reference and input builder live on the scoring server;
editing this copy changes nothing except your own understanding.
"""

import jax, jax.numpy as jnp
import numpy as np
import math

N = 10000
E = 320000
D_IN = 128
D_HID = 128
D_OUT = 128


def setup_inputs(seed: int = 0) -> dict:
    key = jax.random.key(seed)
    k1, k2, k3, k4 = jax.random.split(key, 4)
    features = jax.random.normal(k1, (N, D_IN), dtype=jnp.float32)
    edge_index = jax.random.randint(k2, (2, E), 0, N, dtype=jnp.int32)
    s1 = math.sqrt(6.0 / (D_IN + D_HID))
    W1 = jax.random.uniform(k3, (D_IN, D_HID), minval=-s1, maxval=s1, dtype=jnp.float32)
    b1 = jnp.zeros((D_HID,), dtype=jnp.float32)
    s2 = math.sqrt(6.0 / (D_HID + D_OUT))
    W2 = jax.random.uniform(k4, (D_HID, D_OUT), minval=-s2, maxval=s2, dtype=jnp.float32)
    b2 = jnp.zeros((D_OUT,), dtype=jnp.float32)
    return {"features": features, "edge_index": edge_index, "W1": W1, "b1": b1, "W2": W2, "b2": b2}


def _gcn_conv(x, row, col, ew, W, b):
    # GCNConv: x' = D^{-1/2} A_hat D^{-1/2} (x W) + b
    x = x @ W
    deg = jax.ops.segment_sum(ew, col, num_segments=N)
    dinv = jnp.where(deg > 0, 1.0 / jnp.sqrt(deg), 0.0)
    norm = dinv[row] * ew * dinv[col]
    msg = norm[:, None] * jnp.take(x, row, axis=0)
    out = jax.ops.segment_sum(msg, col, num_segments=N)
    return out + b


def reference(features, edge_index, W1, b1, W2, b2):
    row, col = edge_index[0], edge_index[1]
    # add_remaining_self_loops: zero out existing self-loops, append one self-loop per node
    ew = (row != col).astype(jnp.float32)
    loop = jnp.arange(N, dtype=row.dtype)
    row_f = jnp.concatenate([row, loop])
    col_f = jnp.concatenate([col, loop])
    ew_f = jnp.concatenate([ew, jnp.ones((N,), dtype=jnp.float32)])
    x = _gcn_conv(features, row_f, col_f, ew_f, W1, b1)
    x = jax.nn.relu(x)
    # dropout is identity in eval / deterministic reference
    x = _gcn_conv(x, row_f, col_f, ew_f, W2, b2)
    return jax.nn.log_softmax(x, axis=1)

if __name__ == "__main__":
    import jax
    _d = setup_inputs()
    print(jax.jit(kernel)(*tuple(_d.values())))

</pallas_src>

<mosaic_0001>
#map = affine_map<(d0, d1) -> (0, 0)>
#map1 = affine_map<(d0, d1) -> (0)>
#map2 = affine_map<(d0, d1) -> (0, 0, 0)>
module attributes {stable_mosaic.version = 14 : i64} {
  func.func @_spmm_body(%arg0: i32, %arg1: i32, %arg2: memref<10000x128xf32, #tpu.memory_space<hbm>>, %arg3: memref<320000xi32, #tpu.memory_space<hbm>>, %arg4: memref<320000xi32, #tpu.memory_space<hbm>>, %arg5: memref<640x128xf32, #tpu.memory_space<hbm>>, %arg6: memref<2x10240x128xf32, #tpu.memory_space<hbm>>, %arg7: memref<10000xi32, #tpu.memory_space<vmem>>, %arg8: memref<10000xi32, #tpu.memory_space<vmem>>, %arg9: memref<80xi32, #tpu.memory_space<vmem>>, %arg10: memref<80xi32, #tpu.memory_space<vmem>>, %arg11: memref<80x128xf32, #tpu.memory_space<vmem>>, %arg12: memref<80xi32, #tpu.memory_space<vmem>>, %arg13: memref<80xi32, #tpu.memory_space<vmem>>, %arg14: memref<80x128xf32, #tpu.memory_space<vmem>>, %arg15: memref<10240x128xf32, #tpu.memory_space<vmem_shared>>, %arg16: memref<!tpu.dma_semaphore, #tpu.memory_space<semaphore_mem>>, %arg17: memref<!tpu.dma_semaphore, #tpu.memory_space<semaphore_mem>>) attributes {dimension_semantics = [#tpu.dimension_semantics<core_parallel>, #tpu.dimension_semantics<subcore_parallel>], iteration_bounds = array<i64: 2, 16>, scalar_prefetch = 0 : i64, scratch_operands = 11 : i64, tpu.core_type = #tpu.core_type<sc_vector_subcore>, window_params = [{transform_indices = #map}, {transform_indices = #map1}, {transform_indices = #map1}, {transform_indices = #map}, {transform_indices = #map2}]} {
    %mul3A = arith.constant 16 : i32
    %mul3A_0 = arith.muli %arg0, %mul3A : i32
    %add3A = arith.addi %mul3A_0, %arg1 : i32
    %mul3A_1 = arith.constant 640 : i32
    %mul3A_2 = arith.muli %arg1, %mul3A_1 : i32
    "tpu.region"() ({
      %run_scoped3A = tpu.sem_alloc : memref<!tpu.dma_semaphore, #tpu.memory_space<semaphore_mem>>
      %dma_start3A_261 = arith.constant 0 : i32
      %dma_start3A_262 = tpu.memref_slice %arg15[%mul3A_2, %dma_start3A_261] : memref<10240x128xf32, #tpu.memory_space<vmem_shared>> -> memref<640x128xf32, #tpu.memory_space<vmem_shared>>
      tpu.enqueue_dma source(%arg5 : memref<640x128xf32, #tpu.memory_space<hbm>>) target(%dma_start3A_262 : memref<640x128xf32, #tpu.memory_space<vmem_shared>>) target_semaphore(%run_scoped3A : memref<!tpu.dma_semaphore, #tpu.memory_space<semaphore_mem>>)
      %dma_wait3A_263 = arith.constant 0 : i32
      %dma_wait3A_264 = tpu.memref_slice %arg15[%mul3A_2, %dma_wait3A_263] : memref<10240x128xf32, #tpu.memory_space<vmem_shared>> -> memref<640x128xf32, #tpu.memory_space<vmem_shared>>
      tpu.wait_dma2 semaphore(%run_scoped3A : memref<!tpu.dma_semaphore, #tpu.memory_space<semaphore_mem>>) src(%arg5 : memref<640x128xf32, #tpu.memory_space<hbm>>) dst(%dma_wait3A_264 : memref<640x128xf32, #tpu.memory_space<vmem_shared>>)
      tpu.yield
    }) : () -> ()
    %mul3A_3 = arith.constant 10000 : i32
    %mul3A_4 = arith.muli %add3A, %mul3A_3 : i32
    "tpu.region"() ({
      %run_scoped3A = tpu.sem_alloc : memref<!tpu.dma_semaphore, #tpu.memory_space<semaphore_mem>>
      %dma_start3A_261 = tpu.memref_slice %arg3[%mul3A_4] : memref<320000xi32, #tpu.memory_space<hbm>> -> memref<10000xi32, #tpu.memory_space<hbm>>
      %dma_start3A_262 = tpu.memref_slice %arg3[%mul3A_4] : memref<320000xi32, #tpu.memory_space<hbm>> -> memref<10000xi32, #tpu.memory_space<hbm>>
      tpu.enqueue_dma source(%dma_start3A_262 : memref<10000xi32, #tpu.memory_space<hbm>>) target(%arg7 : memref<10000xi32, #tpu.memory_space<vmem>>) target_semaphore(%run_scoped3A : memref<!tpu.dma_semaphore, #tpu.memory_space<semaphore_mem>>)
      %dma_wait3A_263 = tpu.memref_slice %arg3[%mul3A_4] : memref<320000xi32, #tpu.memory_space<hbm>> -> memref<10000xi32, #tpu.memory_space<hbm>>
      %dma_wait3A_264 = tpu.memref_slice %arg3[%mul3A_4] : memref<320000xi32, #tpu.memory_space<hbm>> -> memref<10000xi32, #tpu.memory_space<hbm>>
      tpu.wait_dma2 semaphore(%run_scoped3A : memref<!tpu.dma_semaphore, #tpu.memory_space<semaphore_mem>>) src(%dma_wait3A_264 : memref<10000xi32, #tpu.memory_space<hbm>>) dst(%arg7 : memref<10000xi32, #tpu.memory_space<vmem>>)
      tpu.yield
    }) : () -> ()
    %mul3A_5 = arith.constant 10000 : i32
    %mul3A_6 = arith.muli %add3A, %mul3A_5 : i32
    "tpu.region"() ({
      %run_scoped3A = tpu.sem_alloc : memref<!tpu.dma_semaphore, #tpu.memory_space<semaphore_mem>>
      %dma_start3A_261 = tpu.memref_slice %arg4[%mul3A_6] : memref<320000xi32, #tpu.memory_space<hbm>> -> memref<10000xi32, #tpu.memory_space<hbm>>
      %dma_start3A_262 = tpu.memref_slice %arg4[%mul3A_6] : memref<320000xi32, #tpu.memory_space<hbm>> -> memref<10000xi32, #tpu.memory_space<hbm>>
      tpu.enqueue_dma source(%dma_start3A_262 : memref<10000xi32, #tpu.memory_space<hbm>>) target(%arg8 : memref<10000xi32, #tpu.memory_space<vmem>>) target_semaphore(%run_scoped3A : memref<!tpu.dma_semaphore, #tpu.memory_space<semaphore_mem>>)
      %dma_wait3A_263 = tpu.memref_slice %arg4[%mul3A_6] : memref<320000xi32, #tpu.memory_space<hbm>> -> memref<10000xi32, #tpu.memory_space<hbm>>
      %dma_wait3A_264 = tpu.memref_slice %arg4[%mul3A_6] : memref<320000xi32, #tpu.memory_space<hbm>> -> memref<10000xi32, #tpu.memory_space<hbm>>
      tpu.wait_dma2 semaphore(%run_scoped3A : memref<!tpu.dma_semaphore, #tpu.memory_space<semaphore_mem>>) src(%dma_wait3A_264 : memref<10000xi32, #tpu.memory_space<hbm>>) dst(%arg8 : memref<10000xi32, #tpu.memory_space<vmem>>)
      tpu.yield
    }) : () -> ()
    %barrier3A = arith.constant 0 : index
    tpu.barrier barrier_id(%barrier3A)
    %get3A = arith.constant 0 : index
    %get3A_7 = tpu.vector_load %arg7[%get3A] {strides = array<i32>} : memref<10000xi32, #tpu.memory_space<vmem>>, vector<16xi32>,
    %get3A_8 = vector.shape_cast %get3A_7 : vector<16xi32> to vector<16xi32>
    %get3A_9 = arith.constant 0 : index
    %get3A_10 = tpu.vector_load %arg8[%get3A_9] {strides = array<i32>} : memref<10000xi32, #tpu.memory_space<vmem>>, vector<16xi32>,
    %get3A_11 = vector.shape_cast %get3A_10 : vector<16xi32> to vector<16xi32>
    %swap3A = arith.constant 0 : index
    %swap3A_12 = tpu.vector_load %arg9[%swap3A] {strides = array<i32>} : memref<80xi32, #tpu.memory_space<vmem>>, vector<16xi32>,
    %swap3A_13 = vector.shape_cast %swap3A_12 : vector<16xi32> to vector<16xi32>
    %swap3A_14 = vector.shape_cast %get3A_8 : vector<16xi32> to vector<16xi32>
    tpu.vector_store %arg9[%swap3A], %swap3A_14 {strides = array<i32>} : memref<80xi32, #tpu.memory_space<vmem>>, vector<16xi32>,
    %eq3A = arith.cmpi eq, %get3A_8, %get3A_11 : vector<16xi32>
    %jit3A = arith.constant 10000 : i32
    %broadcast_in_dim3A = vector.broadcast %jit3A : i32 to vector<16xi32>
    %select_n3A = arith.select %eq3A, %broadcast_in_dim3A, %get3A_11 : vector<16xi1>, vector<16xi32>
    %swap3A_15 = arith.constant 0 : index
    %swap3A_16 = tpu.vector_load %arg10[%swap3A_15] {strides = array<i32>} : memref<80xi32, #tpu.memory_space<vmem>>, vector<16xi32>,
    %swap3A_17 = vector.shape_cast %swap3A_16 : vector<16xi32> to vector<16xi32>
    %swap3A_18 = vector.shape_cast %select_n3A : vector<16xi32> to vector<16xi32>
    tpu.vector_store %arg10[%swap3A_15], %swap3A_18 {strides = array<i32>} : memref<80xi32, #tpu.memory_space<vmem>>, vector<16xi32>,
    %get3A_19 = arith.constant 16 : index
    %get3A_20 = tpu.vector_load %arg7[%get3A_19] {strides = array<i32>} : memref<10000xi32, #tpu.memory_space<vmem>>, vector<16xi32>,
    %get3A_21 = vector.shape_cast %get3A_20 : vector<16xi32> to vector<16xi32>
    %get3A_22 = arith.constant 16 : index
    %get3A_23 = tpu.vector_load %arg8[%get3A_22] {strides = array<i32>} : memref<10000xi32, #tpu.memory_space<vmem>>, vector<16xi32>,
    %get3A_24 = vector.shape_cast %get3A_23 : vector<16xi32> to vector<16xi32>
    %swap3A_25 = arith.constant 16 : index
    %swap3A_26 = tpu.vector_load %arg9[%swap3A_25] {strides = array<i32>} : memref<80xi32, #tpu.memory_space<vmem>>, vector<16xi32>,
    %swap3A_27 = vector.shape_cast %swap3A_26 : vector<16xi32> to vector<16xi32>
    %swap3A_28 = vector.shape_cast %get3A_21 : vector<16xi32> to vector<16xi32>
    tpu.vector_store %arg9[%swap3A_25], %swap3A_28 {strides = array<i32>} : memref<80xi32, #tpu.memory_space<vmem>>, vector<16xi32>,
    %eq3A_29 = arith.cmpi eq, %get3A_21, %get3A_24 : vector<16xi32>
    %jit3A_30 = arith.constant 10000 : i32
    %broadcast_in_dim3A_31 = vector.broadcast %jit3A_30 : i32 to vector<16xi32>
    %select_n3A_32 = arith.select %eq3A_29, %broadcast_in_dim3A_31, %get3A_24 : vector<16xi1>, vector<16xi32>
    %swap3A_33 = arith.constant 16 : index
    %swap3A_34 = tpu.vector_load %arg10[%swap3A_33] {strides = array<i32>} : memref<80xi32, #tpu.memory_space<vmem>>, vector<16xi32>,
    %swap3A_35 = vector.shape_cast %swap3A_34 : vector<16xi32> to vector<16xi32>
    %swap3A_36 = vector.shape_cast %select_n3A_32 : vector<16xi32> to vector<16xi32>
    tpu.vector_store %arg10[%swap3A_33], %swap3A_36 {strides = array<i32>} : memref<80xi32, #tpu.memory_space<vmem>>, vector<16xi32>,
    %get3A_37 = arith.constant 32 : index
    %get3A_38 = tpu.vector_load %arg7[%get3A_37] {strides = array<i32>} : memref<10000xi32, #tpu.memory_space<vmem>>, vector<16xi32>,
    %get3A_39 = vector.shape_cast %get3A_38 : vector<16xi32> to vector<16xi32>
    %get3A_40 = arith.constant 32 : index
    %get3A_41 = tpu.vector_load %arg8[%get3A_40] {strides = array<i32>} : memref<10000xi32, #tpu.memory_space<vmem>>, vector<16xi32>,
    %get3A_42 = vector.shape_cast %get3A_41 : vector<16xi32> to vector<16xi32>
    %swap3A_43 = arith.constant 32 : index
    %swap3A_44 = tpu.vector_load %arg9[%swap3A_43] {strides = array<i32>} : memref<80xi32, #tpu.memory_space<vmem>>, vector<16xi32>,
    %swap3A_45 = vector.shape_cast %swap3A_44 : vector<16xi32> to vector<16xi32>
    %swap3A_46 = vector.shape_cast %get3A_39 : vector<16xi32> to vector<16xi32>
    tpu.vector_store %arg9[%swap3A_43], %swap3A_46 {strides = array<i32>} : memref<80xi32, #tpu.memory_space<vmem>>, vector<16xi32>,
    %eq3A_47 = arith.cmpi eq, %get3A_39, %get3A_42 : vector<16xi32>
    %jit3A_48 = arith.constant 10000 : i32
    %broadcast_in_dim3A_49 = vector.broadcast %jit3A_48 : i32 to vector<16xi32>
    %select_n3A_50 = arith.select %eq3A_47, %broadcast_in_dim3A_49, %get3A_42 : vector<16xi1>, vector<16xi32>
    %swap3A_51 = arith.constant 32 : index
    %swap3A_52 = tpu.vector_load %arg10[%swap3A_51] {strides = array<i32>} : memref<80xi32, #tpu.memory_space<vmem>>, vector<16xi32>,
    %swap3A_53 = vector.shape_cast %swap3A_52 : vector<16xi32> to vector<16xi32>
    %swap3A_54 = vector.shape_cast %select_n3A_50 : vector<16xi32> to vector<16xi32>
    tpu.vector_store %arg10[%swap3A_51], %swap3A_54 {strides = array<i32>} : memref<80xi32, #tpu.memory_space<vmem>>, vector<16xi32>,
    %get3A_55 = arith.constant 48 : index
    %get3A_56 = tpu.vector_load %arg7[%get3A_55] {strides = array<i32>} : memref<10000xi32, #tpu.memory_space<vmem>>, vector<16xi32>,
    %get3A_57 = vector.shape_cast %get3A_56 : vector<16xi32> to vector<16xi32>
    %get3A_58 = arith.constant 48 : index
    %get3A_59 = tpu.vector_load %arg8[%get3A_58] {strides = array<i32>} : memref<10000xi32, #tpu.memory_space<vmem>>, vector<16xi32>,
    %get3A_60 = vector.shape_cast %get3A_59 : vector<16xi32> to vector<16xi32>
    %swap3A_61 = arith.constant 48 : index
    %swap3A_62 = tpu.vector_load %arg9[%swap3A_61] {strides = array<i32>} : memref<80xi32, #tpu.memory_space<vmem>>, vector<16xi32>,
    %swap3A_63 = vector.shape_cast %swap3A_62 : vector<16xi32> to vector<16xi32>
    %swap3A_64 = vector.shape_cast %get3A_57 : vector<16xi32> to vector<16xi32>
    tpu.vector_store %arg9[%swap3A_61], %swap3A_64 {strides = array<i32>} : memref<80xi32, #tpu.memory_space<vmem>>, vector<16xi32>,
    %eq3A_65 = arith.cmpi eq, %get3A_57, %get3A_60 : vector<16xi32>
    %jit3A_66 = arith.constant 10000 : i32
    %broadcast_in_dim3A_67 = vector.broadcast %jit3A_66 : i32 to vector<16xi32>
    %select_n3A_68 = arith.select %eq3A_65, %broadcast_in_dim3A_67, %get3A_60 : vector<16xi1>, vector<16xi32>
    %swap3A_69 = arith.constant 48 : index
    %swap3A_70 = tpu.vector_load %arg10[%swap3A_69] {strides = array<i32>} : memref<80xi32, #tpu.memory_space<vmem>>, vector<16xi32>,
    %swap3A_71 = vector.shape_cast %swap3A_70 : vector<16xi32> to vector<16xi32>
    %swap3A_72 = vector.shape_cast %select_n3A_68 : vector<16xi32> to vector<16xi32>
    tpu.vector_store %arg10[%swap3A_69], %swap3A_72 {strides = array<i32>} : memref<80xi32, #tpu.memory_space<vmem>>, vector<16xi32>,
    %get3A_73 = arith.constant 64 : index
    %get3A_74 = tpu.vector_load %arg7[%get3A_73] {strides = array<i32>} : memref<10000xi32, #tpu.memory_space<vmem>>, vector<16xi32>,
    %get3A_75 = vector.shape_cast %get3A_74 : vector<16xi32> to vector<16xi32>
    %get3A_76 = arith.constant 64 : index
    %get3A_77 = tpu.vector_load %arg8[%get3A_76] {strides = array<i32>} : memref<10000xi32, #tpu.memory_space<vmem>>, vector<16xi32>,
    %get3A_78 = vector.shape_cast %get3A_77 : vector<16xi32> to vector<16xi32>
    %swap3A_79 = arith.constant 64 : index
    %swap3A_80 = tpu.vector_load %arg9[%swap3A_79] {strides = array<i32>} : memref<80xi32, #tpu.memory_space<vmem>>, vector<16xi32>,
    %swap3A_81 = vector.shape_cast %swap3A_80 : vector<16xi32> to vector<16xi32>
    %swap3A_82 = vector.shape_cast %get3A_75 : vector<16xi32> to vector<16xi32>
    tpu.vector_store %arg9[%swap3A_79], %swap3A_82 {strides = array<i32>} : memref<80xi32, #tpu.memory_space<vmem>>, vector<16xi32>,
    %eq3A_83 = arith.cmpi eq, %get3A_75, %get3A_78 : vector<16xi32>
    %jit3A_84 = arith.constant 10000 : i32
    %broadcast_in_dim3A_85 = vector.broadcast %jit3A_84 : i32 to vector<16xi32>
    %select_n3A_86 = arith.select %eq3A_83, %broadcast_in_dim3A_85, %get3A_78 : vector<16xi1>, vector<16xi32>
    %swap3A_87 = arith.constant 64 : index
    %swap3A_88 = tpu.vector_load %arg10[%swap3A_87] {strides = array<i32>} : memref<80xi32, #tpu.memory_space<vmem>>, vector<16xi32>,
    %swap3A_89 = vector.shape_cast %swap3A_88 : vector<16xi32> to vector<16xi32>
    %swap3A_90 = vector.shape_cast %select_n3A_86 : vector<16xi32> to vector<16xi32>
    tpu.vector_store %arg10[%swap3A_87], %swap3A_90 {strides = array<i32>} : memref<80xi32, #tpu.memory_space<vmem>>, vector<16xi32>,
    %dma_start3A = arith.constant 0 : i32
    %dma_start3A_91 = arith.constant 0 : i32
    %dma_start3A_92 = tpu.memref_slice %arg2[%dma_start3A, %dma_start3A_91] : memref<10000x128xf32, #tpu.memory_space<hbm>> -> memref<10000x128xf32, #tpu.memory_space<hbm>>
    tpu.enqueue_indirect_dma source(%dma_start3A_92 : memref<10000x128xf32, #tpu.memory_space<hbm>>) target(%arg11 : memref<80x128xf32, #tpu.memory_space<vmem>>) offsets(%arg9 : memref<80xi32, #tpu.memory_space<vmem>>) semaphore(%arg16 : memref<!tpu.dma_semaphore, #tpu.memory_space<semaphore_mem>>)
    %scan3A = arith.constant 0 : i32
    %scan3A_93 = arith.constant 0 : i32
    %scan3A_94 = arith.constant 62 : i32
    %scan3A_95 = arith.addi %scan3A_93, %scan3A_94 : i32
    %scan3A_96 = arith.constant 1 : i32
    scf.for %scan3A_261 = %scan3A_93 to %scan3A_95 step %scan3A_96  : i32 {
      %mul3A_262 = arith.constant 2 : i32
      %mul3A_263 = arith.muli %mul3A_262, %scan3A_261 : i32
      %add3A_264 = arith.constant 1 : i32
      %add3A_265 = arith.addi %mul3A_263, %add3A_264 : i32
      %mul3A_266 = arith.constant 80 : i32
      %mul3A_267 = arith.muli %add3A_265, %mul3A_266 : i32
      %add3A_268 = arith.constant 0 : i32
      %add3A_269 = arith.addi %mul3A_267, %add3A_268 : i32
      %get3A_270 = arith.index_cast %add3A_269 : i32 to index
      %get3A_271 = tpu.vector_load %arg7[%get3A_270] {strides = array<i32>} : memref<10000xi32, #tpu.memory_space<vmem>>, vector<16xi32>,
      %get3A_272 = vector.shape_cast %get3A_271 : vector<16xi32> to vector<16xi32>
      %mul3A_273 = arith.constant 80 : i32
      %mul3A_274 = arith.muli %add3A_265, %mul3A_273 : i32
      %add3A_275 = arith.constant 0 : i32
      %add3A_276 = arith.addi %mul3A_274, %add3A_275 : i32
      %get3A_277 = arith.index_cast %add3A_276 : i32 to index
      %get3A_278 = tpu.vector_load %arg8[%get3A_277] {strides = array<i32>} : memref<10000xi32, #tpu.memory_space<vmem>>, vector<16xi32>,
      %get3A_279 = vector.shape_cast %get3A_278 : vector<16xi32> to vector<16xi32>
      %swap3A_280 = arith.constant 0 : index
      %swap3A_281 = tpu.vector_load %arg12[%swap3A_280] {strides = array<i32>} : memref<80xi32, #tpu.memory_space<vmem>>, vector<16xi32>,
      %swap3A_282 = vector.shape_cast %swap3A_281 : vector<16xi32> to vector<16xi32>
      %swap3A_283 = vector.shape_cast %get3A_272 : vector<16xi32> to vector<16xi32>
      tpu.vector_store %arg12[%swap3A_280], %swap3A_283 {strides = array<i32>} : memref<80xi32, #tpu.memory_space<vmem>>, vector<16xi32>,
      %eq3A_284 = arith.cmpi eq, %get3A_272, %get3A_279 : vector<16xi32>
      %jit3A_285 = arith.constant 10000 : i32
      %broadcast_in_dim3A_286 = vector.broadcast %jit3A_285 : i32 to vector<16xi32>
      %select_n3A_287 = arith.select %eq3A_284, %broadcast_in_dim3A_286, %get3A_279 : vector<16xi1>, vector<16xi32>
      %swap3A_288 = arith.constant 0 : index
      %swap3A_289 = tpu.vector_load %arg13[%swap3A_288] {strides = array<i32>} : memref<80xi32, #tpu.memory_space<vmem>>, vector<16xi32>,
      %swap3A_290 = vector.shape_cast %swap3A_289 : vector<16xi32> to vector<16xi32>
      %swap3A_291 = vector.shape_cast %select_n3A_287 : vector<16xi32> to vector<16xi32>
      tpu.vector_store %arg13[%swap3A_288], %swap3A_291 {strides = array<i32>} : memref<80xi32, #tpu.memory_space<vmem>>, vector<16xi32>,
      %mul3A_292 = arith.constant 80 : i32
      %mul3A_293 = arith.muli %add3A_265, %mul3A_292 : i32
      %add3A_294 = arith.constant 16 : i32
      %add3A_295 = arith.addi %mul3A_293, %add3A_294 : i32
      %get3A_296 = arith.index_cast %add3A_295 : i32 to index
      %get3A_297 = tpu.vector_load %arg7[%get3A_296] {strides = array<i32>} : memref<10000xi32, #tpu.memory_space<vmem>>, vector<16xi32>,
      %get3A_298 = vector.shape_cast %get3A_297 : vector<16xi32> to vector<16xi32>
      %mul3A_299 = arith.constant 80 : i32
      %mul3A_300 = arith.muli %add3A_265, %mul3A_299 : i32
      %add3A_301 = arith.constant 16 : i32
      %add3A_302 = arith.addi %mul3A_300, %add3A_301 : i32
      %get3A_303 = arith.index_cast %add3A_302 : i32 to index
      %get3A_304 = tpu.vector_load %arg8[%get3A_303] {strides = array<i32>} : memref<10000xi32, #tpu.memory_space<vmem>>, vector<16xi32>,
      %get3A_305 = vector.shape_cast %get3A_304 : vector<16xi32> to vector<16xi32>
      %swap3A_306 = arith.constant 16 : index
      %swap3A_307 = tpu.vector_load %arg12[%swap3A_306] {strides = array<i32>} : memref<80xi32, #tpu.memory_space<vmem>>, vector<16xi32>,
      %swap3A_308 = vector.shape_cast %swap3A_307 : vector<16xi32> to vector<16xi32>
      %swap3A_309 = vector.shape_cast %get3A_298 : vector<16xi32> to vector<16xi32>
      tpu.vector_store %arg12[%swap3A_306], %swap3A_309 {strides = array<i32>} : memref<80xi32, #tpu.memory_space<vmem>>, vector<16xi32>,
      %eq3A_310 = arith.cmpi eq, %get3A_298, %get3A_305 : vector<16xi32>
      %jit3A_311 = arith.constant 10000 : i32
      %broadcast_in_dim3A_312 = vector.broadcast %jit3A_311 : i32 to vector<16xi32>
      %select_n3A_313 = arith.select %eq3A_310, %broadcast_in_dim3A_312, %get3A_305 : vector<16xi1>, vector<16xi32>
      %swap3A_314 = arith.constant 16 : index
      %swap3A_315 = tpu.vector_load %arg13[%swap3A_314] {strides = array<i32>} : memref<80xi32, #tpu.memory_space<vmem>>, vector<16xi32>,
      %swap3A_316 = vector.shape_cast %swap3A_315 : vector<16xi32> to vector<16xi32>
      %swap3A_317 = vector.shape_cast %select_n3A_313 : vector<16xi32> to vector<16xi32>
      tpu.vector_store %arg13[%swap3A_314], %swap3A_317 {strides = array<i32>} : memref<80xi32, #tpu.memory_space<vmem>>, vector<16xi32>,
      %mul3A_318 = arith.constant 80 : i32
      %mul3A_319 = arith.muli %add3A_265, %mul3A_318 : i32
      %add3A_320 = arith.constant 32 : i32
      %add3A_321 = arith.addi %mul3A_319, %add3A_320 : i32
      %get3A_322 = arith.index_cast %add3A_321 : i32 to index
      %get3A_323 = tpu.vector_load %arg7[%get3A_322] {strides = array<i32>} : memref<10000xi32, #tpu.memory_space<vmem>>, vector<16xi32>,
      %get3A_324 = vector.shape_cast %get3A_323 : vector<16xi32> to vector<16xi32>
      %mul3A_325 = arith.constant 80 : i32
      %mul3A_326 = arith.muli %add3A_265, %mul3A_325 : i32
      %add3A_327 = arith.constant 32 : i32
      %add3A_328 = arith.addi %mul3A_326, %add3A_327 : i32
      %get3A_329 = arith.index_cast %add3A_328 : i32 to index
      %get3A_330 = tpu.vector_load %arg8[%get3A_329] {strides = array<i32>} : memref<10000xi32, #tpu.memory_space<vmem>>, vector<16xi32>,
      %get3A_331 = vector.shape_cast %get3A_330 : vector<16xi32> to vector<16xi32>
      %swap3A_332 = arith.constant 32 : index
      %swap3A_333 = tpu.vector_load %arg12[%swap3A_332] {strides = array<i32>} : memref<80xi32, #tpu.memory_space<vmem>>, vector<16xi32>,
      %swap3A_334 = vector.shape_cast %swap3A_333 : vector<16xi32> to vector<16xi32>
      %swap3A_335 = vector.shape_cast %get3A_324 : vector<16xi32> to vector<16xi32>
      tpu.vector_store %arg12[%swap3A_332], %swap3A_335 {strides = array<i32>} : memref<80xi32, #tpu.memory_space<vmem>>, vector<16xi32>,
      %eq3A_336 = arith.cmpi eq, %get3A_324, %get3A_331 : vector<16xi32>
      %jit3A_337 = arith.constant 10000 : i32
      %broadcast_in_dim3A_338 = vector.broadcast %jit3A_337 : i32 to vector<16xi32>
      %select_n3A_339 = arith.select %eq3A_336, %broadcast_in_dim3A_338, %get3A_331 : vector<16xi1>, vector<16xi32>
      %swap3A_340 = arith.constant 32 : index
      %swap3A_341 = tpu.vector_load %arg13[%swap3A_340] {strides = array<i32>} : memref<80xi32, #tpu.memory_space<vmem>>, vector<16xi32>,
      %swap3A_342 = vector.shape_cast %swap3A_341 : vector<16xi32> to vector<16xi32>
      %swap3A_343 = vector.shape_cast %select_n3A_339 : vector<16xi32> to vector<16xi32>
      tpu.vector_store %arg13[%swap3A_340], %swap3A_343 {strides = array<i32>} : memref<80xi32, #tpu.memory_space<vmem>>, vector<16xi32>,
      %mul3A_344 = arith.constant 80 : i32
      %mul3A_345 = arith.muli %add3A_265, %mul3A_344 : i32
      %add3A_346 = arith.constant 48 : i32
      %add3A_347 = arith.addi %mul3A_345, %add3A_346 : i32
      %get3A_348 = arith.index_cast %add3A_347 : i32 to index
      %get3A_349 = tpu.vector_load %arg7[%get3A_348] {strides = array<i32>} : memref<10000xi32, #tpu.memory_space<vmem>>, vector<16xi32>,
      %get3A_350 = vector.shape_cast %get3A_349 : vector<16xi32> to vector<16xi32>
      %mul3A_351 = arith.constant 80 : i32
      %mul3A_352 = arith.muli %add3A_265, %mul3A_351 : i32
      %add3A_353 = arith.constant 48 : i32
      %add3A_354 = arith.addi %mul3A_352, %add3A_353 : i32
      %get3A_355 = arith.index_cast %add3A_354 : i32 to index
      %get3A_356 = tpu.vector_load %arg8[%get3A_355] {strides = array<i32>} : memref<10000xi32, #tpu.memory_space<vmem>>, vector<16xi32>,
      %get3A_357 = vector.shape_cast %get3A_356 : vector<16xi32> to vector<16xi32>
      %swap3A_358 = arith.constant 48 : index
      %swap3A_359 = tpu.vector_load %arg12[%swap3A_358] {strides = array<i32>} : memref<80xi32, #tpu.memory_space<vmem>>, vector<16xi32>,
      %swap3A_360 = vector.shape_cast %swap3A_359 : vector<16xi32> to vector<16xi32>
      %swap3A_361 = vector.shape_cast %get3A_350 : vector<16xi32> to vector<16xi32>
      tpu.vector_store %arg12[%swap3A_358], %swap3A_361 {strides = array<i32>} : memref<80xi32, #tpu.memory_space<vmem>>, vector<16xi32>,
      %eq3A_362 = arith.cmpi eq, %get3A_350, %get3A_357 : vector<16xi32>
      %jit3A_363 = arith.constant 10000 : i32
      %broadcast_in_dim3A_364 = vector.broadcast %jit3A_363 : i32 to vector<16xi32>
      %select_n3A_365 = arith.select %eq3A_362, %broadcast_in_dim3A_364, %get3A_357 : vector<16xi1>, vector<16xi32>
      %swap3A_366 = arith.constant 48 : index
      %swap3A_367 = tpu.vector_load %arg13[%swap3A_366] {strides = array<i32>} : memref<80xi32, #tpu.memory_space<vmem>>, vector<16xi32>,
      %swap3A_368 = vector.shape_cast %swap3A_367 : vector<16xi32> to vector<16xi32>
      %swap3A_369 = vector.shape_cast %select_n3A_365 : vector<16xi32> to vector<16xi32>
      tpu.vector_store %arg13[%swap3A_366], %swap3A_369 {strides = array<i32>} : memref<80xi32, #tpu.memory_space<vmem>>, vector<16xi32>,
      %mul3A_370 = arith.constant 80 : i32
      %mul3A_371 = arith.muli %add3A_265, %mul3A_370 : i32
      %add3A_372 = arith.constant 64 : i32
      %add3A_373 = arith.addi %mul3A_371, %add3A_372 : i32
      %get3A_374 = arith.index_cast %add3A_373 : i32 to index
      %get3A_375 = tpu.vector_load %arg7[%get3A_374] {strides = array<i32>} : memref<10000xi32, #tpu.memory_space<vmem>>, vector<16xi32>,
      %get3A_376 = vector.shape_cast %get3A_375 : vector<16xi32> to vector<16xi32>
      %mul3A_377 = arith.constant 80 : i32
      %mul3A_378 = arith.muli %add3A_265, %mul3A_377 : i32
      %add3A_379 = arith.constant 64 : i32
      %add3A_380 = arith.addi %mul3A_378, %add3A_379 : i32
      %get3A_381 = arith.index_cast %add3A_380 : i32 to index
      %get3A_382 = tpu.vector_load %arg8[%get3A_381] {strides = array<i32>} : memref<10000xi32, #tpu.memory_space<vmem>>, vector<16xi32>,
      %get3A_383 = vector.shape_cast %get3A_382 : vector<16xi32> to vector<16xi32>
      %swap3A_384 = arith.constant 64 : index
      %swap3A_385 = tpu.vector_load %arg12[%swap3A_384] {strides = array<i32>} : memref<80xi32, #tpu.memory_space<vmem>>, vector<16xi32>,
      %swap3A_386 = vector.shape_cast %swap3A_385 : vector<16xi32> to vector<16xi32>
      %swap3A_387 = vector.shape_cast %get3A_376 : vector<16xi32> to vector<16xi32>
      tpu.vector_store %arg12[%swap3A_384], %swap3A_387 {strides = array<i32>} : memref<80xi32, #tpu.memory_space<vmem>>, vector<16xi32>,
      %eq3A_388 = arith.cmpi eq, %get3A_376, %get3A_383 : vector<16xi32>
      %jit3A_389 = arith.constant 10000 : i32
      %broadcast_in_dim3A_390 = vector.broadcast %jit3A_389 : i32 to vector<16xi32>
      %select_n3A_391 = arith.select %eq3A_388, %broadcast_in_dim3A_390, %get3A_383 : vector<16xi1>, vector<16xi32>
      %swap3A_392 = arith.constant 64 : index
      %swap3A_393 = tpu.vector_load %arg13[%swap3A_392] {strides = array<i32>} : memref<80xi32, #tpu.memory_space<vmem>>, vector<16xi32>,
      %swap3A_394 = vector.shape_cast %swap3A_393 : vector<16xi32> to vector<16xi32>
      %swap3A_395 = vector.shape_cast %select_n3A_391 : vector<16xi32> to vector<16xi32>
      tpu.vector_store %arg13[%swap3A_392], %swap3A_395 {strides = array<i32>} : memref<80xi32, #tpu.memory_space<vmem>>, vector<16xi32>,
      %dma_start3A_396 = arith.constant 0 : i32
      %dma_start3A_397 = arith.constant 0 : i32
      %dma_start3A_398 = tpu.memref_slice %arg2[%dma_start3A_396, %dma_start3A_397] : memref<10000x128xf32, #tpu.memory_space<hbm>> -> memref<10000x128xf32, #tpu.memory_space<hbm>>
      tpu.enqueue_indirect_dma source(%dma_start3A_398 : memref<10000x128xf32, #tpu.memory_space<hbm>>) target(%arg14 : memref<80x128xf32, #tpu.memory_space<vmem>>) offsets(%arg12 : memref<80xi32, #tpu.memory_space<vmem>>) semaphore(%arg17 : memref<!tpu.dma_semaphore, #tpu.memory_space<semaphore_mem>>)
      %dma_wait3A_399 = arith.constant 0 : i32
      %dma_wait3A_400 = arith.constant 0 : i32
      %dma_wait3A_401 = tpu.memref_slice %arg2[%dma_wait3A_399, %dma_wait3A_400] : memref<10000x128xf32, #tpu.memory_space<hbm>> -> memref<10000x128xf32, #tpu.memory_space<hbm>>
      tpu.wait_indirect_dma semaphore(%arg16 : memref<!tpu.dma_semaphore, #tpu.memory_space<semaphore_mem>>) src(%dma_wait3A_401 : memref<10000x128xf32, #tpu.memory_space<hbm>>) dst(%arg11 : memref<80x128xf32, #tpu.memory_space<vmem>>)
      "tpu.region"() ({
        %run_scoped3A = tpu.sem_alloc : memref<!tpu.dma_semaphore, #tpu.memory_space<semaphore_mem>>
        %dma_start3A_540 = arith.constant 0 : i32
        %dma_start3A_541 = arith.constant 0 : i32
        %dma_start3A_542 = tpu.memref_slice %arg15[%dma_start3A_540, %dma_start3A_541] : memref<10240x128xf32, #tpu.memory_space<vmem_shared>> -> memref<10240x128xf32, #tpu.memory_space<vmem_shared>>
        tpu.enqueue_indirect_dma source(%arg11 : memref<80x128xf32, #tpu.memory_space<vmem>>) target(%dma_start3A_542 : memref<10240x128xf32, #tpu.memory_space<vmem_shared>>) offsets(%arg10 : memref<80xi32, #tpu.memory_space<vmem>>) semaphore(%run_scoped3A : memref<!tpu.dma_semaphore, #tpu.memory_space<semaphore_mem>>) {add = true}
        %dma_wait3A_543 = arith.constant 0 : i32
        %dma_wait3A_544 = arith.constant 0 : i32
        %dma_wait3A_545 = tpu.memref_slice %arg15[%dma_wait3A_543, %dma_wait3A_544] : memref<10240x128xf32, #tpu.memory_space<vmem_shared>> -> memref<10240x128xf32, #tpu.memory_space<vmem_shared>>
        tpu.wait_indirect_dma semaphore(%run_scoped3A : memref<!tpu.dma_semaphore, #tpu.memory_space<semaphore_mem>>) src(%arg11 : memref<80x128xf32, #tpu.memory_space<vmem>>) dst(%dma_wait3A_545 : memref<10240x128xf32, #tpu.memory_space<vmem_shared>>)
        tpu.yield
      }) : () -> ()
      %add3A_402 = arith.constant 2 : i32
      %add3A_403 = arith.addi %mul3A_263, %add3A_402 : i32
      %mul3A_404 = arith.constant 80 : i32
      %mul3A_405 = arith.muli %add3A_403, %mul3A_404 : i32
      %add3A_406 = arith.constant 0 : i32
      %add3A_407 = arith.addi %mul3A_405, %add3A_406 : i32
      %get3A_408 = arith.index_cast %add3A_407 : i32 to index
      %get3A_409 = tpu.vector_load %arg7[%get3A_408] {strides = array<i32>} : memref<10000xi32, #tpu.memory_space<vmem>>, vector<16xi32>,
      %get3A_410 = vector.shape_cast %get3A_409 : vector<16xi32> to vector<16xi32>
      %mul3A_411 = arith.constant 80 : i32
      %mul3A_412 = arith.muli %add3A_403, %mul3A_411 : i32
      %add3A_413 = arith.constant 0 : i32
      %add3A_414 = arith.addi %mul3A_412, %add3A_413 : i32
      %get3A_415 = arith.index_cast %add3A_414 : i32 to index
      %get3A_416 = tpu.vector_load %arg8[%get3A_415] {strides = array<i32>} : memref<10000xi32, #tpu.memory_space<vmem>>, vector<16xi32>,
      %get3A_417 = vector.shape_cast %get3A_416 : vector<16xi32> to vector<16xi32>
      %swap3A_418 = arith.constant 0 : index
      %swap3A_419 = tpu.vector_load %arg9[%swap3A_418] {strides = array<i32>} : memref<80xi32, #tpu.memory_space<vmem>>, vector<16xi32>,
      %swap3A_420 = vector.shape_cast %swap3A_419 : vector<16xi32> to vector<16xi32>
      %swap3A_421 = vector.shape_cast %get3A_410 : vector<16xi32> to vector<16xi32>
      tpu.vector_store %arg9[%swap3A_418], %swap3A_421 {strides = array<i32>} : memref<80xi32, #tpu.memory_space<vmem>>, vector<16xi32>,
      %eq3A_422 = arith.cmpi eq, %get3A_410, %get3A_417 : vector<16xi32>
      %jit3A_423 = arith.constant 10000 : i32
      %broadcast_in_dim3A_424 = vector.broadcast %jit3A_423 : i32 to vector<16xi32>
      %select_n3A_425 = arith.select %eq3A_422, %broadcast_in_dim3A_424, %get3A_417 : vector<16xi1>, vector<16xi32>
      %swap3A_426 = arith.constant 0 : index
      %swap3A_427 = tpu.vector_load %arg10[%swap3A_426] {strides = array<i32>} : memref<80xi32, #tpu.memory_space<vmem>>, vector<16xi32>,
      %swap3A_428 = vector.shape_cast %swap3A_427 : vector<16xi32> to vector<16xi32>
      %swap3A_429 = vector.shape_cast %select_n3A_425 : vector<16xi32> to vector<16xi32>
      tpu.vector_store %arg10[%swap3A_426], %swap3A_429 {strides = array<i32>} : memref<80xi32, #tpu.memory_space<vmem>>, vector<16xi32>,
      %mul3A_430 = arith.constant 80 : i32
      %mul3A_431 = arith.muli %add3A_403, %mul3A_430 : i32
      %add3A_432 = arith.constant 16 : i32
      %add3A_433 = arith.addi %mul3A_431, %add3A_432 : i32
      %get3A_434 = arith.index_cast %add3A_433 : i32 to index
      %get3A_435 = tpu.vector_load %arg7[%get3A_434] {strides = array<i32>} : memref<10000xi32, #tpu.memory_space<vmem>>, vector<16xi32>,
      %get3A_436 = vector.shape_cast %get3A_435 : vector<16xi32> to vector<16xi32>
      %mul3A_437 = arith.constant 80 : i32
      %mul3A_438 = arith.muli %add3A_403, %mul3A_437 : i32
      %add3A_439 = arith.constant 16 : i32
      %add3A_440 = arith.addi %mul3A_438, %add3A_439 : i32
      %get3A_441 = arith.index_cast %add3A_440 : i32 to index
      %get3A_442 = tpu.vector_load %arg8[%get3A_441] {strides = array<i32>} : memref<10000xi32, #tpu.memory_space<vmem>>, vector<16xi32>,
      %get3A_443 = vector.shape_cast %get3A_442 : vector<16xi32> to vector<16xi32>
      %swap3A_444 = arith.constant 16 : index
      %swap3A_445 = tpu.vector_load %arg9[%swap3A_444] {strides = array<i32>} : memref<80xi32, #tpu.memory_space<vmem>>, vector<16xi32>,
      %swap3A_446 = vector.shape_cast %swap3A_445 : vector<16xi32> to vector<16xi32>
      %swap3A_447 = vector.shape_cast %get3A_436 : vector<16xi32> to vector<16xi32>
      tpu.vector_store %arg9[%swap3A_444], %swap3A_447 {strides = array<i32>} : memref<80xi32, #tpu.memory_space<vmem>>, vector<16xi32>,
      %eq3A_448 = arith.cmpi eq, %get3A_436, %get3A_443 : vector<16xi32>
      %jit3A_449 = arith.constant 10000 : i32
      %broadcast_in_dim3A_450 = vector.broadcast %jit3A_449 : i32 to vector<16xi32>
      %select_n3A_451 = arith.select %eq3A_448, %broadcast_in_dim3A_450, %get3A_443 : vector<16xi1>, vector<16xi32>
      %swap3A_452 = arith.constant 16 : index
      %swap3A_453 = tpu.vector_load %arg10[%swap3A_452] {strides = array<i32>} : memref<80xi32, #tpu.memory_space<vmem>>, vector<16xi32>,
      %swap3A_454 = vector.shape_cast %swap3A_453 : vector<16xi32> to vector<16xi32>
      %swap3A_455 = vector.shape_cast %select_n3A_451 : vector<16xi32> to vector<16xi32>
      tpu.vector_store %arg10[%swap3A_452], %swap3A_455 {strides = array<i32>} : memref<80xi32, #tpu.memory_space<vmem>>, vector<16xi32>,
      %mul3A_456 = arith.constant 80 : i32
      %mul3A_457 = arith.muli %add3A_403, %mul3A_456 : i32
      %add3A_458 = arith.constant 32 : i32
      %add3A_459 = arith.addi %mul3A_457, %add3A_458 : i32
      %get3A_460 = arith.index_cast %add3A_459 : i32 to index
      %get3A_461 = tpu.vector_load %arg7[%get3A_460] {strides = array<i32>} : memref<10000xi32, #tpu.memory_space<vmem>>, vector<16xi32>,
      %get3A_462 = vector.shape_cast %get3A_461 : vector<16xi32> to vector<16xi32>
      %mul3A_463 = arith.constant 80 : i32
      %mul3A_464 = arith.muli %add3A_403, %mul3A_463 : i32
      %add3A_465 = arith.constant 32 : i32
      %add3A_466 = arith.addi %mul3A_464, %add3A_465 : i32
      %get3A_467 = arith.index_cast %add3A_466 : i32 to index
      %get3A_468 = tpu.vector_load %arg8[%get3A_467] {strides = array<i32>} : memref<10000xi32, #tpu.memory_space<vmem>>, vector<16xi32>,
      %get3A_469 = vector.shape_cast %get3A_468 : vector<16xi32> to vector<16xi32>
      %swap3A_470 = arith.constant 32 : index
      %swap3A_471 = tpu.vector_load %arg9[%swap3A_470] {strides = array<i32>} : memref<80xi32, #tpu.memory_space<vmem>>, vector<16xi32>,
      %swap3A_472 = vector.shape_cast %swap3A_471 : vector<16xi32> to vector<16xi32>
      %swap3A_473 = vector.shape_cast %get3A_462 : vector<16xi32> to vector<16xi32>
      tpu.vector_store %arg9[%swap3A_470], %swap3A_473 {strides = array<i32>} : memref<80xi32, #tpu.memory_space<vmem>>, vector<16xi32>,
      %eq3A_474 = arith.cmpi eq, %get3A_462, %get3A_469 : vector<16xi32>
      %jit3A_475 = arith.constant 10000 : i32
      %broadcast_in_dim3A_476 = vector.broadcast %jit3A_475 : i32 to vector<16xi32>
      %select_n3A_477 = arith.select %eq3A_474, %broadcast_in_dim3A_476, %get3A_469 : vector<16xi1>, vector<16xi32>
      %swap3A_478 = arith.constant 32 : index
      %swap3A_479 = tpu.vector_load %arg10[%swap3A_478] {strides = array<i32>} : memref<80xi32, #tpu.memory_space<vmem>>, vector<16xi32>,
      %swap3A_480 = vector.shape_cast %swap3A_479 : vector<16xi32> to vector<16xi32>
      %swap3A_481 = vector.shape_cast %select_n3A_477 : vector<16xi32> to vector<16xi32>
      tpu.vector_store %arg10[%swap3A_478], %swap3A_481 {strides = array<i32>} : memref<80xi32, #tpu.memory_space<vmem>>, vector<16xi32>,
      %mul3A_482 = arith.constant 80 : i32
      %mul3A_483 = arith.muli %add3A_403, %mul3A_482 : i32
      %add3A_484 = arith.constant 48 : i32
      %add3A_485 = arith.addi %mul3A_483, %add3A_484 : i32
      %get3A_486 = arith.index_cast %add3A_485 : i32 to index
      %get3A_487 = tpu.vector_load %arg7[%get3A_486] {strides = array<i32>} : memref<10000xi32, #tpu.memory_space<vmem>>, vector<16xi32>,
      %get3A_488 = vector.shape_cast %get3A_487 : vector<16xi32> to vector<16xi32>
      %mul3A_489 = arith.constant 80 : i32
      %mul3A_490 = arith.muli %add3A_403, %mul3A_489 : i32
      %add3A_491 = arith.constant 48 : i32
      %add3A_492 = arith.addi %mul3A_490, %add3A_491 : i32
      %get3A_493 = arith.index_cast %add3A_492 : i32 to index
      %get3A_494 = tpu.vector_load %arg8[%get3A_493] {strides = array<i32>} : memref<10000xi32, #tpu.memory_space<vmem>>, vector<16xi32>,
      %get3A_495 = vector.shape_cast %get3A_494 : vector<16xi32> to vector<16xi32>
      %swap3A_496 = arith.constant 48 : index
      %swap3A_497 = tpu.vector_load %arg9[%swap3A_496] {strides = array<i32>} : memref<80xi32, #tpu.memory_space<vmem>>, vector<16xi32>,
      %swap3A_498 = vector.shape_cast %swap3A_497 : vector<16xi32> to vector<16xi32>
      %swap3A_499 = vector.shape_cast %get3A_488 : vector<16xi32> to vector<16xi32>
      tpu.vector_store %arg9[%swap3A_496], %swap3A_499 {strides = array<i32>} : memref<80xi32, #tpu.memory_space<vmem>>, vector<16xi32>,
      %eq3A_500 = arith.cmpi eq, %get3A_488, %get3A_495 : vector<16xi32>
      %jit3A_501 = arith.constant 10000 : i32
      %broadcast_in_dim3A_502 = vector.broadcast %jit3A_501 : i32 to vector<16xi32>
      %select_n3A_503 = arith.select %eq3A_500, %broadcast_in_dim3A_502, %get3A_495 : vector<16xi1>, vector<16xi32>
      %swap3A_504 = arith.constant 48 : index
      %swap3A_505 = tpu.vector_load %arg10[%swap3A_504] {strides = array<i32>} : memref<80xi32, #tpu.memory_space<vmem>>, vector<16xi32>,
      %swap3A_506 = vector.shape_cast %swap3A_505 : vector<16xi32> to vector<16xi32>
      %swap3A_507 = vector.shape_cast %select_n3A_503 : vector<16xi32> to vector<16xi32>
      tpu.vector_store %arg10[%swap3A_504], %swap3A_507 {strides = array<i32>} : memref<80xi32, #tpu.memory_space<vmem>>, vector<16xi32>,
      %mul3A_508 = arith.constant 80 : i32
      %mul3A_509 = arith.muli %add3A_403, %mul3A_508 : i32
      %add3A_510 = arith.constant 64 : i32
      %add3A_511 = arith.addi %mul3A_509, %add3A_510 : i32
      %get3A_512 = arith.index_cast %add3A_511 : i32 to index
      %get3A_513 = tpu.vector_load %arg7[%get3A_512] {strides = array<i32>} : memref<10000xi32, #tpu.memory_space<vmem>>, vector<16xi32>,
      %get3A_514 = vector.shape_cast %get3A_513 : vector<16xi32> to vector<16xi32>
      %mul3A_515 = arith.constant 80 : i32
      %mul3A_516 = arith.muli %add3A_403, %mul3A_515 : i32
      %add3A_517 = arith.constant 64 : i32
      %add3A_518 = arith.addi %mul3A_516, %add3A_517 : i32
      %get3A_519 = arith.index_cast %add3A_518 : i32 to index
      %get3A_520 = tpu.vector_load %arg8[%get3A_519] {strides = array<i32>} : memref<10000xi32, #tpu.memory_space<vmem>>, vector<16xi32>,
      %get3A_521 = vector.shape_cast %get3A_520 : vector<16xi32> to vector<16xi32>
      %swap3A_522 = arith.constant 64 : index
      %swap3A_523 = tpu.vector_load %arg9[%swap3A_522] {strides = array<i32>} : memref<80xi32, #tpu.memory_space<vmem>>, vector<16xi32>,
      %swap3A_524 = vector.shape_cast %swap3A_523 : vector<16xi32> to vector<16xi32>
      %swap3A_525 = vector.shape_cast %get3A_514 : vector<16xi32> to vector<16xi32>
      tpu.vector_store %arg9[%swap3A_522], %swap3A_525 {strides = array<i32>} : memref<80xi32, #tpu.memory_space<vmem>>, vector<16xi32>,
      %eq3A_526 = arith.cmpi eq, %get3A_514, %get3A_521 : vector<16xi32>
      %jit3A_527 = arith.constant 10000 : i32
      %broadcast_in_dim3A_528 = vector.broadcast %jit3A_527 : i32 to vector<16xi32>
      %select_n3A_529 = arith.select %eq3A_526, %broadcast_in_dim3A_528, %get3A_521 : vector<16xi1>, vector<16xi32>
      %swap3A_530 = arith.constant 64 : index
      %swap3A_531 = tpu.vector_load %arg10[%swap3A_530] {strides = array<i32>} : memref<80xi32, #tpu.memory_space<vmem>>, vector<16xi32>,
      %swap3A_532 = vector.shape_cast %swap3A_531 : vector<16xi32> to vector<16xi32>
      %swap3A_533 = vector.shape_cast %select_n3A_529 : vector<16xi32> to vector<16xi32>
      tpu.vector_store %arg10[%swap3A_530], %swap3A_533 {strides = array<i32>} : memref<80xi32, #tpu.memory_space<vmem>>, vector<16xi32>,
      %dma_start3A_534 = arith.constant 0 : i32
      %dma_start3A_535 = arith.constant 0 : i32
      %dma_start3A_536 = tpu.memref_slice %arg2[%dma_start3A_534, %dma_start3A_535] : memref<10000x128xf32, #tpu.memory_space<hbm>> -> memref<10000x128xf32, #tpu.memory_space<hbm>>
      tpu.enqueue_indirect_dma source(%dma_start3A_536 : memref<10000x128xf32, #tpu.memory_space<hbm>>) target(%arg11 : memref<80x128xf32, #tpu.memory_space<vmem>>) offsets(%arg9 : memref<80xi32, #tpu.memory_space<vmem>>) semaphore(%arg16 : memref<!tpu.dma_semaphore, #tpu.memory_space<semaphore_mem>>)
      %dma_wait3A_537 = arith.constant 0 : i32
      %dma_wait3A_538 = arith.constant 0 : i32
      %dma_wait3A_539 = tpu.memref_slice %arg2[%dma_wait3A_537, %dma_wait3A_538] : memref<10000x128xf32, #tpu.memory_space<hbm>> -> memref<10000x128xf32, #tpu.memory_space<hbm>>
      tpu.wait_indirect_dma semaphore(%arg17 : memref<!tpu.dma_semaphore, #tpu.memory_space<semaphore_mem>>) src(%dma_wait3A_539 : memref<10000x128xf32, #tpu.memory_space<hbm>>) dst(%arg14 : memref<80x128xf32, #tpu.memory_space<vmem>>)
      "tpu.region"() ({
        %run_scoped3A = tpu.sem_alloc : memref<!tpu.dma_semaphore, #tpu.memory_space<semaphore_mem>>
        %dma_start3A_540 = arith.constant 0 : i32
        %dma_start3A_541 = arith.constant 0 : i32
        %dma_start3A_542 = tpu.memref_slice %arg15[%dma_start3A_540, %dma_start3A_541] : memref<10240x128xf32, #tpu.memory_space<vmem_shared>> -> memref<10240x128xf32, #tpu.memory_space<vmem_shared>>
        tpu.enqueue_indirect_dma source(%arg14 : memref<80x128xf32, #tpu.memory_space<vmem>>) target(%dma_start3A_542 : memref<10240x128xf32, #tpu.memory_space<vmem_shared>>) offsets(%arg13 : memref<80xi32, #tpu.memory_space<vmem>>) semaphore(%run_scoped3A : memref<!tpu.dma_semaphore, #tpu.memory_space<semaphore_mem>>) {add = true}
        %dma_wait3A_543 = arith.constant 0 : i32
        %dma_wait3A_544 = arith.constant 0 : i32
        %dma_wait3A_545 = tpu.memref_slice %arg15[%dma_wait3A_543, %dma_wait3A_544] : memref<10240x128xf32, #tpu.memory_space<vmem_shared>> -> memref<10240x128xf32, #tpu.memory_space<vmem_shared>>
        tpu.wait_indirect_dma semaphore(%run_scoped3A : memref<!tpu.dma_semaphore, #tpu.memory_space<semaphore_mem>>) src(%arg14 : memref<80x128xf32, #tpu.memory_space<vmem>>) dst(%dma_wait3A_545 : memref<10240x128xf32, #tpu.memory_space<vmem_shared>>)
        tpu.yield
      }) : () -> ()
    }
    %scan3A_97 = arith.constant 62 : i32
    %dma_wait3A = arith.constant 0 : i32
    %dma_wait3A_98 = arith.constant 0 : i32
    %dma_wait3A_99 = tpu.memref_slice %arg2[%dma_wait3A, %dma_wait3A_98] : memref<10000x128xf32, #tpu.memory_space<hbm>> -> memref<10000x128xf32, #tpu.memory_space<hbm>>
    tpu.wait_indirect_dma semaphore(%arg16 : memref<!tpu.dma_semaphore, #tpu.memory_space<semaphore_mem>>) src(%dma_wait3A_99 : memref<10000x128xf32, #tpu.memory_space<hbm>>) dst(%arg11 : memref<80x128xf32, #tpu.memory_space<vmem>>)
    "tpu.region"() ({
      %run_scoped3A = tpu.sem_alloc : memref<!tpu.dma_semaphore, #tpu.memory_space<semaphore_mem>>
      %dma_start3A_261 = arith.constant 0 : i32
      %dma_start3A_262 = arith.constant 0 : i32
      %dma_start3A_263 = tpu.memref_slice %arg15[%dma_start3A_261, %dma_start3A_262] : memref<10240x128xf32, #tpu.memory_space<vmem_shared>> -> memref<10240x128xf32, #tpu.memory_space<vmem_shared>>
      tpu.enqueue_indirect_dma source(%arg11 : memref<80x128xf32, #tpu.memory_space<vmem>>) target(%dma_start3A_263 : memref<10240x128xf32, #tpu.memory_space<vmem_shared>>) offsets(%arg10 : memref<80xi32, #tpu.memory_space<vmem>>) semaphore(%run_scoped3A : memref<!tpu.dma_semaphore, #tpu.memory_space<semaphore_mem>>) {add = true}
      %dma_wait3A_264 = arith.constant 0 : i32
      %dma_wait3A_265 = arith.constant 0 : i32
      %dma_wait3A_266 = tpu.memref_slice %arg15[%dma_wait3A_264, %dma_wait3A_265] : memref<10240x128xf32, #tpu.memory_space<vmem_shared>> -> memref<10240x128xf32, #tpu.memory_space<vmem_shared>>
      tpu.wait_indirect_dma semaphore(%run_scoped3A : memref<!tpu.dma_semaphore, #tpu.memory_space<semaphore_mem>>) src(%arg11 : memref<80x128xf32, #tpu.memory_space<vmem>>) dst(%dma_wait3A_266 : memref<10240x128xf32, #tpu.memory_space<vmem_shared>>)
      tpu.yield
    }) : () -> ()
    %barrier3A_100 = arith.constant 0 : index
    tpu.barrier barrier_id(%barrier3A_100)
    %mul3A_101 = arith.constant 640 : i32
    %mul3A_102 = arith.muli %arg1, %mul3A_101 : i32
    %add3A_103 = arith.constant 0 : i32
    %add3A_104 = arith.addi %mul3A_102, %add3A_103 : i32
    %mul3A_105 = arith.constant 640 : i32
    %mul3A_106 = arith.muli %arg1, %mul3A_105 : i32
    %add3A_107 = arith.constant 0 : i32
    %add3A_108 = arith.addi %mul3A_106, %add3A_107 : i32
    "tpu.region"() ({
      %run_scoped3A = tpu.sem_alloc : memref<!tpu.dma_semaphore, #tpu.memory_space<semaphore_mem>>
      %dma_start3A_261 = arith.constant 0 : i32
      %dma_start3A_262 = tpu.memref_slice %arg6[%arg0, %add3A_108, %dma_start3A_261] : memref<2x10240x128xf32, #tpu.memory_space<hbm>> -> memref<1x32x128xf32, #tpu.memory_space<hbm>>
      %dma_start3A_263 = tpu.memref_squeeze %dma_start3A_262 : memref<1x32x128xf32, #tpu.memory_space<hbm>> -> memref<32x128xf32, #tpu.memory_space<hbm>>
      %dma_start3A_264 = arith.constant 0 : i32
      %dma_start3A_265 = tpu.memref_slice %arg15[%add3A_104, %dma_start3A_264] : memref<10240x128xf32, #tpu.memory_space<vmem_shared>> -> memref<32x128xf32, #tpu.memory_space<vmem_shared>>
      tpu.enqueue_dma source(%dma_start3A_265 : memref<32x128xf32, #tpu.memory_space<vmem_shared>>) target(%dma_start3A_263 : memref<32x128xf32, #tpu.memory_space<hbm>>) target_semaphore(%run_scoped3A : memref<!tpu.dma_semaphore, #tpu.memory_space<semaphore_mem>>)
      %dma_wait3A_266 = arith.constant 0 : i32
      %dma_wait3A_267 = tpu.memref_slice %arg6[%arg0, %add3A_108, %dma_wait3A_266] : memref<2x10240x128xf32, #tpu.memory_space<hbm>> -> memref<1x32x128xf32, #tpu.memory_space<hbm>>
      %dma_wait3A_268 = tpu.memref_squeeze %dma_wait3A_267 : memref<1x32x128xf32, #tpu.memory_space<hbm>> -> memref<32x128xf32, #tpu.memory_space<hbm>>
      %dma_wait3A_269 = arith.constant 0 : i32
      %dma_wait3A_270 = tpu.memref_slice %arg15[%add3A_104, %dma_wait3A_269] : memref<10240x128xf32, #tpu.memory_space<vmem_shared>> -> memref<32x128xf32, #tpu.memory_space<vmem_shared>>
      tpu.wait_dma2 semaphore(%run_scoped3A : memref<!tpu.dma_semaphore, #tpu.memory_space<semaphore_mem>>) src(%dma_wait3A_270 : memref<32x128xf32, #tpu.memory_space<vmem_shared>>) dst(%dma_wait3A_268 : memref<32x128xf32, #tpu.memory_space<hbm>>)
      tpu.yield
    }) : () -> ()
    %mul3A_109 = arith.constant 640 : i32
    %mul3A_110 = arith.muli %arg1, %mul3A_109 : i32
    %add3A_111 = arith.constant 32 : i32
    %add3A_112 = arith.addi %mul3A_110, %add3A_111 : i32
    %mul3A_113 = arith.constant 640 : i32
    %mul3A_114 = arith.muli %arg1, %mul3A_113 : i32
    %add3A_115 = arith.constant 32 : i32
    %add3A_116 = arith.addi %mul3A_114, %add3A_115 : i32
    "tpu.region"() ({
      %run_scoped3A = tpu.sem_alloc : memref<!tpu.dma_semaphore, #tpu.memory_space<semaphore_mem>>
      %dma_start3A_261 = arith.constant 0 : i32
      %dma_start3A_262 = tpu.memref_slice %arg6[%arg0, %add3A_116, %dma_start3A_261] : memref<2x10240x128xf32, #tpu.memory_space<hbm>> -> memref<1x32x128xf32, #tpu.memory_space<hbm>>
      %dma_start3A_263 = tpu.memref_squeeze %dma_start3A_262 : memref<1x32x128xf32, #tpu.memory_space<hbm>> -> memref<32x128xf32, #tpu.memory_space<hbm>>
      %dma_start3A_264 = arith.constant 0 : i32
      %dma_start3A_265 = tpu.memref_slice %arg15[%add3A_112, %dma_start3A_264] : memref<10240x128xf32, #tpu.memory_space<vmem_shared>> -> memref<32x128xf32, #tpu.memory_space<vmem_shared>>
      tpu.enqueue_dma source(%dma_start3A_265 : memref<32x128xf32, #tpu.memory_space<vmem_shared>>) target(%dma_start3A_263 : memref<32x128xf32, #tpu.memory_space<hbm>>) target_semaphore(%run_scoped3A : memref<!tpu.dma_semaphore, #tpu.memory_space<semaphore_mem>>)
      %dma_wait3A_266 = arith.constant 0 : i32
      %dma_wait3A_267 = tpu.memref_slice %arg6[%arg0, %add3A_116, %dma_wait3A_266] : memref<2x10240x128xf32, #tpu.memory_space<hbm>> -> memref<1x32x128xf32, #tpu.memory_space<hbm>>
      %dma_wait3A_268 = tpu.memref_squeeze %dma_wait3A_267 : memref<1x32x128xf32, #tpu.memory_space<hbm>> -> memref<32x128xf32, #tpu.memory_space<hbm>>
      %dma_wait3A_269 = arith.constant 0 : i32
      %dma_wait3A_270 = tpu.memref_slice %arg15[%add3A_112, %dma_wait3A_269] : memref<10240x128xf32, #tpu.memory_space<vmem_shared>> -> memref<32x128xf32, #tpu.memory_space<vmem_shared>>
      tpu.wait_dma2 semaphore(%run_scoped3A : memref<!tpu.dma_semaphore, #tpu.memory_space<semaphore_mem>>) src(%dma_wait3A_270 : memref<32x128xf32, #tpu.memory_space<vmem_shared>>) dst(%dma_wait3A_268 : memref<32x128xf32, #tpu.memory_space<hbm>>)
      tpu.yield
    }) : () -> ()
    %mul3A_117 = arith.constant 640 : i32
    %mul3A_118 = arith.muli %arg1, %mul3A_117 : i32
    %add3A_119 = arith.constant 64 : i32
    %add3A_120 = arith.addi %mul3A_118, %add3A_119 : i32
    %mul3A_121 = arith.constant 640 : i32
    %mul3A_122 = arith.muli %arg1, %mul3A_121 : i32
    %add3A_123 = arith.constant 64 : i32
    %add3A_124 = arith.addi %mul3A_122, %add3A_123 : i32
    "tpu.region"() ({
      %run_scoped3A = tpu.sem_alloc : memref<!tpu.dma_semaphore, #tpu.memory_space<semaphore_mem>>
      %dma_start3A_261 = arith.constant 0 : i32
      %dma_start3A_262 = tpu.memref_slice %arg6[%arg0, %add3A_124, %dma_start3A_261] : memref<2x10240x128xf32, #tpu.memory_space<hbm>> -> memref<1x32x128xf32, #tpu.memory_space<hbm>>
      %dma_start3A_263 = tpu.memref_squeeze %dma_start3A_262 : memref<1x32x128xf32, #tpu.memory_space<hbm>> -> memref<32x128xf32, #tpu.memory_space<hbm>>
      %dma_start3A_264 = arith.constant 0 : i32
      %dma_start3A_265 = tpu.memref_slice %arg15[%add3A_120, %dma_start3A_264] : memref<10240x128xf32, #tpu.memory_space<vmem_shared>> -> memref<32x128xf32, #tpu.memory_space<vmem_shared>>
      tpu.enqueue_dma source(%dma_start3A_265 : memref<32x128xf32, #tpu.memory_space<vmem_shared>>) target(%dma_start3A_263 : memref<32x128xf32, #tpu.memory_space<hbm>>) target_semaphore(%run_scoped3A : memref<!tpu.dma_semaphore, #tpu.memory_space<semaphore_mem>>)
      %dma_wait3A_266 = arith.constant 0 : i32
      %dma_wait3A_267 = tpu.memref_slice %arg6[%arg0, %add3A_124, %dma_wait3A_266] : memref<2x10240x128xf32, #tpu.memory_space<hbm>> -> memref<1x32x128xf32, #tpu.memory_space<hbm>>
      %dma_wait3A_268 = tpu.memref_squeeze %dma_wait3A_267 : memref<1x32x128xf32, #tpu.memory_space<hbm>> -> memref<32x128xf32, #tpu.memory_space<hbm>>
      %dma_wait3A_269 = arith.constant 0 : i32
      %dma_wait3A_270 = tpu.memref_slice %arg15[%add3A_120, %dma_wait3A_269] : memref<10240x128xf32, #tpu.memory_space<vmem_shared>> -> memref<32x128xf32, #tpu.memory_space<vmem_shared>>
      tpu.wait_dma2 semaphore(%run_scoped3A : memref<!tpu.dma_semaphore, #tpu.memory_space<semaphore_mem>>) src(%dma_wait3A_270 : memref<32x128xf32, #tpu.memory_space<vmem_shared>>) dst(%dma_wait3A_268 : memref<32x128xf32, #tpu.memory_space<hbm>>)
      tpu.yield
    }) : () -> ()
    %mul3A_125 = arith.constant 640 : i32
    %mul3A_126 = arith.muli %arg1, %mul3A_125 : i32
    %add3A_127 = arith.constant 96 : i32
    %add3A_128 = arith.addi %mul3A_126, %add3A_127 : i32
    %mul3A_129 = arith.constant 640 : i32
    %mul3A_130 = arith.muli %arg1, %mul3A_129 : i32
    %add3A_131 = arith.constant 96 : i32
    %add3A_132 = arith.addi %mul3A_130, %add3A_131 : i32
    "tpu.region"() ({
      %run_scoped3A = tpu.sem_alloc : memref<!tpu.dma_semaphore, #tpu.memory_space<semaphore_mem>>
      %dma_start3A_261 = arith.constant 0 : i32
      %dma_start3A_262 = tpu.memref_slice %arg6[%arg0, %add3A_132, %dma_start3A_261] : memref<2x10240x128xf32, #tpu.memory_space<hbm>> -> memref<1x32x128xf32, #tpu.memory_space<hbm>>
      %dma_start3A_263 = tpu.memref_squeeze %dma_start3A_262 : memref<1x32x128xf32, #tpu.memory_space<hbm>> -> memref<32x128xf32, #tpu.memory_space<hbm>>
      %dma_start3A_264 = arith.constant 0 : i32
      %dma_start3A_265 = tpu.memref_slice %arg15[%add3A_128, %dma_start3A_264] : memref<10240x128xf32, #tpu.memory_space<vmem_shared>> -> memref<32x128xf32, #tpu.memory_space<vmem_shared>>
      tpu.enqueue_dma source(%dma_start3A_265 : memref<32x128xf32, #tpu.memory_space<vmem_shared>>) target(%dma_start3A_263 : memref<32x128xf32, #tpu.memory_space<hbm>>) target_semaphore(%run_scoped3A : memref<!tpu.dma_semaphore, #tpu.memory_space<semaphore_mem>>)
      %dma_wait3A_266 = arith.constant 0 : i32
      %dma_wait3A_267 = tpu.memref_slice %arg6[%arg0, %add3A_132, %dma_wait3A_266] : memref<2x10240x128xf32, #tpu.memory_space<hbm>> -> memref<1x32x128xf32, #tpu.memory_space<hbm>>
      %dma_wait3A_268 = tpu.memref_squeeze %dma_wait3A_267 : memref<1x32x128xf32, #tpu.memory_space<hbm>> -> memref<32x128xf32, #tpu.memory_space<hbm>>
      %dma_wait3A_269 = arith.constant 0 : i32
      %dma_wait3A_270 = tpu.memref_slice %arg15[%add3A_128, %dma_wait3A_269] : memref<10240x128xf32, #tpu.memory_space<vmem_shared>> -> memref<32x128xf32, #tpu.memory_space<vmem_shared>>
      tpu.wait_dma2 semaphore(%run_scoped3A : memref<!tpu.dma_semaphore, #tpu.memory_space<semaphore_mem>>) src(%dma_wait3A_270 : memref<32x128xf32, #tpu.memory_space<vmem_shared>>) dst(%dma_wait3A_268 : memref<32x128xf32, #tpu.memory_space<hbm>>)
      tpu.yield
    }) : () -> ()
    %mul3A_133 = arith.constant 640 : i32
    %mul3A_134 = arith.muli %arg1, %mul3A_133 : i32
    %add3A_135 = arith.constant 128 : i32
    %add3A_136 = arith.addi %mul3A_134, %add3A_135 : i32
    %mul3A_137 = arith.constant 640 : i32
    %mul3A_138 = arith.muli %arg1, %mul3A_137 : i32
    %add3A_139 = arith.constant 128 : i32
    %add3A_140 = arith.addi %mul3A_138, %add3A_139 : i32
    "tpu.region"() ({
      %run_scoped3A = tpu.sem_alloc : memref<!tpu.dma_semaphore, #tpu.memory_space<semaphore_mem>>
      %dma_start3A_261 = arith.constant 0 : i32
      %dma_start3A_262 = tpu.memref_slice %arg6[%arg0, %add3A_140, %dma_start3A_261] : memref<2x10240x128xf32, #tpu.memory_space<hbm>> -> memref<1x32x128xf32, #tpu.memory_space<hbm>>
      %dma_start3A_263 = tpu.memref_squeeze %dma_start3A_262 : memref<1x32x128xf32, #tpu.memory_space<hbm>> -> memref<32x128xf32, #tpu.memory_space<hbm>>
      %dma_start3A_264 = arith.constant 0 : i32
      %dma_start3A_265 = tpu.memref_slice %arg15[%add3A_136, %dma_start3A_264] : memref<10240x128xf32, #tpu.memory_space<vmem_shared>> -> memref<32x128xf32, #tpu.memory_space<vmem_shared>>
      tpu.enqueue_dma source(%dma_start3A_265 : memref<32x128xf32, #tpu.memory_space<vmem_shared>>) target(%dma_start3A_263 : memref<32x128xf32, #tpu.memory_space<hbm>>) target_semaphore(%run_scoped3A : memref<!tpu.dma_semaphore, #tpu.memory_space<semaphore_mem>>)
      %dma_wait3A_266 = arith.constant 0 : i32
      %dma_wait3A_267 = tpu.memref_slice %arg6[%arg0, %add3A_140, %dma_wait3A_266] : memref<2x10240x128xf32, #tpu.memory_space<hbm>> -> memref<1x32x128xf32, #tpu.memory_space<hbm>>
      %dma_wait3A_268 = tpu.memref_squeeze %dma_wait3A_267 : memref<1x32x128xf32, #tpu.memory_space<hbm>> -> memref<32x128xf32, #tpu.memory_space<hbm>>
      %dma_wait3A_269 = arith.constant 0 : i32
      %dma_wait3A_270 = tpu.memref_slice %arg15[%add3A_136, %dma_wait3A_269] : memref<10240x128xf32, #tpu.memory_space<vmem_shared>> -> memref<32x128xf32, #tpu.memory_space<vmem_shared>>
      tpu.wait_dma2 semaphore(%run_scoped3A : memref<!tpu.dma_semaphore, #tpu.memory_space<semaphore_mem>>) src(%dma_wait3A_270 : memref<32x128xf32, #tpu.memory_space<vmem_shared>>) dst(%dma_wait3A_268 : memref<32x128xf32, #tpu.memory_space<hbm>>)
      tpu.yield
    }) : () -> ()
    %mul3A_141 = arith.constant 640 : i32
    %mul3A_142 = arith.muli %arg1, %mul3A_141 : i32
    %add3A_143 = arith.constant 160 : i32
    %add3A_144 = arith.addi %mul3A_142, %add3A_143 : i32
    %mul3A_145 = arith.constant 640 : i32
    %mul3A_146 = arith.muli %arg1, %mul3A_145 : i32
    %add3A_147 = arith.constant 160 : i32
    %add3A_148 = arith.addi %mul3A_146, %add3A_147 : i32
    "tpu.region"() ({
      %run_scoped3A = tpu.sem_alloc : memref<!tpu.dma_semaphore, #tpu.memory_space<semaphore_mem>>
      %dma_start3A_261 = arith.constant 0 : i32
      %dma_start3A_262 = tpu.memref_slice %arg6[%arg0, %add3A_148, %dma_start3A_261] : memref<2x10240x128xf32, #tpu.memory_space<hbm>> -> memref<1x32x128xf32, #tpu.memory_space<hbm>>
      %dma_start3A_263 = tpu.memref_squeeze %dma_start3A_262 : memref<1x32x128xf32, #tpu.memory_space<hbm>> -> memref<32x128xf32, #tpu.memory_space<hbm>>
      %dma_start3A_264 = arith.constant 0 : i32
      %dma_start3A_265 = tpu.memref_slice %arg15[%add3A_144, %dma_start3A_264] : memref<10240x128xf32, #tpu.memory_space<vmem_shared>> -> memref<32x128xf32, #tpu.memory_space<vmem_shared>>
      tpu.enqueue_dma source(%dma_start3A_265 : memref<32x128xf32, #tpu.memory_space<vmem_shared>>) target(%dma_start3A_263 : memref<32x128xf32, #tpu.memory_space<hbm>>) target_semaphore(%run_scoped3A : memref<!tpu.dma_semaphore, #tpu.memory_space<semaphore_mem>>)
      %dma_wait3A_266 = arith.constant 0 : i32
      %dma_wait3A_267 = tpu.memref_slice %arg6[%arg0, %add3A_148, %dma_wait3A_266] : memref<2x10240x128xf32, #tpu.memory_space<hbm>> -> memref<1x32x128xf32, #tpu.memory_space<hbm>>
      %dma_wait3A_268 = tpu.memref_squeeze %dma_wait3A_267 : memref<1x32x128xf32, #tpu.memory_space<hbm>> -> memref<32x128xf32, #tpu.memory_space<hbm>>
      %dma_wait3A_269 = arith.constant 0 : i32
      %dma_wait3A_270 = tpu.memref_slice %arg15[%add3A_144, %dma_wait3A_269] : memref<10240x128xf32, #tpu.memory_space<vmem_shared>> -> memref<32x128xf32, #tpu.memory_space<vmem_shared>>
      tpu.wait_dma2 semaphore(%run_scoped3A : memref<!tpu.dma_semaphore, #tpu.memory_space<semaphore_mem>>) src(%dma_wait3A_270 : memref<32x128xf32, #tpu.memory_space<vmem_shared>>) dst(%dma_wait3A_268 : memref<32x128xf32, #tpu.memory_space<hbm>>)
      tpu.yield
    }) : () -> ()
    %mul3A_149 = arith.constant 640 : i32
    %mul3A_150 = arith.muli %arg1, %mul3A_149 : i32
    %add3A_151 = arith.constant 192 : i32
    %add3A_152 = arith.addi %mul3A_150, %add3A_151 : i32
    %mul3A_153 = arith.constant 640 : i32
    %mul3A_154 = arith.muli %arg1, %mul3A_153 : i32
    %add3A_155 = arith.constant 192 : i32
    %add3A_156 = arith.addi %mul3A_154, %add3A_155 : i32
    "tpu.region"() ({
      %run_scoped3A = tpu.sem_alloc : memref<!tpu.dma_semaphore, #tpu.memory_space<semaphore_mem>>
      %dma_start3A_261 = arith.constant 0 : i32
      %dma_start3A_262 = tpu.memref_slice %arg6[%arg0, %add3A_156, %dma_start3A_261] : memref<2x10240x128xf32, #tpu.memory_space<hbm>> -> memref<1x32x128xf32, #tpu.memory_space<hbm>>
      %dma_start3A_263 = tpu.memref_squeeze %dma_start3A_262 : memref<1x32x128xf32, #tpu.memory_space<hbm>> -> memref<32x128xf32, #tpu.memory_space<hbm>>
      %dma_start3A_264 = arith.constant 0 : i32
      %dma_start3A_265 = tpu.memref_slice %arg15[%add3A_152, %dma_start3A_264] : memref<10240x128xf32, #tpu.memory_space<vmem_shared>> -> memref<32x128xf32, #tpu.memory_space<vmem_shared>>
      tpu.enqueue_dma source(%dma_start3A_265 : memref<32x128xf32, #tpu.memory_space<vmem_shared>>) target(%dma_start3A_263 : memref<32x128xf32, #tpu.memory_space<hbm>>) target_semaphore(%run_scoped3A : memref<!tpu.dma_semaphore, #tpu.memory_space<semaphore_mem>>)
      %dma_wait3A_266 = arith.constant 0 : i32
      %dma_wait3A_267 = tpu.memref_slice %arg6[%arg0, %add3A_156, %dma_wait3A_266] : memref<2x10240x128xf32, #tpu.memory_space<hbm>> -> memref<1x32x128xf32, #tpu.memory_space<hbm>>
      %dma_wait3A_268 = tpu.memref_squeeze %dma_wait3A_267 : memref<1x32x128xf32, #tpu.memory_space<hbm>> -> memref<32x128xf32, #tpu.memory_space<hbm>>
      %dma_wait3A_269 = arith.constant 0 : i32
      %dma_wait3A_270 = tpu.memref_slice %arg15[%add3A_152, %dma_wait3A_269] : memref<10240x128xf32, #tpu.memory_space<vmem_shared>> -> memref<32x128xf32, #tpu.memory_space<vmem_shared>>
      tpu.wait_dma2 semaphore(%run_scoped3A : memref<!tpu.dma_semaphore, #tpu.memory_space<semaphore_mem>>) src(%dma_wait3A_270 : memref<32x128xf32, #tpu.memory_space<vmem_shared>>) dst(%dma_wait3A_268 : memref<32x128xf32, #tpu.memory_space<hbm>>)
      tpu.yield
    }) : () -> ()
    %mul3A_157 = arith.constant 640 : i32
    %mul3A_158 = arith.muli %arg1, %mul3A_157 : i32
    %add3A_159 = arith.constant 224 : i32
    %add3A_160 = arith.addi %mul3A_158, %add3A_159 : i32
    %mul3A_161 = arith.constant 640 : i32
    %mul3A_162 = arith.muli %arg1, %mul3A_161 : i32
    %add3A_163 = arith.constant 224 : i32
    %add3A_164 = arith.addi %mul3A_162, %add3A_163 : i32
    "tpu.region"() ({
      %run_scoped3A = tpu.sem_alloc : memref<!tpu.dma_semaphore, #tpu.memory_space<semaphore_mem>>
      %dma_start3A_261 = arith.constant 0 : i32
      %dma_start3A_262 = tpu.memref_slice %arg6[%arg0, %add3A_164, %dma_start3A_261] : memref<2x10240x128xf32, #tpu.memory_space<hbm>> -> memref<1x32x128xf32, #tpu.memory_space<hbm>>
      %dma_start3A_263 = tpu.memref_squeeze %dma_start3A_262 : memref<1x32x128xf32, #tpu.memory_space<hbm>> -> memref<32x128xf32, #tpu.memory_space<hbm>>
      %dma_start3A_264 = arith.constant 0 : i32
      %dma_start3A_265 = tpu.memref_slice %arg15[%add3A_160, %dma_start3A_264] : memref<10240x128xf32, #tpu.memory_space<vmem_shared>> -> memref<32x128xf32, #tpu.memory_space<vmem_shared>>
      tpu.enqueue_dma source(%dma_start3A_265 : memref<32x128xf32, #tpu.memory_space<vmem_shared>>) target(%dma_start3A_263 : memref<32x128xf32, #tpu.memory_space<hbm>>) target_semaphore(%run_scoped3A : memref<!tpu.dma_semaphore, #tpu.memory_space<semaphore_mem>>)
      %dma_wait3A_266 = arith.constant 0 : i32
      %dma_wait3A_267 = tpu.memref_slice %arg6[%arg0, %add3A_164, %dma_wait3A_266] : memref<2x10240x128xf32, #tpu.memory_space<hbm>> -> memref<1x32x128xf32, #tpu.memory_space<hbm>>
      %dma_wait3A_268 = tpu.memref_squeeze %dma_wait3A_267 : memref<1x32x128xf32, #tpu.memory_space<hbm>> -> memref<32x128xf32, #tpu.memory_space<hbm>>
      %dma_wait3A_269 = arith.constant 0 : i32
      %dma_wait3A_270 = tpu.memref_slice %arg15[%add3A_160, %dma_wait3A_269] : memref<10240x128xf32, #tpu.memory_space<vmem_shared>> -> memref<32x128xf32, #tpu.memory_space<vmem_shared>>
      tpu.wait_dma2 semaphore(%run_scoped3A : memref<!tpu.dma_semaphore, #tpu.memory_space<semaphore_mem>>) src(%dma_wait3A_270 : memref<32x128xf32, #tpu.memory_space<vmem_shared>>) dst(%dma_wait3A_268 : memref<32x128xf32, #tpu.memory_space<hbm>>)
      tpu.yield
    }) : () -> ()
    %mul3A_165 = arith.constant 640 : i32
    %mul3A_166 = arith.muli %arg1, %mul3A_165 : i32
    %add3A_167 = arith.constant 256 : i32
    %add3A_168 = arith.addi %mul3A_166, %add3A_167 : i32
    %mul3A_169 = arith.constant 640 : i32
    %mul3A_170 = arith.muli %arg1, %mul3A_169 : i32
    %add3A_171 = arith.constant 256 : i32
    %add3A_172 = arith.addi %mul3A_170, %add3A_171 : i32
    "tpu.region"() ({
      %run_scoped3A = tpu.sem_alloc : memref<!tpu.dma_semaphore, #tpu.memory_space<semaphore_mem>>
      %dma_start3A_261 = arith.constant 0 : i32
      %dma_start3A_262 = tpu.memref_slice %arg6[%arg0, %add3A_172, %dma_start3A_261] : memref<2x10240x128xf32, #tpu.memory_space<hbm>> -> memref<1x32x128xf32, #tpu.memory_space<hbm>>
      %dma_start3A_263 = tpu.memref_squeeze %dma_start3A_262 : memref<1x32x128xf32, #tpu.memory_space<hbm>> -> memref<32x128xf32, #tpu.memory_space<hbm>>
      %dma_start3A_264 = arith.constant 0 : i32
      %dma_start3A_265 = tpu.memref_slice %arg15[%add3A_168, %dma_start3A_264] : memref<10240x128xf32, #tpu.memory_space<vmem_shared>> -> memref<32x128xf32, #tpu.memory_space<vmem_shared>>
      tpu.enqueue_dma source(%dma_start3A_265 : memref<32x128xf32, #tpu.memory_space<vmem_shared>>) target(%dma_start3A_263 : memref<32x128xf32, #tpu.memory_space<hbm>>) target_semaphore(%run_scoped3A : memref<!tpu.dma_semaphore, #tpu.memory_space<semaphore_mem>>)
      %dma_wait3A_266 = arith.constant 0 : i32
      %dma_wait3A_267 = tpu.memref_slice %arg6[%arg0, %add3A_172, %dma_wait3A_266] : memref<2x10240x128xf32, #tpu.memory_space<hbm>> -> memref<1x32x128xf32, #tpu.memory_space<hbm>>
      %dma_wait3A_268 = tpu.memref_squeeze %dma_wait3A_267 : memref<1x32x128xf32, #tpu.memory_space<hbm>> -> memref<32x128xf32, #tpu.memory_space<hbm>>
      %dma_wait3A_269 = arith.constant 0 : i32
      %dma_wait3A_270 = tpu.memref_slice %arg15[%add3A_168, %dma_wait3A_269] : memref<10240x128xf32, #tpu.memory_space<vmem_shared>> -> memref<32x128xf32, #tpu.memory_space<vmem_shared>>
      tpu.wait_dma2 semaphore(%run_scoped3A : memref<!tpu.dma_semaphore, #tpu.memory_space<semaphore_mem>>) src(%dma_wait3A_270 : memref<32x128xf32, #tpu.memory_space<vmem_shared>>) dst(%dma_wait3A_268 : memref<32x128xf32, #tpu.memory_space<hbm>>)
      tpu.yield
    }) : () -> ()
    %mul3A_173 = arith.constant 640 : i32
    %mul3A_174 = arith.muli %arg1, %mul3A_173 : i32
    %add3A_175 = arith.constant 288 : i32
    %add3A_176 = arith.addi %mul3A_174, %add3A_175 : i32
    %mul3A_177 = arith.constant 640 : i32
    %mul3A_178 = arith.muli %arg1, %mul3A_177 : i32
    %add3A_179 = arith.constant 288 : i32
    %add3A_180 = arith.addi %mul3A_178, %add3A_179 : i32
    "tpu.region"() ({
      %run_scoped3A = tpu.sem_alloc : memref<!tpu.dma_semaphore, #tpu.memory_space<semaphore_mem>>
      %dma_start3A_261 = arith.constant 0 : i32
      %dma_start3A_262 = tpu.memref_slice %arg6[%arg0, %add3A_180, %dma_start3A_261] : memref<2x10240x128xf32, #tpu.memory_space<hbm>> -> memref<1x32x128xf32, #tpu.memory_space<hbm>>
      %dma_start3A_263 = tpu.memref_squeeze %dma_start3A_262 : memref<1x32x128xf32, #tpu.memory_space<hbm>> -> memref<32x128xf32, #tpu.memory_space<hbm>>
      %dma_start3A_264 = arith.constant 0 : i32
      %dma_start3A_265 = tpu.memref_slice %arg15[%add3A_176, %dma_start3A_264] : memref<10240x128xf32, #tpu.memory_space<vmem_shared>> -> memref<32x128xf32, #tpu.memory_space<vmem_shared>>
      tpu.enqueue_dma source(%dma_start3A_265 : memref<32x128xf32, #tpu.memory_space<vmem_shared>>) target(%dma_start3A_263 : memref<32x128xf32, #tpu.memory_space<hbm>>) target_semaphore(%run_scoped3A : memref<!tpu.dma_semaphore, #tpu.memory_space<semaphore_mem>>)
      %dma_wait3A_266 = arith.constant 0 : i32
      %dma_wait3A_267 = tpu.memref_slice %arg6[%arg0, %add3A_180, %dma_wait3A_266] : memref<2x10240x128xf32, #tpu.memory_space<hbm>> -> memref<1x32x128xf32, #tpu.memory_space<hbm>>
      %dma_wait3A_268 = tpu.memref_squeeze %dma_wait3A_267 : memref<1x32x128xf32, #tpu.memory_space<hbm>> -> memref<32x128xf32, #tpu.memory_space<hbm>>
      %dma_wait3A_269 = arith.constant 0 : i32
      %dma_wait3A_270 = tpu.memref_slice %arg15[%add3A_176, %dma_wait3A_269] : memref<10240x128xf32, #tpu.memory_space<vmem_shared>> -> memref<32x128xf32, #tpu.memory_space<vmem_shared>>
      tpu.wait_dma2 semaphore(%run_scoped3A : memref<!tpu.dma_semaphore, #tpu.memory_space<semaphore_mem>>) src(%dma_wait3A_270 : memref<32x128xf32, #tpu.memory_space<vmem_shared>>) dst(%dma_wait3A_268 : memref<32x128xf32, #tpu.memory_space<hbm>>)
      tpu.yield
    }) : () -> ()
    %mul3A_181 = arith.constant 640 : i32
    %mul3A_182 = arith.muli %arg1, %mul3A_181 : i32
    %add3A_183 = arith.constant 320 : i32
    %add3A_184 = arith.addi %mul3A_182, %add3A_183 : i32
    %mul3A_185 = arith.constant 640 : i32
    %mul3A_186 = arith.muli %arg1, %mul3A_185 : i32
    %add3A_187 = arith.constant 320 : i32
    %add3A_188 = arith.addi %mul3A_186, %add3A_187 : i32
    "tpu.region"() ({
      %run_scoped3A = tpu.sem_alloc : memref<!tpu.dma_semaphore, #tpu.memory_space<semaphore_mem>>
      %dma_start3A_261 = arith.constant 0 : i32
      %dma_start3A_262 = tpu.memref_slice %arg6[%arg0, %add3A_188, %dma_start3A_261] : memref<2x10240x128xf32, #tpu.memory_space<hbm>> -> memref<1x32x128xf32, #tpu.memory_space<hbm>>
      %dma_start3A_263 = tpu.memref_squeeze %dma_start3A_262 : memref<1x32x128xf32, #tpu.memory_space<hbm>> -> memref<32x128xf32, #tpu.memory_space<hbm>>
      %dma_start3A_264 = arith.constant 0 : i32
      %dma_start3A_265 = tpu.memref_slice %arg15[%add3A_184, %dma_start3A_264] : memref<10240x128xf32, #tpu.memory_space<vmem_shared>> -> memref<32x128xf32, #tpu.memory_space<vmem_shared>>
      tpu.enqueue_dma source(%dma_start3A_265 : memref<32x128xf32, #tpu.memory_space<vmem_shared>>) target(%dma_start3A_263 : memref<32x128xf32, #tpu.memory_space<hbm>>) target_semaphore(%run_scoped3A : memref<!tpu.dma_semaphore, #tpu.memory_space<semaphore_mem>>)
      %dma_wait3A_266 = arith.constant 0 : i32
      %dma_wait3A_267 = tpu.memref_slice %arg6[%arg0, %add3A_188, %dma_wait3A_266] : memref<2x10240x128xf32, #tpu.memory_space<hbm>> -> memref<1x32x128xf32, #tpu.memory_space<hbm>>
      %dma_wait3A_268 = tpu.memref_squeeze %dma_wait3A_267 : memref<1x32x128xf32, #tpu.memory_space<hbm>> -> memref<32x128xf32, #tpu.memory_space<hbm>>
      %dma_wait3A_269 = arith.constant 0 : i32
      %dma_wait3A_270 = tpu.memref_slice %arg15[%add3A_184, %dma_wait3A_269] : memref<10240x128xf32, #tpu.memory_space<vmem_shared>> -> memref<32x128xf32, #tpu.memory_space<vmem_shared>>
      tpu.wait_dma2 semaphore(%run_scoped3A : memref<!tpu.dma_semaphore, #tpu.memory_space<semaphore_mem>>) src(%dma_wait3A_270 : memref<32x128xf32, #tpu.memory_space<vmem_shared>>) dst(%dma_wait3A_268 : memref<32x128xf32, #tpu.memory_space<hbm>>)
      tpu.yield
    }) : () -> ()
    %mul3A_189 = arith.constant 640 : i32
    %mul3A_190 = arith.muli %arg1, %mul3A_189 : i32
    %add3A_191 = arith.constant 352 : i32
    %add3A_192 = arith.addi %mul3A_190, %add3A_191 : i32
    %mul3A_193 = arith.constant 640 : i32
    %mul3A_194 = arith.muli %arg1, %mul3A_193 : i32
    %add3A_195 = arith.constant 352 : i32
    %add3A_196 = arith.addi %mul3A_194, %add3A_195 : i32
    "tpu.region"() ({
      %run_scoped3A = tpu.sem_alloc : memref<!tpu.dma_semaphore, #tpu.memory_space<semaphore_mem>>
      %dma_start3A_261 = arith.constant 0 : i32
      %dma_start3A_262 = tpu.memref_slice %arg6[%arg0, %add3A_196, %dma_start3A_261] : memref<2x10240x128xf32, #tpu.memory_space<hbm>> -> memref<1x32x128xf32, #tpu.memory_space<hbm>>
      %dma_start3A_263 = tpu.memref_squeeze %dma_start3A_262 : memref<1x32x128xf32, #tpu.memory_space<hbm>> -> memref<32x128xf32, #tpu.memory_space<hbm>>
      %dma_start3A_264 = arith.constant 0 : i32
      %dma_start3A_265 = tpu.memref_slice %arg15[%add3A_192, %dma_start3A_264] : memref<10240x128xf32, #tpu.memory_space<vmem_shared>> -> memref<32x128xf32, #tpu.memory_space<vmem_shared>>
      tpu.enqueue_dma source(%dma_start3A_265 : memref<32x128xf32, #tpu.memory_space<vmem_shared>>) target(%dma_start3A_263 : memref<32x128xf32, #tpu.memory_space<hbm>>) target_semaphore(%run_scoped3A : memref<!tpu.dma_semaphore, #tpu.memory_space<semaphore_mem>>)
      %dma_wait3A_266 = arith.constant 0 : i32
      %dma_wait3A_267 = tpu.memref_slice %arg6[%arg0, %add3A_196, %dma_wait3A_266] : memref<2x10240x128xf32, #tpu.memory_space<hbm>> -> memref<1x32x128xf32, #tpu.memory_space<hbm>>
      %dma_wait3A_268 = tpu.memref_squeeze %dma_wait3A_267 : memref<1x32x128xf32, #tpu.memory_space<hbm>> -> memref<32x128xf32, #tpu.memory_space<hbm>>
      %dma_wait3A_269 = arith.constant 0 : i32
      %dma_wait3A_270 = tpu.memref_slice %arg15[%add3A_192, %dma_wait3A_269] : memref<10240x128xf32, #tpu.memory_space<vmem_shared>> -> memref<32x128xf32, #tpu.memory_space<vmem_shared>>
      tpu.wait_dma2 semaphore(%run_scoped3A : memref<!tpu.dma_semaphore, #tpu.memory_space<semaphore_mem>>) src(%dma_wait3A_270 : memref<32x128xf32, #tpu.memory_space<vmem_shared>>) dst(%dma_wait3A_268 : memref<32x128xf32, #tpu.memory_space<hbm>>)
      tpu.yield
    }) : () -> ()
    %mul3A_197 = arith.constant 640 : i32
    %mul3A_198 = arith.muli %arg1, %mul3A_197 : i32
    %add3A_199 = arith.constant 384 : i32
    %add3A_200 = arith.addi %mul3A_198, %add3A_199 : i32
    %mul3A_201 = arith.constant 640 : i32
    %mul3A_202 = arith.muli %arg1, %mul3A_201 : i32
    %add3A_203 = arith.constant 384 : i32
    %add3A_204 = arith.addi %mul3A_202, %add3A_203 : i32
    "tpu.region"() ({
      %run_scoped3A = tpu.sem_alloc : memref<!tpu.dma_semaphore, #tpu.memory_space<semaphore_mem>>
      %dma_start3A_261 = arith.constant 0 : i32
      %dma_start3A_262 = tpu.memref_slice %arg6[%arg0, %add3A_204, %dma_start3A_261] : memref<2x10240x128xf32, #tpu.memory_space<hbm>> -> memref<1x32x128xf32, #tpu.memory_space<hbm>>
      %dma_start3A_263 = tpu.memref_squeeze %dma_start3A_262 : memref<1x32x128xf32, #tpu.memory_space<hbm>> -> memref<32x128xf32, #tpu.memory_space<hbm>>
      %dma_start3A_264 = arith.constant 0 : i32
      %dma_start3A_265 = tpu.memref_slice %arg15[%add3A_200, %dma_start3A_264] : memref<10240x128xf32, #tpu.memory_space<vmem_shared>> -> memref<32x128xf32, #tpu.memory_space<vmem_shared>>
      tpu.enqueue_dma source(%dma_start3A_265 : memref<32x128xf32, #tpu.memory_space<vmem_shared>>) target(%dma_start3A_263 : memref<32x128xf32, #tpu.memory_space<hbm>>) target_semaphore(%run_scoped3A : memref<!tpu.dma_semaphore, #tpu.memory_space<semaphore_mem>>)
      %dma_wait3A_266 = arith.constant 0 : i32
      %dma_wait3A_267 = tpu.memref_slice %arg6[%arg0, %add3A_204, %dma_wait3A_266] : memref<2x10240x128xf32, #tpu.memory_space<hbm>> -> memref<1x32x128xf32, #tpu.memory_space<hbm>>
      %dma_wait3A_268 = tpu.memref_squeeze %dma_wait3A_267 : memref<1x32x128xf32, #tpu.memory_space<hbm>> -> memref<32x128xf32, #tpu.memory_space<hbm>>
      %dma_wait3A_269 = arith.constant 0 : i32
      %dma_wait3A_270 = tpu.memref_slice %arg15[%add3A_200, %dma_wait3A_269] : memref<10240x128xf32, #tpu.memory_space<vmem_shared>> -> memref<32x128xf32, #tpu.memory_space<vmem_shared>>
      tpu.wait_dma2 semaphore(%run_scoped3A : memref<!tpu.dma_semaphore, #tpu.memory_space<semaphore_mem>>) src(%dma_wait3A_270 : memref<32x128xf32, #tpu.memory_space<vmem_shared>>) dst(%dma_wait3A_268 : memref<32x128xf32, #tpu.memory_space<hbm>>)
      tpu.yield
    }) : () -> ()
    %mul3A_205 = arith.constant 640 : i32
    %mul3A_206 = arith.muli %arg1, %mul3A_205 : i32
    %add3A_207 = arith.constant 416 : i32
    %add3A_208 = arith.addi %mul3A_206, %add3A_207 : i32
    %mul3A_209 = arith.constant 640 : i32
    %mul3A_210 = arith.muli %arg1, %mul3A_209 : i32
    %add3A_211 = arith.constant 416 : i32
    %add3A_212 = arith.addi %mul3A_210, %add3A_211 : i32
    "tpu.region"() ({
      %run_scoped3A = tpu.sem_alloc : memref<!tpu.dma_semaphore, #tpu.memory_space<semaphore_mem>>
      %dma_start3A_261 = arith.constant 0 : i32
      %dma_start3A_262 = tpu.memref_slice %arg6[%arg0, %add3A_212, %dma_start3A_261] : memref<2x10240x128xf32, #tpu.memory_space<hbm>> -> memref<1x32x128xf32, #tpu.memory_space<hbm>>
      %dma_start3A_263 = tpu.memref_squeeze %dma_start3A_262 : memref<1x32x128xf32, #tpu.memory_space<hbm>> -> memref<32x128xf32, #tpu.memory_space<hbm>>
      %dma_start3A_264 = arith.constant 0 : i32
      %dma_start3A_265 = tpu.memref_slice %arg15[%add3A_208, %dma_start3A_264] : memref<10240x128xf32, #tpu.memory_space<vmem_shared>> -> memref<32x128xf32, #tpu.memory_space<vmem_shared>>
      tpu.enqueue_dma source(%dma_start3A_265 : memref<32x128xf32, #tpu.memory_space<vmem_shared>>) target(%dma_start3A_263 : memref<32x128xf32, #tpu.memory_space<hbm>>) target_semaphore(%run_scoped3A : memref<!tpu.dma_semaphore, #tpu.memory_space<semaphore_mem>>)
      %dma_wait3A_266 = arith.constant 0 : i32
      %dma_wait3A_267 = tpu.memref_slice %arg6[%arg0, %add3A_212, %dma_wait3A_266] : memref<2x10240x128xf32, #tpu.memory_space<hbm>> -> memref<1x32x128xf32, #tpu.memory_space<hbm>>
      %dma_wait3A_268 = tpu.memref_squeeze %dma_wait3A_267 : memref<1x32x128xf32, #tpu.memory_space<hbm>> -> memref<32x128xf32, #tpu.memory_space<hbm>>
      %dma_wait3A_269 = arith.constant 0 : i32
      %dma_wait3A_270 = tpu.memref_slice %arg15[%add3A_208, %dma_wait3A_269] : memref<10240x128xf32, #tpu.memory_space<vmem_shared>> -> memref<32x128xf32, #tpu.memory_space<vmem_shared>>
      tpu.wait_dma2 semaphore(%run_scoped3A : memref<!tpu.dma_semaphore, #tpu.memory_space<semaphore_mem>>) src(%dma_wait3A_270 : memref<32x128xf32, #tpu.memory_space<vmem_shared>>) dst(%dma_wait3A_268 : memref<32x128xf32, #tpu.memory_space<hbm>>)
      tpu.yield
    }) : () -> ()
    %mul3A_213 = arith.constant 640 : i32
    %mul3A_214 = arith.muli %arg1, %mul3A_213 : i32
    %add3A_215 = arith.constant 448 : i32
    %add3A_216 = arith.addi %mul3A_214, %add3A_215 : i32
    %mul3A_217 = arith.constant 640 : i32
    %mul3A_218 = arith.muli %arg1, %mul3A_217 : i32
    %add3A_219 = arith.constant 448 : i32
    %add3A_220 = arith.addi %mul3A_218, %add3A_219 : i32
    "tpu.region"() ({
      %run_scoped3A = tpu.sem_alloc : memref<!tpu.dma_semaphore, #tpu.memory_space<semaphore_mem>>
      %dma_start3A_261 = arith.constant 0 : i32
      %dma_start3A_262 = tpu.memref_slice %arg6[%arg0, %add3A_220, %dma_start3A_261] : memref<2x10240x128xf32, #tpu.memory_space<hbm>> -> memref<1x32x128xf32, #tpu.memory_space<hbm>>
      %dma_start3A_263 = tpu.memref_squeeze %dma_start3A_262 : memref<1x32x128xf32, #tpu.memory_space<hbm>> -> memref<32x128xf32, #tpu.memory_space<hbm>>
      %dma_start3A_264 = arith.constant 0 : i32
      %dma_start3A_265 = tpu.memref_slice %arg15[%add3A_216, %dma_start3A_264] : memref<10240x128xf32, #tpu.memory_space<vmem_shared>> -> memref<32x128xf32, #tpu.memory_space<vmem_shared>>
      tpu.enqueue_dma source(%dma_start3A_265 : memref<32x128xf32, #tpu.memory_space<vmem_shared>>) target(%dma_start3A_263 : memref<32x128xf32, #tpu.memory_space<hbm>>) target_semaphore(%run_scoped3A : memref<!tpu.dma_semaphore, #tpu.memory_space<semaphore_mem>>)
      %dma_wait3A_266 = arith.constant 0 : i32
      %dma_wait3A_267 = tpu.memref_slice %arg6[%arg0, %add3A_220, %dma_wait3A_266] : memref<2x10240x128xf32, #tpu.memory_space<hbm>> -> memref<1x32x128xf32, #tpu.memory_space<hbm>>
      %dma_wait3A_268 = tpu.memref_squeeze %dma_wait3A_267 : memref<1x32x128xf32, #tpu.memory_space<hbm>> -> memref<32x128xf32, #tpu.memory_space<hbm>>
      %dma_wait3A_269 = arith.constant 0 : i32
      %dma_wait3A_270 = tpu.memref_slice %arg15[%add3A_216, %dma_wait3A_269] : memref<10240x128xf32, #tpu.memory_space<vmem_shared>> -> memref<32x128xf32, #tpu.memory_space<vmem_shared>>
      tpu.wait_dma2 semaphore(%run_scoped3A : memref<!tpu.dma_semaphore, #tpu.memory_space<semaphore_mem>>) src(%dma_wait3A_270 : memref<32x128xf32, #tpu.memory_space<vmem_shared>>) dst(%dma_wait3A_268 : memref<32x128xf32, #tpu.memory_space<hbm>>)
      tpu.yield
    }) : () -> ()
    %mul3A_221 = arith.constant 640 : i32
    %mul3A_222 = arith.muli %arg1, %mul3A_221 : i32
    %add3A_223 = arith.constant 480 : i32
    %add3A_224 = arith.addi %mul3A_222, %add3A_223 : i32
    %mul3A_225 = arith.constant 640 : i32
    %mul3A_226 = arith.muli %arg1, %mul3A_225 : i32
    %add3A_227 = arith.constant 480 : i32
    %add3A_228 = arith.addi %mul3A_226, %add3A_227 : i32
    "tpu.region"() ({
      %run_scoped3A = tpu.sem_alloc : memref<!tpu.dma_semaphore, #tpu.memory_space<semaphore_mem>>
      %dma_start3A_261 = arith.constant 0 : i32
      %dma_start3A_262 = tpu.memref_slice %arg6[%arg0, %add3A_228, %dma_start3A_261] : memref<2x10240x128xf32, #tpu.memory_space<hbm>> -> memref<1x32x128xf32, #tpu.memory_space<hbm>>
      %dma_start3A_263 = tpu.memref_squeeze %dma_start3A_262 : memref<1x32x128xf32, #tpu.memory_space<hbm>> -> memref<32x128xf32, #tpu.memory_space<hbm>>
      %dma_start3A_264 = arith.constant 0 : i32
      %dma_start3A_265 = tpu.memref_slice %arg15[%add3A_224, %dma_start3A_264] : memref<10240x128xf32, #tpu.memory_space<vmem_shared>> -> memref<32x128xf32, #tpu.memory_space<vmem_shared>>
      tpu.enqueue_dma source(%dma_start3A_265 : memref<32x128xf32, #tpu.memory_space<vmem_shared>>) target(%dma_start3A_263 : memref<32x128xf32, #tpu.memory_space<hbm>>) target_semaphore(%run_scoped3A : memref<!tpu.dma_semaphore, #tpu.memory_space<semaphore_mem>>)
      %dma_wait3A_266 = arith.constant 0 : i32
      %dma_wait3A_267 = tpu.memref_slice %arg6[%arg0, %add3A_228, %dma_wait3A_266] : memref<2x10240x128xf32, #tpu.memory_space<hbm>> -> memref<1x32x128xf32, #tpu.memory_space<hbm>>
      %dma_wait3A_268 = tpu.memref_squeeze %dma_wait3A_267 : memref<1x32x128xf32, #tpu.memory_space<hbm>> -> memref<32x128xf32, #tpu.memory_space<hbm>>
      %dma_wait3A_269 = arith.constant 0 : i32
      %dma_wait3A_270 = tpu.memref_slice %arg15[%add3A_224, %dma_wait3A_269] : memref<10240x128xf32, #tpu.memory_space<vmem_shared>> -> memref<32x128xf32, #tpu.memory_space<vmem_shared>>
      tpu.wait_dma2 semaphore(%run_scoped3A : memref<!tpu.dma_semaphore, #tpu.memory_space<semaphore_mem>>) src(%dma_wait3A_270 : memref<32x128xf32, #tpu.memory_space<vmem_shared>>) dst(%dma_wait3A_268 : memref<32x128xf32, #tpu.memory_space<hbm>>)
      tpu.yield
    }) : () -> ()
    %mul3A_229 = arith.constant 640 : i32
    %mul3A_230 = arith.muli %arg1, %mul3A_229 : i32
    %add3A_231 = arith.constant 512 : i32
    %add3A_232 = arith.addi %mul3A_230, %add3A_231 : i32
    %mul3A_233 = arith.constant 640 : i32
    %mul3A_234 = arith.muli %arg1, %mul3A_233 : i32
    %add3A_235 = arith.constant 512 : i32
    %add3A_236 = arith.addi %mul3A_234, %add3A_235 : i32
    "tpu.region"() ({
      %run_scoped3A = tpu.sem_alloc : memref<!tpu.dma_semaphore, #tpu.memory_space<semaphore_mem>>
      %dma_start3A_261 = arith.constant 0 : i32
      %dma_start3A_262 = tpu.memref_slice %arg6[%arg0, %add3A_236, %dma_start3A_261] : memref<2x10240x128xf32, #tpu.memory_space<hbm>> -> memref<1x32x128xf32, #tpu.memory_space<hbm>>
      %dma_start3A_263 = tpu.memref_squeeze %dma_start3A_262 : memref<1x32x128xf32, #tpu.memory_space<hbm>> -> memref<32x128xf32, #tpu.memory_space<hbm>>
      %dma_start3A_264 = arith.constant 0 : i32
      %dma_start3A_265 = tpu.memref_slice %arg15[%add3A_232, %dma_start3A_264] : memref<10240x128xf32, #tpu.memory_space<vmem_shared>> -> memref<32x128xf32, #tpu.memory_space<vmem_shared>>
      tpu.enqueue_dma source(%dma_start3A_265 : memref<32x128xf32, #tpu.memory_space<vmem_shared>>) target(%dma_start3A_263 : memref<32x128xf32, #tpu.memory_space<hbm>>) target_semaphore(%run_scoped3A : memref<!tpu.dma_semaphore, #tpu.memory_space<semaphore_mem>>)
      %dma_wait3A_266 = arith.constant 0 : i32
      %dma_wait3A_267 = tpu.memref_slice %arg6[%arg0, %add3A_236, %dma_wait3A_266] : memref<2x10240x128xf32, #tpu.memory_space<hbm>> -> memref<1x32x128xf32, #tpu.memory_space<hbm>>
      %dma_wait3A_268 = tpu.memref_squeeze %dma_wait3A_267 : memref<1x32x128xf32, #tpu.memory_space<hbm>> -> memref<32x128xf32, #tpu.memory_space<hbm>>
      %dma_wait3A_269 = arith.constant 0 : i32
      %dma_wait3A_270 = tpu.memref_slice %arg15[%add3A_232, %dma_wait3A_269] : memref<10240x128xf32, #tpu.memory_space<vmem_shared>> -> memref<32x128xf32, #tpu.memory_space<vmem_shared>>
      tpu.wait_dma2 semaphore(%run_scoped3A : memref<!tpu.dma_semaphore, #tpu.memory_space<semaphore_mem>>) src(%dma_wait3A_270 : memref<32x128xf32, #tpu.memory_space<vmem_shared>>) dst(%dma_wait3A_268 : memref<32x128xf32, #tpu.memory_space<hbm>>)
      tpu.yield
    }) : () -> ()
    %mul3A_237 = arith.constant 640 : i32
    %mul3A_238 = arith.muli %arg1, %mul3A_237 : i32
    %add3A_239 = arith.constant 544 : i32
    %add3A_240 = arith.addi %mul3A_238, %add3A_239 : i32
    %mul3A_241 = arith.constant 640 : i32
    %mul3A_242 = arith.muli %arg1, %mul3A_241 : i32
    %add3A_243 = arith.constant 544 : i32
    %add3A_244 = arith.addi %mul3A_242, %add3A_243 : i32
    "tpu.region"() ({
      %run_scoped3A = tpu.sem_alloc : memref<!tpu.dma_semaphore, #tpu.memory_space<semaphore_mem>>
      %dma_start3A_261 = arith.constant 0 : i32
      %dma_start3A_262 = tpu.memref_slice %arg6[%arg0, %add3A_244, %dma_start3A_261] : memref<2x10240x128xf32, #tpu.memory_space<hbm>> -> memref<1x32x128xf32, #tpu.memory_space<hbm>>
      %dma_start3A_263 = tpu.memref_squeeze %dma_start3A_262 : memref<1x32x128xf32, #tpu.memory_space<hbm>> -> memref<32x128xf32, #tpu.memory_space<hbm>>
      %dma_start3A_264 = arith.constant 0 : i32
      %dma_start3A_265 = tpu.memref_slice %arg15[%add3A_240, %dma_start3A_264] : memref<10240x128xf32, #tpu.memory_space<vmem_shared>> -> memref<32x128xf32, #tpu.memory_space<vmem_shared>>
      tpu.enqueue_dma source(%dma_start3A_265 : memref<32x128xf32, #tpu.memory_space<vmem_shared>>) target(%dma_start3A_263 : memref<32x128xf32, #tpu.memory_space<hbm>>) target_semaphore(%run_scoped3A : memref<!tpu.dma_semaphore, #tpu.memory_space<semaphore_mem>>)
      %dma_wait3A_266 = arith.constant 0 : i32
      %dma_wait3A_267 = tpu.memref_slice %arg6[%arg0, %add3A_244, %dma_wait3A_266] : memref<2x10240x128xf32, #tpu.memory_space<hbm>> -> memref<1x32x128xf32, #tpu.memory_space<hbm>>
      %dma_wait3A_268 = tpu.memref_squeeze %dma_wait3A_267 : memref<1x32x128xf32, #tpu.memory_space<hbm>> -> memref<32x128xf32, #tpu.memory_space<hbm>>
      %dma_wait3A_269 = arith.constant 0 : i32
      %dma_wait3A_270 = tpu.memref_slice %arg15[%add3A_240, %dma_wait3A_269] : memref<10240x128xf32, #tpu.memory_space<vmem_shared>> -> memref<32x128xf32, #tpu.memory_space<vmem_shared>>
      tpu.wait_dma2 semaphore(%run_scoped3A : memref<!tpu.dma_semaphore, #tpu.memory_space<semaphore_mem>>) src(%dma_wait3A_270 : memref<32x128xf32, #tpu.memory_space<vmem_shared>>) dst(%dma_wait3A_268 : memref<32x128xf32, #tpu.memory_space<hbm>>)
      tpu.yield
    }) : () -> ()
    %mul3A_245 = arith.constant 640 : i32
    %mul3A_246 = arith.muli %arg1, %mul3A_245 : i32
    %add3A_247 = arith.constant 576 : i32
    %add3A_248 = arith.addi %mul3A_246, %add3A_247 : i32
    %mul3A_249 = arith.constant 640 : i32
    %mul3A_250 = arith.muli %arg1, %mul3A_249 : i32
    %add3A_251 = arith.constant 576 : i32
    %add3A_252 = arith.addi %mul3A_250, %add3A_251 : i32
    "tpu.region"() ({
      %run_scoped3A = tpu.sem_alloc : memref<!tpu.dma_semaphore, #tpu.memory_space<semaphore_mem>>
      %dma_start3A_261 = arith.constant 0 : i32
      %dma_start3A_262 = tpu.memref_slice %arg6[%arg0, %add3A_252, %dma_start3A_261] : memref<2x10240x128xf32, #tpu.memory_space<hbm>> -> memref<1x32x128xf32, #tpu.memory_space<hbm>>
      %dma_start3A_263 = tpu.memref_squeeze %dma_start3A_262 : memref<1x32x128xf32, #tpu.memory_space<hbm>> -> memref<32x128xf32, #tpu.memory_space<hbm>>
      %dma_start3A_264 = arith.constant 0 : i32
      %dma_start3A_265 = tpu.memref_slice %arg15[%add3A_248, %dma_start3A_264] : memref<10240x128xf32, #tpu.memory_space<vmem_shared>> -> memref<32x128xf32, #tpu.memory_space<vmem_shared>>
      tpu.enqueue_dma source(%dma_start3A_265 : memref<32x128xf32, #tpu.memory_space<vmem_shared>>) target(%dma_start3A_263 : memref<32x128xf32, #tpu.memory_space<hbm>>) target_semaphore(%run_scoped3A : memref<!tpu.dma_semaphore, #tpu.memory_space<semaphore_mem>>)
      %dma_wait3A_266 = arith.constant 0 : i32
      %dma_wait3A_267 = tpu.memref_slice %arg6[%arg0, %add3A_252, %dma_wait3A_266] : memref<2x10240x128xf32, #tpu.memory_space<hbm>> -> memref<1x32x128xf32, #tpu.memory_space<hbm>>
      %dma_wait3A_268 = tpu.memref_squeeze %dma_wait3A_267 : memref<1x32x128xf32, #tpu.memory_space<hbm>> -> memref<32x128xf32, #tpu.memory_space<hbm>>
      %dma_wait3A_269 = arith.constant 0 : i32
      %dma_wait3A_270 = tpu.memref_slice %arg15[%add3A_248, %dma_wait3A_269] : memref<10240x128xf32, #tpu.memory_space<vmem_shared>> -> memref<32x128xf32, #tpu.memory_space<vmem_shared>>
      tpu.wait_dma2 semaphore(%run_scoped3A : memref<!tpu.dma_semaphore, #tpu.memory_space<semaphore_mem>>) src(%dma_wait3A_270 : memref<32x128xf32, #tpu.memory_space<vmem_shared>>) dst(%dma_wait3A_268 : memref<32x128xf32, #tpu.memory_space<hbm>>)
      tpu.yield
    }) : () -> ()
    %mul3A_253 = arith.constant 640 : i32
    %mul3A_254 = arith.muli %arg1, %mul3A_253 : i32
    %add3A_255 = arith.constant 608 : i32
    %add3A_256 = arith.addi %mul3A_254, %add3A_255 : i32
    %mul3A_257 = arith.constant 640 : i32
    %mul3A_258 = arith.muli %arg1, %mul3A_257 : i32
    %add3A_259 = arith.constant 608 : i32
    %add3A_260 = arith.addi %mul3A_258, %add3A_259 : i32
    "tpu.region"() ({
      %run_scoped3A = tpu.sem_alloc : memref<!tpu.dma_semaphore, #tpu.memory_space<semaphore_mem>>
      %dma_start3A_261 = arith.constant 0 : i32
      %dma_start3A_262 = tpu.memref_slice %arg6[%arg0, %add3A_260, %dma_start3A_261] : memref<2x10240x128xf32, #tpu.memory_space<hbm>> -> memref<1x32x128xf32, #tpu.memory_space<hbm>>
      %dma_start3A_263 = tpu.memref_squeeze %dma_start3A_262 : memref<1x32x128xf32, #tpu.memory_space<hbm>> -> memref<32x128xf32, #tpu.memory_space<hbm>>
      %dma_start3A_264 = arith.constant 0 : i32
      %dma_start3A_265 = tpu.memref_slice %arg15[%add3A_256, %dma_start3A_264] : memref<10240x128xf32, #tpu.memory_space<vmem_shared>> -> memref<32x128xf32, #tpu.memory_space<vmem_shared>>
      tpu.enqueue_dma source(%dma_start3A_265 : memref<32x128xf32, #tpu.memory_space<vmem_shared>>) target(%dma_start3A_263 : memref<32x128xf32, #tpu.memory_space<hbm>>) target_semaphore(%run_scoped3A : memref<!tpu.dma_semaphore, #tpu.memory_space<semaphore_mem>>)
      %dma_wait3A_266 = arith.constant 0 : i32
      %dma_wait3A_267 = tpu.memref_slice %arg6[%arg0, %add3A_260, %dma_wait3A_266] : memref<2x10240x128xf32, #tpu.memory_space<hbm>> -> memref<1x32x128xf32, #tpu.memory_space<hbm>>
      %dma_wait3A_268 = tpu.memref_squeeze %dma_wait3A_267 : memref<1x32x128xf32, #tpu.memory_space<hbm>> -> memref<32x128xf32, #tpu.memory_space<hbm>>
      %dma_wait3A_269 = arith.constant 0 : i32
      %dma_wait3A_270 = tpu.memref_slice %arg15[%add3A_256, %dma_wait3A_269] : memref<10240x128xf32, #tpu.memory_space<vmem_shared>> -> memref<32x128xf32, #tpu.memory_space<vmem_shared>>
      tpu.wait_dma2 semaphore(%run_scoped3A : memref<!tpu.dma_semaphore, #tpu.memory_space<semaphore_mem>>) src(%dma_wait3A_270 : memref<32x128xf32, #tpu.memory_space<vmem_shared>>) dst(%dma_wait3A_268 : memref<32x128xf32, #tpu.memory_space<hbm>>)
      tpu.yield
    }) : () -> ()
    return
  }
}

#map = affine_map<(d0, d1) -> (0)>
#map1 = affine_map<(d0, d1) -> (0, 0)>
#map2 = affine_map<(d0, d1) -> (0, 0, 0)>
module attributes {stable_mosaic.version = 14 : i64} {
  func.func @_deg_body(%arg0: i32, %arg1: i32, %arg2: memref<320000xi32, #tpu.memory_space<hbm>>, %arg3: memref<320000xi32, #tpu.memory_space<hbm>>, %arg4: memref<640x16xf32, #tpu.memory_space<hbm>>, %arg5: memref<80x16xf32, #tpu.memory_space<hbm>>, %arg6: memref<2x10240x16xf32, #tpu.memory_space<hbm>>, %arg7: memref<10000xi32, #tpu.memory_space<vmem>>, %arg8: memref<10000xi32, #tpu.memory_space<vmem>>, %arg9: memref<80xi32, #tpu.memory_space<vmem>>, %arg10: memref<80x16xf32, #tpu.memory_space<vmem>>, %arg11: memref<10240x16xf32, #tpu.memory_space<vmem_shared>>, %arg12: memref<!tpu.dma_semaphore, #tpu.memory_space<semaphore_mem>>) attributes {dimension_semantics = [#tpu.dimension_semantics<core_parallel>, #tpu.dimension_semantics<subcore_parallel>], iteration_bounds = array<i64: 2, 16>, scalar_prefetch = 0 : i64, scratch_operands = 6 : i64, tpu.core_type = #tpu.core_type<sc_vector_subcore>, window_params = [{transform_indices = #map}, {transform_indices = #map}, {transform_indices = #map1}, {transform_indices = #map1}, {transform_indices = #map2}]} {
    %mul3A = arith.constant 16 : i32
    %mul3A_0 = arith.muli %arg0, %mul3A : i32
    %add3A = arith.addi %mul3A_0, %arg1 : i32
    %mul3A_1 = arith.constant 640 : i32
    %mul3A_2 = arith.muli %arg1, %mul3A_1 : i32
    "tpu.region"() ({
      %run_scoped3A = tpu.sem_alloc : memref<!tpu.dma_semaphore, #tpu.memory_space<semaphore_mem>>
      %dma_start3A = arith.constant 0 : i32
      %dma_start3A_173 = tpu.memref_slice %arg11[%mul3A_2, %dma_start3A] : memref<10240x16xf32, #tpu.memory_space<vmem_shared>> -> memref<640x16xf32, #tpu.memory_space<vmem_shared>>
      tpu.enqueue_dma source(%arg4 : memref<640x16xf32, #tpu.memory_space<hbm>>) target(%dma_start3A_173 : memref<640x16xf32, #tpu.memory_space<vmem_shared>>) target_semaphore(%run_scoped3A : memref<!tpu.dma_semaphore, #tpu.memory_space<semaphore_mem>>)
      %dma_wait3A = arith.constant 0 : i32
      %dma_wait3A_174 = tpu.memref_slice %arg11[%mul3A_2, %dma_wait3A] : memref<10240x16xf32, #tpu.memory_space<vmem_shared>> -> memref<640x16xf32, #tpu.memory_space<vmem_shared>>
      tpu.wait_dma2 semaphore(%run_scoped3A : memref<!tpu.dma_semaphore, #tpu.memory_space<semaphore_mem>>) src(%arg4 : memref<640x16xf32, #tpu.memory_space<hbm>>) dst(%dma_wait3A_174 : memref<640x16xf32, #tpu.memory_space<vmem_shared>>)
      tpu.yield
    }) : () -> ()
    "tpu.region"() ({
      %run_scoped3A = tpu.sem_alloc : memref<!tpu.dma_semaphore, #tpu.memory_space<semaphore_mem>>
      tpu.enqueue_dma source(%arg5 : memref<80x16xf32, #tpu.memory_space<hbm>>) target(%arg10 : memref<80x16xf32, #tpu.memory_space<vmem>>) target_semaphore(%run_scoped3A : memref<!tpu.dma_semaphore, #tpu.memory_space<semaphore_mem>>)
      tpu.wait_dma2 semaphore(%run_scoped3A : memref<!tpu.dma_semaphore, #tpu.memory_space<semaphore_mem>>) src(%arg5 : memref<80x16xf32, #tpu.memory_space<hbm>>) dst(%arg10 : memref<80x16xf32, #tpu.memory_space<vmem>>)
      tpu.yield
    }) : () -> ()
    %mul3A_3 = arith.constant 10000 : i32
    %mul3A_4 = arith.muli %add3A, %mul3A_3 : i32
    "tpu.region"() ({
      %run_scoped3A = tpu.sem_alloc : memref<!tpu.dma_semaphore, #tpu.memory_space<semaphore_mem>>
      %dma_start3A = tpu.memref_slice %arg2[%mul3A_4] : memref<320000xi32, #tpu.memory_space<hbm>> -> memref<10000xi32, #tpu.memory_space<hbm>>
      %dma_start3A_173 = tpu.memref_slice %arg2[%mul3A_4] : memref<320000xi32, #tpu.memory_space<hbm>> -> memref<10000xi32, #tpu.memory_space<hbm>>
      tpu.enqueue_dma source(%dma_start3A_173 : memref<10000xi32, #tpu.memory_space<hbm>>) target(%arg7 : memref<10000xi32, #tpu.memory_space<vmem>>) target_semaphore(%run_scoped3A : memref<!tpu.dma_semaphore, #tpu.memory_space<semaphore_mem>>)
      %dma_wait3A = tpu.memref_slice %arg2[%mul3A_4] : memref<320000xi32, #tpu.memory_space<hbm>> -> memref<10000xi32, #tpu.memory_space<hbm>>
      %dma_wait3A_174 = tpu.memref_slice %arg2[%mul3A_4] : memref<320000xi32, #tpu.memory_space<hbm>> -> memref<10000xi32, #tpu.memory_space<hbm>>
      tpu.wait_dma2 semaphore(%run_scoped3A : memref<!tpu.dma_semaphore, #tpu.memory_space<semaphore_mem>>) src(%dma_wait3A_174 : memref<10000xi32, #tpu.memory_space<hbm>>) dst(%arg7 : memref<10000xi32, #tpu.memory_space<vmem>>)
      tpu.yield
    }) : () -> ()
    %mul3A_5 = arith.constant 10000 : i32
    %mul3A_6 = arith.muli %add3A, %mul3A_5 : i32
    "tpu.region"() ({
      %run_scoped3A = tpu.sem_alloc : memref<!tpu.dma_semaphore, #tpu.memory_space<semaphore_mem>>
      %dma_start3A = tpu.memref_slice %arg3[%mul3A_6] : memref<320000xi32, #tpu.memory_space<hbm>> -> memref<10000xi32, #tpu.memory_space<hbm>>
      %dma_start3A_173 = tpu.memref_slice %arg3[%mul3A_6] : memref<320000xi32, #tpu.memory_space<hbm>> -> memref<10000xi32, #tpu.memory_space<hbm>>
      tpu.enqueue_dma source(%dma_start3A_173 : memref<10000xi32, #tpu.memory_space<hbm>>) target(%arg8 : memref<10000xi32, #tpu.memory_space<vmem>>) target_semaphore(%run_scoped3A : memref<!tpu.dma_semaphore, #tpu.memory_space<semaphore_mem>>)
      %dma_wait3A = tpu.memref_slice %arg3[%mul3A_6] : memref<320000xi32, #tpu.memory_space<hbm>> -> memref<10000xi32, #tpu.memory_space<hbm>>
      %dma_wait3A_174 = tpu.memref_slice %arg3[%mul3A_6] : memref<320000xi32, #tpu.memory_space<hbm>> -> memref<10000xi32, #tpu.memory_space<hbm>>
      tpu.wait_dma2 semaphore(%run_scoped3A : memref<!tpu.dma_semaphore, #tpu.memory_space<semaphore_mem>>) src(%dma_wait3A_174 : memref<10000xi32, #tpu.memory_space<hbm>>) dst(%arg8 : memref<10000xi32, #tpu.memory_space<vmem>>)
      tpu.yield
    }) : () -> ()
    %barrier3A = arith.constant 0 : index
    tpu.barrier barrier_id(%barrier3A)
    %scan3A = arith.constant 0 : i32
    %scan3A_7 = arith.constant 0 : i32
    %scan3A_8 = arith.constant 125 : i32
    %scan3A_9 = arith.addi %scan3A_7, %scan3A_8 : i32
    %scan3A_10 = arith.constant 1 : i32
    scf.for %scan3A_173 = %scan3A_7 to %scan3A_9 step %scan3A_10  : i32 {
      %mul3A_174 = arith.constant 80 : i32
      %mul3A_175 = arith.muli %scan3A_173, %mul3A_174 : i32
      %add3A_176 = arith.constant 0 : i32
      %add3A_177 = arith.addi %mul3A_175, %add3A_176 : i32
      %get3A = arith.index_cast %add3A_177 : i32 to index
      %get3A_178 = tpu.vector_load %arg7[%get3A] {strides = array<i32>} : memref<10000xi32, #tpu.memory_space<vmem>>, vector<16xi32>,
      %get3A_179 = vector.shape_cast %get3A_178 : vector<16xi32> to vector<16xi32>
      %mul3A_180 = arith.constant 80 : i32
      %mul3A_181 = arith.muli %scan3A_173, %mul3A_180 : i32
      %add3A_182 = arith.constant 0 : i32
      %add3A_183 = arith.addi %mul3A_181, %add3A_182 : i32
      %get3A_184 = arith.index_cast %add3A_183 : i32 to index
      %get3A_185 = tpu.vector_load %arg8[%get3A_184] {strides = array<i32>} : memref<10000xi32, #tpu.memory_space<vmem>>, vector<16xi32>,
      %get3A_186 = vector.shape_cast %get3A_185 : vector<16xi32> to vector<16xi32>
      %eq3A = arith.cmpi eq, %get3A_179, %get3A_186 : vector<16xi32>
      %jit3A = arith.constant 10000 : i32
      %broadcast_in_dim3A = vector.broadcast %jit3A : i32 to vector<16xi32>
      %select_n3A = arith.select %eq3A, %broadcast_in_dim3A, %get3A_186 : vector<16xi1>, vector<16xi32>
      %swap3A = arith.constant 0 : index
      %swap3A_187 = tpu.vector_load %arg9[%swap3A] {strides = array<i32>} : memref<80xi32, #tpu.memory_space<vmem>>, vector<16xi32>,
      %swap3A_188 = vector.shape_cast %swap3A_187 : vector<16xi32> to vector<16xi32>
      %swap3A_189 = vector.shape_cast %select_n3A : vector<16xi32> to vector<16xi32>
      tpu.vector_store %arg9[%swap3A], %swap3A_189 {strides = array<i32>} : memref<80xi32, #tpu.memory_space<vmem>>, vector<16xi32>,
      %mul3A_190 = arith.constant 80 : i32
      %mul3A_191 = arith.muli %scan3A_173, %mul3A_190 : i32
      %add3A_192 = arith.constant 16 : i32
      %add3A_193 = arith.addi %mul3A_191, %add3A_192 : i32
      %get3A_194 = arith.index_cast %add3A_193 : i32 to index
      %get3A_195 = tpu.vector_load %arg7[%get3A_194] {strides = array<i32>} : memref<10000xi32, #tpu.memory_space<vmem>>, vector<16xi32>,
      %get3A_196 = vector.shape_cast %get3A_195 : vector<16xi32> to vector<16xi32>
      %mul3A_197 = arith.constant 80 : i32
      %mul3A_198 = arith.muli %scan3A_173, %mul3A_197 : i32
      %add3A_199 = arith.constant 16 : i32
      %add3A_200 = arith.addi %mul3A_198, %add3A_199 : i32
      %get3A_201 = arith.index_cast %add3A_200 : i32 to index
      %get3A_202 = tpu.vector_load %arg8[%get3A_201] {strides = array<i32>} : memref<10000xi32, #tpu.memory_space<vmem>>, vector<16xi32>,
      %get3A_203 = vector.shape_cast %get3A_202 : vector<16xi32> to vector<16xi32>
      %eq3A_204 = arith.cmpi eq, %get3A_196, %get3A_203 : vector<16xi32>
      %jit3A_205 = arith.constant 10000 : i32
      %broadcast_in_dim3A_206 = vector.broadcast %jit3A_205 : i32 to vector<16xi32>
      %select_n3A_207 = arith.select %eq3A_204, %broadcast_in_dim3A_206, %get3A_203 : vector<16xi1>, vector<16xi32>
      %swap3A_208 = arith.constant 16 : index
      %swap3A_209 = tpu.vector_load %arg9[%swap3A_208] {strides = array<i32>} : memref<80xi32, #tpu.memory_space<vmem>>, vector<16xi32>,
      %swap3A_210 = vector.shape_cast %swap3A_209 : vector<16xi32> to vector<16xi32>
      %swap3A_211 = vector.shape_cast %select_n3A_207 : vector<16xi32> to vector<16xi32>
      tpu.vector_store %arg9[%swap3A_208], %swap3A_211 {strides = array<i32>} : memref<80xi32, #tpu.memory_space<vmem>>, vector<16xi32>,
      %mul3A_212 = arith.constant 80 : i32
      %mul3A_213 = arith.muli %scan3A_173, %mul3A_212 : i32
      %add3A_214 = arith.constant 32 : i32
      %add3A_215 = arith.addi %mul3A_213, %add3A_214 : i32
      %get3A_216 = arith.index_cast %add3A_215 : i32 to index
      %get3A_217 = tpu.vector_load %arg7[%get3A_216] {strides = array<i32>} : memref<10000xi32, #tpu.memory_space<vmem>>, vector<16xi32>,
      %get3A_218 = vector.shape_cast %get3A_217 : vector<16xi32> to vector<16xi32>
      %mul3A_219 = arith.constant 80 : i32
      %mul3A_220 = arith.muli %scan3A_173, %mul3A_219 : i32
      %add3A_221 = arith.constant 32 : i32
      %add3A_222 = arith.addi %mul3A_220, %add3A_221 : i32
      %get3A_223 = arith.index_cast %add3A_222 : i32 to index
      %get3A_224 = tpu.vector_load %arg8[%get3A_223] {strides = array<i32>} : memref<10000xi32, #tpu.memory_space<vmem>>, vector<16xi32>,
      %get3A_225 = vector.shape_cast %get3A_224 : vector<16xi32> to vector<16xi32>
      %eq3A_226 = arith.cmpi eq, %get3A_218, %get3A_225 : vector<16xi32>
      %jit3A_227 = arith.constant 10000 : i32
      %broadcast_in_dim3A_228 = vector.broadcast %jit3A_227 : i32 to vector<16xi32>
      %select_n3A_229 = arith.select %eq3A_226, %broadcast_in_dim3A_228, %get3A_225 : vector<16xi1>, vector<16xi32>
      %swap3A_230 = arith.constant 32 : index
      %swap3A_231 = tpu.vector_load %arg9[%swap3A_230] {strides = array<i32>} : memref<80xi32, #tpu.memory_space<vmem>>, vector<16xi32>,
      %swap3A_232 = vector.shape_cast %swap3A_231 : vector<16xi32> to vector<16xi32>
      %swap3A_233 = vector.shape_cast %select_n3A_229 : vector<16xi32> to vector<16xi32>
      tpu.vector_store %arg9[%swap3A_230], %swap3A_233 {strides = array<i32>} : memref<80xi32, #tpu.memory_space<vmem>>, vector<16xi32>,
      %mul3A_234 = arith.constant 80 : i32
      %mul3A_235 = arith.muli %scan3A_173, %mul3A_234 : i32
      %add3A_236 = arith.constant 48 : i32
      %add3A_237 = arith.addi %mul3A_235, %add3A_236 : i32
      %get3A_238 = arith.index_cast %add3A_237 : i32 to index
      %get3A_239 = tpu.vector_load %arg7[%get3A_238] {strides = array<i32>} : memref<10000xi32, #tpu.memory_space<vmem>>, vector<16xi32>,
      %get3A_240 = vector.shape_cast %get3A_239 : vector<16xi32> to vector<16xi32>
      %mul3A_241 = arith.constant 80 : i32
      %mul3A_242 = arith.muli %scan3A_173, %mul3A_241 : i32
      %add3A_243 = arith.constant 48 : i32
      %add3A_244 = arith.addi %mul3A_242, %add3A_243 : i32
      %get3A_245 = arith.index_cast %add3A_244 : i32 to index
      %get3A_246 = tpu.vector_load %arg8[%get3A_245] {strides = array<i32>} : memref<10000xi32, #tpu.memory_space<vmem>>, vector<16xi32>,
      %get3A_247 = vector.shape_cast %get3A_246 : vector<16xi32> to vector<16xi32>
      %eq3A_248 = arith.cmpi eq, %get3A_240, %get3A_247 : vector<16xi32>
      %jit3A_249 = arith.constant 10000 : i32
      %broadcast_in_dim3A_250 = vector.broadcast %jit3A_249 : i32 to vector<16xi32>
      %select_n3A_251 = arith.select %eq3A_248, %broadcast_in_dim3A_250, %get3A_247 : vector<16xi1>, vector<16xi32>
      %swap3A_252 = arith.constant 48 : index
      %swap3A_253 = tpu.vector_load %arg9[%swap3A_252] {strides = array<i32>} : memref<80xi32, #tpu.memory_space<vmem>>, vector<16xi32>,
      %swap3A_254 = vector.shape_cast %swap3A_253 : vector<16xi32> to vector<16xi32>
      %swap3A_255 = vector.shape_cast %select_n3A_251 : vector<16xi32> to vector<16xi32>
      tpu.vector_store %arg9[%swap3A_252], %swap3A_255 {strides = array<i32>} : memref<80xi32, #tpu.memory_space<vmem>>, vector<16xi32>,
      %mul3A_256 = arith.constant 80 : i32
      %mul3A_257 = arith.muli %scan3A_173, %mul3A_256 : i32
      %add3A_258 = arith.constant 64 : i32
      %add3A_259 = arith.addi %mul3A_257, %add3A_258 : i32
      %get3A_260 = arith.index_cast %add3A_259 : i32 to index
      %get3A_261 = tpu.vector_load %arg7[%get3A_260] {strides = array<i32>} : memref<10000xi32, #tpu.memory_space<vmem>>, vector<16xi32>,
      %get3A_262 = vector.shape_cast %get3A_261 : vector<16xi32> to vector<16xi32>
      %mul3A_263 = arith.constant 80 : i32
      %mul3A_264 = arith.muli %scan3A_173, %mul3A_263 : i32
      %add3A_265 = arith.constant 64 : i32
      %add3A_266 = arith.addi %mul3A_264, %add3A_265 : i32
      %get3A_267 = arith.index_cast %add3A_266 : i32 to index
      %get3A_268 = tpu.vector_load %arg8[%get3A_267] {strides = array<i32>} : memref<10000xi32, #tpu.memory_space<vmem>>, vector<16xi32>,
      %get3A_269 = vector.shape_cast %get3A_268 : vector<16xi32> to vector<16xi32>
      %eq3A_270 = arith.cmpi eq, %get3A_262, %get3A_269 : vector<16xi32>
      %jit3A_271 = arith.constant 10000 : i32
      %broadcast_in_dim3A_272 = vector.broadcast %jit3A_271 : i32 to vector<16xi32>
      %select_n3A_273 = arith.select %eq3A_270, %broadcast_in_dim3A_272, %get3A_269 : vector<16xi1>, vector<16xi32>
      %swap3A_274 = arith.constant 64 : index
      %swap3A_275 = tpu.vector_load %arg9[%swap3A_274] {strides = array<i32>} : memref<80xi32, #tpu.memory_space<vmem>>, vector<16xi32>,
      %swap3A_276 = vector.shape_cast %swap3A_275 : vector<16xi32> to vector<16xi32>
      %swap3A_277 = vector.shape_cast %select_n3A_273 : vector<16xi32> to vector<16xi32>
      tpu.vector_store %arg9[%swap3A_274], %swap3A_277 {strides = array<i32>} : memref<80xi32, #tpu.memory_space<vmem>>, vector<16xi32>,
      "tpu.region"() ({
        %run_scoped3A = tpu.sem_alloc : memref<!tpu.dma_semaphore, #tpu.memory_space<semaphore_mem>>
        %dma_start3A = arith.constant 0 : i32
        %dma_start3A_278 = arith.constant 0 : i32
        %dma_start3A_279 = tpu.memref_slice %arg11[%dma_start3A, %dma_start3A_278] : memref<10240x16xf32, #tpu.memory_space<vmem_shared>> -> memref<10240x16xf32, #tpu.memory_space<vmem_shared>>
        tpu.enqueue_indirect_dma source(%arg10 : memref<80x16xf32, #tpu.memory_space<vmem>>) target(%dma_start3A_279 : memref<10240x16xf32, #tpu.memory_space<vmem_shared>>) offsets(%arg9 : memref<80xi32, #tpu.memory_space<vmem>>) semaphore(%run_scoped3A : memref<!tpu.dma_semaphore, #tpu.memory_space<semaphore_mem>>) {add = true}
        %dma_wait3A = arith.constant 0 : i32
        %dma_wait3A_280 = arith.constant 0 : i32
        %dma_wait3A_281 = tpu.memref_slice %arg11[%dma_wait3A, %dma_wait3A_280] : memref<10240x16xf32, #tpu.memory_space<vmem_shared>> -> memref<10240x16xf32, #tpu.memory_space<vmem_shared>>
        tpu.wait_indirect_dma semaphore(%run_scoped3A : memref<!tpu.dma_semaphore, #tpu.memory_space<semaphore_mem>>) src(%arg10 : memref<80x16xf32, #tpu.memory_space<vmem>>) dst(%dma_wait3A_281 : memref<10240x16xf32, #tpu.memory_space<vmem_shared>>)
        tpu.yield
      }) : () -> ()
    }
    %scan3A_11 = arith.constant 125 : i32
    %barrier3A_12 = arith.constant 0 : index
    tpu.barrier barrier_id(%barrier3A_12)
    %mul3A_13 = arith.constant 640 : i32
    %mul3A_14 = arith.muli %arg1, %mul3A_13 : i32
    %add3A_15 = arith.constant 0 : i32
    %add3A_16 = arith.addi %mul3A_14, %add3A_15 : i32
    %mul3A_17 = arith.constant 640 : i32
    %mul3A_18 = arith.muli %arg1, %mul3A_17 : i32
    %add3A_19 = arith.constant 0 : i32
    %add3A_20 = arith.addi %mul3A_18, %add3A_19 : i32
    "tpu.region"() ({
      %run_scoped3A = tpu.sem_alloc : memref<!tpu.dma_semaphore, #tpu.memory_space<semaphore_mem>>
      %dma_start3A = arith.constant 0 : i32
      %dma_start3A_173 = tpu.memref_slice %arg6[%arg0, %add3A_20, %dma_start3A] : memref<2x10240x16xf32, #tpu.memory_space<hbm>> -> memref<1x32x16xf32, #tpu.memory_space<hbm>>
      %dma_start3A_174 = tpu.memref_squeeze %dma_start3A_173 : memref<1x32x16xf32, #tpu.memory_space<hbm>> -> memref<32x16xf32, #tpu.memory_space<hbm>>
      %dma_start3A_175 = arith.constant 0 : i32
      %dma_start3A_176 = tpu.memref_slice %arg11[%add3A_16, %dma_start3A_175] : memref<10240x16xf32, #tpu.memory_space<vmem_shared>> -> memref<32x16xf32, #tpu.memory_space<vmem_shared>>
      tpu.enqueue_dma source(%dma_start3A_176 : memref<32x16xf32, #tpu.memory_space<vmem_shared>>) target(%dma_start3A_174 : memref<32x16xf32, #tpu.memory_space<hbm>>) target_semaphore(%run_scoped3A : memref<!tpu.dma_semaphore, #tpu.memory_space<semaphore_mem>>)
      %dma_wait3A = arith.constant 0 : i32
      %dma_wait3A_177 = tpu.memref_slice %arg6[%arg0, %add3A_20, %dma_wait3A] : memref<2x10240x16xf32, #tpu.memory_space<hbm>> -> memref<1x32x16xf32, #tpu.memory_space<hbm>>
      %dma_wait3A_178 = tpu.memref_squeeze %dma_wait3A_177 : memref<1x32x16xf32, #tpu.memory_space<hbm>> -> memref<32x16xf32, #tpu.memory_space<hbm>>
      %dma_wait3A_179 = arith.constant 0 : i32
      %dma_wait3A_180 = tpu.memref_slice %arg11[%add3A_16, %dma_wait3A_179] : memref<10240x16xf32, #tpu.memory_space<vmem_shared>> -> memref<32x16xf32, #tpu.memory_space<vmem_shared>>
      tpu.wait_dma2 semaphore(%run_scoped3A : memref<!tpu.dma_semaphore, #tpu.memory_space<semaphore_mem>>) src(%dma_wait3A_180 : memref<32x16xf32, #tpu.memory_space<vmem_shared>>) dst(%dma_wait3A_178 : memref<32x16xf32, #tpu.memory_space<hbm>>)
      tpu.yield
    }) : () -> ()
    %mul3A_21 = arith.constant 640 : i32
    %mul3A_22 = arith.muli %arg1, %mul3A_21 : i32
    %add3A_23 = arith.constant 32 : i32
    %add3A_24 = arith.addi %mul3A_22, %add3A_23 : i32
    %mul3A_25 = arith.constant 640 : i32
    %mul3A_26 = arith.muli %arg1, %mul3A_25 : i32
    %add3A_27 = arith.constant 32 : i32
    %add3A_28 = arith.addi %mul3A_26, %add3A_27 : i32
    "tpu.region"() ({
      %run_scoped3A = tpu.sem_alloc : memref<!tpu.dma_semaphore, #tpu.memory_space<semaphore_mem>>
      %dma_start3A = arith.constant 0 : i32
      %dma_start3A_173 = tpu.memref_slice %arg6[%arg0, %add3A_28, %dma_start3A] : memref<2x10240x16xf32, #tpu.memory_space<hbm>> -> memref<1x32x16xf32, #tpu.memory_space<hbm>>
      %dma_start3A_174 = tpu.memref_squeeze %dma_start3A_173 : memref<1x32x16xf32, #tpu.memory_space<hbm>> -> memref<32x16xf32, #tpu.memory_space<hbm>>
      %dma_start3A_175 = arith.constant 0 : i32
      %dma_start3A_176 = tpu.memref_slice %arg11[%add3A_24, %dma_start3A_175] : memref<10240x16xf32, #tpu.memory_space<vmem_shared>> -> memref<32x16xf32, #tpu.memory_space<vmem_shared>>
      tpu.enqueue_dma source(%dma_start3A_176 : memref<32x16xf32, #tpu.memory_space<vmem_shared>>) target(%dma_start3A_174 : memref<32x16xf32, #tpu.memory_space<hbm>>) target_semaphore(%run_scoped3A : memref<!tpu.dma_semaphore, #tpu.memory_space<semaphore_mem>>)
      %dma_wait3A = arith.constant 0 : i32
      %dma_wait3A_177 = tpu.memref_slice %arg6[%arg0, %add3A_28, %dma_wait3A] : memref<2x10240x16xf32, #tpu.memory_space<hbm>> -> memref<1x32x16xf32, #tpu.memory_space<hbm>>
      %dma_wait3A_178 = tpu.memref_squeeze %dma_wait3A_177 : memref<1x32x16xf32, #tpu.memory_space<hbm>> -> memref<32x16xf32, #tpu.memory_space<hbm>>
      %dma_wait3A_179 = arith.constant 0 : i32
      %dma_wait3A_180 = tpu.memref_slice %arg11[%add3A_24, %dma_wait3A_179] : memref<10240x16xf32, #tpu.memory_space<vmem_shared>> -> memref<32x16xf32, #tpu.memory_space<vmem_shared>>
      tpu.wait_dma2 semaphore(%run_scoped3A : memref<!tpu.dma_semaphore, #tpu.memory_space<semaphore_mem>>) src(%dma_wait3A_180 : memref<32x16xf32, #tpu.memory_space<vmem_shared>>) dst(%dma_wait3A_178 : memref<32x16xf32, #tpu.memory_space<hbm>>)
      tpu.yield
    }) : () -> ()
    %mul3A_29 = arith.constant 640 : i32
    %mul3A_30 = arith.muli %arg1, %mul3A_29 : i32
    %add3A_31 = arith.constant 64 : i32
    %add3A_32 = arith.addi %mul3A_30, %add3A_31 : i32
    %mul3A_33 = arith.constant 640 : i32
    %mul3A_34 = arith.muli %arg1, %mul3A_33 : i32
    %add3A_35 = arith.constant 64 : i32
    %add3A_36 = arith.addi %mul3A_34, %add3A_35 : i32
    "tpu.region"() ({
      %run_scoped3A = tpu.sem_alloc : memref<!tpu.dma_semaphore, #tpu.memory_space<semaphore_mem>>
      %dma_start3A = arith.constant 0 : i32
      %dma_start3A_173 = tpu.memref_slice %arg6[%arg0, %add3A_36, %dma_start3A] : memref<2x10240x16xf32, #tpu.memory_space<hbm>> -> memref<1x32x16xf32, #tpu.memory_space<hbm>>
      %dma_start3A_174 = tpu.memref_squeeze %dma_start3A_173 : memref<1x32x16xf32, #tpu.memory_space<hbm>> -> memref<32x16xf32, #tpu.memory_space<hbm>>
      %dma_start3A_175 = arith.constant 0 : i32
      %dma_start3A_176 = tpu.memref_slice %arg11[%add3A_32, %dma_start3A_175] : memref<10240x16xf32, #tpu.memory_space<vmem_shared>> -> memref<32x16xf32, #tpu.memory_space<vmem_shared>>
      tpu.enqueue_dma source(%dma_start3A_176 : memref<32x16xf32, #tpu.memory_space<vmem_shared>>) target(%dma_start3A_174 : memref<32x16xf32, #tpu.memory_space<hbm>>) target_semaphore(%run_scoped3A : memref<!tpu.dma_semaphore, #tpu.memory_space<semaphore_mem>>)
      %dma_wait3A = arith.constant 0 : i32
      %dma_wait3A_177 = tpu.memref_slice %arg6[%arg0, %add3A_36, %dma_wait3A] : memref<2x10240x16xf32, #tpu.memory_space<hbm>> -> memref<1x32x16xf32, #tpu.memory_space<hbm>>
      %dma_wait3A_178 = tpu.memref_squeeze %dma_wait3A_177 : memref<1x32x16xf32, #tpu.memory_space<hbm>> -> memref<32x16xf32, #tpu.memory_space<hbm>>
      %dma_wait3A_179 = arith.constant 0 : i32
      %dma_wait3A_180 = tpu.memref_slice %arg11[%add3A_32, %dma_wait3A_179] : memref<10240x16xf32, #tpu.memory_space<vmem_shared>> -> memref<32x16xf32, #tpu.memory_space<vmem_shared>>
      tpu.wait_dma2 semaphore(%run_scoped3A : memref<!tpu.dma_semaphore, #tpu.memory_space<semaphore_mem>>) src(%dma_wait3A_180 : memref<32x16xf32, #tpu.memory_space<vmem_shared>>) dst(%dma_wait3A_178 : memref<32x16xf32, #tpu.memory_space<hbm>>)
      tpu.yield
    }) : () -> ()
    %mul3A_37 = arith.constant 640 : i32
    %mul3A_38 = arith.muli %arg1, %mul3A_37 : i32
    %add3A_39 = arith.constant 96 : i32
    %add3A_40 = arith.addi %mul3A_38, %add3A_39 : i32
    %mul3A_41 = arith.constant 640 : i32
    %mul3A_42 = arith.muli %arg1, %mul3A_41 : i32
    %add3A_43 = arith.constant 96 : i32
    %add3A_44 = arith.addi %mul3A_42, %add3A_43 : i32
    "tpu.region"() ({
      %run_scoped3A = tpu.sem_alloc : memref<!tpu.dma_semaphore, #tpu.memory_space<semaphore_mem>>
      %dma_start3A = arith.constant 0 : i32
      %dma_start3A_173 = tpu.memref_slice %arg6[%arg0, %add3A_44, %dma_start3A] : memref<2x10240x16xf32, #tpu.memory_space<hbm>> -> memref<1x32x16xf32, #tpu.memory_space<hbm>>
      %dma_start3A_174 = tpu.memref_squeeze %dma_start3A_173 : memref<1x32x16xf32, #tpu.memory_space<hbm>> -> memref<32x16xf32, #tpu.memory_space<hbm>>
      %dma_start3A_175 = arith.constant 0 : i32
      %dma_start3A_176 = tpu.memref_slice %arg11[%add3A_40, %dma_start3A_175] : memref<10240x16xf32, #tpu.memory_space<vmem_shared>> -> memref<32x16xf32, #tpu.memory_space<vmem_shared>>
      tpu.enqueue_dma source(%dma_start3A_176 : memref<32x16xf32, #tpu.memory_space<vmem_shared>>) target(%dma_start3A_174 : memref<32x16xf32, #tpu.memory_space<hbm>>) target_semaphore(%run_scoped3A : memref<!tpu.dma_semaphore, #tpu.memory_space<semaphore_mem>>)
      %dma_wait3A = arith.constant 0 : i32
      %dma_wait3A_177 = tpu.memref_slice %arg6[%arg0, %add3A_44, %dma_wait3A] : memref<2x10240x16xf32, #tpu.memory_space<hbm>> -> memref<1x32x16xf32, #tpu.memory_space<hbm>>
      %dma_wait3A_178 = tpu.memref_squeeze %dma_wait3A_177 : memref<1x32x16xf32, #tpu.memory_space<hbm>> -> memref<32x16xf32, #tpu.memory_space<hbm>>
      %dma_wait3A_179 = arith.constant 0 : i32
      %dma_wait3A_180 = tpu.memref_slice %arg11[%add3A_40, %dma_wait3A_179] : memref<10240x16xf32, #tpu.memory_space<vmem_shared>> -> memref<32x16xf32, #tpu.memory_space<vmem_shared>>
      tpu.wait_dma2 semaphore(%run_scoped3A : memref<!tpu.dma_semaphore, #tpu.memory_space<semaphore_mem>>) src(%dma_wait3A_180 : memref<32x16xf32, #tpu.memory_space<vmem_shared>>) dst(%dma_wait3A_178 : memref<32x16xf32, #tpu.memory_space<hbm>>)
      tpu.yield
    }) : () -> ()
    %mul3A_45 = arith.constant 640 : i32
    %mul3A_46 = arith.muli %arg1, %mul3A_45 : i32
    %add3A_47 = arith.constant 128 : i32
    %add3A_48 = arith.addi %mul3A_46, %add3A_47 : i32
    %mul3A_49 = arith.constant 640 : i32
    %mul3A_50 = arith.muli %arg1, %mul3A_49 : i32
    %add3A_51 = arith.constant 128 : i32
    %add3A_52 = arith.addi %mul3A_50, %add3A_51 : i32
    "tpu.region"() ({
      %run_scoped3A = tpu.sem_alloc : memref<!tpu.dma_semaphore, #tpu.memory_space<semaphore_mem>>
      %dma_start3A = arith.constant 0 : i32
      %dma_start3A_173 = tpu.memref_slice %arg6[%arg0, %add3A_52, %dma_start3A] : memref<2x10240x16xf32, #tpu.memory_space<hbm>> -> memref<1x32x16xf32, #tpu.memory_space<hbm>>
      %dma_start3A_174 = tpu.memref_squeeze %dma_start3A_173 : memref<1x32x16xf32, #tpu.memory_space<hbm>> -> memref<32x16xf32, #tpu.memory_space<hbm>>
      %dma_start3A_175 = arith.constant 0 : i32
      %dma_start3A_176 = tpu.memref_slice %arg11[%add3A_48, %dma_start3A_175] : memref<10240x16xf32, #tpu.memory_space<vmem_shared>> -> memref<32x16xf32, #tpu.memory_space<vmem_shared>>
      tpu.enqueue_dma source(%dma_start3A_176 : memref<32x16xf32, #tpu.memory_space<vmem_shared>>) target(%dma_start3A_174 : memref<32x16xf32, #tpu.memory_space<hbm>>) target_semaphore(%run_scoped3A : memref<!tpu.dma_semaphore, #tpu.memory_space<semaphore_mem>>)
      %dma_wait3A = arith.constant 0 : i32
      %dma_wait3A_177 = tpu.memref_slice %arg6[%arg0, %add3A_52, %dma_wait3A] : memref<2x10240x16xf32, #tpu.memory_space<hbm>> -> memref<1x32x16xf32, #tpu.memory_space<hbm>>
      %dma_wait3A_178 = tpu.memref_squeeze %dma_wait3A_177 : memref<1x32x16xf32, #tpu.memory_space<hbm>> -> memref<32x16xf32, #tpu.memory_space<hbm>>
      %dma_wait3A_179 = arith.constant 0 : i32
      %dma_wait3A_180 = tpu.memref_slice %arg11[%add3A_48, %dma_wait3A_179] : memref<10240x16xf32, #tpu.memory_space<vmem_shared>> -> memref<32x16xf32, #tpu.memory_space<vmem_shared>>
      tpu.wait_dma2 semaphore(%run_scoped3A : memref<!tpu.dma_semaphore, #tpu.memory_space<semaphore_mem>>) src(%dma_wait3A_180 : memref<32x16xf32, #tpu.memory_space<vmem_shared>>) dst(%dma_wait3A_178 : memref<32x16xf32, #tpu.memory_space<hbm>>)
      tpu.yield
    }) : () -> ()
    %mul3A_53 = arith.constant 640 : i32
    %mul3A_54 = arith.muli %arg1, %mul3A_53 : i32
    %add3A_55 = arith.constant 160 : i32
    %add3A_56 = arith.addi %mul3A_54, %add3A_55 : i32
    %mul3A_57 = arith.constant 640 : i32
    %mul3A_58 = arith.muli %arg1, %mul3A_57 : i32
    %add3A_59 = arith.constant 160 : i32
    %add3A_60 = arith.addi %mul3A_58, %add3A_59 : i32
    "tpu.region"() ({
      %run_scoped3A = tpu.sem_alloc : memref<!tpu.dma_semaphore, #tpu.memory_space<semaphore_mem>>
      %dma_start3A = arith.constant 0 : i32
      %dma_start3A_173 = tpu.memref_slice %arg6[%arg0, %add3A_60, %dma_start3A] : memref<2x10240x16xf32, #tpu.memory_space<hbm>> -> memref<1x32x16xf32, #tpu.memory_space<hbm>>
      %dma_start3A_174 = tpu.memref_squeeze %dma_start3A_173 : memref<1x32x16xf32, #tpu.memory_space<hbm>> -> memref<32x16xf32, #tpu.memory_space<hbm>>
      %dma_start3A_175 = arith.constant 0 : i32
      %dma_start3A_176 = tpu.memref_slice %arg11[%add3A_56, %dma_start3A_175] : memref<10240x16xf32, #tpu.memory_space<vmem_shared>> -> memref<32x16xf32, #tpu.memory_space<vmem_shared>>
      tpu.enqueue_dma source(%dma_start3A_176 : memref<32x16xf32, #tpu.memory_space<vmem_shared>>) target(%dma_start3A_174 : memref<32x16xf32, #tpu.memory_space<hbm>>) target_semaphore(%run_scoped3A : memref<!tpu.dma_semaphore, #tpu.memory_space<semaphore_mem>>)
      %dma_wait3A = arith.constant 0 : i32
      %dma_wait3A_177 = tpu.memref_slice %arg6[%arg0, %add3A_60, %dma_wait3A] : memref<2x10240x16xf32, #tpu.memory_space<hbm>> -> memref<1x32x16xf32, #tpu.memory_space<hbm>>
      %dma_wait3A_178 = tpu.memref_squeeze %dma_wait3A_177 : memref<1x32x16xf32, #tpu.memory_space<hbm>> -> memref<32x16xf32, #tpu.memory_space<hbm>>
      %dma_wait3A_179 = arith.constant 0 : i32
      %dma_wait3A_180 = tpu.memref_slice %arg11[%add3A_56, %dma_wait3A_179] : memref<10240x16xf32, #tpu.memory_space<vmem_shared>> -> memref<32x16xf32, #tpu.memory_space<vmem_shared>>
      tpu.wait_dma2 semaphore(%run_scoped3A : memref<!tpu.dma_semaphore, #tpu.memory_space<semaphore_mem>>) src(%dma_wait3A_180 : memref<32x16xf32, #tpu.memory_space<vmem_shared>>) dst(%dma_wait3A_178 : memref<32x16xf32, #tpu.memory_space<hbm>>)
      tpu.yield
    }) : () -> ()
    %mul3A_61 = arith.constant 640 : i32
    %mul3A_62 = arith.muli %arg1, %mul3A_61 : i32
    %add3A_63 = arith.constant 192 : i32
    %add3A_64 = arith.addi %mul3A_62, %add3A_63 : i32
    %mul3A_65 = arith.constant 640 : i32
    %mul3A_66 = arith.muli %arg1, %mul3A_65 : i32
    %add3A_67 = arith.constant 192 : i32
    %add3A_68 = arith.addi %mul3A_66, %add3A_67 : i32
    "tpu.region"() ({
      %run_scoped3A = tpu.sem_alloc : memref<!tpu.dma_semaphore, #tpu.memory_space<semaphore_mem>>
      %dma_start3A = arith.constant 0 : i32
      %dma_start3A_173 = tpu.memref_slice %arg6[%arg0, %add3A_68, %dma_start3A] : memref<2x10240x16xf32, #tpu.memory_space<hbm>> -> memref<1x32x16xf32, #tpu.memory_space<hbm>>
      %dma_start3A_174 = tpu.memref_squeeze %dma_start3A_173 : memref<1x32x16xf32, #tpu.memory_space<hbm>> -> memref<32x16xf32, #tpu.memory_space<hbm>>
      %dma_start3A_175 = arith.constant 0 : i32
      %dma_start3A_176 = tpu.memref_slice %arg11[%add3A_64, %dma_start3A_175] : memref<10240x16xf32, #tpu.memory_space<vmem_shared>> -> memref<32x16xf32, #tpu.memory_space<vmem_shared>>
      tpu.enqueue_dma source(%dma_start3A_176 : memref<32x16xf32, #tpu.memory_space<vmem_shared>>) target(%dma_start3A_174 : memref<32x16xf32, #tpu.memory_space<hbm>>) target_semaphore(%run_scoped3A : memref<!tpu.dma_semaphore, #tpu.memory_space<semaphore_mem>>)
      %dma_wait3A = arith.constant 0 : i32
      %dma_wait3A_177 = tpu.memref_slice %arg6[%arg0, %add3A_68, %dma_wait3A] : memref<2x10240x16xf32, #tpu.memory_space<hbm>> -> memref<1x32x16xf32, #tpu.memory_space<hbm>>
      %dma_wait3A_178 = tpu.memref_squeeze %dma_wait3A_177 : memref<1x32x16xf32, #tpu.memory_space<hbm>> -> memref<32x16xf32, #tpu.memory_space<hbm>>
      %dma_wait3A_179 = arith.constant 0 : i32
      %dma_wait3A_180 = tpu.memref_slice %arg11[%add3A_64, %dma_wait3A_179] : memref<10240x16xf32, #tpu.memory_space<vmem_shared>> -> memref<32x16xf32, #tpu.memory_space<vmem_shared>>
      tpu.wait_dma2 semaphore(%run_scoped3A : memref<!tpu.dma_semaphore, #tpu.memory_space<semaphore_mem>>) src(%dma_wait3A_180 : memref<32x16xf32, #tpu.memory_space<vmem_shared>>) dst(%dma_wait3A_178 : memref<32x16xf32, #tpu.memory_space<hbm>>)
      tpu.yield
    }) : () -> ()
    %mul3A_69 = arith.constant 640 : i32
    %mul3A_70 = arith.muli %arg1, %mul3A_69 : i32
    %add3A_71 = arith.constant 224 : i32
    %add3A_72 = arith.addi %mul3A_70, %add3A_71 : i32
    %mul3A_73 = arith.constant 640 : i32
    %mul3A_74 = arith.muli %arg1, %mul3A_73 : i32
    %add3A_75 = arith.constant 224 : i32
    %add3A_76 = arith.addi %mul3A_74, %add3A_75 : i32
    "tpu.region"() ({
      %run_scoped3A = tpu.sem_alloc : memref<!tpu.dma_semaphore, #tpu.memory_space<semaphore_mem>>
      %dma_start3A = arith.constant 0 : i32
      %dma_start3A_173 = tpu.memref_slice %arg6[%arg0, %add3A_76, %dma_start3A] : memref<2x10240x16xf32, #tpu.memory_space<hbm>> -> memref<1x32x16xf32, #tpu.memory_space<hbm>>
      %dma_start3A_174 = tpu.memref_squeeze %dma_start3A_173 : memref<1x32x16xf32, #tpu.memory_space<hbm>> -> memref<32x16xf32, #tpu.memory_space<hbm>>
      %dma_start3A_175 = arith.constant 0 : i32
      %dma_start3A_176 = tpu.memref_slice %arg11[%add3A_72, %dma_start3A_175] : memref<10240x16xf32, #tpu.memory_space<vmem_shared>> -> memref<32x16xf32, #tpu.memory_space<vmem_shared>>
      tpu.enqueue_dma source(%dma_start3A_176 : memref<32x16xf32, #tpu.memory_space<vmem_shared>>) target(%dma_start3A_174 : memref<32x16xf32, #tpu.memory_space<hbm>>) target_semaphore(%run_scoped3A : memref<!tpu.dma_semaphore, #tpu.memory_space<semaphore_mem>>)
      %dma_wait3A = arith.constant 0 : i32
      %dma_wait3A_177 = tpu.memref_slice %arg6[%arg0, %add3A_76, %dma_wait3A] : memref<2x10240x16xf32, #tpu.memory_space<hbm>> -> memref<1x32x16xf32, #tpu.memory_space<hbm>>
      %dma_wait3A_178 = tpu.memref_squeeze %dma_wait3A_177 : memref<1x32x16xf32, #tpu.memory_space<hbm>> -> memref<32x16xf32, #tpu.memory_space<hbm>>
      %dma_wait3A_179 = arith.constant 0 : i32
      %dma_wait3A_180 = tpu.memref_slice %arg11[%add3A_72, %dma_wait3A_179] : memref<10240x16xf32, #tpu.memory_space<vmem_shared>> -> memref<32x16xf32, #tpu.memory_space<vmem_shared>>
      tpu.wait_dma2 semaphore(%run_scoped3A : memref<!tpu.dma_semaphore, #tpu.memory_space<semaphore_mem>>) src(%dma_wait3A_180 : memref<32x16xf32, #tpu.memory_space<vmem_shared>>) dst(%dma_wait3A_178 : memref<32x16xf32, #tpu.memory_space<hbm>>)
      tpu.yield
    }) : () -> ()
    %mul3A_77 = arith.constant 640 : i32
    %mul3A_78 = arith.muli %arg1, %mul3A_77 : i32
    %add3A_79 = arith.constant 256 : i32
    %add3A_80 = arith.addi %mul3A_78, %add3A_79 : i32
    %mul3A_81 = arith.constant 640 : i32
    %mul3A_82 = arith.muli %arg1, %mul3A_81 : i32
    %add3A_83 = arith.constant 256 : i32
    %add3A_84 = arith.addi %mul3A_82, %add3A_83 : i32
    "tpu.region"() ({
      %run_scoped3A = tpu.sem_alloc : memref<!tpu.dma_semaphore, #tpu.memory_space<semaphore_mem>>
      %dma_start3A = arith.constant 0 : i32
      %dma_start3A_173 = tpu.memref_slice %arg6[%arg0, %add3A_84, %dma_start3A] : memref<2x10240x16xf32, #tpu.memory_space<hbm>> -> memref<1x32x16xf32, #tpu.memory_space<hbm>>
      %dma_start3A_174 = tpu.memref_squeeze %dma_start3A_173 : memref<1x32x16xf32, #tpu.memory_space<hbm>> -> memref<32x16xf32, #tpu.memory_space<hbm>>
      %dma_start3A_175 = arith.constant 0 : i32
      %dma_start3A_176 = tpu.memref_slice %arg11[%add3A_80, %dma_start3A_175] : memref<10240x16xf32, #tpu.memory_space<vmem_shared>> -> memref<32x16xf32, #tpu.memory_space<vmem_shared>>
      tpu.enqueue_dma source(%dma_start3A_176 : memref<32x16xf32, #tpu.memory_space<vmem_shared>>) target(%dma_start3A_174 : memref<32x16xf32, #tpu.memory_space<hbm>>) target_semaphore(%run_scoped3A : memref<!tpu.dma_semaphore, #tpu.memory_space<semaphore_mem>>)
      %dma_wait3A = arith.constant 0 : i32
      %dma_wait3A_177 = tpu.memref_slice %arg6[%arg0, %add3A_84, %dma_wait3A] : memref<2x10240x16xf32, #tpu.memory_space<hbm>> -> memref<1x32x16xf32, #tpu.memory_space<hbm>>
      %dma_wait3A_178 = tpu.memref_squeeze %dma_wait3A_177 : memref<1x32x16xf32, #tpu.memory_space<hbm>> -> memref<32x16xf32, #tpu.memory_space<hbm>>
      %dma_wait3A_179 = arith.constant 0 : i32
      %dma_wait3A_180 = tpu.memref_slice %arg11[%add3A_80, %dma_wait3A_179] : memref<10240x16xf32, #tpu.memory_space<vmem_shared>> -> memref<32x16xf32, #tpu.memory_space<vmem_shared>>
      tpu.wait_dma2 semaphore(%run_scoped3A : memref<!tpu.dma_semaphore, #tpu.memory_space<semaphore_mem>>) src(%dma_wait3A_180 : memref<32x16xf32, #tpu.memory_space<vmem_shared>>) dst(%dma_wait3A_178 : memref<32x16xf32, #tpu.memory_space<hbm>>)
      tpu.yield
    }) : () -> ()
    %mul3A_85 = arith.constant 640 : i32
    %mul3A_86 = arith.muli %arg1, %mul3A_85 : i32
    %add3A_87 = arith.constant 288 : i32
    %add3A_88 = arith.addi %mul3A_86, %add3A_87 : i32
    %mul3A_89 = arith.constant 640 : i32
    %mul3A_90 = arith.muli %arg1, %mul3A_89 : i32
    %add3A_91 = arith.constant 288 : i32
    %add3A_92 = arith.addi %mul3A_90, %add3A_91 : i32
    "tpu.region"() ({
      %run_scoped3A = tpu.sem_alloc : memref<!tpu.dma_semaphore, #tpu.memory_space<semaphore_mem>>
      %dma_start3A = arith.constant 0 : i32
      %dma_start3A_173 = tpu.memref_slice %arg6[%arg0, %add3A_92, %dma_start3A] : memref<2x10240x16xf32, #tpu.memory_space<hbm>> -> memref<1x32x16xf32, #tpu.memory_space<hbm>>
      %dma_start3A_174 = tpu.memref_squeeze %dma_start3A_173 : memref<1x32x16xf32, #tpu.memory_space<hbm>> -> memref<32x16xf32, #tpu.memory_space<hbm>>
      %dma_start3A_175 = arith.constant 0 : i32
      %dma_start3A_176 = tpu.memref_slice %arg11[%add3A_88, %dma_start3A_175] : memref<10240x16xf32, #tpu.memory_space<vmem_shared>> -> memref<32x16xf32, #tpu.memory_space<vmem_shared>>
      tpu.enqueue_dma source(%dma_start3A_176 : memref<32x16xf32, #tpu.memory_space<vmem_shared>>) target(%dma_start3A_174 : memref<32x16xf32, #tpu.memory_space<hbm>>) target_semaphore(%run_scoped3A : memref<!tpu.dma_semaphore, #tpu.memory_space<semaphore_mem>>)
      %dma_wait3A = arith.constant 0 : i32
      %dma_wait3A_177 = tpu.memref_slice %arg6[%arg0, %add3A_92, %dma_wait3A] : memref<2x10240x16xf32, #tpu.memory_space<hbm>> -> memref<1x32x16xf32, #tpu.memory_space<hbm>>
      %dma_wait3A_178 = tpu.memref_squeeze %dma_wait3A_177 : memref<1x32x16xf32, #tpu.memory_space<hbm>> -> memref<32x16xf32, #tpu.memory_space<hbm>>
      %dma_wait3A_179 = arith.constant 0 : i32
      %dma_wait3A_180 = tpu.memref_slice %arg11[%add3A_88, %dma_wait3A_179] : memref<10240x16xf32, #tpu.memory_space<vmem_shared>> -> memref<32x16xf32, #tpu.memory_space<vmem_shared>>
      tpu.wait_dma2 semaphore(%run_scoped3A : memref<!tpu.dma_semaphore, #tpu.memory_space<semaphore_mem>>) src(%dma_wait3A_180 : memref<32x16xf32, #tpu.memory_space<vmem_shared>>) dst(%dma_wait3A_178 : memref<32x16xf32, #tpu.memory_space<hbm>>)
      tpu.yield
    }) : () -> ()
    %mul3A_93 = arith.constant 640 : i32
    %mul3A_94 = arith.muli %arg1, %mul3A_93 : i32
    %add3A_95 = arith.constant 320 : i32
    %add3A_96 = arith.addi %mul3A_94, %add3A_95 : i32
    %mul3A_97 = arith.constant 640 : i32
    %mul3A_98 = arith.muli %arg1, %mul3A_97 : i32
    %add3A_99 = arith.constant 320 : i32
    %add3A_100 = arith.addi %mul3A_98, %add3A_99 : i32
    "tpu.region"() ({
      %run_scoped3A = tpu.sem_alloc : memref<!tpu.dma_semaphore, #tpu.memory_space<semaphore_mem>>
      %dma_start3A = arith.constant 0 : i32
      %dma_start3A_173 = tpu.memref_slice %arg6[%arg0, %add3A_100, %dma_start3A] : memref<2x10240x16xf32, #tpu.memory_space<hbm>> -> memref<1x32x16xf32, #tpu.memory_space<hbm>>
      %dma_start3A_174 = tpu.memref_squeeze %dma_start3A_173 : memref<1x32x16xf32, #tpu.memory_space<hbm>> -> memref<32x16xf32, #tpu.memory_space<hbm>>
      %dma_start3A_175 = arith.constant 0 : i32
      %dma_start3A_176 = tpu.memref_slice %arg11[%add3A_96, %dma_start3A_175] : memref<10240x16xf32, #tpu.memory_space<vmem_shared>> -> memref<32x16xf32, #tpu.memory_space<vmem_shared>>
      tpu.enqueue_dma source(%dma_start3A_176 : memref<32x16xf32, #tpu.memory_space<vmem_shared>>) target(%dma_start3A_174 : memref<32x16xf32, #tpu.memory_space<hbm>>) target_semaphore(%run_scoped3A : memref<!tpu.dma_semaphore, #tpu.memory_space<semaphore_mem>>)
      %dma_wait3A = arith.constant 0 : i32
      %dma_wait3A_177 = tpu.memref_slice %arg6[%arg0, %add3A_100, %dma_wait3A] : memref<2x10240x16xf32, #tpu.memory_space<hbm>> -> memref<1x32x16xf32, #tpu.memory_space<hbm>>
      %dma_wait3A_178 = tpu.memref_squeeze %dma_wait3A_177 : memref<1x32x16xf32, #tpu.memory_space<hbm>> -> memref<32x16xf32, #tpu.memory_space<hbm>>
      %dma_wait3A_179 = arith.constant 0 : i32
      %dma_wait3A_180 = tpu.memref_slice %arg11[%add3A_96, %dma_wait3A_179] : memref<10240x16xf32, #tpu.memory_space<vmem_shared>> -> memref<32x16xf32, #tpu.memory_space<vmem_shared>>
      tpu.wait_dma2 semaphore(%run_scoped3A : memref<!tpu.dma_semaphore, #tpu.memory_space<semaphore_mem>>) src(%dma_wait3A_180 : memref<32x16xf32, #tpu.memory_space<vmem_shared>>) dst(%dma_wait3A_178 : memref<32x16xf32, #tpu.memory_space<hbm>>)
      tpu.yield
    }) : () -> ()
    %mul3A_101 = arith.constant 640 : i32
    %mul3A_102 = arith.muli %arg1, %mul3A_101 : i32
    %add3A_103 = arith.constant 352 : i32
    %add3A_104 = arith.addi %mul3A_102, %add3A_103 : i32
    %mul3A_105 = arith.constant 640 : i32
    %mul3A_106 = arith.muli %arg1, %mul3A_105 : i32
    %add3A_107 = arith.constant 352 : i32
    %add3A_108 = arith.addi %mul3A_106, %add3A_107 : i32
    "tpu.region"() ({
      %run_scoped3A = tpu.sem_alloc : memref<!tpu.dma_semaphore, #tpu.memory_space<semaphore_mem>>
      %dma_start3A = arith.constant 0 : i32
      %dma_start3A_173 = tpu.memref_slice %arg6[%arg0, %add3A_108, %dma_start3A] : memref<2x10240x16xf32, #tpu.memory_space<hbm>> -> memref<1x32x16xf32, #tpu.memory_space<hbm>>
      %dma_start3A_174 = tpu.memref_squeeze %dma_start3A_173 : memref<1x32x16xf32, #tpu.memory_space<hbm>> -> memref<32x16xf32, #tpu.memory_space<hbm>>
      %dma_start3A_175 = arith.constant 0 : i32
      %dma_start3A_176 = tpu.memref_slice %arg11[%add3A_104, %dma_start3A_175] : memref<10240x16xf32, #tpu.memory_space<vmem_shared>> -> memref<32x16xf32, #tpu.memory_space<vmem_shared>>
      tpu.enqueue_dma source(%dma_start3A_176 : memref<32x16xf32, #tpu.memory_space<vmem_shared>>) target(%dma_start3A_174 : memref<32x16xf32, #tpu.memory_space<hbm>>) target_semaphore(%run_scoped3A : memref<!tpu.dma_semaphore, #tpu.memory_space<semaphore_mem>>)
      %dma_wait3A = arith.constant 0 : i32
      %dma_wait3A_177 = tpu.memref_slice %arg6[%arg0, %add3A_108, %dma_wait3A] : memref<2x10240x16xf32, #tpu.memory_space<hbm>> -> memref<1x32x16xf32, #tpu.memory_space<hbm>>
      %dma_wait3A_178 = tpu.memref_squeeze %dma_wait3A_177 : memref<1x32x16xf32, #tpu.memory_space<hbm>> -> memref<32x16xf32, #tpu.memory_space<hbm>>
      %dma_wait3A_179 = arith.constant 0 : i32
      %dma_wait3A_180 = tpu.memref_slice %arg11[%add3A_104, %dma_wait3A_179] : memref<10240x16xf32, #tpu.memory_space<vmem_shared>> -> memref<32x16xf32, #tpu.memory_space<vmem_shared>>
      tpu.wait_dma2 semaphore(%run_scoped3A : memref<!tpu.dma_semaphore, #tpu.memory_space<semaphore_mem>>) src(%dma_wait3A_180 : memref<32x16xf32, #tpu.memory_space<vmem_shared>>) dst(%dma_wait3A_178 : memref<32x16xf32, #tpu.memory_space<hbm>>)
      tpu.yield
    }) : () -> ()
    %mul3A_109 = arith.constant 640 : i32
    %mul3A_110 = arith.muli %arg1, %mul3A_109 : i32
    %add3A_111 = arith.constant 384 : i32
    %add3A_112 = arith.addi %mul3A_110, %add3A_111 : i32
    %mul3A_113 = arith.constant 640 : i32
    %mul3A_114 = arith.muli %arg1, %mul3A_113 : i32
    %add3A_115 = arith.constant 384 : i32
    %add3A_116 = arith.addi %mul3A_114, %add3A_115 : i32
    "tpu.region"() ({
      %run_scoped3A = tpu.sem_alloc : memref<!tpu.dma_semaphore, #tpu.memory_space<semaphore_mem>>
      %dma_start3A = arith.constant 0 : i32
      %dma_start3A_173 = tpu.memref_slice %arg6[%arg0, %add3A_116, %dma_start3A] : memref<2x10240x16xf32, #tpu.memory_space<hbm>> -> memref<1x32x16xf32, #tpu.memory_space<hbm>>
      %dma_start3A_174 = tpu.memref_squeeze %dma_start3A_173 : memref<1x32x16xf32, #tpu.memory_space<hbm>> -> memref<32x16xf32, #tpu.memory_space<hbm>>
      %dma_start3A_175 = arith.constant 0 : i32
      %dma_start3A_176 = tpu.memref_slice %arg11[%add3A_112, %dma_start3A_175] : memref<10240x16xf32, #tpu.memory_space<vmem_shared>> -> memref<32x16xf32, #tpu.memory_space<vmem_shared>>
      tpu.enqueue_dma source(%dma_start3A_176 : memref<32x16xf32, #tpu.memory_space<vmem_shared>>) target(%dma_start3A_174 : memref<32x16xf32, #tpu.memory_space<hbm>>) target_semaphore(%run_scoped3A : memref<!tpu.dma_semaphore, #tpu.memory_space<semaphore_mem>>)
      %dma_wait3A = arith.constant 0 : i32
      %dma_wait3A_177 = tpu.memref_slice %arg6[%arg0, %add3A_116, %dma_wait3A] : memref<2x10240x16xf32, #tpu.memory_space<hbm>> -> memref<1x32x16xf32, #tpu.memory_space<hbm>>
      %dma_wait3A_178 = tpu.memref_squeeze %dma_wait3A_177 : memref<1x32x16xf32, #tpu.memory_space<hbm>> -> memref<32x16xf32, #tpu.memory_space<hbm>>
      %dma_wait3A_179 = arith.constant 0 : i32
      %dma_wait3A_180 = tpu.memref_slice %arg11[%add3A_112, %dma_wait3A_179] : memref<10240x16xf32, #tpu.memory_space<vmem_shared>> -> memref<32x16xf32, #tpu.memory_space<vmem_shared>>
      tpu.wait_dma2 semaphore(%run_scoped3A : memref<!tpu.dma_semaphore, #tpu.memory_space<semaphore_mem>>) src(%dma_wait3A_180 : memref<32x16xf32, #tpu.memory_space<vmem_shared>>) dst(%dma_wait3A_178 : memref<32x16xf32, #tpu.memory_space<hbm>>)
      tpu.yield
    }) : () -> ()
    %mul3A_117 = arith.constant 640 : i32
    %mul3A_118 = arith.muli %arg1, %mul3A_117 : i32
    %add3A_119 = arith.constant 416 : i32
    %add3A_120 = arith.addi %mul3A_118, %add3A_119 : i32
    %mul3A_121 = arith.constant 640 : i32
    %mul3A_122 = arith.muli %arg1, %mul3A_121 : i32
    %add3A_123 = arith.constant 416 : i32
    %add3A_124 = arith.addi %mul3A_122, %add3A_123 : i32
    "tpu.region"() ({
      %run_scoped3A = tpu.sem_alloc : memref<!tpu.dma_semaphore, #tpu.memory_space<semaphore_mem>>
      %dma_start3A = arith.constant 0 : i32
      %dma_start3A_173 = tpu.memref_slice %arg6[%arg0, %add3A_124, %dma_start3A] : memref<2x10240x16xf32, #tpu.memory_space<hbm>> -> memref<1x32x16xf32, #tpu.memory_space<hbm>>
      %dma_start3A_174 = tpu.memref_squeeze %dma_start3A_173 : memref<1x32x16xf32, #tpu.memory_space<hbm>> -> memref<32x16xf32, #tpu.memory_space<hbm>>
      %dma_start3A_175 = arith.constant 0 : i32
      %dma_start3A_176 = tpu.memref_slice %arg11[%add3A_120, %dma_start3A_175] : memref<10240x16xf32, #tpu.memory_space<vmem_shared>> -> memref<32x16xf32, #tpu.memory_space<vmem_shared>>
      tpu.enqueue_dma source(%dma_start3A_176 : memref<32x16xf32, #tpu.memory_space<vmem_shared>>) target(%dma_start3A_174 : memref<32x16xf32, #tpu.memory_space<hbm>>) target_semaphore(%run_scoped3A : memref<!tpu.dma_semaphore, #tpu.memory_space<semaphore_mem>>)
      %dma_wait3A = arith.constant 0 : i32
      %dma_wait3A_177 = tpu.memref_slice %arg6[%arg0, %add3A_124, %dma_wait3A] : memref<2x10240x16xf32, #tpu.memory_space<hbm>> -> memref<1x32x16xf32, #tpu.memory_space<hbm>>
      %dma_wait3A_178 = tpu.memref_squeeze %dma_wait3A_177 : memref<1x32x16xf32, #tpu.memory_space<hbm>> -> memref<32x16xf32, #tpu.memory_space<hbm>>
      %dma_wait3A_179 = arith.constant 0 : i32
      %dma_wait3A_180 = tpu.memref_slice %arg11[%add3A_120, %dma_wait3A_179] : memref<10240x16xf32, #tpu.memory_space<vmem_shared>> -> memref<32x16xf32, #tpu.memory_space<vmem_shared>>
      tpu.wait_dma2 semaphore(%run_scoped3A : memref<!tpu.dma_semaphore, #tpu.memory_space<semaphore_mem>>) src(%dma_wait3A_180 : memref<32x16xf32, #tpu.memory_space<vmem_shared>>) dst(%dma_wait3A_178 : memref<32x16xf32, #tpu.memory_space<hbm>>)
      tpu.yield
    }) : () -> ()
    %mul3A_125 = arith.constant 640 : i32
    %mul3A_126 = arith.muli %arg1, %mul3A_125 : i32
    %add3A_127 = arith.constant 448 : i32
    %add3A_128 = arith.addi %mul3A_126, %add3A_127 : i32
    %mul3A_129 = arith.constant 640 : i32
    %mul3A_130 = arith.muli %arg1, %mul3A_129 : i32
    %add3A_131 = arith.constant 448 : i32
    %add3A_132 = arith.addi %mul3A_130, %add3A_131 : i32
    "tpu.region"() ({
      %run_scoped3A = tpu.sem_alloc : memref<!tpu.dma_semaphore, #tpu.memory_space<semaphore_mem>>
      %dma_start3A = arith.constant 0 : i32
      %dma_start3A_173 = tpu.memref_slice %arg6[%arg0, %add3A_132, %dma_start3A] : memref<2x10240x16xf32, #tpu.memory_space<hbm>> -> memref<1x32x16xf32, #tpu.memory_space<hbm>>
      %dma_start3A_174 = tpu.memref_squeeze %dma_start3A_173 : memref<1x32x16xf32, #tpu.memory_space<hbm>> -> memref<32x16xf32, #tpu.memory_space<hbm>>
      %dma_start3A_175 = arith.constant 0 : i32
      %dma_start3A_176 = tpu.memref_slice %arg11[%add3A_128, %dma_start3A_175] : memref<10240x16xf32, #tpu.memory_space<vmem_shared>> -> memref<32x16xf32, #tpu.memory_space<vmem_shared>>
      tpu.enqueue_dma source(%dma_start3A_176 : memref<32x16xf32, #tpu.memory_space<vmem_shared>>) target(%dma_start3A_174 : memref<32x16xf32, #tpu.memory_space<hbm>>) target_semaphore(%run_scoped3A : memref<!tpu.dma_semaphore, #tpu.memory_space<semaphore_mem>>)
      %dma_wait3A = arith.constant 0 : i32
      %dma_wait3A_177 = tpu.memref_slice %arg6[%arg0, %add3A_132, %dma_wait3A] : memref<2x10240x16xf32, #tpu.memory_space<hbm>> -> memref<1x32x16xf32, #tpu.memory_space<hbm>>
      %dma_wait3A_178 = tpu.memref_squeeze %dma_wait3A_177 : memref<1x32x16xf32, #tpu.memory_space<hbm>> -> memref<32x16xf32, #tpu.memory_space<hbm>>
      %dma_wait3A_179 = arith.constant 0 : i32
      %dma_wait3A_180 = tpu.memref_slice %arg11[%add3A_128, %dma_wait3A_179] : memref<10240x16xf32, #tpu.memory_space<vmem_shared>> -> memref<32x16xf32, #tpu.memory_space<vmem_shared>>
      tpu.wait_dma2 semaphore(%run_scoped3A : memref<!tpu.dma_semaphore, #tpu.memory_space<semaphore_mem>>) src(%dma_wait3A_180 : memref<32x16xf32, #tpu.memory_space<vmem_shared>>) dst(%dma_wait3A_178 : memref<32x16xf32, #tpu.memory_space<hbm>>)
      tpu.yield
    }) : () -> ()
    %mul3A_133 = arith.constant 640 : i32
    %mul3A_134 = arith.muli %arg1, %mul3A_133 : i32
    %add3A_135 = arith.constant 480 : i32
    %add3A_136 = arith.addi %mul3A_134, %add3A_135 : i32
    %mul3A_137 = arith.constant 640 : i32
    %mul3A_138 = arith.muli %arg1, %mul3A_137 : i32
    %add3A_139 = arith.constant 480 : i32
    %add3A_140 = arith.addi %mul3A_138, %add3A_139 : i32
    "tpu.region"() ({
      %run_scoped3A = tpu.sem_alloc : memref<!tpu.dma_semaphore, #tpu.memory_space<semaphore_mem>>
      %dma_start3A = arith.constant 0 : i32
      %dma_start3A_173 = tpu.memref_slice %arg6[%arg0, %add3A_140, %dma_start3A] : memref<2x10240x16xf32, #tpu.memory_space<hbm>> -> memref<1x32x16xf32, #tpu.memory_space<hbm>>
      %dma_start3A_174 = tpu.memref_squeeze %dma_start3A_173 : memref<1x32x16xf32, #tpu.memory_space<hbm>> -> memref<32x16xf32, #tpu.memory_space<hbm>>
      %dma_start3A_175 = arith.constant 0 : i32
      %dma_start3A_176 = tpu.memref_slice %arg11[%add3A_136, %dma_start3A_175] : memref<10240x16xf32, #tpu.memory_space<vmem_shared>> -> memref<32x16xf32, #tpu.memory_space<vmem_shared>>
      tpu.enqueue_dma source(%dma_start3A_176 : memref<32x16xf32, #tpu.memory_space<vmem_shared>>) target(%dma_start3A_174 : memref<32x16xf32, #tpu.memory_space<hbm>>) target_semaphore(%run_scoped3A : memref<!tpu.dma_semaphore, #tpu.memory_space<semaphore_mem>>)
      %dma_wait3A = arith.constant 0 : i32
      %dma_wait3A_177 = tpu.memref_slice %arg6[%arg0, %add3A_140, %dma_wait3A] : memref<2x10240x16xf32, #tpu.memory_space<hbm>> -> memref<1x32x16xf32, #tpu.memory_space<hbm>>
      %dma_wait3A_178 = tpu.memref_squeeze %dma_wait3A_177 : memref<1x32x16xf32, #tpu.memory_space<hbm>> -> memref<32x16xf32, #tpu.memory_space<hbm>>
      %dma_wait3A_179 = arith.constant 0 : i32
      %dma_wait3A_180 = tpu.memref_slice %arg11[%add3A_136, %dma_wait3A_179] : memref<10240x16xf32, #tpu.memory_space<vmem_shared>> -> memref<32x16xf32, #tpu.memory_space<vmem_shared>>
      tpu.wait_dma2 semaphore(%run_scoped3A : memref<!tpu.dma_semaphore, #tpu.memory_space<semaphore_mem>>) src(%dma_wait3A_180 : memref<32x16xf32, #tpu.memory_space<vmem_shared>>) dst(%dma_wait3A_178 : memref<32x16xf32, #tpu.memory_space<hbm>>)
      tpu.yield
    }) : () -> ()
    %mul3A_141 = arith.constant 640 : i32
    %mul3A_142 = arith.muli %arg1, %mul3A_141 : i32
    %add3A_143 = arith.constant 512 : i32
    %add3A_144 = arith.addi %mul3A_142, %add3A_143 : i32
    %mul3A_145 = arith.constant 640 : i32
    %mul3A_146 = arith.muli %arg1, %mul3A_145 : i32
    %add3A_147 = arith.constant 512 : i32
    %add3A_148 = arith.addi %mul3A_146, %add3A_147 : i32
    "tpu.region"() ({
      %run_scoped3A = tpu.sem_alloc : memref<!tpu.dma_semaphore, #tpu.memory_space<semaphore_mem>>
      %dma_start3A = arith.constant 0 : i32
      %dma_start3A_173 = tpu.memref_slice %arg6[%arg0, %add3A_148, %dma_start3A] : memref<2x10240x16xf32, #tpu.memory_space<hbm>> -> memref<1x32x16xf32, #tpu.memory_space<hbm>>
      %dma_start3A_174 = tpu.memref_squeeze %dma_start3A_173 : memref<1x32x16xf32, #tpu.memory_space<hbm>> -> memref<32x16xf32, #tpu.memory_space<hbm>>
      %dma_start3A_175 = arith.constant 0 : i32
      %dma_start3A_176 = tpu.memref_slice %arg11[%add3A_144, %dma_start3A_175] : memref<10240x16xf32, #tpu.memory_space<vmem_shared>> -> memref<32x16xf32, #tpu.memory_space<vmem_shared>>
      tpu.enqueue_dma source(%dma_start3A_176 : memref<32x16xf32, #tpu.memory_space<vmem_shared>>) target(%dma_start3A_174 : memref<32x16xf32, #tpu.memory_space<hbm>>) target_semaphore(%run_scoped3A : memref<!tpu.dma_semaphore, #tpu.memory_space<semaphore_mem>>)
      %dma_wait3A = arith.constant 0 : i32
      %dma_wait3A_177 = tpu.memref_slice %arg6[%arg0, %add3A_148, %dma_wait3A] : memref<2x10240x16xf32, #tpu.memory_space<hbm>> -> memref<1x32x16xf32, #tpu.memory_space<hbm>>
      %dma_wait3A_178 = tpu.memref_squeeze %dma_wait3A_177 : memref<1x32x16xf32, #tpu.memory_space<hbm>> -> memref<32x16xf32, #tpu.memory_space<hbm>>
      %dma_wait3A_179 = arith.constant 0 : i32
      %dma_wait3A_180 = tpu.memref_slice %arg11[%add3A_144, %dma_wait3A_179] : memref<10240x16xf32, #tpu.memory_space<vmem_shared>> -> memref<32x16xf32, #tpu.memory_space<vmem_shared>>
      tpu.wait_dma2 semaphore(%run_scoped3A : memref<!tpu.dma_semaphore, #tpu.memory_space<semaphore_mem>>) src(%dma_wait3A_180 : memref<32x16xf32, #tpu.memory_space<vmem_shared>>) dst(%dma_wait3A_178 : memref<32x16xf32, #tpu.memory_space<hbm>>)
      tpu.yield
    }) : () -> ()
    %mul3A_149 = arith.constant 640 : i32
    %mul3A_150 = arith.muli %arg1, %mul3A_149 : i32
    %add3A_151 = arith.constant 544 : i32
    %add3A_152 = arith.addi %mul3A_150, %add3A_151 : i32
    %mul3A_153 = arith.constant 640 : i32
    %mul3A_154 = arith.muli %arg1, %mul3A_153 : i32
    %add3A_155 = arith.constant 544 : i32
    %add3A_156 = arith.addi %mul3A_154, %add3A_155 : i32
    "tpu.region"() ({
      %run_scoped3A = tpu.sem_alloc : memref<!tpu.dma_semaphore, #tpu.memory_space<semaphore_mem>>
      %dma_start3A = arith.constant 0 : i32
      %dma_start3A_173 = tpu.memref_slice %arg6[%arg0, %add3A_156, %dma_start3A] : memref<2x10240x16xf32, #tpu.memory_space<hbm>> -> memref<1x32x16xf32, #tpu.memory_space<hbm>>
      %dma_start3A_174 = tpu.memref_squeeze %dma_start3A_173 : memref<1x32x16xf32, #tpu.memory_space<hbm>> -> memref<32x16xf32, #tpu.memory_space<hbm>>
      %dma_start3A_175 = arith.constant 0 : i32
      %dma_start3A_176 = tpu.memref_slice %arg11[%add3A_152, %dma_start3A_175] : memref<10240x16xf32, #tpu.memory_space<vmem_shared>> -> memref<32x16xf32, #tpu.memory_space<vmem_shared>>
      tpu.enqueue_dma source(%dma_start3A_176 : memref<32x16xf32, #tpu.memory_space<vmem_shared>>) target(%dma_start3A_174 : memref<32x16xf32, #tpu.memory_space<hbm>>) target_semaphore(%run_scoped3A : memref<!tpu.dma_semaphore, #tpu.memory_space<semaphore_mem>>)
      %dma_wait3A = arith.constant 0 : i32
      %dma_wait3A_177 = tpu.memref_slice %arg6[%arg0, %add3A_156, %dma_wait3A] : memref<2x10240x16xf32, #tpu.memory_space<hbm>> -> memref<1x32x16xf32, #tpu.memory_space<hbm>>
      %dma_wait3A_178 = tpu.memref_squeeze %dma_wait3A_177 : memref<1x32x16xf32, #tpu.memory_space<hbm>> -> memref<32x16xf32, #tpu.memory_space<hbm>>
      %dma_wait3A_179 = arith.constant 0 : i32
      %dma_wait3A_180 = tpu.memref_slice %arg11[%add3A_152, %dma_wait3A_179] : memref<10240x16xf32, #tpu.memory_space<vmem_shared>> -> memref<32x16xf32, #tpu.memory_space<vmem_shared>>
      tpu.wait_dma2 semaphore(%run_scoped3A : memref<!tpu.dma_semaphore, #tpu.memory_space<semaphore_mem>>) src(%dma_wait3A_180 : memref<32x16xf32, #tpu.memory_space<vmem_shared>>) dst(%dma_wait3A_178 : memref<32x16xf32, #tpu.memory_space<hbm>>)
      tpu.yield
    }) : () -> ()
    %mul3A_157 = arith.constant 640 : i32
    %mul3A_158 = arith.muli %arg1, %mul3A_157 : i32
    %add3A_159 = arith.constant 576 : i32
    %add3A_160 = arith.addi %mul3A_158, %add3A_159 : i32
    %mul3A_161 = arith.constant 640 : i32
    %mul3A_162 = arith.muli %arg1, %mul3A_161 : i32
    %add3A_163 = arith.constant 576 : i32
    %add3A_164 = arith.addi %mul3A_162, %add3A_163 : i32
    "tpu.region"() ({
      %run_scoped3A = tpu.sem_alloc : memref<!tpu.dma_semaphore, #tpu.memory_space<semaphore_mem>>
      %dma_start3A = arith.constant 0 : i32
      %dma_start3A_173 = tpu.memref_slice %arg6[%arg0, %add3A_164, %dma_start3A] : memref<2x10240x16xf32, #tpu.memory_space<hbm>> -> memref<1x32x16xf32, #tpu.memory_space<hbm>>
      %dma_start3A_174 = tpu.memref_squeeze %dma_start3A_173 : memref<1x32x16xf32, #tpu.memory_space<hbm>> -> memref<32x16xf32, #tpu.memory_space<hbm>>
      %dma_start3A_175 = arith.constant 0 : i32
      %dma_start3A_176 = tpu.memref_slice %arg11[%add3A_160, %dma_start3A_175] : memref<10240x16xf32, #tpu.memory_space<vmem_shared>> -> memref<32x16xf32, #tpu.memory_space<vmem_shared>>
      tpu.enqueue_dma source(%dma_start3A_176 : memref<32x16xf32, #tpu.memory_space<vmem_shared>>) target(%dma_start3A_174 : memref<32x16xf32, #tpu.memory_space<hbm>>) target_semaphore(%run_scoped3A : memref<!tpu.dma_semaphore, #tpu.memory_space<semaphore_mem>>)
      %dma_wait3A = arith.constant 0 : i32
      %dma_wait3A_177 = tpu.memref_slice %arg6[%arg0, %add3A_164, %dma_wait3A] : memref<2x10240x16xf32, #tpu.memory_space<hbm>> -> memref<1x32x16xf32, #tpu.memory_space<hbm>>
      %dma_wait3A_178 = tpu.memref_squeeze %dma_wait3A_177 : memref<1x32x16xf32, #tpu.memory_space<hbm>> -> memref<32x16xf32, #tpu.memory_space<hbm>>
      %dma_wait3A_179 = arith.constant 0 : i32
      %dma_wait3A_180 = tpu.memref_slice %arg11[%add3A_160, %dma_wait3A_179] : memref<10240x16xf32, #tpu.memory_space<vmem_shared>> -> memref<32x16xf32, #tpu.memory_space<vmem_shared>>
      tpu.wait_dma2 semaphore(%run_scoped3A : memref<!tpu.dma_semaphore, #tpu.memory_space<semaphore_mem>>) src(%dma_wait3A_180 : memref<32x16xf32, #tpu.memory_space<vmem_shared>>) dst(%dma_wait3A_178 : memref<32x16xf32, #tpu.memory_space<hbm>>)
      tpu.yield
    }) : () -> ()
    %mul3A_165 = arith.constant 640 : i32
    %mul3A_166 = arith.muli %arg1, %mul3A_165 : i32
    %add3A_167 = arith.constant 608 : i32
    %add3A_168 = arith.addi %mul3A_166, %add3A_167 : i32
    %mul3A_169 = arith.constant 640 : i32
    %mul3A_170 = arith.muli %arg1, %mul3A_169 : i32
    %add3A_171 = arith.constant 608 : i32
    %add3A_172 = arith.addi %mul3A_170, %add3A_171 : i32
    "tpu.region"() ({
      %run_scoped3A = tpu.sem_alloc : memref<!tpu.dma_semaphore, #tpu.memory_space<semaphore_mem>>
      %dma_start3A = arith.constant 0 : i32
      %dma_start3A_173 = tpu.memref_slice %arg6[%arg0, %add3A_172, %dma_start3A] : memref<2x10240x16xf32, #tpu.memory_space<hbm>> -> memref<1x32x16xf32, #tpu.memory_space<hbm>>
      %dma_start3A_174 = tpu.memref_squeeze %dma_start3A_173 : memref<1x32x16xf32, #tpu.memory_space<hbm>> -> memref<32x16xf32, #tpu.memory_space<hbm>>
      %dma_start3A_175 = arith.constant 0 : i32
      %dma_start3A_176 = tpu.memref_slice %arg11[%add3A_168, %dma_start3A_175] : memref<10240x16xf32, #tpu.memory_space<vmem_shared>> -> memref<32x16xf32, #tpu.memory_space<vmem_shared>>
      tpu.enqueue_dma source(%dma_start3A_176 : memref<32x16xf32, #tpu.memory_space<vmem_shared>>) target(%dma_start3A_174 : memref<32x16xf32, #tpu.memory_space<hbm>>) target_semaphore(%run_scoped3A : memref<!tpu.dma_semaphore, #tpu.memory_space<semaphore_mem>>)
      %dma_wait3A = arith.constant 0 : i32
      %dma_wait3A_177 = tpu.memref_slice %arg6[%arg0, %add3A_172, %dma_wait3A] : memref<2x10240x16xf32, #tpu.memory_space<hbm>> -> memref<1x32x16xf32, #tpu.memory_space<hbm>>
      %dma_wait3A_178 = tpu.memref_squeeze %dma_wait3A_177 : memref<1x32x16xf32, #tpu.memory_space<hbm>> -> memref<32x16xf32, #tpu.memory_space<hbm>>
      %dma_wait3A_179 = arith.constant 0 : i32
      %dma_wait3A_180 = tpu.memref_slice %arg11[%add3A_168, %dma_wait3A_179] : memref<10240x16xf32, #tpu.memory_space<vmem_shared>> -> memref<32x16xf32, #tpu.memory_space<vmem_shared>>
      tpu.wait_dma2 semaphore(%run_scoped3A : memref<!tpu.dma_semaphore, #tpu.memory_space<semaphore_mem>>) src(%dma_wait3A_180 : memref<32x16xf32, #tpu.memory_space<vmem_shared>>) dst(%dma_wait3A_178 : memref<32x16xf32, #tpu.memory_space<hbm>>)
      tpu.yield
    }) : () -> ()
    return
  }
}

#map = affine_map<(d0, d1) -> (0, 0)>
#map1 = affine_map<(d0, d1) -> (0)>
#map2 = affine_map<(d0, d1) -> (0, 0, 0)>
module attributes {stable_mosaic.version = 14 : i64} {
  func.func @_spmm_body(%arg0: i32, %arg1: i32, %arg2: memref<10000x128xf32, #tpu.memory_space<hbm>>, %arg3: memref<320000xi32, #tpu.memory_space<hbm>>, %arg4: memref<320000xi32, #tpu.memory_space<hbm>>, %arg5: memref<640x128xf32, #tpu.memory_space<hbm>>, %arg6: memref<2x10240x128xf32, #tpu.memory_space<hbm>>, %arg7: memref<10000xi32, #tpu.memory_space<vmem>>, %arg8: memref<10000xi32, #tpu.memory_space<vmem>>, %arg9: memref<80xi32, #tpu.memory_space<vmem>>, %arg10: memref<80xi32, #tpu.memory_space<vmem>>, %arg11: memref<80x128xf32, #tpu.memory_space<vmem>>, %arg12: memref<80xi32, #tpu.memory_space<vmem>>, %arg13: memref<80xi32, #tpu.memory_space<vmem>>, %arg14: memref<80x128xf32, #tpu.memory_space<vmem>>, %arg15: memref<10240x128xf32, #tpu.memory_space<vmem_shared>>, %arg16: memref<!tpu.dma_semaphore, #tpu.memory_space<semaphore_mem>>, %arg17: memref<!tpu.dma_semaphore, #tpu.memory_space<semaphore_mem>>) attributes {dimension_semantics = [#tpu.dimension_semantics<core_parallel>, #tpu.dimension_semantics<subcore_parallel>], iteration_bounds = array<i64: 2, 16>, scalar_prefetch = 0 : i64, scratch_operands = 11 : i64, tpu.core_type = #tpu.core_type<sc_vector_subcore>, window_params = [{transform_indices = #map}, {transform_indices = #map1}, {transform_indices = #map1}, {transform_indices = #map}, {transform_indices = #map2}]} {
    %mul3A = arith.constant 16 : i32
    %mul3A_0 = arith.muli %arg0, %mul3A : i32
    %add3A = arith.addi %mul3A_0, %arg1 : i32
    %mul3A_1 = arith.constant 640 : i32
    %mul3A_2 = arith.muli %arg1, %mul3A_1 : i32
    "tpu.region"() ({
      %run_scoped3A = tpu.sem_alloc : memref<!tpu.dma_semaphore, #tpu.memory_space<semaphore_mem>>
      %dma_start3A_261 = arith.constant 0 : i32
      %dma_start3A_262 = tpu.memref_slice %arg15[%mul3A_2, %dma_start3A_261] : memref<10240x128xf32, #tpu.memory_space<vmem_shared>> -> memref<640x128xf32, #tpu.memory_space<vmem_shared>>
      tpu.enqueue_dma source(%arg5 : memref<640x128xf32, #tpu.memory_space<hbm>>) target(%dma_start3A_262 : memref<640x128xf32, #tpu.memory_space<vmem_shared>>) target_semaphore(%run_scoped3A : memref<!tpu.dma_semaphore, #tpu.memory_space<semaphore_mem>>)
      %dma_wait3A_263 = arith.constant 0 : i32
      %dma_wait3A_264 = tpu.memref_slice %arg15[%mul3A_2, %dma_wait3A_263] : memref<10240x128xf32, #tpu.memory_space<vmem_shared>> -> memref<640x128xf32, #tpu.memory_space<vmem_shared>>
      tpu.wait_dma2 semaphore(%run_scoped3A : memref<!tpu.dma_semaphore, #tpu.memory_space<semaphore_mem>>) src(%arg5 : memref<640x128xf32, #tpu.memory_space<hbm>>) dst(%dma_wait3A_264 : memref<640x128xf32, #tpu.memory_space<vmem_shared>>)
      tpu.yield
    }) : () -> ()
    %mul3A_3 = arith.constant 10000 : i32
    %mul3A_4 = arith.muli %add3A, %mul3A_3 : i32
    "tpu.region"() ({
      %run_scoped3A = tpu.sem_alloc : memref<!tpu.dma_semaphore, #tpu.memory_space<semaphore_mem>>
      %dma_start3A_261 = tpu.memref_slice %arg3[%mul3A_4] : memref<320000xi32, #tpu.memory_space<hbm>> -> memref<10000xi32, #tpu.memory_space<hbm>>
      %dma_start3A_262 = tpu.memref_slice %arg3[%mul3A_4] : memref<320000xi32, #tpu.memory_space<hbm>> -> memref<10000xi32, #tpu.memory_space<hbm>>
      tpu.enqueue_dma source(%dma_start3A_262 : memref<10000xi32, #tpu.memory_space<hbm>>) target(%arg7 : memref<10000xi32, #tpu.memory_space<vmem>>) target_semaphore(%run_scoped3A : memref<!tpu.dma_semaphore, #tpu.memory_space<semaphore_mem>>)
      %dma_wait3A_263 = tpu.memref_slice %arg3[%mul3A_4] : memref<320000xi32, #tpu.memory_space<hbm>> -> memref<10000xi32, #tpu.memory_space<hbm>>
      %dma_wait3A_264 = tpu.memref_slice %arg3[%mul3A_4] : memref<320000xi32, #tpu.memory_space<hbm>> -> memref<10000xi32, #tpu.memory_space<hbm>>
      tpu.wait_dma2 semaphore(%run_scoped3A : memref<!tpu.dma_semaphore, #tpu.memory_space<semaphore_mem>>) src(%dma_wait3A_264 : memref<10000xi32, #tpu.memory_space<hbm>>) dst(%arg7 : memref<10000xi32, #tpu.memory_space<vmem>>)
      tpu.yield
    }) : () -> ()
    %mul3A_5 = arith.constant 10000 : i32
    %mul3A_6 = arith.muli %add3A, %mul3A_5 : i32
    "tpu.region"() ({
      %run_scoped3A = tpu.sem_alloc : memref<!tpu.dma_semaphore, #tpu.memory_space<semaphore_mem>>
      %dma_start3A_261 = tpu.memref_slice %arg4[%mul3A_6] : memref<320000xi32, #tpu.memory_space<hbm>> -> memref<10000xi32, #tpu.memory_space<hbm>>
      %dma_start3A_262 = tpu.memref_slice %arg4[%mul3A_6] : memref<320000xi32, #tpu.memory_space<hbm>> -> memref<10000xi32, #tpu.memory_space<hbm>>
      tpu.enqueue_dma source(%dma_start3A_262 : memref<10000xi32, #tpu.memory_space<hbm>>) target(%arg8 : memref<10000xi32, #tpu.memory_space<vmem>>) target_semaphore(%run_scoped3A : memref<!tpu.dma_semaphore, #tpu.memory_space<semaphore_mem>>)
      %dma_wait3A_263 = tpu.memref_slice %arg4[%mul3A_6] : memref<320000xi32, #tpu.memory_space<hbm>> -> memref<10000xi32, #tpu.memory_space<hbm>>
      %dma_wait3A_264 = tpu.memref_slice %arg4[%mul3A_6] : memref<320000xi32, #tpu.memory_space<hbm>> -> memref<10000xi32, #tpu.memory_space<hbm>>
      tpu.wait_dma2 semaphore(%run_scoped3A : memref<!tpu.dma_semaphore, #tpu.memory_space<semaphore_mem>>) src(%dma_wait3A_264 : memref<10000xi32, #tpu.memory_space<hbm>>) dst(%arg8 : memref<10000xi32, #tpu.memory_space<vmem>>)
      tpu.yield
    }) : () -> ()
    %barrier3A = arith.constant 0 : index
    tpu.barrier barrier_id(%barrier3A)
    %get3A = arith.constant 0 : index
    %get3A_7 = tpu.vector_load %arg7[%get3A] {strides = array<i32>} : memref<10000xi32, #tpu.memory_space<vmem>>, vector<16xi32>,
    %get3A_8 = vector.shape_cast %get3A_7 : vector<16xi32> to vector<16xi32>
    %get3A_9 = arith.constant 0 : index
    %get3A_10 = tpu.vector_load %arg8[%get3A_9] {strides = array<i32>} : memref<10000xi32, #tpu.memory_space<vmem>>, vector<16xi32>,
    %get3A_11 = vector.shape_cast %get3A_10 : vector<16xi32> to vector<16xi32>
    %swap3A = arith.constant 0 : index
    %swap3A_12 = tpu.vector_load %arg9[%swap3A] {strides = array<i32>} : memref<80xi32, #tpu.memory_space<vmem>>, vector<16xi32>,
    %swap3A_13 = vector.shape_cast %swap3A_12 : vector<16xi32> to vector<16xi32>
    %swap3A_14 = vector.shape_cast %get3A_8 : vector<16xi32> to vector<16xi32>
    tpu.vector_store %arg9[%swap3A], %swap3A_14 {strides = array<i32>} : memref<80xi32, #tpu.memory_space<vmem>>, vector<16xi32>,
    %eq3A = arith.cmpi eq, %get3A_8, %get3A_11 : vector<16xi32>
    %jit3A = arith.constant 10000 : i32
    %broadcast_in_dim3A = vector.broadcast %jit3A : i32 to vector<16xi32>
    %select_n3A = arith.select %eq3A, %broadcast_in_dim3A, %get3A_11 : vector<16xi1>, vector<16xi32>
    %swap3A_15 = arith.constant 0 : index
    %swap3A_16 = tpu.vector_load %arg10[%swap3A_15] {strides = array<i32>} : memref<80xi32, #tpu.memory_space<vmem>>, vector<16xi32>,
    %swap3A_17 = vector.shape_cast %swap3A_16 : vector<16xi32> to vector<16xi32>
    %swap3A_18 = vector.shape_cast %select_n3A : vector<16xi32> to vector<16xi32>
    tpu.vector_store %arg10[%swap3A_15], %swap3A_18 {strides = array<i32>} : memref<80xi32, #tpu.memory_space<vmem>>, vector<16xi32>,
    %get3A_19 = arith.constant 16 : index
    %get3A_20 = tpu.vector_load %arg7[%get3A_19] {strides = array<i32>} : memref<10000xi32, #tpu.memory_space<vmem>>, vector<16xi32>,
    %get3A_21 = vector.shape_cast %get3A_20 : vector<16xi32> to vector<16xi32>
    %get3A_22 = arith.constant 16 : index
    %get3A_23 = tpu.vector_load %arg8[%get3A_22] {strides = array<i32>} : memref<10000xi32, #tpu.memory_space<vmem>>, vector<16xi32>,
    %get3A_24 = vector.shape_cast %get3A_23 : vector<16xi32> to vector<16xi32>
    %swap3A_25 = arith.constant 16 : index
    %swap3A_26 = tpu.vector_load %arg9[%swap3A_25] {strides = array<i32>} : memref<80xi32, #tpu.memory_space<vmem>>, vector<16xi32>,
    %swap3A_27 = vector.shape_cast %swap3A_26 : vector<16xi32> to vector<16xi32>
    %swap3A_28 = vector.shape_cast %get3A_21 : vector<16xi32> to vector<16xi32>
    tpu.vector_store %arg9[%swap3A_25], %swap3A_28 {strides = array<i32>} : memref<80xi32, #tpu.memory_space<vmem>>, vector<16xi32>,
    %eq3A_29 = arith.cmpi eq, %get3A_21, %get3A_24 : vector<16xi32>
    %jit3A_30 = arith.constant 10000 : i32
    %broadcast_in_dim3A_31 = vector.broadcast %jit3A_30 : i32 to vector<16xi32>
    %select_n3A_32 = arith.select %eq3A_29, %broadcast_in_dim3A_31, %get3A_24 : vector<16xi1>, vector<16xi32>
    %swap3A_33 = arith.constant 16 : index
    %swap3A_34 = tpu.vector_load %arg10[%swap3A_33] {strides = array<i32>} : memref<80xi32, #tpu.memory_space<vmem>>, vector<16xi32>,
    %swap3A_35 = vector.shape_cast %swap3A_34 : vector<16xi32> to vector<16xi32>
    %swap3A_36 = vector.shape_cast %select_n3A_32 : vector<16xi32> to vector<16xi32>
    tpu.vector_store %arg10[%swap3A_33], %swap3A_36 {strides = array<i32>} : memref<80xi32, #tpu.memory_space<vmem>>, vector<16xi32>,
    %get3A_37 = arith.constant 32 : index
    %get3A_38 = tpu.vector_load %arg7[%get3A_37] {strides = array<i32>} : memref<10000xi32, #tpu.memory_space<vmem>>, vector<16xi32>,
    %get3A_39 = vector.shape_cast %get3A_38 : vector<16xi32> to vector<16xi32>
    %get3A_40 = arith.constant 32 : index
    %get3A_41 = tpu.vector_load %arg8[%get3A_40] {strides = array<i32>} : memref<10000xi32, #tpu.memory_space<vmem>>, vector<16xi32>,
    %get3A_42 = vector.shape_cast %get3A_41 : vector<16xi32> to vector<16xi32>
    %swap3A_43 = arith.constant 32 : index
    %swap3A_44 = tpu.vector_load %arg9[%swap3A_43] {strides = array<i32>} : memref<80xi32, #tpu.memory_space<vmem>>, vector<16xi32>,
    %swap3A_45 = vector.shape_cast %swap3A_44 : vector<16xi32> to vector<16xi32>
    %swap3A_46 = vector.shape_cast %get3A_39 : vector<16xi32> to vector<16xi32>
    tpu.vector_store %arg9[%swap3A_43], %swap3A_46 {strides = array<i32>} : memref<80xi32, #tpu.memory_space<vmem>>, vector<16xi32>,
    %eq3A_47 = arith.cmpi eq, %get3A_39, %get3A_42 : vector<16xi32>
    %jit3A_48 = arith.constant 10000 : i32
    %broadcast_in_dim3A_49 = vector.broadcast %jit3A_48 : i32 to vector<16xi32>
    %select_n3A_50 = arith.select %eq3A_47, %broadcast_in_dim3A_49, %get3A_42 : vector<16xi1>, vector<16xi32>
    %swap3A_51 = arith.constant 32 : index
    %swap3A_52 = tpu.vector_load %arg10[%swap3A_51] {strides = array<i32>} : memref<80xi32, #tpu.memory_space<vmem>>, vector<16xi32>,
    %swap3A_53 = vector.shape_cast %swap3A_52 : vector<16xi32> to vector<16xi32>
    %swap3A_54 = vector.shape_cast %select_n3A_50 : vector<16xi32> to vector<16xi32>
    tpu.vector_store %arg10[%swap3A_51], %swap3A_54 {strides = array<i32>} : memref<80xi32, #tpu.memory_space<vmem>>, vector<16xi32>,
    %get3A_55 = arith.constant 48 : index
    %get3A_56 = tpu.vector_load %arg7[%get3A_55] {strides = array<i32>} : memref<10000xi32, #tpu.memory_space<vmem>>, vector<16xi32>,
    %get3A_57 = vector.shape_cast %get3A_56 : vector<16xi32> to vector<16xi32>
    %get3A_58 = arith.constant 48 : index
    %get3A_59 = tpu.vector_load %arg8[%get3A_58] {strides = array<i32>} : memref<10000xi32, #tpu.memory_space<vmem>>, vector<16xi32>,
    %get3A_60 = vector.shape_cast %get3A_59 : vector<16xi32> to vector<16xi32>
    %swap3A_61 = arith.constant 48 : index
    %swap3A_62 = tpu.vector_load %arg9[%swap3A_61] {strides = array<i32>} : memref<80xi32, #tpu.memory_space<vmem>>, vector<16xi32>,
    %swap3A_63 = vector.shape_cast %swap3A_62 : vector<16xi32> to vector<16xi32>
    %swap3A_64 = vector.shape_cast %get3A_57 : vector<16xi32> to vector<16xi32>
    tpu.vector_store %arg9[%swap3A_61], %swap3A_64 {strides = array<i32>} : memref<80xi32, #tpu.memory_space<vmem>>, vector<16xi32>,
    %eq3A_65 = arith.cmpi eq, %get3A_57, %get3A_60 : vector<16xi32>
    %jit3A_66 = arith.constant 10000 : i32
    %broadcast_in_dim3A_67 = vector.broadcast %jit3A_66 : i32 to vector<16xi32>
    %select_n3A_68 = arith.select %eq3A_65, %broadcast_in_dim3A_67, %get3A_60 : vector<16xi1>, vector<16xi32>
    %swap3A_69 = arith.constant 48 : index
    %swap3A_70 = tpu.vector_load %arg10[%swap3A_69] {strides = array<i32>} : memref<80xi32, #tpu.memory_space<vmem>>, vector<16xi32>,
    %swap3A_71 = vector.shape_cast %swap3A_70 : vector<16xi32> to vector<16xi32>
    %swap3A_72 = vector.shape_cast %select_n3A_68 : vector<16xi32> to vector<16xi32>
    tpu.vector_store %arg10[%swap3A_69], %swap3A_72 {strides = array<i32>} : memref<80xi32, #tpu.memory_space<vmem>>, vector<16xi32>,
    %get3A_73 = arith.constant 64 : index
    %get3A_74 = tpu.vector_load %arg7[%get3A_73] {strides = array<i32>} : memref<10000xi32, #tpu.memory_space<vmem>>, vector<16xi32>,
    %get3A_75 = vector.shape_cast %get3A_74 : vector<16xi32> to vector<16xi32>
    %get3A_76 = arith.constant 64 : index
    %get3A_77 = tpu.vector_load %arg8[%get3A_76] {strides = array<i32>} : memref<10000xi32, #tpu.memory_space<vmem>>, vector<16xi32>,
    %get3A_78 = vector.shape_cast %get3A_77 : vector<16xi32> to vector<16xi32>
    %swap3A_79 = arith.constant 64 : index
    %swap3A_80 = tpu.vector_load %arg9[%swap3A_79] {strides = array<i32>} : memref<80xi32, #tpu.memory_space<vmem>>, vector<16xi32>,
    %swap3A_81 = vector.shape_cast %swap3A_80 : vector<16xi32> to vector<16xi32>
    %swap3A_82 = vector.shape_cast %get3A_75 : vector<16xi32> to vector<16xi32>
    tpu.vector_store %arg9[%swap3A_79], %swap3A_82 {strides = array<i32>} : memref<80xi32, #tpu.memory_space<vmem>>, vector<16xi32>,
    %eq3A_83 = arith.cmpi eq, %get3A_75, %get3A_78 : vector<16xi32>
    %jit3A_84 = arith.constant 10000 : i32
    %broadcast_in_dim3A_85 = vector.broadcast %jit3A_84 : i32 to vector<16xi32>
    %select_n3A_86 = arith.select %eq3A_83, %broadcast_in_dim3A_85, %get3A_78 : vector<16xi1>, vector<16xi32>
    %swap3A_87 = arith.constant 64 : index
    %swap3A_88 = tpu.vector_load %arg10[%swap3A_87] {strides = array<i32>} : memref<80xi32, #tpu.memory_space<vmem>>, vector<16xi32>,
    %swap3A_89 = vector.shape_cast %swap3A_88 : vector<16xi32> to vector<16xi32>
    %swap3A_90 = vector.shape_cast %select_n3A_86 : vector<16xi32> to vector<16xi32>
    tpu.vector_store %arg10[%swap3A_87], %swap3A_90 {strides = array<i32>} : memref<80xi32, #tpu.memory_space<vmem>>, vector<16xi32>,
    %dma_start3A = arith.constant 0 : i32
    %dma_start3A_91 = arith.constant 0 : i32
    %dma_start3A_92 = tpu.memref_slice %arg2[%dma_start3A, %dma_start3A_91] : memref<10000x128xf32, #tpu.memory_space<hbm>> -> memref<10000x128xf32, #tpu.memory_space<hbm>>
    tpu.enqueue_indirect_dma source(%dma_start3A_92 : memref<10000x128xf32, #tpu.memory_space<hbm>>) target(%arg11 : memref<80x128xf32, #tpu.memory_space<vmem>>) offsets(%arg9 : memref<80xi32, #tpu.memory_space<vmem>>) semaphore(%arg16 : memref<!tpu.dma_semaphore, #tpu.memory_space<semaphore_mem>>)
    %scan3A = arith.constant 0 : i32
    %scan3A_93 = arith.constant 0 : i32
    %scan3A_94 = arith.constant 62 : i32
    %scan3A_95 = arith.addi %scan3A_93, %scan3A_94 : i32
    %scan3A_96 = arith.constant 1 : i32
    scf.for %scan3A_261 = %scan3A_93 to %scan3A_95 step %scan3A_96  : i32 {
      %mul3A_262 = arith.constant 2 : i32
      %mul3A_263 = arith.muli %mul3A_262, %scan3A_261 : i32
      %add3A_264 = arith.constant 1 : i32
      %add3A_265 = arith.addi %mul3A_263, %add3A_264 : i32
      %mul3A_266 = arith.constant 80 : i32
      %mul3A_267 = arith.muli %add3A_265, %mul3A_266 : i32
      %add3A_268 = arith.constant 0 : i32
      %add3A_269 = arith.addi %mul3A_267, %add3A_268 : i32
      %get3A_270 = arith.index_cast %add3A_269 : i32 to index
      %get3A_271 = tpu.vector_load %arg7[%get3A_270] {strides = array<i32>} : memref<10000xi32, #tpu.memory_space<vmem>>, vector<16xi32>,
      %get3A_272 = vector.shape_cast %get3A_271 : vector<16xi32> to vector<16xi32>
      %mul3A_273 = arith.constant 80 : i32
      %mul3A_274 = arith.muli %add3A_265, %mul3A_273 : i32
      %add3A_275 = arith.constant 0 : i32
      %add3A_276 = arith.addi %mul3A_274, %add3A_275 : i32
      %get3A_277 = arith.index_cast %add3A_276 : i32 to index
      %get3A_278 = tpu.vector_load %arg8[%get3A_277] {strides = array<i32>} : memref<10000xi32, #tpu.memory_space<vmem>>, vector<16xi32>,
      %get3A_279 = vector.shape_cast %get3A_278 : vector<16xi32> to vector<16xi32>
      %swap3A_280 = arith.constant 0 : index
      %swap3A_281 = tpu.vector_load %arg12[%swap3A_280] {strides = array<i32>} : memref<80xi32, #tpu.memory_space<vmem>>, vector<16xi32>,
      %swap3A_282 = vector.shape_cast %swap3A_281 : vector<16xi32> to vector<16xi32>
      %swap3A_283 = vector.shape_cast %get3A_272 : vector<16xi32> to vector<16xi32>
      tpu.vector_store %arg12[%swap3A_280], %swap3A_283 {strides = array<i32>} : memref<80xi32, #tpu.memory_space<vmem>>, vector<16xi32>,
      %eq3A_284 = arith.cmpi eq, %get3A_272, %get3A_279 : vector<16xi32>
      %jit3A_285 = arith.constant 10000 : i32
      %broadcast_in_dim3A_286 = vector.broadcast %jit3A_285 : i32 to vector<16xi32>
      %select_n3A_287 = arith.select %eq3A_284, %broadcast_in_dim3A_286, %get3A_279 : vector<16xi1>, vector<16xi32>
      %swap3A_288 = arith.constant 0 : index
      %swap3A_289 = tpu.vector_load %arg13[%swap3A_288] {strides = array<i32>} : memref<80xi32, #tpu.memory_space<vmem>>, vector<16xi32>,
      %swap3A_290 = vector.shape_cast %swap3A_289 : vector<16xi32> to vector<16xi32>
      %swap3A_291 = vector.shape_cast %select_n3A_287 : vector<16xi32> to vector<16xi32>
      tpu.vector_store %arg13[%swap3A_288], %swap3A_291 {strides = array<i32>} : memref<80xi32, #tpu.memory_space<vmem>>, vector<16xi32>,
      %mul3A_292 = arith.constant 80 : i32
      %mul3A_293 = arith.muli %add3A_265, %mul3A_292 : i32
      %add3A_294 = arith.constant 16 : i32
      %add3A_295 = arith.addi %mul3A_293, %add3A_294 : i32
      %get3A_296 = arith.index_cast %add3A_295 : i32 to index
      %get3A_297 = tpu.vector_load %arg7[%get3A_296] {strides = array<i32>} : memref<10000xi32, #tpu.memory_space<vmem>>, vector<16xi32>,
      %get3A_298 = vector.shape_cast %get3A_297 : vector<16xi32> to vector<16xi32>
      %mul3A_299 = arith.constant 80 : i32
      %mul3A_300 = arith.muli %add3A_265, %mul3A_299 : i32
      %add3A_301 = arith.constant 16 : i32
      %add3A_302 = arith.addi %mul3A_300, %add3A_301 : i32
      %get3A_303 = arith.index_cast %add3A_302 : i32 to index
      %get3A_304 = tpu.vector_load %arg8[%get3A_303] {strides = array<i32>} : memref<10000xi32, #tpu.memory_space<vmem>>, vector<16xi32>,
      %get3A_305 = vector.shape_cast %get3A_304 : vector<16xi32> to vector<16xi32>
      %swap3A_306 = arith.constant 16 : index
      %swap3A_307 = tpu.vector_load %arg12[%swap3A_306] {strides = array<i32>} : memref<80xi32, #tpu.memory_space<vmem>>, vector<16xi32>,
      %swap3A_308 = vector.shape_cast %swap3A_307 : vector<16xi32> to vector<16xi32>
      %swap3A_309 = vector.shape_cast %get3A_298 : vector<16xi32> to vector<16xi32>
      tpu.vector_store %arg12[%swap3A_306], %swap3A_309 {strides = array<i32>} : memref<80xi32, #tpu.memory_space<vmem>>, vector<16xi32>,
      %eq3A_310 = arith.cmpi eq, %get3A_298, %get3A_305 : vector<16xi32>
      %jit3A_311 = arith.constant 10000 : i32
      %broadcast_in_dim3A_312 = vector.broadcast %jit3A_311 : i32 to vector<16xi32>
      %select_n3A_313 = arith.select %eq3A_310, %broadcast_in_dim3A_312, %get3A_305 : vector<16xi1>, vector<16xi32>
      %swap3A_314 = arith.constant 16 : index
      %swap3A_315 = tpu.vector_load %arg13[%swap3A_314] {strides = array<i32>} : memref<80xi32, #tpu.memory_space<vmem>>, vector<16xi32>,
      %swap3A_316 = vector.shape_cast %swap3A_315 : vector<16xi32> to vector<16xi32>
      %swap3A_317 = vector.shape_cast %select_n3A_313 : vector<16xi32> to vector<16xi32>
      tpu.vector_store %arg13[%swap3A_314], %swap3A_317 {strides = array<i32>} : memref<80xi32, #tpu.memory_space<vmem>>, vector<16xi32>,
      %mul3A_318 = arith.constant 80 : i32
      %mul3A_319 = arith.muli %add3A_265, %mul3A_318 : i32
      %add3A_320 = arith.constant 32 : i32
      %add3A_321 = arith.addi %mul3A_319, %add3A_320 : i32
      %get3A_322 = arith.index_cast %add3A_321 : i32 to index
      %get3A_323 = tpu.vector_load %arg7[%get3A_322] {strides = array<i32>} : memref<10000xi32, #tpu.memory_space<vmem>>, vector<16xi32>,
      %get3A_324 = vector.shape_cast %get3A_323 : vector<16xi32> to vector<16xi32>
      %mul3A_325 = arith.constant 80 : i32
      %mul3A_326 = arith.muli %add3A_265, %mul3A_325 : i32
      %add3A_327 = arith.constant 32 : i32
      %add3A_328 = arith.addi %mul3A_326, %add3A_327 : i32
      %get3A_329 = arith.index_cast %add3A_328 : i32 to index
      %get3A_330 = tpu.vector_load %arg8[%get3A_329] {strides = array<i32>} : memref<10000xi32, #tpu.memory_space<vmem>>, vector<16xi32>,
      %get3A_331 = vector.shape_cast %get3A_330 : vector<16xi32> to vector<16xi32>
      %swap3A_332 = arith.constant 32 : index
      %swap3A_333 = tpu.vector_load %arg12[%swap3A_332] {strides = array<i32>} : memref<80xi32, #tpu.memory_space<vmem>>, vector<16xi32>,
      %swap3A_334 = vector.shape_cast %swap3A_333 : vector<16xi32> to vector<16xi32>
      %swap3A_335 = vector.shape_cast %get3A_324 : vector<16xi32> to vector<16xi32>
      tpu.vector_store %arg12[%swap3A_332], %swap3A_335 {strides = array<i32>} : memref<80xi32, #tpu.memory_space<vmem>>, vector<16xi32>,
      %eq3A_336 = arith.cmpi eq, %get3A_324, %get3A_331 : vector<16xi32>
      %jit3A_337 = arith.constant 10000 : i32
      %broadcast_in_dim3A_338 = vector.broadcast %jit3A_337 : i32 to vector<16xi32>
      %select_n3A_339 = arith.select %eq3A_336, %broadcast_in_dim3A_338, %get3A_331 : vector<16xi1>, vector<16xi32>
      %swap3A_340 = arith.constant 32 : index
      %swap3A_341 = tpu.vector_load %arg13[%swap3A_340] {strides = array<i32>} : memref<80xi32, #tpu.memory_space<vmem>>, vector<16xi32>,
      %swap3A_342 = vector.shape_cast %swap3A_341 : vector<16xi32> to vector<16xi32>
      %swap3A_343 = vector.shape_cast %select_n3A_339 : vector<16xi32> to vector<16xi32>
      tpu.vector_store %arg13[%swap3A_340], %swap3A_343 {strides = array<i32>} : memref<80xi32, #tpu.memory_space<vmem>>, vector<16xi32>,
      %mul3A_344 = arith.constant 80 : i32
      %mul3A_345 = arith.muli %add3A_265, %mul3A_344 : i32
      %add3A_346 = arith.constant 48 : i32
      %add3A_347 = arith.addi %mul3A_345, %add3A_346 : i32
      %get3A_348 = arith.index_cast %add3A_347 : i32 to index
      %get3A_349 = tpu.vector_load %arg7[%get3A_348] {strides = array<i32>} : memref<10000xi32, #tpu.memory_space<vmem>>, vector<16xi32>,
      %get3A_350 = vector.shape_cast %get3A_349 : vector<16xi32> to vector<16xi32>
      %mul3A_351 = arith.constant 80 : i32
      %mul3A_352 = arith.muli %add3A_265, %mul3A_351 : i32
      %add3A_353 = arith.constant 48 : i32
      %add3A_354 = arith.addi %mul3A_352, %add3A_353 : i32
      %get3A_355 = arith.index_cast %add3A_354 : i32 to index
      %get3A_356 = tpu.vector_load %arg8[%get3A_355] {strides = array<i32>} : memref<10000xi32, #tpu.memory_space<vmem>>, vector<16xi32>,
      %get3A_357 = vector.shape_cast %get3A_356 : vector<16xi32> to vector<16xi32>
      %swap3A_358 = arith.constant 48 : index
      %swap3A_359 = tpu.vector_load %arg12[%swap3A_358] {strides = array<i32>} : memref<80xi32, #tpu.memory_space<vmem>>, vector<16xi32>,
      %swap3A_360 = vector.shape_cast %swap3A_359 : vector<16xi32> to vector<16xi32>
      %swap3A_361 = vector.shape_cast %get3A_350 : vector<16xi32> to vector<16xi32>
      tpu.vector_store %arg12[%swap3A_358], %swap3A_361 {strides = array<i32>} : memref<80xi32, #tpu.memory_space<vmem>>, vector<16xi32>,
      %eq3A_362 = arith.cmpi eq, %get3A_350, %get3A_357 : vector<16xi32>
      %jit3A_363 = arith.constant 10000 : i32
      %broadcast_in_dim3A_364 = vector.broadcast %jit3A_363 : i32 to vector<16xi32>
      %select_n3A_365 = arith.select %eq3A_362, %broadcast_in_dim3A_364, %get3A_357 : vector<16xi1>, vector<16xi32>
      %swap3A_366 = arith.constant 48 : index
      %swap3A_367 = tpu.vector_load %arg13[%swap3A_366] {strides = array<i32>} : memref<80xi32, #tpu.memory_space<vmem>>, vector<16xi32>,
      %swap3A_368 = vector.shape_cast %swap3A_367 : vector<16xi32> to vector<16xi32>
      %swap3A_369 = vector.shape_cast %select_n3A_365 : vector<16xi32> to vector<16xi32>
      tpu.vector_store %arg13[%swap3A_366], %swap3A_369 {strides = array<i32>} : memref<80xi32, #tpu.memory_space<vmem>>, vector<16xi32>,
      %mul3A_370 = arith.constant 80 : i32
      %mul3A_371 = arith.muli %add3A_265, %mul3A_370 : i32
      %add3A_372 = arith.constant 64 : i32
      %add3A_373 = arith.addi %mul3A_371, %add3A_372 : i32
      %get3A_374 = arith.index_cast %add3A_373 : i32 to index
      %get3A_375 = tpu.vector_load %arg7[%get3A_374] {strides = array<i32>} : memref<10000xi32, #tpu.memory_space<vmem>>, vector<16xi32>,
      %get3A_376 = vector.shape_cast %get3A_375 : vector<16xi32> to vector<16xi32>
      %mul3A_377 = arith.constant 80 : i32
      %mul3A_378 = arith.muli %add3A_265, %mul3A_377 : i32
      %add3A_379 = arith.constant 64 : i32
      %add3A_380 = arith.addi %mul3A_378, %add3A_379 : i32
      %get3A_381 = arith.index_cast %add3A_380 : i32 to index
      %get3A_382 = tpu.vector_load %arg8[%get3A_381] {strides = array<i32>} : memref<10000xi32, #tpu.memory_space<vmem>>, vector<16xi32>,
      %get3A_383 = vector.shape_cast %get3A_382 : vector<16xi32> to vector<16xi32>
      %swap3A_384 = arith.constant 64 : index
      %swap3A_385 = tpu.vector_load %arg12[%swap3A_384] {strides = array<i32>} : memref<80xi32, #tpu.memory_space<vmem>>, vector<16xi32>,
      %swap3A_386 = vector.shape_cast %swap3A_385 : vector<16xi32> to vector<16xi32>
      %swap3A_387 = vector.shape_cast %get3A_376 : vector<16xi32> to vector<16xi32>
      tpu.vector_store %arg12[%swap3A_384], %swap3A_387 {strides = array<i32>} : memref<80xi32, #tpu.memory_space<vmem>>, vector<16xi32>,
      %eq3A_388 = arith.cmpi eq, %get3A_376, %get3A_383 : vector<16xi32>
      %jit3A_389 = arith.constant 10000 : i32
      %broadcast_in_dim3A_390 = vector.broadcast %jit3A_389 : i32 to vector<16xi32>
      %select_n3A_391 = arith.select %eq3A_388, %broadcast_in_dim3A_390, %get3A_383 : vector<16xi1>, vector<16xi32>
      %swap3A_392 = arith.constant 64 : index
      %swap3A_393 = tpu.vector_load %arg13[%swap3A_392] {strides = array<i32>} : memref<80xi32, #tpu.memory_space<vmem>>, vector<16xi32>,
      %swap3A_394 = vector.shape_cast %swap3A_393 : vector<16xi32> to vector<16xi32>
      %swap3A_395 = vector.shape_cast %select_n3A_391 : vector<16xi32> to vector<16xi32>
      tpu.vector_store %arg13[%swap3A_392], %swap3A_395 {strides = array<i32>} : memref<80xi32, #tpu.memory_space<vmem>>, vector<16xi32>,
      %dma_start3A_396 = arith.constant 0 : i32
      %dma_start3A_397 = arith.constant 0 : i32
      %dma_start3A_398 = tpu.memref_slice %arg2[%dma_start3A_396, %dma_start3A_397] : memref<10000x128xf32, #tpu.memory_space<hbm>> -> memref<10000x128xf32, #tpu.memory_space<hbm>>
      tpu.enqueue_indirect_dma source(%dma_start3A_398 : memref<10000x128xf32, #tpu.memory_space<hbm>>) target(%arg14 : memref<80x128xf32, #tpu.memory_space<vmem>>) offsets(%arg12 : memref<80xi32, #tpu.memory_space<vmem>>) semaphore(%arg17 : memref<!tpu.dma_semaphore, #tpu.memory_space<semaphore_mem>>)
      %dma_wait3A_399 = arith.constant 0 : i32
      %dma_wait3A_400 = arith.constant 0 : i32
      %dma_wait3A_401 = tpu.memref_slice %arg2[%dma_wait3A_399, %dma_wait3A_400] : memref<10000x128xf32, #tpu.memory_space<hbm>> -> memref<10000x128xf32, #tpu.memory_space<hbm>>
      tpu.wait_indirect_dma semaphore(%arg16 : memref<!tpu.dma_semaphore, #tpu.memory_space<semaphore_mem>>) src(%dma_wait3A_401 : memref<10000x128xf32, #tpu.memory_space<hbm>>) dst(%arg11 : memref<80x128xf32, #tpu.memory_space<vmem>>)
      "tpu.region"() ({
        %run_scoped3A = tpu.sem_alloc : memref<!tpu.dma_semaphore, #tpu.memory_space<semaphore_mem>>
        %dma_start3A_540 = arith.constant 0 : i32
        %dma_start3A_541 = arith.constant 0 : i32
        %dma_start3A_542 = tpu.memref_slice %arg15[%dma_start3A_540, %dma_start3A_541] : memref<10240x128xf32, #tpu.memory_space<vmem_shared>> -> memref<10240x128xf32, #tpu.memory_space<vmem_shared>>
        tpu.enqueue_indirect_dma source(%arg11 : memref<80x128xf32, #tpu.memory_space<vmem>>) target(%dma_start3A_542 : memref<10240x128xf32, #tpu.memory_space<vmem_shared>>) offsets(%arg10 : memref<80xi32, #tpu.memory_space<vmem>>) semaphore(%run_scoped3A : memref<!tpu.dma_semaphore, #tpu.memory_space<semaphore_mem>>) {add = true}
        %dma_wait3A_543 = arith.constant 0 : i32
        %dma_wait3A_544 = arith.constant 0 : i32
        %dma_wait3A_545 = tpu.memref_slice %arg15[%dma_wait3A_543, %dma_wait3A_544] : memref<10240x128xf32, #tpu.memory_space<vmem_shared>> -> memref<10240x128xf32, #tpu.memory_space<vmem_shared>>
        tpu.wait_indirect_dma semaphore(%run_scoped3A : memref<!tpu.dma_semaphore, #tpu.memory_space<semaphore_mem>>) src(%arg11 : memref<80x128xf32, #tpu.memory_space<vmem>>) dst(%dma_wait3A_545 : memref<10240x128xf32, #tpu.memory_space<vmem_shared>>)
        tpu.yield
      }) : () -> ()
      %add3A_402 = arith.constant 2 : i32
      %add3A_403 = arith.addi %mul3A_263, %add3A_402 : i32
      %mul3A_404 = arith.constant 80 : i32
      %mul3A_405 = arith.muli %add3A_403, %mul3A_404 : i32
      %add3A_406 = arith.constant 0 : i32
      %add3A_407 = arith.addi %mul3A_405, %add3A_406 : i32
      %get3A_408 = arith.index_cast %add3A_407 : i32 to index
      %get3A_409 = tpu.vector_load %arg7[%get3A_408] {strides = array<i32>} : memref<10000xi32, #tpu.memory_space<vmem>>, vector<16xi32>,
      %get3A_410 = vector.shape_cast %get3A_409 : vector<16xi32> to vector<16xi32>
      %mul3A_411 = arith.constant 80 : i32
      %mul3A_412 = arith.muli %add3A_403, %mul3A_411 : i32
      %add3A_413 = arith.constant 0 : i32
      %add3A_414 = arith.addi %mul3A_412, %add3A_413 : i32
      %get3A_415 = arith.index_cast %add3A_414 : i32 to index
      %get3A_416 = tpu.vector_load %arg8[%get3A_415] {strides = array<i32>} : memref<10000xi32, #tpu.memory_space<vmem>>, vector<16xi32>,
      %get3A_417 = vector.shape_cast %get3A_416 : vector<16xi32> to vector<16xi32>
      %swap3A_418 = arith.constant 0 : index
      %swap3A_419 = tpu.vector_load %arg9[%swap3A_418] {strides = array<i32>} : memref<80xi32, #tpu.memory_space<vmem>>, vector<16xi32>,
      %swap3A_420 = vector.shape_cast %swap3A_419 : vector<16xi32> to vector<16xi32>
      %swap3A_421 = vector.shape_cast %get3A_410 : vector<16xi32> to vector<16xi32>
      tpu.vector_store %arg9[%swap3A_418], %swap3A_421 {strides = array<i32>} : memref<80xi32, #tpu.memory_space<vmem>>, vector<16xi32>,
      %eq3A_422 = arith.cmpi eq, %get3A_410, %get3A_417 : vector<16xi32>
      %jit3A_423 = arith.constant 10000 : i32
      %broadcast_in_dim3A_424 = vector.broadcast %jit3A_423 : i32 to vector<16xi32>
      %select_n3A_425 = arith.select %eq3A_422, %broadcast_in_dim3A_424, %get3A_417 : vector<16xi1>, vector<16xi32>
      %swap3A_426 = arith.constant 0 : index
      %swap3A_427 = tpu.vector_load %arg10[%swap3A_426] {strides = array<i32>} : memref<80xi32, #tpu.memory_space<vmem>>, vector<16xi32>,
      %swap3A_428 = vector.shape_cast %swap3A_427 : vector<16xi32> to vector<16xi32>
      %swap3A_429 = vector.shape_cast %select_n3A_425 : vector<16xi32> to vector<16xi32>
      tpu.vector_store %arg10[%swap3A_426], %swap3A_429 {strides = array<i32>} : memref<80xi32, #tpu.memory_space<vmem>>, vector<16xi32>,
      %mul3A_430 = arith.constant 80 : i32
      %mul3A_431 = arith.muli %add3A_403, %mul3A_430 : i32
      %add3A_432 = arith.constant 16 : i32
      %add3A_433 = arith.addi %mul3A_431, %add3A_432 : i32
      %get3A_434 = arith.index_cast %add3A_433 : i32 to index
      %get3A_435 = tpu.vector_load %arg7[%get3A_434] {strides = array<i32>} : memref<10000xi32, #tpu.memory_space<vmem>>, vector<16xi32>,
      %get3A_436 = vector.shape_cast %get3A_435 : vector<16xi32> to vector<16xi32>
      %mul3A_437 = arith.constant 80 : i32
      %mul3A_438 = arith.muli %add3A_403, %mul3A_437 : i32
      %add3A_439 = arith.constant 16 : i32
      %add3A_440 = arith.addi %mul3A_438, %add3A_439 : i32
      %get3A_441 = arith.index_cast %add3A_440 : i32 to index
      %get3A_442 = tpu.vector_load %arg8[%get3A_441] {strides = array<i32>} : memref<10000xi32, #tpu.memory_space<vmem>>, vector<16xi32>,
      %get3A_443 = vector.shape_cast %get3A_442 : vector<16xi32> to vector<16xi32>
      %swap3A_444 = arith.constant 16 : index
      %swap3A_445 = tpu.vector_load %arg9[%swap3A_444] {strides = array<i32>} : memref<80xi32, #tpu.memory_space<vmem>>, vector<16xi32>,
      %swap3A_446 = vector.shape_cast %swap3A_445 : vector<16xi32> to vector<16xi32>
      %swap3A_447 = vector.shape_cast %get3A_436 : vector<16xi32> to vector<16xi32>
      tpu.vector_store %arg9[%swap3A_444], %swap3A_447 {strides = array<i32>} : memref<80xi32, #tpu.memory_space<vmem>>, vector<16xi32>,
      %eq3A_448 = arith.cmpi eq, %get3A_436, %get3A_443 : vector<16xi32>
      %jit3A_449 = arith.constant 10000 : i32
      %broadcast_in_dim3A_450 = vector.broadcast %jit3A_449 : i32 to vector<16xi32>
      %select_n3A_451 = arith.select %eq3A_448, %broadcast_in_dim3A_450, %get3A_443 : vector<16xi1>, vector<16xi32>
      %swap3A_452 = arith.constant 16 : index
      %swap3A_453 = tpu.vector_load %arg10[%swap3A_452] {strides = array<i32>} : memref<80xi32, #tpu.memory_space<vmem>>, vector<16xi32>,
      %swap3A_454 = vector.shape_cast %swap3A_453 : vector<16xi32> to vector<16xi32>
      %swap3A_455 = vector.shape_cast %select_n3A_451 : vector<16xi32> to vector<16xi32>
      tpu.vector_store %arg10[%swap3A_452], %swap3A_455 {strides = array<i32>} : memref<80xi32, #tpu.memory_space<vmem>>, vector<16xi32>,
      %mul3A_456 = arith.constant 80 : i32
      %mul3A_457 = arith.muli %add3A_403, %mul3A_456 : i32
      %add3A_458 = arith.constant 32 : i32
      %add3A_459 = arith.addi %mul3A_457, %add3A_458 : i32
      %get3A_460 = arith.index_cast %add3A_459 : i32 to index
      %get3A_461 = tpu.vector_load %arg7[%get3A_460] {strides = array<i32>} : memref<10000xi32, #tpu.memory_space<vmem>>, vector<16xi32>,
      %get3A_462 = vector.shape_cast %get3A_461 : vector<16xi32> to vector<16xi32>
      %mul3A_463 = arith.constant 80 : i32
      %mul3A_464 = arith.muli %add3A_403, %mul3A_463 : i32
      %add3A_465 = arith.constant 32 : i32
      %add3A_466 = arith.addi %mul3A_464, %add3A_465 : i32
      %get3A_467 = arith.index_cast %add3A_466 : i32 to index
      %get3A_468 = tpu.vector_load %arg8[%get3A_467] {strides = array<i32>} : memref<10000xi32, #tpu.memory_space<vmem>>, vector<16xi32>,
      %get3A_469 = vector.shape_cast %get3A_468 : vector<16xi32> to vector<16xi32>
      %swap3A_470 = arith.constant 32 : index
      %swap3A_471 = tpu.vector_load %arg9[%swap3A_470] {strides = array<i32>} : memref<80xi32, #tpu.memory_space<vmem>>, vector<16xi32>,
      %swap3A_472 = vector.shape_cast %swap3A_471 : vector<16xi32> to vector<16xi32>
      %swap3A_473 = vector.shape_cast %get3A_462 : vector<16xi32> to vector<16xi32>
      tpu.vector_store %arg9[%swap3A_470], %swap3A_473 {strides = array<i32>} : memref<80xi32, #tpu.memory_space<vmem>>, vector<16xi32>,
      %eq3A_474 = arith.cmpi eq, %get3A_462, %get3A_469 : vector<16xi32>
      %jit3A_475 = arith.constant 10000 : i32
      %broadcast_in_dim3A_476 = vector.broadcast %jit3A_475 : i32 to vector<16xi32>
      %select_n3A_477 = arith.select %eq3A_474, %broadcast_in_dim3A_476, %get3A_469 : vector<16xi1>, vector<16xi32>
      %swap3A_478 = arith.constant 32 : index
      %swap3A_479 = tpu.vector_load %arg10[%swap3A_478] {strides = array<i32>} : memref<80xi32, #tpu.memory_space<vmem>>, vector<16xi32>,
      %swap3A_480 = vector.shape_cast %swap3A_479 : vector<16xi32> to vector<16xi32>
      %swap3A_481 = vector.shape_cast %select_n3A_477 : vector<16xi32> to vector<16xi32>
      tpu.vector_store %arg10[%swap3A_478], %swap3A_481 {strides = array<i32>} : memref<80xi32, #tpu.memory_space<vmem>>, vector<16xi32>,
      %mul3A_482 = arith.constant 80 : i32
      %mul3A_483 = arith.muli %add3A_403, %mul3A_482 : i32
      %add3A_484 = arith.constant 48 : i32
      %add3A_485 = arith.addi %mul3A_483, %add3A_484 : i32
      %get3A_486 = arith.index_cast %add3A_485 : i32 to index
      %get3A_487 = tpu.vector_load %arg7[%get3A_486] {strides = array<i32>} : memref<10000xi32, #tpu.memory_space<vmem>>, vector<16xi32>,
      %get3A_488 = vector.shape_cast %get3A_487 : vector<16xi32> to vector<16xi32>
      %mul3A_489 = arith.constant 80 : i32
      %mul3A_490 = arith.muli %add3A_403, %mul3A_489 : i32
      %add3A_491 = arith.constant 48 : i32
      %add3A_492 = arith.addi %mul3A_490, %add3A_491 : i32
      %get3A_493 = arith.index_cast %add3A_492 : i32 to index
      %get3A_494 = tpu.vector_load %arg8[%get3A_493] {strides = array<i32>} : memref<10000xi32, #tpu.memory_space<vmem>>, vector<16xi32>,
      %get3A_495 = vector.shape_cast %get3A_494 : vector<16xi32> to vector<16xi32>
      %swap3A_496 = arith.constant 48 : index
      %swap3A_497 = tpu.vector_load %arg9[%swap3A_496] {strides = array<i32>} : memref<80xi32, #tpu.memory_space<vmem>>, vector<16xi32>,
      %swap3A_498 = vector.shape_cast %swap3A_497 : vector<16xi32> to vector<16xi32>
      %swap3A_499 = vector.shape_cast %get3A_488 : vector<16xi32> to vector<16xi32>
      tpu.vector_store %arg9[%swap3A_496], %swap3A_499 {strides = array<i32>} : memref<80xi32, #tpu.memory_space<vmem>>, vector<16xi32>,
      %eq3A_500 = arith.cmpi eq, %get3A_488, %get3A_495 : vector<16xi32>
      %jit3A_501 = arith.constant 10000 : i32
      %broadcast_in_dim3A_502 = vector.broadcast %jit3A_501 : i32 to vector<16xi32>
      %select_n3A_503 = arith.select %eq3A_500, %broadcast_in_dim3A_502, %get3A_495 : vector<16xi1>, vector<16xi32>
      %swap3A_504 = arith.constant 48 : index
      %swap3A_505 = tpu.vector_load %arg10[%swap3A_504] {strides = array<i32>} : memref<80xi32, #tpu.memory_space<vmem>>, vector<16xi32>,
      %swap3A_506 = vector.shape_cast %swap3A_505 : vector<16xi32> to vector<16xi32>
      %swap3A_507 = vector.shape_cast %select_n3A_503 : vector<16xi32> to vector<16xi32>
      tpu.vector_store %arg10[%swap3A_504], %swap3A_507 {strides = array<i32>} : memref<80xi32, #tpu.memory_space<vmem>>, vector<16xi32>,
      %mul3A_508 = arith.constant 80 : i32
      %mul3A_509 = arith.muli %add3A_403, %mul3A_508 : i32
      %add3A_510 = arith.constant 64 : i32
      %add3A_511 = arith.addi %mul3A_509, %add3A_510 : i32
      %get3A_512 = arith.index_cast %add3A_511 : i32 to index
      %get3A_513 = tpu.vector_load %arg7[%get3A_512] {strides = array<i32>} : memref<10000xi32, #tpu.memory_space<vmem>>, vector<16xi32>,
      %get3A_514 = vector.shape_cast %get3A_513 : vector<16xi32> to vector<16xi32>
      %mul3A_515 = arith.constant 80 : i32
      %mul3A_516 = arith.muli %add3A_403, %mul3A_515 : i32
      %add3A_517 = arith.constant 64 : i32
      %add3A_518 = arith.addi %mul3A_516, %add3A_517 : i32
      %get3A_519 = arith.index_cast %add3A_518 : i32 to index
      %get3A_520 = tpu.vector_load %arg8[%get3A_519] {strides = array<i32>} : memref<10000xi32, #tpu.memory_space<vmem>>, vector<16xi32>,
      %get3A_521 = vector.shape_cast %get3A_520 : vector<16xi32> to vector<16xi32>
      %swap3A_522 = arith.constant 64 : index
      %swap3A_523 = tpu.vector_load %arg9[%swap3A_522] {strides = array<i32>} : memref<80xi32, #tpu.memory_space<vmem>>, vector<16xi32>,
      %swap3A_524 = vector.shape_cast %swap3A_523 : vector<16xi32> to vector<16xi32>
      %swap3A_525 = vector.shape_cast %get3A_514 : vector<16xi32> to vector<16xi32>
      tpu.vector_store %arg9[%swap3A_522], %swap3A_525 {strides = array<i32>} : memref<80xi32, #tpu.memory_space<vmem>>, vector<16xi32>,
      %eq3A_526 = arith.cmpi eq, %get3A_514, %get3A_521 : vector<16xi32>
      %jit3A_527 = arith.constant 10000 : i32
      %broadcast_in_dim3A_528 = vector.broadcast %jit3A_527 : i32 to vector<16xi32>
      %select_n3A_529 = arith.select %eq3A_526, %broadcast_in_dim3A_528, %get3A_521 : vector<16xi1>, vector<16xi32>
      %swap3A_530 = arith.constant 64 : index
      %swap3A_531 = tpu.vector_load %arg10[%swap3A_530] {strides = array<i32>} : memref<80xi32, #tpu.memory_space<vmem>>, vector<16xi32>,
      %swap3A_532 = vector.shape_cast %swap3A_531 : vector<16xi32> to vector<16xi32>
      %swap3A_533 = vector.shape_cast %select_n3A_529 : vector<16xi32> to vector<16xi32>
      tpu.vector_store %arg10[%swap3A_530], %swap3A_533 {strides = array<i32>} : memref<80xi32, #tpu.memory_space<vmem>>, vector<16xi32>,
      %dma_start3A_534 = arith.constant 0 : i32
      %dma_start3A_535 = arith.constant 0 : i32
      %dma_start3A_536 = tpu.memref_slice %arg2[%dma_start3A_534, %dma_start3A_535] : memref<10000x128xf32, #tpu.memory_space<hbm>> -> memref<10000x128xf32, #tpu.memory_space<hbm>>
      tpu.enqueue_indirect_dma source(%dma_start3A_536 : memref<10000x128xf32, #tpu.memory_space<hbm>>) target(%arg11 : memref<80x128xf32, #tpu.memory_space<vmem>>) offsets(%arg9 : memref<80xi32, #tpu.memory_space<vmem>>) semaphore(%arg16 : memref<!tpu.dma_semaphore, #tpu.memory_space<semaphore_mem>>)
      %dma_wait3A_537 = arith.constant 0 : i32
      %dma_wait3A_538 = arith.constant 0 : i32
      %dma_wait3A_539 = tpu.memref_slice %arg2[%dma_wait3A_537, %dma_wait3A_538] : memref<10000x128xf32, #tpu.memory_space<hbm>> -> memref<10000x128xf32, #tpu.memory_space<hbm>>
      tpu.wait_indirect_dma semaphore(%arg17 : memref<!tpu.dma_semaphore, #tpu.memory_space<semaphore_mem>>) src(%dma_wait3A_539 : memref<10000x128xf32, #tpu.memory_space<hbm>>) dst(%arg14 : memref<80x128xf32, #tpu.memory_space<vmem>>)
      "tpu.region"() ({
        %run_scoped3A = tpu.sem_alloc : memref<!tpu.dma_semaphore, #tpu.memory_space<semaphore_mem>>
        %dma_start3A_540 = arith.constant 0 : i32
        %dma_start3A_541 = arith.constant 0 : i32
        %dma_start3A_542 = tpu.memref_slice %arg15[%dma_start3A_540, %dma_start3A_541] : memref<10240x128xf32, #tpu.memory_space<vmem_shared>> -> memref<10240x128xf32, #tpu.memory_space<vmem_shared>>
        tpu.enqueue_indirect_dma source(%arg14 : memref<80x128xf32, #tpu.memory_space<vmem>>) target(%dma_start3A_542 : memref<10240x128xf32, #tpu.memory_space<vmem_shared>>) offsets(%arg13 : memref<80xi32, #tpu.memory_space<vmem>>) semaphore(%run_scoped3A : memref<!tpu.dma_semaphore, #tpu.memory_space<semaphore_mem>>) {add = true}
        %dma_wait3A_543 = arith.constant 0 : i32
        %dma_wait3A_544 = arith.constant 0 : i32
        %dma_wait3A_545 = tpu.memref_slice %arg15[%dma_wait3A_543, %dma_wait3A_544] : memref<10240x128xf32, #tpu.memory_space<vmem_shared>> -> memref<10240x128xf32, #tpu.memory_space<vmem_shared>>
        tpu.wait_indirect_dma semaphore(%run_scoped3A : memref<!tpu.dma_semaphore, #tpu.memory_space<semaphore_mem>>) src(%arg14 : memref<80x128xf32, #tpu.memory_space<vmem>>) dst(%dma_wait3A_545 : memref<10240x128xf32, #tpu.memory_space<vmem_shared>>)
        tpu.yield
      }) : () -> ()
    }
    %scan3A_97 = arith.constant 62 : i32
    %dma_wait3A = arith.constant 0 : i32
    %dma_wait3A_98 = arith.constant 0 : i32
    %dma_wait3A_99 = tpu.memref_slice %arg2[%dma_wait3A, %dma_wait3A_98] : memref<10000x128xf32, #tpu.memory_space<hbm>> -> memref<10000x128xf32, #tpu.memory_space<hbm>>
    tpu.wait_indirect_dma semaphore(%arg16 : memref<!tpu.dma_semaphore, #tpu.memory_space<semaphore_mem>>) src(%dma_wait3A_99 : memref<10000x128xf32, #tpu.memory_space<hbm>>) dst(%arg11 : memref<80x128xf32, #tpu.memory_space<vmem>>)
    "tpu.region"() ({
      %run_scoped3A = tpu.sem_alloc : memref<!tpu.dma_semaphore, #tpu.memory_space<semaphore_mem>>
      %dma_start3A_261 = arith.constant 0 : i32
      %dma_start3A_262 = arith.constant 0 : i32
      %dma_start3A_263 = tpu.memref_slice %arg15[%dma_start3A_261, %dma_start3A_262] : memref<10240x128xf32, #tpu.memory_space<vmem_shared>> -> memref<10240x128xf32, #tpu.memory_space<vmem_shared>>
      tpu.enqueue_indirect_dma source(%arg11 : memref<80x128xf32, #tpu.memory_space<vmem>>) target(%dma_start3A_263 : memref<10240x128xf32, #tpu.memory_space<vmem_shared>>) offsets(%arg10 : memref<80xi32, #tpu.memory_space<vmem>>) semaphore(%run_scoped3A : memref<!tpu.dma_semaphore, #tpu.memory_space<semaphore_mem>>) {add = true}
      %dma_wait3A_264 = arith.constant 0 : i32
      %dma_wait3A_265 = arith.constant 0 : i32
      %dma_wait3A_266 = tpu.memref_slice %arg15[%dma_wait3A_264, %dma_wait3A_265] : memref<10240x128xf32, #tpu.memory_space<vmem_shared>> -> memref<10240x128xf32, #tpu.memory_space<vmem_shared>>
      tpu.wait_indirect_dma semaphore(%run_scoped3A : memref<!tpu.dma_semaphore, #tpu.memory_space<semaphore_mem>>) src(%arg11 : memref<80x128xf32, #tpu.memory_space<vmem>>) dst(%dma_wait3A_266 : memref<10240x128xf32, #tpu.memory_space<vmem_shared>>)
      tpu.yield
    }) : () -> ()
    %barrier3A_100 = arith.constant 0 : index
    tpu.barrier barrier_id(%barrier3A_100)
    %mul3A_101 = arith.constant 640 : i32
    %mul3A_102 = arith.muli %arg1, %mul3A_101 : i32
    %add3A_103 = arith.constant 0 : i32
    %add3A_104 = arith.addi %mul3A_102, %add3A_103 : i32
    %mul3A_105 = arith.constant 640 : i32
    %mul3A_106 = arith.muli %arg1, %mul3A_105 : i32
    %add3A_107 = arith.constant 0 : i32
    %add3A_108 = arith.addi %mul3A_106, %add3A_107 : i32
    "tpu.region"() ({
      %run_scoped3A = tpu.sem_alloc : memref<!tpu.dma_semaphore, #tpu.memory_space<semaphore_mem>>
      %dma_start3A_261 = arith.constant 0 : i32
      %dma_start3A_262 = tpu.memref_slice %arg6[%arg0, %add3A_108, %dma_start3A_261] : memref<2x10240x128xf32, #tpu.memory_space<hbm>> -> memref<1x32x128xf32, #tpu.memory_space<hbm>>
      %dma_start3A_263 = tpu.memref_squeeze %dma_start3A_262 : memref<1x32x128xf32, #tpu.memory_space<hbm>> -> memref<32x128xf32, #tpu.memory_space<hbm>>
      %dma_start3A_264 = arith.constant 0 : i32
      %dma_start3A_265 = tpu.memref_slice %arg15[%add3A_104, %dma_start3A_264] : memref<10240x128xf32, #tpu.memory_space<vmem_shared>> -> memref<32x128xf32, #tpu.memory_space<vmem_shared>>
      tpu.enqueue_dma source(%dma_start3A_265 : memref<32x128xf32, #tpu.memory_space<vmem_shared>>) target(%dma_start3A_263 : memref<32x128xf32, #tpu.memory_space<hbm>>) target_semaphore(%run_scoped3A : memref<!tpu.dma_semaphore, #tpu.memory_space<semaphore_mem>>)
      %dma_wait3A_266 = arith.constant 0 : i32
      %dma_wait3A_267 = tpu.memref_slice %arg6[%arg0, %add3A_108, %dma_wait3A_266] : memref<2x10240x128xf32, #tpu.memory_space<hbm>> -> memref<1x32x128xf32, #tpu.memory_space<hbm>>
      %dma_wait3A_268 = tpu.memref_squeeze %dma_wait3A_267 : memref<1x32x128xf32, #tpu.memory_space<hbm>> -> memref<32x128xf32, #tpu.memory_space<hbm>>
      %dma_wait3A_269 = arith.constant 0 : i32
      %dma_wait3A_270 = tpu.memref_slice %arg15[%add3A_104, %dma_wait3A_269] : memref<10240x128xf32, #tpu.memory_space<vmem_shared>> -> memref<32x128xf32, #tpu.memory_space<vmem_shared>>
      tpu.wait_dma2 semaphore(%run_scoped3A : memref<!tpu.dma_semaphore, #tpu.memory_space<semaphore_mem>>) src(%dma_wait3A_270 : memref<32x128xf32, #tpu.memory_space<vmem_shared>>) dst(%dma_wait3A_268 : memref<32x128xf32, #tpu.memory_space<hbm>>)
      tpu.yield
    }) : () -> ()
    %mul3A_109 = arith.constant 640 : i32
    %mul3A_110 = arith.muli %arg1, %mul3A_109 : i32
    %add3A_111 = arith.constant 32 : i32
    %add3A_112 = arith.addi %mul3A_110, %add3A_111 : i32
    %mul3A_113 = arith.constant 640 : i32
    %mul3A_114 = arith.muli %arg1, %mul3A_113 : i32
    %add3A_115 = arith.constant 32 : i32
    %add3A_116 = arith.addi %mul3A_114, %add3A_115 : i32
    "tpu.region"() ({
      %run_scoped3A = tpu.sem_alloc : memref<!tpu.dma_semaphore, #tpu.memory_space<semaphore_mem>>
      %dma_start3A_261 = arith.constant 0 : i32
      %dma_start3A_262 = tpu.memref_slice %arg6[%arg0, %add3A_116, %dma_start3A_261] : memref<2x10240x128xf32, #tpu.memory_space<hbm>> -> memref<1x32x128xf32, #tpu.memory_space<hbm>>
      %dma_start3A_263 = tpu.memref_squeeze %dma_start3A_262 : memref<1x32x128xf32, #tpu.memory_space<hbm>> -> memref<32x128xf32, #tpu.memory_space<hbm>>
      %dma_start3A_264 = arith.constant 0 : i32
      %dma_start3A_265 = tpu.memref_slice %arg15[%add3A_112, %dma_start3A_264] : memref<10240x128xf32, #tpu.memory_space<vmem_shared>> -> memref<32x128xf32, #tpu.memory_space<vmem_shared>>
      tpu.enqueue_dma source(%dma_start3A_265 : memref<32x128xf32, #tpu.memory_space<vmem_shared>>) target(%dma_start3A_263 : memref<32x128xf32, #tpu.memory_space<hbm>>) target_semaphore(%run_scoped3A : memref<!tpu.dma_semaphore, #tpu.memory_space<semaphore_mem>>)
      %dma_wait3A_266 = arith.constant 0 : i32
      %dma_wait3A_267 = tpu.memref_slice %arg6[%arg0, %add3A_116, %dma_wait3A_266] : memref<2x10240x128xf32, #tpu.memory_space<hbm>> -> memref<1x32x128xf32, #tpu.memory_space<hbm>>
      %dma_wait3A_268 = tpu.memref_squeeze %dma_wait3A_267 : memref<1x32x128xf32, #tpu.memory_space<hbm>> -> memref<32x128xf32, #tpu.memory_space<hbm>>
      %dma_wait3A_269 = arith.constant 0 : i32
      %dma_wait3A_270 = tpu.memref_slice %arg15[%add3A_112, %dma_wait3A_269] : memref<10240x128xf32, #tpu.memory_space<vmem_shared>> -> memref<32x128xf32, #tpu.memory_space<vmem_shared>>
      tpu.wait_dma2 semaphore(%run_scoped3A : memref<!tpu.dma_semaphore, #tpu.memory_space<semaphore_mem>>) src(%dma_wait3A_270 : memref<32x128xf32, #tpu.memory_space<vmem_shared>>) dst(%dma_wait3A_268 : memref<32x128xf32, #tpu.memory_space<hbm>>)
      tpu.yield
    }) : () -> ()
    %mul3A_117 = arith.constant 640 : i32
    %mul3A_118 = arith.muli %arg1, %mul3A_117 : i32
    %add3A_119 = arith.constant 64 : i32
    %add3A_120 = arith.addi %mul3A_118, %add3A_119 : i32
    %mul3A_121 = arith.constant 640 : i32
    %mul3A_122 = arith.muli %arg1, %mul3A_121 : i32
    %add3A_123 = arith.constant 64 : i32
    %add3A_124 = arith.addi %mul3A_122, %add3A_123 : i32
    "tpu.region"() ({
      %run_scoped3A = tpu.sem_alloc : memref<!tpu.dma_semaphore, #tpu.memory_space<semaphore_mem>>
      %dma_start3A_261 = arith.constant 0 : i32
      %dma_start3A_262 = tpu.memref_slice %arg6[%arg0, %add3A_124, %dma_start3A_261] : memref<2x10240x128xf32, #tpu.memory_space<hbm>> -> memref<1x32x128xf32, #tpu.memory_space<hbm>>
      %dma_start3A_263 = tpu.memref_squeeze %dma_start3A_262 : memref<1x32x128xf32, #tpu.memory_space<hbm>> -> memref<32x128xf32, #tpu.memory_space<hbm>>
      %dma_start3A_264 = arith.constant 0 : i32
      %dma_start3A_265 = tpu.memref_slice %arg15[%add3A_120, %dma_start3A_264] : memref<10240x128xf32, #tpu.memory_space<vmem_shared>> -> memref<32x128xf32, #tpu.memory_space<vmem_shared>>
      tpu.enqueue_dma source(%dma_start3A_265 : memref<32x128xf32, #tpu.memory_space<vmem_shared>>) target(%dma_start3A_263 : memref<32x128xf32, #tpu.memory_space<hbm>>) target_semaphore(%run_scoped3A : memref<!tpu.dma_semaphore, #tpu.memory_space<semaphore_mem>>)
      %dma_wait3A_266 = arith.constant 0 : i32
      %dma_wait3A_267 = tpu.memref_slice %arg6[%arg0, %add3A_124, %dma_wait3A_266] : memref<2x10240x128xf32, #tpu.memory_space<hbm>> -> memref<1x32x128xf32, #tpu.memory_space<hbm>>
      %dma_wait3A_268 = tpu.memref_squeeze %dma_wait3A_267 : memref<1x32x128xf32, #tpu.memory_space<hbm>> -> memref<32x128xf32, #tpu.memory_space<hbm>>
      %dma_wait3A_269 = arith.constant 0 : i32
      %dma_wait3A_270 = tpu.memref_slice %arg15[%add3A_120, %dma_wait3A_269] : memref<10240x128xf32, #tpu.memory_space<vmem_shared>> -> memref<32x128xf32, #tpu.memory_space<vmem_shared>>
      tpu.wait_dma2 semaphore(%run_scoped3A : memref<!tpu.dma_semaphore, #tpu.memory_space<semaphore_mem>>) src(%dma_wait3A_270 : memref<32x128xf32, #tpu.memory_space<vmem_shared>>) dst(%dma_wait3A_268 : memref<32x128xf32, #tpu.memory_space<hbm>>)
      tpu.yield
    }) : () -> ()
    %mul3A_125 = arith.constant 640 : i32
    %mul3A_126 = arith.muli %arg1, %mul3A_125 : i32
    %add3A_127 = arith.constant 96 : i32
    %add3A_128 = arith.addi %mul3A_126, %add3A_127 : i32
    %mul3A_129 = arith.constant 640 : i32
    %mul3A_130 = arith.muli %arg1, %mul3A_129 : i32
    %add3A_131 = arith.constant 96 : i32
    %add3A_132 = arith.addi %mul3A_130, %add3A_131 : i32
    "tpu.region"() ({
      %run_scoped3A = tpu.sem_alloc : memref<!tpu.dma_semaphore, #tpu.memory_space<semaphore_mem>>
      %dma_start3A_261 = arith.constant 0 : i32
      %dma_start3A_262 = tpu.memref_slice %arg6[%arg0, %add3A_132, %dma_start3A_261] : memref<2x10240x128xf32, #tpu.memory_space<hbm>> -> memref<1x32x128xf32, #tpu.memory_space<hbm>>
      %dma_start3A_263 = tpu.memref_squeeze %dma_start3A_262 : memref<1x32x128xf32, #tpu.memory_space<hbm>> -> memref<32x128xf32, #tpu.memory_space<hbm>>
      %dma_start3A_264 = arith.constant 0 : i32
      %dma_start3A_265 = tpu.memref_slice %arg15[%add3A_128, %dma_start3A_264] : memref<10240x128xf32, #tpu.memory_space<vmem_shared>> -> memref<32x128xf32, #tpu.memory_space<vmem_shared>>
      tpu.enqueue_dma source(%dma_start3A_265 : memref<32x128xf32, #tpu.memory_space<vmem_shared>>) target(%dma_start3A_263 : memref<32x128xf32, #tpu.memory_space<hbm>>) target_semaphore(%run_scoped3A : memref<!tpu.dma_semaphore, #tpu.memory_space<semaphore_mem>>)
      %dma_wait3A_266 = arith.constant 0 : i32
      %dma_wait3A_267 = tpu.memref_slice %arg6[%arg0, %add3A_132, %dma_wait3A_266] : memref<2x10240x128xf32, #tpu.memory_space<hbm>> -> memref<1x32x128xf32, #tpu.memory_space<hbm>>
      %dma_wait3A_268 = tpu.memref_squeeze %dma_wait3A_267 : memref<1x32x128xf32, #tpu.memory_space<hbm>> -> memref<32x128xf32, #tpu.memory_space<hbm>>
      %dma_wait3A_269 = arith.constant 0 : i32
      %dma_wait3A_270 = tpu.memref_slice %arg15[%add3A_128, %dma_wait3A_269] : memref<10240x128xf32, #tpu.memory_space<vmem_shared>> -> memref<32x128xf32, #tpu.memory_space<vmem_shared>>
      tpu.wait_dma2 semaphore(%run_scoped3A : memref<!tpu.dma_semaphore, #tpu.memory_space<semaphore_mem>>) src(%dma_wait3A_270 : memref<32x128xf32, #tpu.memory_space<vmem_shared>>) dst(%dma_wait3A_268 : memref<32x128xf32, #tpu.memory_space<hbm>>)
      tpu.yield
    }) : () -> ()
    %mul3A_133 = arith.constant 640 : i32
    %mul3A_134 = arith.muli %arg1, %mul3A_133 : i32
    %add3A_135 = arith.constant 128 : i32
    %add3A_136 = arith.addi %mul3A_134, %add3A_135 : i32
    %mul3A_137 = arith.constant 640 : i32
    %mul3A_138 = arith.muli %arg1, %mul3A_137 : i32
    %add3A_139 = arith.constant 128 : i32
    %add3A_140 = arith.addi %mul3A_138, %add3A_139 : i32
    "tpu.region"() ({
      %run_scoped3A = tpu.sem_alloc : memref<!tpu.dma_semaphore, #tpu.memory_space<semaphore_mem>>
      %dma_start3A_261 = arith.constant 0 : i32
      %dma_start3A_262 = tpu.memref_slice %arg6[%arg0, %add3A_140, %dma_start3A_261] : memref<2x10240x128xf32, #tpu.memory_space<hbm>> -> memref<1x32x128xf32, #tpu.memory_space<hbm>>
      %dma_start3A_263 = tpu.memref_squeeze %dma_start3A_262 : memref<1x32x128xf32, #tpu.memory_space<hbm>> -> memref<32x128xf32, #tpu.memory_space<hbm>>
      %dma_start3A_264 = arith.constant 0 : i32
      %dma_start3A_265 = tpu.memref_slice %arg15[%add3A_136, %dma_start3A_264] : memref<10240x128xf32, #tpu.memory_space<vmem_shared>> -> memref<32x128xf32, #tpu.memory_space<vmem_shared>>
      tpu.enqueue_dma source(%dma_start3A_265 : memref<32x128xf32, #tpu.memory_space<vmem_shared>>) target(%dma_start3A_263 : memref<32x128xf32, #tpu.memory_space<hbm>>) target_semaphore(%run_scoped3A : memref<!tpu.dma_semaphore, #tpu.memory_space<semaphore_mem>>)
      %dma_wait3A_266 = arith.constant 0 : i32
      %dma_wait3A_267 = tpu.memref_slice %arg6[%arg0, %add3A_140, %dma_wait3A_266] : memref<2x10240x128xf32, #tpu.memory_space<hbm>> -> memref<1x32x128xf32, #tpu.memory_space<hbm>>
      %dma_wait3A_268 = tpu.memref_squeeze %dma_wait3A_267 : memref<1x32x128xf32, #tpu.memory_space<hbm>> -> memref<32x128xf32, #tpu.memory_space<hbm>>
      %dma_wait3A_269 = arith.constant 0 : i32
      %dma_wait3A_270 = tpu.memref_slice %arg15[%add3A_136, %dma_wait3A_269] : memref<10240x128xf32, #tpu.memory_space<vmem_shared>> -> memref<32x128xf32, #tpu.memory_space<vmem_shared>>
      tpu.wait_dma2 semaphore(%run_scoped3A : memref<!tpu.dma_semaphore, #tpu.memory_space<semaphore_mem>>) src(%dma_wait3A_270 : memref<32x128xf32, #tpu.memory_space<vmem_shared>>) dst(%dma_wait3A_268 : memref<32x128xf32, #tpu.memory_space<hbm>>)
      tpu.yield
    }) : () -> ()
    %mul3A_141 = arith.constant 640 : i32
    %mul3A_142 = arith.muli %arg1, %mul3A_141 : i32
    %add3A_143 = arith.constant 160 : i32
    %add3A_144 = arith.addi %mul3A_142, %add3A_143 : i32
    %mul3A_145 = arith.constant 640 : i32
    %mul3A_146 = arith.muli %arg1, %mul3A_145 : i32
    %add3A_147 = arith.constant 160 : i32
    %add3A_148 = arith.addi %mul3A_146, %add3A_147 : i32
    "tpu.region"() ({
      %run_scoped3A = tpu.sem_alloc : memref<!tpu.dma_semaphore, #tpu.memory_space<semaphore_mem>>
      %dma_start3A_261 = arith.constant 0 : i32
      %dma_start3A_262 = tpu.memref_slice %arg6[%arg0, %add3A_148, %dma_start3A_261] : memref<2x10240x128xf32, #tpu.memory_space<hbm>> -> memref<1x32x128xf32, #tpu.memory_space<hbm>>
      %dma_start3A_263 = tpu.memref_squeeze %dma_start3A_262 : memref<1x32x128xf32, #tpu.memory_space<hbm>> -> memref<32x128xf32, #tpu.memory_space<hbm>>
      %dma_start3A_264 = arith.constant 0 : i32
      %dma_start3A_265 = tpu.memref_slice %arg15[%add3A_144, %dma_start3A_264] : memref<10240x128xf32, #tpu.memory_space<vmem_shared>> -> memref<32x128xf32, #tpu.memory_space<vmem_shared>>
      tpu.enqueue_dma source(%dma_start3A_265 : memref<32x128xf32, #tpu.memory_space<vmem_shared>>) target(%dma_start3A_263 : memref<32x128xf32, #tpu.memory_space<hbm>>) target_semaphore(%run_scoped3A : memref<!tpu.dma_semaphore, #tpu.memory_space<semaphore_mem>>)
      %dma_wait3A_266 = arith.constant 0 : i32
      %dma_wait3A_267 = tpu.memref_slice %arg6[%arg0, %add3A_148, %dma_wait3A_266] : memref<2x10240x128xf32, #tpu.memory_space<hbm>> -> memref<1x32x128xf32, #tpu.memory_space<hbm>>
      %dma_wait3A_268 = tpu.memref_squeeze %dma_wait3A_267 : memref<1x32x128xf32, #tpu.memory_space<hbm>> -> memref<32x128xf32, #tpu.memory_space<hbm>>
      %dma_wait3A_269 = arith.constant 0 : i32
      %dma_wait3A_270 = tpu.memref_slice %arg15[%add3A_144, %dma_wait3A_269] : memref<10240x128xf32, #tpu.memory_space<vmem_shared>> -> memref<32x128xf32, #tpu.memory_space<vmem_shared>>
      tpu.wait_dma2 semaphore(%run_scoped3A : memref<!tpu.dma_semaphore, #tpu.memory_space<semaphore_mem>>) src(%dma_wait3A_270 : memref<32x128xf32, #tpu.memory_space<vmem_shared>>) dst(%dma_wait3A_268 : memref<32x128xf32, #tpu.memory_space<hbm>>)
      tpu.yield
    }) : () -> ()
    %mul3A_149 = arith.constant 640 : i32
    %mul3A_150 = arith.muli %arg1, %mul3A_149 : i32
    %add3A_151 = arith.constant 192 : i32
    %add3A_152 = arith.addi %mul3A_150, %add3A_151 : i32
    %mul3A_153 = arith.constant 640 : i32
    %mul3A_154 = arith.muli %arg1, %mul3A_153 : i32
    %add3A_155 = arith.constant 192 : i32
    %add3A_156 = arith.addi %mul3A_154, %add3A_155 : i32
    "tpu.region"() ({
      %run_scoped3A = tpu.sem_alloc : memref<!tpu.dma_semaphore, #tpu.memory_space<semaphore_mem>>
      %dma_start3A_261 = arith.constant 0 : i32
      %dma_start3A_262 = tpu.memref_slice %arg6[%arg0, %add3A_156, %dma_start3A_261] : memref<2x10240x128xf32, #tpu.memory_space<hbm>> -> memref<1x32x128xf32, #tpu.memory_space<hbm>>
      %dma_start3A_263 = tpu.memref_squeeze %dma_start3A_262 : memref<1x32x128xf32, #tpu.memory_space<hbm>> -> memref<32x128xf32, #tpu.memory_space<hbm>>
      %dma_start3A_264 = arith.constant 0 : i32
      %dma_start3A_265 = tpu.memref_slice %arg15[%add3A_152, %dma_start3A_264] : memref<10240x128xf32, #tpu.memory_space<vmem_shared>> -> memref<32x128xf32, #tpu.memory_space<vmem_shared>>
      tpu.enqueue_dma source(%dma_start3A_265 : memref<32x128xf32, #tpu.memory_space<vmem_shared>>) target(%dma_start3A_263 : memref<32x128xf32, #tpu.memory_space<hbm>>) target_semaphore(%run_scoped3A : memref<!tpu.dma_semaphore, #tpu.memory_space<semaphore_mem>>)
      %dma_wait3A_266 = arith.constant 0 : i32
      %dma_wait3A_267 = tpu.memref_slice %arg6[%arg0, %add3A_156, %dma_wait3A_266] : memref<2x10240x128xf32, #tpu.memory_space<hbm>> -> memref<1x32x128xf32, #tpu.memory_space<hbm>>
      %dma_wait3A_268 = tpu.memref_squeeze %dma_wait3A_267 : memref<1x32x128xf32, #tpu.memory_space<hbm>> -> memref<32x128xf32, #tpu.memory_space<hbm>>
      %dma_wait3A_269 = arith.constant 0 : i32
      %dma_wait3A_270 = tpu.memref_slice %arg15[%add3A_152, %dma_wait3A_269] : memref<10240x128xf32, #tpu.memory_space<vmem_shared>> -> memref<32x128xf32, #tpu.memory_space<vmem_shared>>
      tpu.wait_dma2 semaphore(%run_scoped3A : memref<!tpu.dma_semaphore, #tpu.memory_space<semaphore_mem>>) src(%dma_wait3A_270 : memref<32x128xf32, #tpu.memory_space<vmem_shared>>) dst(%dma_wait3A_268 : memref<32x128xf32, #tpu.memory_space<hbm>>)
      tpu.yield
    }) : () -> ()
    %mul3A_157 = arith.constant 640 : i32
    %mul3A_158 = arith.muli %arg1, %mul3A_157 : i32
    %add3A_159 = arith.constant 224 : i32
    %add3A_160 = arith.addi %mul3A_158, %add3A_159 : i32
    %mul3A_161 = arith.constant 640 : i32
    %mul3A_162 = arith.muli %arg1, %mul3A_161 : i32
    %add3A_163 = arith.constant 224 : i32
    %add3A_164 = arith.addi %mul3A_162, %add3A_163 : i32
    "tpu.region"() ({
      %run_scoped3A = tpu.sem_alloc : memref<!tpu.dma_semaphore, #tpu.memory_space<semaphore_mem>>
      %dma_start3A_261 = arith.constant 0 : i32
      %dma_start3A_262 = tpu.memref_slice %arg6[%arg0, %add3A_164, %dma_start3A_261] : memref<2x10240x128xf32, #tpu.memory_space<hbm>> -> memref<1x32x128xf32, #tpu.memory_space<hbm>>
      %dma_start3A_263 = tpu.memref_squeeze %dma_start3A_262 : memref<1x32x128xf32, #tpu.memory_space<hbm>> -> memref<32x128xf32, #tpu.memory_space<hbm>>
      %dma_start3A_264 = arith.constant 0 : i32
      %dma_start3A_265 = tpu.memref_slice %arg15[%add3A_160, %dma_start3A_264] : memref<10240x128xf32, #tpu.memory_space<vmem_shared>> -> memref<32x128xf32, #tpu.memory_space<vmem_shared>>
      tpu.enqueue_dma source(%dma_start3A_265 : memref<32x128xf32, #tpu.memory_space<vmem_shared>>) target(%dma_start3A_263 : memref<32x128xf32, #tpu.memory_space<hbm>>) target_semaphore(%run_scoped3A : memref<!tpu.dma_semaphore, #tpu.memory_space<semaphore_mem>>)
      %dma_wait3A_266 = arith.constant 0 : i32
      %dma_wait3A_267 = tpu.memref_slice %arg6[%arg0, %add3A_164, %dma_wait3A_266] : memref<2x10240x128xf32, #tpu.memory_space<hbm>> -> memref<1x32x128xf32, #tpu.memory_space<hbm>>
      %dma_wait3A_268 = tpu.memref_squeeze %dma_wait3A_267 : memref<1x32x128xf32, #tpu.memory_space<hbm>> -> memref<32x128xf32, #tpu.memory_space<hbm>>
      %dma_wait3A_269 = arith.constant 0 : i32
      %dma_wait3A_270 = tpu.memref_slice %arg15[%add3A_160, %dma_wait3A_269] : memref<10240x128xf32, #tpu.memory_space<vmem_shared>> -> memref<32x128xf32, #tpu.memory_space<vmem_shared>>
      tpu.wait_dma2 semaphore(%run_scoped3A : memref<!tpu.dma_semaphore, #tpu.memory_space<semaphore_mem>>) src(%dma_wait3A_270 : memref<32x128xf32, #tpu.memory_space<vmem_shared>>) dst(%dma_wait3A_268 : memref<32x128xf32, #tpu.memory_space<hbm>>)
      tpu.yield
    }) : () -> ()
    %mul3A_165 = arith.constant 640 : i32
    %mul3A_166 = arith.muli %arg1, %mul3A_165 : i32
    %add3A_167 = arith.constant 256 : i32
    %add3A_168 = arith.addi %mul3A_166, %add3A_167 : i32
    %mul3A_169 = arith.constant 640 : i32
    %mul3A_170 = arith.muli %arg1, %mul3A_169 : i32
    %add3A_171 = arith.constant 256 : i32
    %add3A_172 = arith.addi %mul3A_170, %add3A_171 : i32
    "tpu.region"() ({
      %run_scoped3A = tpu.sem_alloc : memref<!tpu.dma_semaphore, #tpu.memory_space<semaphore_mem>>
      %dma_start3A_261 = arith.constant 0 : i32
      %dma_start3A_262 = tpu.memref_slice %arg6[%arg0, %add3A_172, %dma_start3A_261] : memref<2x10240x128xf32, #tpu.memory_space<hbm>> -> memref<1x32x128xf32, #tpu.memory_space<hbm>>
      %dma_start3A_263 = tpu.memref_squeeze %dma_start3A_262 : memref<1x32x128xf32, #tpu.memory_space<hbm>> -> memref<32x128xf32, #tpu.memory_space<hbm>>
      %dma_start3A_264 = arith.constant 0 : i32
      %dma_start3A_265 = tpu.memref_slice %arg15[%add3A_168, %dma_start3A_264] : memref<10240x128xf32, #tpu.memory_space<vmem_shared>> -> memref<32x128xf32, #tpu.memory_space<vmem_shared>>
      tpu.enqueue_dma source(%dma_start3A_265 : memref<32x128xf32, #tpu.memory_space<vmem_shared>>) target(%dma_start3A_263 : memref<32x128xf32, #tpu.memory_space<hbm>>) target_semaphore(%run_scoped3A : memref<!tpu.dma_semaphore, #tpu.memory_space<semaphore_mem>>)
      %dma_wait3A_266 = arith.constant 0 : i32
      %dma_wait3A_267 = tpu.memref_slice %arg6[%arg0, %add3A_172, %dma_wait3A_266] : memref<2x10240x128xf32, #tpu.memory_space<hbm>> -> memref<1x32x128xf32, #tpu.memory_space<hbm>>
      %dma_wait3A_268 = tpu.memref_squeeze %dma_wait3A_267 : memref<1x32x128xf32, #tpu.memory_space<hbm>> -> memref<32x128xf32, #tpu.memory_space<hbm>>
      %dma_wait3A_269 = arith.constant 0 : i32
      %dma_wait3A_270 = tpu.memref_slice %arg15[%add3A_168, %dma_wait3A_269] : memref<10240x128xf32, #tpu.memory_space<vmem_shared>> -> memref<32x128xf32, #tpu.memory_space<vmem_shared>>
      tpu.wait_dma2 semaphore(%run_scoped3A : memref<!tpu.dma_semaphore, #tpu.memory_space<semaphore_mem>>) src(%dma_wait3A_270 : memref<32x128xf32, #tpu.memory_space<vmem_shared>>) dst(%dma_wait3A_268 : memref<32x128xf32, #tpu.memory_space<hbm>>)
      tpu.yield
    }) : () -> ()
    %mul3A_173 = arith.constant 640 : i32
    %mul3A_174 = arith.muli %arg1, %mul3A_173 : i32
    %add3A_175 = arith.constant 288 : i32
    %add3A_176 = arith.addi %mul3A_174, %add3A_175 : i32
    %mul3A_177 = arith.constant 640 : i32
    %mul3A_178 = arith.muli %arg1, %mul3A_177 : i32
    %add3A_179 = arith.constant 288 : i32
    %add3A_180 = arith.addi %mul3A_178, %add3A_179 : i32
    "tpu.region"() ({
      %run_scoped3A = tpu.sem_alloc : memref<!tpu.dma_semaphore, #tpu.memory_space<semaphore_mem>>
      %dma_start3A_261 = arith.constant 0 : i32
      %dma_start3A_262 = tpu.memref_slice %arg6[%arg0, %add3A_180, %dma_start3A_261] : memref<2x10240x128xf32, #tpu.memory_space<hbm>> -> memref<1x32x128xf32, #tpu.memory_space<hbm>>
      %dma_start3A_263 = tpu.memref_squeeze %dma_start3A_262 : memref<1x32x128xf32, #tpu.memory_space<hbm>> -> memref<32x128xf32, #tpu.memory_space<hbm>>
      %dma_start3A_264 = arith.constant 0 : i32
      %dma_start3A_265 = tpu.memref_slice %arg15[%add3A_176, %dma_start3A_264] : memref<10240x128xf32, #tpu.memory_space<vmem_shared>> -> memref<32x128xf32, #tpu.memory_space<vmem_shared>>
      tpu.enqueue_dma source(%dma_start3A_265 : memref<32x128xf32, #tpu.memory_space<vmem_shared>>) target(%dma_start3A_263 : memref<32x128xf32, #tpu.memory_space<hbm>>) target_semaphore(%run_scoped3A : memref<!tpu.dma_semaphore, #tpu.memory_space<semaphore_mem>>)
      %dma_wait3A_266 = arith.constant 0 : i32
      %dma_wait3A_267 = tpu.memref_slice %arg6[%arg0, %add3A_180, %dma_wait3A_266] : memref<2x10240x128xf32, #tpu.memory_space<hbm>> -> memref<1x32x128xf32, #tpu.memory_space<hbm>>
      %dma_wait3A_268 = tpu.memref_squeeze %dma_wait3A_267 : memref<1x32x128xf32, #tpu.memory_space<hbm>> -> memref<32x128xf32, #tpu.memory_space<hbm>>
      %dma_wait3A_269 = arith.constant 0 : i32
      %dma_wait3A_270 = tpu.memref_slice %arg15[%add3A_176, %dma_wait3A_269] : memref<10240x128xf32, #tpu.memory_space<vmem_shared>> -> memref<32x128xf32, #tpu.memory_space<vmem_shared>>
      tpu.wait_dma2 semaphore(%run_scoped3A : memref<!tpu.dma_semaphore, #tpu.memory_space<semaphore_mem>>) src(%dma_wait3A_270 : memref<32x128xf32, #tpu.memory_space<vmem_shared>>) dst(%dma_wait3A_268 : memref<32x128xf32, #tpu.memory_space<hbm>>)
      tpu.yield
    }) : () -> ()
    %mul3A_181 = arith.constant 640 : i32
    %mul3A_182 = arith.muli %arg1, %mul3A_181 : i32
    %add3A_183 = arith.constant 320 : i32
    %add3A_184 = arith.addi %mul3A_182, %add3A_183 : i32
    %mul3A_185 = arith.constant 640 : i32
    %mul3A_186 = arith.muli %arg1, %mul3A_185 : i32
    %add3A_187 = arith.constant 320 : i32
    %add3A_188 = arith.addi %mul3A_186, %add3A_187 : i32
    "tpu.region"() ({
      %run_scoped3A = tpu.sem_alloc : memref<!tpu.dma_semaphore, #tpu.memory_space<semaphore_mem>>
      %dma_start3A_261 = arith.constant 0 : i32
      %dma_start3A_262 = tpu.memref_slice %arg6[%arg0, %add3A_188, %dma_start3A_261] : memref<2x10240x128xf32, #tpu.memory_space<hbm>> -> memref<1x32x128xf32, #tpu.memory_space<hbm>>
      %dma_start3A_263 = tpu.memref_squeeze %dma_start3A_262 : memref<1x32x128xf32, #tpu.memory_space<hbm>> -> memref<32x128xf32, #tpu.memory_space<hbm>>
      %dma_start3A_264 = arith.constant 0 : i32
      %dma_start3A_265 = tpu.memref_slice %arg15[%add3A_184, %dma_start3A_264] : memref<10240x128xf32, #tpu.memory_space<vmem_shared>> -> memref<32x128xf32, #tpu.memory_space<vmem_shared>>
      tpu.enqueue_dma source(%dma_start3A_265 : memref<32x128xf32, #tpu.memory_space<vmem_shared>>) target(%dma_start3A_263 : memref<32x128xf32, #tpu.memory_space<hbm>>) target_semaphore(%run_scoped3A : memref<!tpu.dma_semaphore, #tpu.memory_space<semaphore_mem>>)
      %dma_wait3A_266 = arith.constant 0 : i32
      %dma_wait3A_267 = tpu.memref_slice %arg6[%arg0, %add3A_188, %dma_wait3A_266] : memref<2x10240x128xf32, #tpu.memory_space<hbm>> -> memref<1x32x128xf32, #tpu.memory_space<hbm>>
      %dma_wait3A_268 = tpu.memref_squeeze %dma_wait3A_267 : memref<1x32x128xf32, #tpu.memory_space<hbm>> -> memref<32x128xf32, #tpu.memory_space<hbm>>
      %dma_wait3A_269 = arith.constant 0 : i32
      %dma_wait3A_270 = tpu.memref_slice %arg15[%add3A_184, %dma_wait3A_269] : memref<10240x128xf32, #tpu.memory_space<vmem_shared>> -> memref<32x128xf32, #tpu.memory_space<vmem_shared>>
      tpu.wait_dma2 semaphore(%run_scoped3A : memref<!tpu.dma_semaphore, #tpu.memory_space<semaphore_mem>>) src(%dma_wait3A_270 : memref<32x128xf32, #tpu.memory_space<vmem_shared>>) dst(%dma_wait3A_268 : memref<32x128xf32, #tpu.memory_space<hbm>>)
      tpu.yield
    }) : () -> ()
    %mul3A_189 = arith.constant 640 : i32
    %mul3A_190 = arith.muli %arg1, %mul3A_189 : i32
    %add3A_191 = arith.constant 352 : i32
    %add3A_192 = arith.addi %mul3A_190, %add3A_191 : i32
    %mul3A_193 = arith.constant 640 : i32
    %mul3A_194 = arith.muli %arg1, %mul3A_193 : i32
    %add3A_195 = arith.constant 352 : i32
    %add3A_196 = arith.addi %mul3A_194, %add3A_195 : i32
    "tpu.region"() ({
      %run_scoped3A = tpu.sem_alloc : memref<!tpu.dma_semaphore, #tpu.memory_space<semaphore_mem>>
      %dma_start3A_261 = arith.constant 0 : i32
      %dma_start3A_262 = tpu.memref_slice %arg6[%arg0, %add3A_196, %dma_start3A_261] : memref<2x10240x128xf32, #tpu.memory_space<hbm>> -> memref<1x32x128xf32, #tpu.memory_space<hbm>>
      %dma_start3A_263 = tpu.memref_squeeze %dma_start3A_262 : memref<1x32x128xf32, #tpu.memory_space<hbm>> -> memref<32x128xf32, #tpu.memory_space<hbm>>
      %dma_start3A_264 = arith.constant 0 : i32
      %dma_start3A_265 = tpu.memref_slice %arg15[%add3A_192, %dma_start3A_264] : memref<10240x128xf32, #tpu.memory_space<vmem_shared>> -> memref<32x128xf32, #tpu.memory_space<vmem_shared>>
      tpu.enqueue_dma source(%dma_start3A_265 : memref<32x128xf32, #tpu.memory_space<vmem_shared>>) target(%dma_start3A_263 : memref<32x128xf32, #tpu.memory_space<hbm>>) target_semaphore(%run_scoped3A : memref<!tpu.dma_semaphore, #tpu.memory_space<semaphore_mem>>)
      %dma_wait3A_266 = arith.constant 0 : i32
      %dma_wait3A_267 = tpu.memref_slice %arg6[%arg0, %add3A_196, %dma_wait3A_266] : memref<2x10240x128xf32, #tpu.memory_space<hbm>> -> memref<1x32x128xf32, #tpu.memory_space<hbm>>
      %dma_wait3A_268 = tpu.memref_squeeze %dma_wait3A_267 : memref<1x32x128xf32, #tpu.memory_space<hbm>> -> memref<32x128xf32, #tpu.memory_space<hbm>>
      %dma_wait3A_269 = arith.constant 0 : i32
      %dma_wait3A_270 = tpu.memref_slice %arg15[%add3A_192, %dma_wait3A_269] : memref<10240x128xf32, #tpu.memory_space<vmem_shared>> -> memref<32x128xf32, #tpu.memory_space<vmem_shared>>
      tpu.wait_dma2 semaphore(%run_scoped3A : memref<!tpu.dma_semaphore, #tpu.memory_space<semaphore_mem>>) src(%dma_wait3A_270 : memref<32x128xf32, #tpu.memory_space<vmem_shared>>) dst(%dma_wait3A_268 : memref<32x128xf32, #tpu.memory_space<hbm>>)
      tpu.yield
    }) : () -> ()
    %mul3A_197 = arith.constant 640 : i32
    %mul3A_198 = arith.muli %arg1, %mul3A_197 : i32
    %add3A_199 = arith.constant 384 : i32
    %add3A_200 = arith.addi %mul3A_198, %add3A_199 : i32
    %mul3A_201 = arith.constant 640 : i32
    %mul3A_202 = arith.muli %arg1, %mul3A_201 : i32
    %add3A_203 = arith.constant 384 : i32
    %add3A_204 = arith.addi %mul3A_202, %add3A_203 : i32
    "tpu.region"() ({
      %run_scoped3A = tpu.sem_alloc : memref<!tpu.dma_semaphore, #tpu.memory_space<semaphore_mem>>
      %dma_start3A_261 = arith.constant 0 : i32
      %dma_start3A_262 = tpu.memref_slice %arg6[%arg0, %add3A_204, %dma_start3A_261] : memref<2x10240x128xf32, #tpu.memory_space<hbm>> -> memref<1x32x128xf32, #tpu.memory_space<hbm>>
      %dma_start3A_263 = tpu.memref_squeeze %dma_start3A_262 : memref<1x32x128xf32, #tpu.memory_space<hbm>> -> memref<32x128xf32, #tpu.memory_space<hbm>>
      %dma_start3A_264 = arith.constant 0 : i32
      %dma_start3A_265 = tpu.memref_slice %arg15[%add3A_200, %dma_start3A_264] : memref<10240x128xf32, #tpu.memory_space<vmem_shared>> -> memref<32x128xf32, #tpu.memory_space<vmem_shared>>
      tpu.enqueue_dma source(%dma_start3A_265 : memref<32x128xf32, #tpu.memory_space<vmem_shared>>) target(%dma_start3A_263 : memref<32x128xf32, #tpu.memory_space<hbm>>) target_semaphore(%run_scoped3A : memref<!tpu.dma_semaphore, #tpu.memory_space<semaphore_mem>>)
      %dma_wait3A_266 = arith.constant 0 : i32
      %dma_wait3A_267 = tpu.memref_slice %arg6[%arg0, %add3A_204, %dma_wait3A_266] : memref<2x10240x128xf32, #tpu.memory_space<hbm>> -> memref<1x32x128xf32, #tpu.memory_space<hbm>>
      %dma_wait3A_268 = tpu.memref_squeeze %dma_wait3A_267 : memref<1x32x128xf32, #tpu.memory_space<hbm>> -> memref<32x128xf32, #tpu.memory_space<hbm>>
      %dma_wait3A_269 = arith.constant 0 : i32
      %dma_wait3A_270 = tpu.memref_slice %arg15[%add3A_200, %dma_wait3A_269] : memref<10240x128xf32, #tpu.memory_space<vmem_shared>> -> memref<32x128xf32, #tpu.memory_space<vmem_shared>>
      tpu.wait_dma2 semaphore(%run_scoped3A : memref<!tpu.dma_semaphore, #tpu.memory_space<semaphore_mem>>) src(%dma_wait3A_270 : memref<32x128xf32, #tpu.memory_space<vmem_shared>>) dst(%dma_wait3A_268 : memref<32x128xf32, #tpu.memory_space<hbm>>)
      tpu.yield
    }) : () -> ()
    %mul3A_205 = arith.constant 640 : i32
    %mul3A_206 = arith.muli %arg1, %mul3A_205 : i32
    %add3A_207 = arith.constant 416 : i32
    %add3A_208 = arith.addi %mul3A_206, %add3A_207 : i32
    %mul3A_209 = arith.constant 640 : i32
    %mul3A_210 = arith.muli %arg1, %mul3A_209 : i32
    %add3A_211 = arith.constant 416 : i32
    %add3A_212 = arith.addi %mul3A_210, %add3A_211 : i32
    "tpu.region"() ({
      %run_scoped3A = tpu.sem_alloc : memref<!tpu.dma_semaphore, #tpu.memory_space<semaphore_mem>>
      %dma_start3A_261 = arith.constant 0 : i32
      %dma_start3A_262 = tpu.memref_slice %arg6[%arg0, %add3A_212, %dma_start3A_261] : memref<2x10240x128xf32, #tpu.memory_space<hbm>> -> memref<1x32x128xf32, #tpu.memory_space<hbm>>
      %dma_start3A_263 = tpu.memref_squeeze %dma_start3A_262 : memref<1x32x128xf32, #tpu.memory_space<hbm>> -> memref<32x128xf32, #tpu.memory_space<hbm>>
      %dma_start3A_264 = arith.constant 0 : i32
      %dma_start3A_265 = tpu.memref_slice %arg15[%add3A_208, %dma_start3A_264] : memref<10240x128xf32, #tpu.memory_space<vmem_shared>> -> memref<32x128xf32, #tpu.memory_space<vmem_shared>>
      tpu.enqueue_dma source(%dma_start3A_265 : memref<32x128xf32, #tpu.memory_space<vmem_shared>>) target(%dma_start3A_263 : memref<32x128xf32, #tpu.memory_space<hbm>>) target_semaphore(%run_scoped3A : memref<!tpu.dma_semaphore, #tpu.memory_space<semaphore_mem>>)
      %dma_wait3A_266 = arith.constant 0 : i32
      %dma_wait3A_267 = tpu.memref_slice %arg6[%arg0, %add3A_212, %dma_wait3A_266] : memref<2x10240x128xf32, #tpu.memory_space<hbm>> -> memref<1x32x128xf32, #tpu.memory_space<hbm>>
      %dma_wait3A_268 = tpu.memref_squeeze %dma_wait3A_267 : memref<1x32x128xf32, #tpu.memory_space<hbm>> -> memref<32x128xf32, #tpu.memory_space<hbm>>
      %dma_wait3A_269 = arith.constant 0 : i32
      %dma_wait3A_270 = tpu.memref_slice %arg15[%add3A_208, %dma_wait3A_269] : memref<10240x128xf32, #tpu.memory_space<vmem_shared>> -> memref<32x128xf32, #tpu.memory_space<vmem_shared>>
      tpu.wait_dma2 semaphore(%run_scoped3A : memref<!tpu.dma_semaphore, #tpu.memory_space<semaphore_mem>>) src(%dma_wait3A_270 : memref<32x128xf32, #tpu.memory_space<vmem_shared>>) dst(%dma_wait3A_268 : memref<32x128xf32, #tpu.memory_space<hbm>>)
      tpu.yield
    }) : () -> ()
    %mul3A_213 = arith.constant 640 : i32
    %mul3A_214 = arith.muli %arg1, %mul3A_213 : i32
    %add3A_215 = arith.constant 448 : i32
    %add3A_216 = arith.addi %mul3A_214, %add3A_215 : i32
    %mul3A_217 = arith.constant 640 : i32
    %mul3A_218 = arith.muli %arg1, %mul3A_217 : i32
    %add3A_219 = arith.constant 448 : i32
    %add3A_220 = arith.addi %mul3A_218, %add3A_219 : i32
    "tpu.region"() ({
      %run_scoped3A = tpu.sem_alloc : memref<!tpu.dma_semaphore, #tpu.memory_space<semaphore_mem>>
      %dma_start3A_261 = arith.constant 0 : i32
      %dma_start3A_262 = tpu.memref_slice %arg6[%arg0, %add3A_220, %dma_start3A_261] : memref<2x10240x128xf32, #tpu.memory_space<hbm>> -> memref<1x32x128xf32, #tpu.memory_space<hbm>>
      %dma_start3A_263 = tpu.memref_squeeze %dma_start3A_262 : memref<1x32x128xf32, #tpu.memory_space<hbm>> -> memref<32x128xf32, #tpu.memory_space<hbm>>
      %dma_start3A_264 = arith.constant 0 : i32
      %dma_start3A_265 = tpu.memref_slice %arg15[%add3A_216, %dma_start3A_264] : memref<10240x128xf32, #tpu.memory_space<vmem_shared>> -> memref<32x128xf32, #tpu.memory_space<vmem_shared>>
      tpu.enqueue_dma source(%dma_start3A_265 : memref<32x128xf32, #tpu.memory_space<vmem_shared>>) target(%dma_start3A_263 : memref<32x128xf32, #tpu.memory_space<hbm>>) target_semaphore(%run_scoped3A : memref<!tpu.dma_semaphore, #tpu.memory_space<semaphore_mem>>)
      %dma_wait3A_266 = arith.constant 0 : i32
      %dma_wait3A_267 = tpu.memref_slice %arg6[%arg0, %add3A_220, %dma_wait3A_266] : memref<2x10240x128xf32, #tpu.memory_space<hbm>> -> memref<1x32x128xf32, #tpu.memory_space<hbm>>
      %dma_wait3A_268 = tpu.memref_squeeze %dma_wait3A_267 : memref<1x32x128xf32, #tpu.memory_space<hbm>> -> memref<32x128xf32, #tpu.memory_space<hbm>>
      %dma_wait3A_269 = arith.constant 0 : i32
      %dma_wait3A_270 = tpu.memref_slice %arg15[%add3A_216, %dma_wait3A_269] : memref<10240x128xf32, #tpu.memory_space<vmem_shared>> -> memref<32x128xf32, #tpu.memory_space<vmem_shared>>
      tpu.wait_dma2 semaphore(%run_scoped3A : memref<!tpu.dma_semaphore, #tpu.memory_space<semaphore_mem>>) src(%dma_wait3A_270 : memref<32x128xf32, #tpu.memory_space<vmem_shared>>) dst(%dma_wait3A_268 : memref<32x128xf32, #tpu.memory_space<hbm>>)
      tpu.yield
    }) : () -> ()
    %mul3A_221 = arith.constant 640 : i32
    %mul3A_222 = arith.muli %arg1, %mul3A_221 : i32
    %add3A_223 = arith.constant 480 : i32
    %add3A_224 = arith.addi %mul3A_222, %add3A_223 : i32
    %mul3A_225 = arith.constant 640 : i32
    %mul3A_226 = arith.muli %arg1, %mul3A_225 : i32
    %add3A_227 = arith.constant 480 : i32
    %add3A_228 = arith.addi %mul3A_226, %add3A_227 : i32
    "tpu.region"() ({
      %run_scoped3A = tpu.sem_alloc : memref<!tpu.dma_semaphore, #tpu.memory_space<semaphore_mem>>
      %dma_start3A_261 = arith.constant 0 : i32
      %dma_start3A_262 = tpu.memref_slice %arg6[%arg0, %add3A_228, %dma_start3A_261] : memref<2x10240x128xf32, #tpu.memory_space<hbm>> -> memref<1x32x128xf32, #tpu.memory_space<hbm>>
      %dma_start3A_263 = tpu.memref_squeeze %dma_start3A_262 : memref<1x32x128xf32, #tpu.memory_space<hbm>> -> memref<32x128xf32, #tpu.memory_space<hbm>>
      %dma_start3A_264 = arith.constant 0 : i32
      %dma_start3A_265 = tpu.memref_slice %arg15[%add3A_224, %dma_start3A_264] : memref<10240x128xf32, #tpu.memory_space<vmem_shared>> -> memref<32x128xf32, #tpu.memory_space<vmem_shared>>
      tpu.enqueue_dma source(%dma_start3A_265 : memref<32x128xf32, #tpu.memory_space<vmem_shared>>) target(%dma_start3A_263 : memref<32x128xf32, #tpu.memory_space<hbm>>) target_semaphore(%run_scoped3A : memref<!tpu.dma_semaphore, #tpu.memory_space<semaphore_mem>>)
      %dma_wait3A_266 = arith.constant 0 : i32
      %dma_wait3A_267 = tpu.memref_slice %arg6[%arg0, %add3A_228, %dma_wait3A_266] : memref<2x10240x128xf32, #tpu.memory_space<hbm>> -> memref<1x32x128xf32, #tpu.memory_space<hbm>>
      %dma_wait3A_268 = tpu.memref_squeeze %dma_wait3A_267 : memref<1x32x128xf32, #tpu.memory_space<hbm>> -> memref<32x128xf32, #tpu.memory_space<hbm>>
      %dma_wait3A_269 = arith.constant 0 : i32
      %dma_wait3A_270 = tpu.memref_slice %arg15[%add3A_224, %dma_wait3A_269] : memref<10240x128xf32, #tpu.memory_space<vmem_shared>> -> memref<32x128xf32, #tpu.memory_space<vmem_shared>>
      tpu.wait_dma2 semaphore(%run_scoped3A : memref<!tpu.dma_semaphore, #tpu.memory_space<semaphore_mem>>) src(%dma_wait3A_270 : memref<32x128xf32, #tpu.memory_space<vmem_shared>>) dst(%dma_wait3A_268 : memref<32x128xf32, #tpu.memory_space<hbm>>)
      tpu.yield
    }) : () -> ()
    %mul3A_229 = arith.constant 640 : i32
    %mul3A_230 = arith.muli %arg1, %mul3A_229 : i32
    %add3A_231 = arith.constant 512 : i32
    %add3A_232 = arith.addi %mul3A_230, %add3A_231 : i32
    %mul3A_233 = arith.constant 640 : i32
    %mul3A_234 = arith.muli %arg1, %mul3A_233 : i32
    %add3A_235 = arith.constant 512 : i32
    %add3A_236 = arith.addi %mul3A_234, %add3A_235 : i32
    "tpu.region"() ({
      %run_scoped3A = tpu.sem_alloc : memref<!tpu.dma_semaphore, #tpu.memory_space<semaphore_mem>>
      %dma_start3A_261 = arith.constant 0 : i32
      %dma_start3A_262 = tpu.memref_slice %arg6[%arg0, %add3A_236, %dma_start3A_261] : memref<2x10240x128xf32, #tpu.memory_space<hbm>> -> memref<1x32x128xf32, #tpu.memory_space<hbm>>
      %dma_start3A_263 = tpu.memref_squeeze %dma_start3A_262 : memref<1x32x128xf32, #tpu.memory_space<hbm>> -> memref<32x128xf32, #tpu.memory_space<hbm>>
      %dma_start3A_264 = arith.constant 0 : i32
      %dma_start3A_265 = tpu.memref_slice %arg15[%add3A_232, %dma_start3A_264] : memref<10240x128xf32, #tpu.memory_space<vmem_shared>> -> memref<32x128xf32, #tpu.memory_space<vmem_shared>>
      tpu.enqueue_dma source(%dma_start3A_265 : memref<32x128xf32, #tpu.memory_space<vmem_shared>>) target(%dma_start3A_263 : memref<32x128xf32, #tpu.memory_space<hbm>>) target_semaphore(%run_scoped3A : memref<!tpu.dma_semaphore, #tpu.memory_space<semaphore_mem>>)
      %dma_wait3A_266 = arith.constant 0 : i32
      %dma_wait3A_267 = tpu.memref_slice %arg6[%arg0, %add3A_236, %dma_wait3A_266] : memref<2x10240x128xf32, #tpu.memory_space<hbm>> -> memref<1x32x128xf32, #tpu.memory_space<hbm>>
      %dma_wait3A_268 = tpu.memref_squeeze %dma_wait3A_267 : memref<1x32x128xf32, #tpu.memory_space<hbm>> -> memref<32x128xf32, #tpu.memory_space<hbm>>
      %dma_wait3A_269 = arith.constant 0 : i32
      %dma_wait3A_270 = tpu.memref_slice %arg15[%add3A_232, %dma_wait3A_269] : memref<10240x128xf32, #tpu.memory_space<vmem_shared>> -> memref<32x128xf32, #tpu.memory_space<vmem_shared>>
      tpu.wait_dma2 semaphore(%run_scoped3A : memref<!tpu.dma_semaphore, #tpu.memory_space<semaphore_mem>>) src(%dma_wait3A_270 : memref<32x128xf32, #tpu.memory_space<vmem_shared>>) dst(%dma_wait3A_268 : memref<32x128xf32, #tpu.memory_space<hbm>>)
      tpu.yield
    }) : () -> ()
    %mul3A_237 = arith.constant 640 : i32
    %mul3A_238 = arith.muli %arg1, %mul3A_237 : i32
    %add3A_239 = arith.constant 544 : i32
    %add3A_240 = arith.addi %mul3A_238, %add3A_239 : i32
    %mul3A_241 = arith.constant 640 : i32
    %mul3A_242 = arith.muli %arg1, %mul3A_241 : i32
    %add3A_243 = arith.constant 544 : i32
    %add3A_244 = arith.addi %mul3A_242, %add3A_243 : i32
    "tpu.region"() ({
      %run_scoped3A = tpu.sem_alloc : memref<!tpu.dma_semaphore, #tpu.memory_space<semaphore_mem>>
      %dma_start3A_261 = arith.constant 0 : i32
      %dma_start3A_262 = tpu.memref_slice %arg6[%arg0, %add3A_244, %dma_start3A_261] : memref<2x10240x128xf32, #tpu.memory_space<hbm>> -> memref<1x32x128xf32, #tpu.memory_space<hbm>>
      %dma_start3A_263 = tpu.memref_squeeze %dma_start3A_262 : memref<1x32x128xf32, #tpu.memory_space<hbm>> -> memref<32x128xf32, #tpu.memory_space<hbm>>
      %dma_start3A_264 = arith.constant 0 : i32
      %dma_start3A_265 = tpu.memref_slice %arg15[%add3A_240, %dma_start3A_264] : memref<10240x128xf32, #tpu.memory_space<vmem_shared>> -> memref<32x128xf32, #tpu.memory_space<vmem_shared>>
      tpu.enqueue_dma source(%dma_start3A_265 : memref<32x128xf32, #tpu.memory_space<vmem_shared>>) target(%dma_start3A_263 : memref<32x128xf32, #tpu.memory_space<hbm>>) target_semaphore(%run_scoped3A : memref<!tpu.dma_semaphore, #tpu.memory_space<semaphore_mem>>)
      %dma_wait3A_266 = arith.constant 0 : i32
      %dma_wait3A_267 = tpu.memref_slice %arg6[%arg0, %add3A_244, %dma_wait3A_266] : memref<2x10240x128xf32, #tpu.memory_space<hbm>> -> memref<1x32x128xf32, #tpu.memory_space<hbm>>
      %dma_wait3A_268 = tpu.memref_squeeze %dma_wait3A_267 : memref<1x32x128xf32, #tpu.memory_space<hbm>> -> memref<32x128xf32, #tpu.memory_space<hbm>>
      %dma_wait3A_269 = arith.constant 0 : i32
      %dma_wait3A_270 = tpu.memref_slice %arg15[%add3A_240, %dma_wait3A_269] : memref<10240x128xf32, #tpu.memory_space<vmem_shared>> -> memref<32x128xf32, #tpu.memory_space<vmem_shared>>
      tpu.wait_dma2 semaphore(%run_scoped3A : memref<!tpu.dma_semaphore, #tpu.memory_space<semaphore_mem>>) src(%dma_wait3A_270 : memref<32x128xf32, #tpu.memory_space<vmem_shared>>) dst(%dma_wait3A_268 : memref<32x128xf32, #tpu.memory_space<hbm>>)
      tpu.yield
    }) : () -> ()
    %mul3A_245 = arith.constant 640 : i32
    %mul3A_246 = arith.muli %arg1, %mul3A_245 : i32
    %add3A_247 = arith.constant 576 : i32
    %add3A_248 = arith.addi %mul3A_246, %add3A_247 : i32
    %mul3A_249 = arith.constant 640 : i32
    %mul3A_250 = arith.muli %arg1, %mul3A_249 : i32
    %add3A_251 = arith.constant 576 : i32
    %add3A_252 = arith.addi %mul3A_250, %add3A_251 : i32
    "tpu.region"() ({
      %run_scoped3A = tpu.sem_alloc : memref<!tpu.dma_semaphore, #tpu.memory_space<semaphore_mem>>
      %dma_start3A_261 = arith.constant 0 : i32
      %dma_start3A_262 = tpu.memref_slice %arg6[%arg0, %add3A_252, %dma_start3A_261] : memref<2x10240x128xf32, #tpu.memory_space<hbm>> -> memref<1x32x128xf32, #tpu.memory_space<hbm>>
      %dma_start3A_263 = tpu.memref_squeeze %dma_start3A_262 : memref<1x32x128xf32, #tpu.memory_space<hbm>> -> memref<32x128xf32, #tpu.memory_space<hbm>>
      %dma_start3A_264 = arith.constant 0 : i32
      %dma_start3A_265 = tpu.memref_slice %arg15[%add3A_248, %dma_start3A_264] : memref<10240x128xf32, #tpu.memory_space<vmem_shared>> -> memref<32x128xf32, #tpu.memory_space<vmem_shared>>
      tpu.enqueue_dma source(%dma_start3A_265 : memref<32x128xf32, #tpu.memory_space<vmem_shared>>) target(%dma_start3A_263 : memref<32x128xf32, #tpu.memory_space<hbm>>) target_semaphore(%run_scoped3A : memref<!tpu.dma_semaphore, #tpu.memory_space<semaphore_mem>>)
      %dma_wait3A_266 = arith.constant 0 : i32
      %dma_wait3A_267 = tpu.memref_slice %arg6[%arg0, %add3A_252, %dma_wait3A_266] : memref<2x10240x128xf32, #tpu.memory_space<hbm>> -> memref<1x32x128xf32, #tpu.memory_space<hbm>>
      %dma_wait3A_268 = tpu.memref_squeeze %dma_wait3A_267 : memref<1x32x128xf32, #tpu.memory_space<hbm>> -> memref<32x128xf32, #tpu.memory_space<hbm>>
      %dma_wait3A_269 = arith.constant 0 : i32
      %dma_wait3A_270 = tpu.memref_slice %arg15[%add3A_248, %dma_wait3A_269] : memref<10240x128xf32, #tpu.memory_space<vmem_shared>> -> memref<32x128xf32, #tpu.memory_space<vmem_shared>>
      tpu.wait_dma2 semaphore(%run_scoped3A : memref<!tpu.dma_semaphore, #tpu.memory_space<semaphore_mem>>) src(%dma_wait3A_270 : memref<32x128xf32, #tpu.memory_space<vmem_shared>>) dst(%dma_wait3A_268 : memref<32x128xf32, #tpu.memory_space<hbm>>)
      tpu.yield
    }) : () -> ()
    %mul3A_253 = arith.constant 640 : i32
    %mul3A_254 = arith.muli %arg1, %mul3A_253 : i32
    %add3A_255 = arith.constant 608 : i32
    %add3A_256 = arith.addi %mul3A_254, %add3A_255 : i32
    %mul3A_257 = arith.constant 640 : i32
    %mul3A_258 = arith.muli %arg1, %mul3A_257 : i32
    %add3A_259 = arith.constant 608 : i32
    %add3A_260 = arith.addi %mul3A_258, %add3A_259 : i32
    "tpu.region"() ({
      %run_scoped3A = tpu.sem_alloc : memref<!tpu.dma_semaphore, #tpu.memory_space<semaphore_mem>>
      %dma_start3A_261 = arith.constant 0 : i32
      %dma_start3A_262 = tpu.memref_slice %arg6[%arg0, %add3A_260, %dma_start3A_261] : memref<2x10240x128xf32, #tpu.memory_space<hbm>> -> memref<1x32x128xf32, #tpu.memory_space<hbm>>
      %dma_start3A_263 = tpu.memref_squeeze %dma_start3A_262 : memref<1x32x128xf32, #tpu.memory_space<hbm>> -> memref<32x128xf32, #tpu.memory_space<hbm>>
      %dma_start3A_264 = arith.constant 0 : i32
      %dma_start3A_265 = tpu.memref_slice %arg15[%add3A_256, %dma_start3A_264] : memref<10240x128xf32, #tpu.memory_space<vmem_shared>> -> memref<32x128xf32, #tpu.memory_space<vmem_shared>>
      tpu.enqueue_dma source(%dma_start3A_265 : memref<32x128xf32, #tpu.memory_space<vmem_shared>>) target(%dma_start3A_263 : memref<32x128xf32, #tpu.memory_space<hbm>>) target_semaphore(%run_scoped3A : memref<!tpu.dma_semaphore, #tpu.memory_space<semaphore_mem>>)
      %dma_wait3A_266 = arith.constant 0 : i32
      %dma_wait3A_267 = tpu.memref_slice %arg6[%arg0, %add3A_260, %dma_wait3A_266] : memref<2x10240x128xf32, #tpu.memory_space<hbm>> -> memref<1x32x128xf32, #tpu.memory_space<hbm>>
      %dma_wait3A_268 = tpu.memref_squeeze %dma_wait3A_267 : memref<1x32x128xf32, #tpu.memory_space<hbm>> -> memref<32x128xf32, #tpu.memory_space<hbm>>
      %dma_wait3A_269 = arith.constant 0 : i32
      %dma_wait3A_270 = tpu.memref_slice %arg15[%add3A_256, %dma_wait3A_269] : memref<10240x128xf32, #tpu.memory_space<vmem_shared>> -> memref<32x128xf32, #tpu.memory_space<vmem_shared>>
      tpu.wait_dma2 semaphore(%run_scoped3A : memref<!tpu.dma_semaphore, #tpu.memory_space<semaphore_mem>>) src(%dma_wait3A_270 : memref<32x128xf32, #tpu.memory_space<vmem_shared>>) dst(%dma_wait3A_268 : memref<32x128xf32, #tpu.memory_space<hbm>>)
      tpu.yield
    }) : () -> ()
    return
  }
}

module attributes {stable_mosaic.version = 14 : i64} {
  func.func @_mm_body(%arg0: i32, %arg1: memref<2000x128xf32, #tpu.memory_space<vmem>>, %arg2: memref<128x128xf32, #tpu.memory_space<vmem>>, %arg3: memref<2000x128xf32, #tpu.memory_space<vmem>>) attributes {dimension_semantics = [#tpu.dimension_semantics<arbitrary>], iteration_bounds = array<i64: 5>, scalar_prefetch = 0 : i64, scratch_operands = 0 : i64, tpu.core_type = #tpu.core_type<tc>, window_params = [{transform_indices = @transform_0, window_bounds = array<i64: 2000, 128>}, {pipeline_mode = #tpu.pipeline_mode<synchronous>, transform_indices = @transform_1, window_bounds = array<i64: 128, 128>}, {transform_indices = @transform_2, window_bounds = array<i64: 2000, 128>}]} {
    %get3A = arith.constant 0 : index
    %get3A_0 = arith.constant 0 : index
    %get3A_1 = vector.load %arg1[%get3A, %get3A_0] : memref<2000x128xf32, #tpu.memory_space<vmem>>, vector<2000x128xf32>
    %get3A_2 = arith.constant 0 : index
    %get3A_3 = arith.constant 0 : index
    %get3A_4 = vector.load %arg2[%get3A_2, %get3A_3] : memref<128x128xf32, #tpu.memory_space<vmem>>, vector<128x128xf32>
    %dot_general3A = arith.constant dense<0.000000e+00> : vector<2000x128xf32>
    %dot_general3A_5 = tpu.matmul %get3A_1, %get3A_4, %dot_general3A {dimension_numbers = #tpu.dot_dimension_numbers<[1], [0], [0], [1], [0, 0, 1, 1], [], []>, transpose_lhs_hint = false} : vector<2000x128xf32>, vector<128x128xf32>, vector<2000x128xf32> -> vector<2000x128xf32>
    %swap3A = arith.constant 0 : index
    %swap3A_6 = arith.constant 0 : index
    %swap3A_7 = vector.load %arg3[%swap3A, %swap3A_6] : memref<2000x128xf32, #tpu.memory_space<vmem>>, vector<2000x128xf32>
    tpu.vector_store %arg3[%swap3A, %swap3A_6], %dot_general3A_5 {strides = array<i32>} : memref<2000x128xf32, #tpu.memory_space<vmem>>, vector<2000x128xf32>,
    return
  }
  func.func @transform_0(%arg0: i32) -> (i32, i32) {
    %c0_i32 = arith.constant 0 : i32
    %c0_i32_0 = arith.constant 0 : i32
    return %arg0, %c0_i32 : i32, i32
  }
  func.func @transform_1(%arg0: i32) -> (i32, i32) {
    %c0_i32 = arith.constant 0 : i32
    %c0_i32_0 = arith.constant 0 : i32
    %c0_i32_1 = arith.constant 0 : i32
    return %c0_i32, %c0_i32_0 : i32, i32
  }
  func.func @transform_2(%arg0: i32) -> (i32, i32) {
    %c0_i32 = arith.constant 0 : i32
    %c0_i32_0 = arith.constant 0 : i32
    return %arg0, %c0_i32 : i32, i32
  }
}

module attributes {stable_mosaic.version = 14 : i64} {
  func.func @_scale_body(%arg0: i32, %arg1: memref<2x10240x16xf32, #tpu.memory_space<vmem>>, %arg2: memref<2000x128xf32, #tpu.memory_space<vmem>>, %arg3: memref<2000x128xf32, #tpu.memory_space<vmem>>) attributes {dimension_semantics = [#tpu.dimension_semantics<arbitrary>], iteration_bounds = array<i64: 5>, scalar_prefetch = 0 : i64, scratch_operands = 0 : i64, tpu.core_type = #tpu.core_type<tc>, window_params = [{pipeline_mode = #tpu.pipeline_mode<synchronous>, transform_indices = @transform_0, window_bounds = array<i64: 2, 10240, 16>}, {transform_indices = @transform_1, window_bounds = array<i64: 2000, 128>}, {transform_indices = @transform_2, window_bounds = array<i64: 2000, 128>}]} {
    %mul3A = arith.constant 2000 : i32
    %mul3A_0 = arith.muli %arg0, %mul3A : i32
    %get3A = arith.constant 0 : index
    %get3A_1 = arith.index_cast %mul3A_0 : i32 to index
    %get3A_2 = arith.constant 0 : index
    %get3A_3 = vector.load %arg1[%get3A, %get3A_1, %get3A_2] : memref<2x10240x16xf32, #tpu.memory_space<vmem>>, vector<1x2000x16xf32>
    %get3A_4 = vector.shape_cast %get3A_3 : vector<1x2000x16xf32> to vector<2000x16xf32>
    %get3A_5 = arith.constant 1 : index
    %get3A_6 = arith.index_cast %mul3A_0 : i32 to index
    %get3A_7 = arith.constant 0 : index
    %get3A_8 = vector.load %arg1[%get3A_5, %get3A_6, %get3A_7] : memref<2x10240x16xf32, #tpu.memory_space<vmem>>, vector<1x2000x16xf32>
    %get3A_9 = vector.shape_cast %get3A_8 : vector<1x2000x16xf32> to vector<2000x16xf32>
    %add3A = arith.addf %get3A_4, %get3A_9 : vector<2000x16xf32>
    %slice3A = vector.extract_strided_slice %add3A {offsets = [0, 0], sizes = [2000, 1], strides = [1, 1]} : vector<2000x16xf32> to vector<2000x1xf32>
    %add3A_10 = arith.constant 1.000000e+00 : f32
    %add3A_11 = vector.broadcast %add3A_10 : f32 to vector<2000x1xf32>
    %add3A_12 = arith.addf %add3A_11, %slice3A : vector<2000x1xf32>
    %rsqrt3A = math.rsqrt %add3A_12 : vector<2000x1xf32>
    %get3A_13 = arith.constant 0 : index
    %get3A_14 = arith.constant 0 : index
    %get3A_15 = vector.load %arg2[%get3A_13, %get3A_14] : memref<2000x128xf32, #tpu.memory_space<vmem>>, vector<2000x128xf32>
    %mul3A_16 = vector.broadcast %rsqrt3A : vector<2000x1xf32> to vector<2000x128xf32>
    %mul3A_17 = arith.mulf %mul3A_16, %get3A_15 : vector<2000x128xf32>
    %swap3A = arith.constant 0 : index
    %swap3A_18 = arith.constant 0 : index
    %swap3A_19 = vector.load %arg3[%swap3A, %swap3A_18] : memref<2000x128xf32, #tpu.memory_space<vmem>>, vector<2000x128xf32>
    tpu.vector_store %arg3[%swap3A, %swap3A_18], %mul3A_17 {strides = array<i32>} : memref<2000x128xf32, #tpu.memory_space<vmem>>, vector<2000x128xf32>,
    return
  }
  func.func @transform_0(%arg0: i32) -> (i32, i32, i32) {
    %c0_i32 = arith.constant 0 : i32
    %c0_i32_0 = arith.constant 0 : i32
    %c0_i32_1 = arith.constant 0 : i32
    %c0_i32_2 = arith.constant 0 : i32
    return %c0_i32, %c0_i32_0, %c0_i32_1 : i32, i32, i32
  }
  func.func @transform_1(%arg0: i32) -> (i32, i32) {
    %c0_i32 = arith.constant 0 : i32
    %c0_i32_0 = arith.constant 0 : i32
    return %arg0, %c0_i32 : i32, i32
  }
  func.func @transform_2(%arg0: i32) -> (i32, i32) {
    %c0_i32 = arith.constant 0 : i32
    %c0_i32_0 = arith.constant 0 : i32
    return %arg0, %c0_i32 : i32, i32
  }
}

module attributes {stable_mosaic.version = 14 : i64} {
  func.func @_layer_mid_body(%arg0: i32, %arg1: memref<2x10240x16xf32, #tpu.memory_space<vmem>>, %arg2: memref<2x10240x128xf32, #tpu.memory_space<vmem>>, %arg3: memref<2000x128xf32, #tpu.memory_space<vmem>>, %arg4: memref<128x128xf32, #tpu.memory_space<vmem>>, %arg5: memref<1x128xf32, #tpu.memory_space<vmem>>, %arg6: memref<2000x128xf32, #tpu.memory_space<vmem>>) attributes {dimension_semantics = [#tpu.dimension_semantics<arbitrary>], iteration_bounds = array<i64: 5>, scalar_prefetch = 0 : i64, scratch_operands = 0 : i64, tpu.core_type = #tpu.core_type<tc>, window_params = [{pipeline_mode = #tpu.pipeline_mode<synchronous>, transform_indices = @transform_0, window_bounds = array<i64: 2, 10240, 16>}, {pipeline_mode = #tpu.pipeline_mode<synchronous>, transform_indices = @transform_1, window_bounds = array<i64: 2, 10240, 128>}, {transform_indices = @transform_2, window_bounds = array<i64: 2000, 128>}, {pipeline_mode = #tpu.pipeline_mode<synchronous>, transform_indices = @transform_3, window_bounds = array<i64: 128, 128>}, {pipeline_mode = #tpu.pipeline_mode<synchronous>, transform_indices = @transform_4, window_bounds = array<i64: 1, 128>}, {transform_indices = @transform_5, window_bounds = array<i64: 2000, 128>}]} {
    %mul3A = arith.constant 2000 : i32
    %mul3A_0 = arith.muli %arg0, %mul3A : i32
    %get3A = arith.constant 0 : index
    %get3A_1 = arith.index_cast %mul3A_0 : i32 to index
    %get3A_2 = arith.constant 0 : index
    %get3A_3 = vector.load %arg1[%get3A, %get3A_1, %get3A_2] : memref<2x10240x16xf32, #tpu.memory_space<vmem>>, vector<1x2000x16xf32>
    %get3A_4 = vector.shape_cast %get3A_3 : vector<1x2000x16xf32> to vector<2000x16xf32>
    %get3A_5 = arith.constant 1 : index
    %get3A_6 = arith.index_cast %mul3A_0 : i32 to index
    %get3A_7 = arith.constant 0 : index
    %get3A_8 = vector.load %arg1[%get3A_5, %get3A_6, %get3A_7] : memref<2x10240x16xf32, #tpu.memory_space<vmem>>, vector<1x2000x16xf32>
    %get3A_9 = vector.shape_cast %get3A_8 : vector<1x2000x16xf32> to vector<2000x16xf32>
    %add3A = arith.addf %get3A_4, %get3A_9 : vector<2000x16xf32>
    %slice3A = vector.extract_strided_slice %add3A {offsets = [0, 0], sizes = [2000, 1], strides = [1, 1]} : vector<2000x16xf32> to vector<2000x1xf32>
    %add3A_10 = arith.constant 1.000000e+00 : f32
    %add3A_11 = vector.broadcast %add3A_10 : f32 to vector<2000x1xf32>
    %add3A_12 = arith.addf %add3A_11, %slice3A : vector<2000x1xf32>
    %rsqrt3A = math.rsqrt %add3A_12 : vector<2000x1xf32>
    %get3A_13 = arith.constant 0 : index
    %get3A_14 = arith.index_cast %mul3A_0 : i32 to index
    %get3A_15 = arith.constant 0 : index
    %get3A_16 = vector.load %arg2[%get3A_13, %get3A_14, %get3A_15] : memref<2x10240x128xf32, #tpu.memory_space<vmem>>, vector<1x2000x128xf32>
    %get3A_17 = vector.shape_cast %get3A_16 : vector<1x2000x128xf32> to vector<2000x128xf32>
    %get3A_18 = arith.constant 1 : index
    %get3A_19 = arith.index_cast %mul3A_0 : i32 to index
    %get3A_20 = arith.constant 0 : index
    %get3A_21 = vector.load %arg2[%get3A_18, %get3A_19, %get3A_20] : memref<2x10240x128xf32, #tpu.memory_space<vmem>>, vector<1x2000x128xf32>
    %get3A_22 = vector.shape_cast %get3A_21 : vector<1x2000x128xf32> to vector<2000x128xf32>
    %add3A_23 = arith.addf %get3A_17, %get3A_22 : vector<2000x128xf32>
    %get3A_24 = arith.constant 0 : index
    %get3A_25 = arith.constant 0 : index
    %get3A_26 = vector.load %arg3[%get3A_24, %get3A_25] : memref<2000x128xf32, #tpu.memory_space<vmem>>, vector<2000x128xf32>
    %add3A_27 = arith.addf %add3A_23, %get3A_26 : vector<2000x128xf32>
    %mul3A_28 = vector.broadcast %rsqrt3A : vector<2000x1xf32> to vector<2000x128xf32>
    %mul3A_29 = arith.mulf %mul3A_28, %add3A_27 : vector<2000x128xf32>
    %get3A_30 = arith.constant 0 : index
    %get3A_31 = arith.constant 0 : index
    %get3A_32 = vector.load %arg5[%get3A_30, %get3A_31] : memref<1x128xf32, #tpu.memory_space<vmem>>, vector<1x128xf32>
    %add3A_33 = vector.broadcast %get3A_32 : vector<1x128xf32> to vector<2000x128xf32>
    %add3A_34 = arith.addf %mul3A_29, %add3A_33 : vector<2000x128xf32>
    %max3A = arith.constant 0.000000e+00 : f32
    %max3A_35 = vector.broadcast %max3A : f32 to vector<2000x128xf32>
    %max3A_36 = arith.maximumf %add3A_34, %max3A_35 : vector<2000x128xf32>
    %get3A_37 = arith.constant 0 : index
    %get3A_38 = arith.constant 0 : index
    %get3A_39 = vector.load %arg4[%get3A_37, %get3A_38] : memref<128x128xf32, #tpu.memory_space<vmem>>, vector<128x128xf32>
    %dot_general3A = arith.constant dense<0.000000e+00> : vector<2000x128xf32>
    %dot_general3A_40 = tpu.matmul %max3A_36, %get3A_39, %dot_general3A {dimension_numbers = #tpu.dot_dimension_numbers<[1], [0], [0], [1], [0, 0, 1, 1], [], []>, transpose_lhs_hint = false} : vector<2000x128xf32>, vector<128x128xf32>, vector<2000x128xf32> -> vector<2000x128xf32>
    %mul3A_41 = vector.broadcast %rsqrt3A : vector<2000x1xf32> to vector<2000x128xf32>
    %mul3A_42 = arith.mulf %mul3A_41, %dot_general3A_40 : vector<2000x128xf32>
    %swap3A = arith.constant 0 : index
    %swap3A_43 = arith.constant 0 : index
    %swap3A_44 = vector.load %arg6[%swap3A, %swap3A_43] : memref<2000x128xf32, #tpu.memory_space<vmem>>, vector<2000x128xf32>
    tpu.vector_store %arg6[%swap3A, %swap3A_43], %mul3A_42 {strides = array<i32>} : memref<2000x128xf32, #tpu.memory_space<vmem>>, vector<2000x128xf32>,
    return
  }
  func.func @transform_0(%arg0: i32) -> (i32, i32, i32) {
    %c0_i32 = arith.constant 0 : i32
    %c0_i32_0 = arith.constant 0 : i32
    %c0_i32_1 = arith.constant 0 : i32
    %c0_i32_2 = arith.constant 0 : i32
    return %c0_i32, %c0_i32_0, %c0_i32_1 : i32, i32, i32
  }
  func.func @transform_1(%arg0: i32) -> (i32, i32, i32) {
    %c0_i32 = arith.constant 0 : i32
    %c0_i32_0 = arith.constant 0 : i32
    %c0_i32_1 = arith.constant 0 : i32
    %c0_i32_2 = arith.constant 0 : i32
    return %c0_i32, %c0_i32_0, %c0_i32_1 : i32, i32, i32
  }
  func.func @transform_2(%arg0: i32) -> (i32, i32) {
    %c0_i32 = arith.constant 0 : i32
    %c0_i32_0 = arith.constant 0 : i32
    return %arg0, %c0_i32 : i32, i32
  }
  func.func @transform_3(%arg0: i32) -> (i32, i32) {
    %c0_i32 = arith.constant 0 : i32
    %c0_i32_0 = arith.constant 0 : i32
    %c0_i32_1 = arith.constant 0 : i32
    return %c0_i32, %c0_i32_0 : i32, i32
  }
  func.func @transform_4(%arg0: i32) -> (i32, i32) {
    %c0_i32 = arith.constant 0 : i32
    %c0_i32_0 = arith.constant 0 : i32
    %c0_i32_1 = arith.constant 0 : i32
    return %c0_i32, %c0_i32_0 : i32, i32
  }
  func.func @transform_5(%arg0: i32) -> (i32, i32) {
    %c0_i32 = arith.constant 0 : i32
    %c0_i32_0 = arith.constant 0 : i32
    return %arg0, %c0_i32 : i32, i32
  }
}

module attributes {stable_mosaic.version = 14 : i64} {
  func.func @_final_body(%arg0: i32, %arg1: memref<2x10240x16xf32, #tpu.memory_space<vmem>>, %arg2: memref<2x10240x128xf32, #tpu.memory_space<vmem>>, %arg3: memref<2000x128xf32, #tpu.memory_space<vmem>>, %arg4: memref<1x128xf32, #tpu.memory_space<vmem>>, %arg5: memref<2000x128xf32, #tpu.memory_space<vmem>>) attributes {dimension_semantics = [#tpu.dimension_semantics<arbitrary>], iteration_bounds = array<i64: 5>, scalar_prefetch = 0 : i64, scratch_operands = 0 : i64, tpu.core_type = #tpu.core_type<tc>, window_params = [{pipeline_mode = #tpu.pipeline_mode<synchronous>, transform_indices = @transform_0, window_bounds = array<i64: 2, 10240, 16>}, {pipeline_mode = #tpu.pipeline_mode<synchronous>, transform_indices = @transform_1, window_bounds = array<i64: 2, 10240, 128>}, {transform_indices = @transform_2, window_bounds = array<i64: 2000, 128>}, {pipeline_mode = #tpu.pipeline_mode<synchronous>, transform_indices = @transform_3, window_bounds = array<i64: 1, 128>}, {transform_indices = @transform_4, window_bounds = array<i64: 2000, 128>}]} {
    %mul3A = arith.constant 2000 : i32
    %mul3A_0 = arith.muli %arg0, %mul3A : i32
    %get3A = arith.constant 0 : index
    %get3A_1 = arith.index_cast %mul3A_0 : i32 to index
    %get3A_2 = arith.constant 0 : index
    %get3A_3 = vector.load %arg1[%get3A, %get3A_1, %get3A_2] : memref<2x10240x16xf32, #tpu.memory_space<vmem>>, vector<1x2000x16xf32>
    %get3A_4 = vector.shape_cast %get3A_3 : vector<1x2000x16xf32> to vector<2000x16xf32>
    %get3A_5 = arith.constant 1 : index
    %get3A_6 = arith.index_cast %mul3A_0 : i32 to index
    %get3A_7 = arith.constant 0 : index
    %get3A_8 = vector.load %arg1[%get3A_5, %get3A_6, %get3A_7] : memref<2x10240x16xf32, #tpu.memory_space<vmem>>, vector<1x2000x16xf32>
    %get3A_9 = vector.shape_cast %get3A_8 : vector<1x2000x16xf32> to vector<2000x16xf32>
    %add3A = arith.addf %get3A_4, %get3A_9 : vector<2000x16xf32>
    %slice3A = vector.extract_strided_slice %add3A {offsets = [0, 0], sizes = [2000, 1], strides = [1, 1]} : vector<2000x16xf32> to vector<2000x1xf32>
    %add3A_10 = arith.constant 1.000000e+00 : f32
    %add3A_11 = vector.broadcast %add3A_10 : f32 to vector<2000x1xf32>
    %add3A_12 = arith.addf %add3A_11, %slice3A : vector<2000x1xf32>
    %rsqrt3A = math.rsqrt %add3A_12 : vector<2000x1xf32>
    %get3A_13 = arith.constant 0 : index
    %get3A_14 = arith.index_cast %mul3A_0 : i32 to index
    %get3A_15 = arith.constant 0 : index
    %get3A_16 = vector.load %arg2[%get3A_13, %get3A_14, %get3A_15] : memref<2x10240x128xf32, #tpu.memory_space<vmem>>, vector<1x2000x128xf32>
    %get3A_17 = vector.shape_cast %get3A_16 : vector<1x2000x128xf32> to vector<2000x128xf32>
    %get3A_18 = arith.constant 1 : index
    %get3A_19 = arith.index_cast %mul3A_0 : i32 to index
    %get3A_20 = arith.constant 0 : index
    %get3A_21 = vector.load %arg2[%get3A_18, %get3A_19, %get3A_20] : memref<2x10240x128xf32, #tpu.memory_space<vmem>>, vector<1x2000x128xf32>
    %get3A_22 = vector.shape_cast %get3A_21 : vector<1x2000x128xf32> to vector<2000x128xf32>
    %add3A_23 = arith.addf %get3A_17, %get3A_22 : vector<2000x128xf32>
    %get3A_24 = arith.constant 0 : index
    %get3A_25 = arith.constant 0 : index
    %get3A_26 = vector.load %arg3[%get3A_24, %get3A_25] : memref<2000x128xf32, #tpu.memory_space<vmem>>, vector<2000x128xf32>
    %add3A_27 = arith.addf %add3A_23, %get3A_26 : vector<2000x128xf32>
    %mul3A_28 = vector.broadcast %rsqrt3A : vector<2000x1xf32> to vector<2000x128xf32>
    %mul3A_29 = arith.mulf %mul3A_28, %add3A_27 : vector<2000x128xf32>
    %get3A_30 = arith.constant 0 : index
    %get3A_31 = arith.constant 0 : index
    %get3A_32 = vector.load %arg4[%get3A_30, %get3A_31] : memref<1x128xf32, #tpu.memory_space<vmem>>, vector<1x128xf32>
    %add3A_33 = vector.broadcast %get3A_32 : vector<1x128xf32> to vector<2000x128xf32>
    %add3A_34 = arith.addf %mul3A_29, %add3A_33 : vector<2000x128xf32>
    %reduce_max3A = arith.constant dense<0xFF800000> : vector<2000xf32>
    %reduce_max3A_35 = vector.multi_reduction <maximumf>, %add3A_34, %reduce_max3A [1] : vector<2000x128xf32> to vector<2000xf32>
    %broadcast_in_dim3A = vector.shape_cast %reduce_max3A_35 : vector<2000xf32> to vector<2000x1xf32>
    %sub3A = vector.broadcast %broadcast_in_dim3A : vector<2000x1xf32> to vector<2000x128xf32>
    %sub3A_36 = arith.subf %add3A_34, %sub3A : vector<2000x128xf32>
    %exp3A = math.exp %sub3A_36 : vector<2000x128xf32>
    %reduce_sum3A = arith.constant dense<0.000000e+00> : vector<2000xf32>
    %reduce_sum3A_37 = vector.multi_reduction <add>, %exp3A, %reduce_sum3A [1] : vector<2000x128xf32> to vector<2000xf32>
    %broadcast_in_dim3A_38 = vector.shape_cast %reduce_sum3A_37 : vector<2000xf32> to vector<2000x1xf32>
    %log3A = math.log %broadcast_in_dim3A_38 : vector<2000x1xf32>
    %add3A_39 = arith.addf %broadcast_in_dim3A, %log3A : vector<2000x1xf32>
    %sub3A_40 = vector.broadcast %add3A_39 : vector<2000x1xf32> to vector<2000x128xf32>
    %sub3A_41 = arith.subf %add3A_34, %sub3A_40 : vector<2000x128xf32>
    %swap3A = arith.constant 0 : index
    %swap3A_42 = arith.constant 0 : index
    %swap3A_43 = vector.load %arg5[%swap3A, %swap3A_42] : memref<2000x128xf32, #tpu.memory_space<vmem>>, vector<2000x128xf32>
    tpu.vector_store %arg5[%swap3A, %swap3A_42], %sub3A_41 {strides = array<i32>} : memref<2000x128xf32, #tpu.memory_space<vmem>>, vector<2000x128xf32>,
    return
  }
  func.func @transform_0(%arg0: i32) -> (i32, i32, i32) {
    %c0_i32 = arith.constant 0 : i32
    %c0_i32_0 = arith.constant 0 : i32
    %c0_i32_1 = arith.constant 0 : i32
    %c0_i32_2 = arith.constant 0 : i32
    return %c0_i32, %c0_i32_0, %c0_i32_1 : i32, i32, i32
  }
  func.func @transform_1(%arg0: i32) -> (i32, i32, i32) {
    %c0_i32 = arith.constant 0 : i32
    %c0_i32_0 = arith.constant 0 : i32
    %c0_i32_1 = arith.constant 0 : i32
    %c0_i32_2 = arith.constant 0 : i32
    return %c0_i32, %c0_i32_0, %c0_i32_1 : i32, i32, i32
  }
  func.func @transform_2(%arg0: i32) -> (i32, i32) {
    %c0_i32 = arith.constant 0 : i32
    %c0_i32_0 = arith.constant 0 : i32
    return %arg0, %c0_i32 : i32, i32
  }
  func.func @transform_3(%arg0: i32) -> (i32, i32) {
    %c0_i32 = arith.constant 0 : i32
    %c0_i32_0 = arith.constant 0 : i32
    %c0_i32_1 = arith.constant 0 : i32
    return %c0_i32, %c0_i32_0 : i32, i32
  }
  func.func @transform_4(%arg0: i32) -> (i32, i32) {
    %c0_i32 = arith.constant 0 : i32
    %c0_i32_0 = arith.constant 0 : i32
    return %arg0, %c0_i32 : i32, i32
  }
}

</mosaic_0001>

<sc_bundles>
// kernel: kernel.12.cloned.1.call-start
scs
__scs_entry_jumppad:
0x0: {  	(pc) =	sbr.rel $0x88, $3  }
0x1: {  	(tag) =	ssettag $0x0;
	lr =	simm.s32 $0x1  }
0x2: {  	[smem:$0x3F9B] =	sst lr;
	_ =	strace $0xD0000000  }
0x3: {  	_ = 	snop  }
0x4: {  	_ = 	snop  }
0x5: {  	_ = 	snop  }
0x6: {  	_ = 	snop  }
0x7: {  	_ = 	snop  }
__scs_overlays_trampoline_lowered:
0x8: {  	[smem:$0x3FAA] =	sst s0  }
0x9: {  	[smem:$0x3FAB] =	sst s1  }
0xa: {  	[smem:$0x3FAC] =	sst s2  }
0xb: {  	[smem:$0x3FAD] =	sst s3  }
0xc: {  	[smem:$0x3FAE] =	sst s4  }
0xd: {  	[smem:$0x3FAF] =	sst s5  }
0xe: {  	[smem:$0x3FB0] =	sst s6  }
0xf: {  	[smem:$0x3FB1] =	sst s7  }
0x10: {  	[smem:$0x3FB2] =	sst s8  }
0x11: {  	[smem:$0x3FB3] =	sst s9;
	s0 =	simm.s32 @!p0 $0x0  }
0x12: {  	s1 =	sld [smem:$0x3F99];
	s0 =	simm.s32 @p0 $0x1  }
0x13: {  	[smem:$0x3FB4] =	sst s0;
	s0 =	simm.s32 @!p1 $0x0  }
0x14: {  	s2 =	sld [smem:$0x3F98];
	s0 =	simm.s32 @p1 $0x1  }
0x15: {  	[smem:$0x3FB5] =	sst s0;
	s0 =	simm.s32 @!p2 $0x0  }
0x16: {  	s3 =	sld [smem:$0x3FDB];
	s0 =	simm.s32 @p2 $0x1  }
0x17: {  	s4 =	simm.s32 $0x1BF5;
	[smem:$0x3FB7] =	sst s0  }
0x18: {  	s0 =	sld [smem:$0x3F9A];
	_ =	swait.ge [sflag:s4], $0x0  }
0x19: {  	s7 =	sld [smem:$0x3F9B]  }
0x1a: {  	s8 =	sadd.s32 $0xFFFFE003, lr  }
0x1b: {  	s9 =	sadd.s32 $0xFFFFFEF7, lr;
	s5 =	simm.s32 $0xFFFFFFFF;
	p2 =	slt.u32 s8, $0xFFFFF086  }
0x1c: {  	p1 =	slt.u32 s9, $0xF7A;
	s5 =	simm.s32 @!p2 $0x0  }
0x1d: {  	s5 =	simm.s32 @p1 $0x1;
	p0 =	seq.s32 s7, s2  }
0x1e: {  	s7 =	smul.u32 @!p0 $0xF7A, s2;
	p2 =	seq.s32 @!p0 s5, $0x0  }
0x1f: {  	s9 =	smul.u32 $0xF7A, s1;
	s8 =	simm.s32 @!p0 $0x1BF5;
	p2 =	por !p2, p0  }
0x20: {  	[sflag:s8] =	ssyncset.s32 @!p0 $0xFFFFF086;
	s6 =	sadd.s32 @!p0 s3, s7;
	s7 =	simm.s32 @!p0 $0x108  }
0x21: {  	s3 =	sadd.s32 s3, s9;
	s6 =	sadd.s32 @!p0 $0x88, s6;
	s7 =	simm.s32 @p2 $0x1082  }
0x22: {  	[simem:s7], [sflag:s8] =	dma.local @!p0 [hbm:s6], $0xF7A  }
0x23: {  	s9 =	sor.u32 $0xD0000000, s2;
	s6 =	simm.s32 $0x108;
	_ =	swait.ge @!p0 [sflag:s8], $0x0  }
0x24: {  	s3 =	sadd.s32 $0x88, s3;
	s6 =	simm.s32 @!p1 $0x1082;
	[sflag:s4] =	ssyncset.s32 $0xFFFFF086  }
0x25: {  	[simem:s6], [sflag:s4] =	dma.local [hbm:s3], $0xF7A  }
0x26: {  	[smem:$0x3F9B] =	sst s1;
	(tag) =	ssettag s2;
	_ =	strace s9  }
0x27: {  	s1 =	sld [smem:$0x3FAB]  }
0x28: {  	s2 =	sld [smem:$0x3FAC]  }
0x29: {  	s4 =	sld [smem:$0x3FAE]  }
0x2a: {  	p0 =	seq.s32 s5, $0x0;
	s5 =	sld [smem:$0x3FAF]  }
0x2b: {  	s6 =	sld [smem:$0x3FB0]  }
0x2c: {  	s7 =	sld [smem:$0x3FB1]  }
0x2d: {  	s3 =	simm.s32 $0x108;
	s8 =	sld [smem:$0x3FB2]  }
0x2e: {  	s3 =	simm.s32 @!p0 $0x1082;
	s9 =	sld [smem:$0x3FB3]  }
0x2f: {  	lr =	sadd.s32 s0, s3;
	s0 =	sld [smem:$0x3FAA]  }
0x30: {  	s3 =	sld [smem:$0x3FAD]  }
0x31: {  	[smem:$0x3FB6] =	sst s10  }
0x32: {  	s10 =	sld [smem:$0x3FB4];
	_ =	sdelay $0x3  }
0x33: {  	p0 =	seq.s32 s10, $0x1;
	s10 =	sld [smem:$0x3FB6];
	_ =	sdelay $0x3  }
0x34: {  	[smem:$0x3FB6] =	sst s10  }
0x35: {  	s10 =	sld [smem:$0x3FB5];
	_ =	sdelay $0x3  }
0x36: {  	p1 =	seq.s32 s10, $0x1;
	s10 =	sld [smem:$0x3FB6];
	_ =	sdelay $0x3  }
0x37: {  	[smem:$0x3FB6] =	sst s10  }
0x38: {  	s10 =	sld [smem:$0x3FB7]  }
0x39: {  	_ = 	snop;
	(pc) =	sbr.ind lr, $3  }
0x3a: {  	_ = 	snop  }
0x3b: {  	_ = 	snop  }
0x3c: {  	p2 =	seq.s32 s10, $0x1;
	s10 =	sld [smem:$0x3FB6]  }
0x3d: {  	_ =	shalt  }
0x3e: {  	_ =	shalt  }
0x3f: {  	_ =	shalt  }
0x40: {  	_ =	shalt  }
0x41: {  	_ =	shalt  }
0x42: {  	_ =	shalt  }
0x43: {  	_ =	shalt  }
0x44: {  	_ =	shalt  }
0x45: {  	_ =	shalt  }
0x46: {  	_ =	shalt  }
0x47: {  	_ =	shalt  }
0x48: {  	_ =	shalt  }
0x49: {  	_ =	shalt  }
0x4a: {  	_ =	shalt  }
0x4b: {  	_ =	shalt  }
0x4c: {  	_ =	shalt  }
0x4d: {  	_ =	shalt  }
0x4e: {  	_ =	shalt  }
0x4f: {  	_ =	shalt  }
0x50: {  	_ =	shalt  }
0x51: {  	_ =	shalt  }
0x52: {  	_ =	shalt  }
0x53: {  	_ =	shalt  }
0x54: {  	_ =	shalt  }
0x55: {  	_ =	shalt  }
0x56: {  	_ =	shalt  }
0x57: {  	_ =	shalt  }
0x58: {  	_ =	shalt  }
0x59: {  	_ =	shalt  }
0x5a: {  	_ =	shalt  }
0x5b: {  	_ =	shalt  }
0x5c: {  	_ =	shalt  }
0x5d: {  	_ =	shalt  }
0x5e: {  	_ =	shalt  }
0x5f: {  	_ =	shalt  }
0x60: {  	_ =	shalt  }
0x61: {  	_ =	shalt  }
0x62: {  	_ =	shalt  }
0x63: {  	_ =	shalt  }
0x64: {  	_ =	shalt  }
0x65: {  	_ =	shalt  }
0x66: {  	_ =	shalt  }
0x67: {  	_ =	shalt  }
0x68: {  	_ =	shalt  }
0x69: {  	_ =	shalt  }
0x6a: {  	_ =	shalt  }
0x6b: {  	_ =	shalt  }
0x6c: {  	_ =	shalt  }
0x6d: {  	_ =	shalt  }
0x6e: {  	_ =	shalt  }
0x6f: {  	_ =	shalt  }
0x70: {  	_ =	shalt  }
0x71: {  	_ =	shalt  }
0x72: {  	_ =	shalt  }
0x73: {  	_ =	shalt  }
0x74: {  	_ =	shalt  }
0x75: {  	_ =	shalt  }
0x76: {  	_ =	shalt  }
0x77: {  	_ =	shalt  }
0x78: {  	_ =	shalt  }
0x79: {  	_ =	shalt  }
0x7a: {  	_ =	shalt  }
0x7b: {  	_ =	shalt  }
0x7c: {  	_ =	shalt  }
0x7d: {  	_ =	shalt  }
0x7e: {  	_ =	shalt  }
0x7f: {  	_ =	shalt  }
0x80: {  	_ =	shalt  }
0x81: {  	_ =	shalt  }
0x82: {  	_ =	shalt  }
0x83: {  	_ =	shalt  }
0x84: {  	_ =	shalt  }
0x85: {  	_ =	shalt  }
0x86: {  	_ =	shalt  }
0x87: {  	_ =	shalt  }
.Lfunc_end0:
.L_simem_size_0:
called_computation.1_lowered:
.L_overlay_start_0:
0x88: {  	s2 =	sld [smem:$0x3FD9]  }
0x89: {  	s3 =	sld [smem:$0x3FFE];
	_ =	sdelay $0x1  }
0x8a: {  	s1 =	srdreg.scid  }
0x8b: {  	s0 =	sand.u32 $0x1, s1  }
0x8c: {  	s17 =	sshll.u32 s0, $0xA;
	s2 =	sadd.s32 s3, s2  }
0x8d: {  	s2 =	sadd.s32 s2, s17  }
0x8e: {  	[smem:$0x3FC2] =	sst s2  }
0x8f: {  	_ = 	snop  }
0x90: {  	s2 =	sld [smem:$0x3FD0];
	(tm) =	ssettm $0x1  }
0x91: {  	s18 =	sld [smem:$0x3FFB];
	_ =	sdelay $0x3  }
0x92: {  	_ =	strace s18  }
0x93: {  	s3 =	sld [smem:$0x3FFC];
	_ =	sdelay $0x3  }
0x94: {  	_ =	strace s3  }
0x95: {  	s3 =	sld [smem:$0x3FFD];
	_ =	sdelay $0x3  }
0x96: {  	_ =	strace s3  }
0x97: {  	_ =	strace $0x8FFFFFFF  }
0x98: {  	s19 =	sld [smem:$0x3FDB];
	_ =	sdelay $0x1  }
0x99: {  	s4 =	simm.s32 $_scs_section_size  }
0x9a: {  	s5 =	simm.s32 $_size__tile_overlayer_lowered;
	s6 =	simm.s32 $_tile_overlayer_lowered  }
0x9b: {  	s22 =	simm.s32 $0x1BFF;
	s21 =	sshll.u32 s6, $0x1;
	s3 =	sadd.s32 s4, s19  }
0x9c: {  	s7 =	simm.s32 $0x0;
	s20 =	sshll.u32 s5, $0x1;
	s5 =	sadd.s32 s21, s3  }
0x9d: {  	[timem:s7], [sflag:s22] =	dma.local [hbm:s5], s20  }
0x9e: {  	_ =	swait.ge [sflag:s22], s20  }
0x9f: {  	s4 =	ssub.s32 $0x0, s20;
	[sflag:s22] =	ssyncset.done $0x0  }
0xa0: {  	[sflag:s22] =	ssyncadd.s32 s4;
	_ =	sdelay $0x1  }
0xa1: {  	s23 =	simm.s32 $0x1B8B  }
0xa2: {  	_ =	swait.ge [sflag:s23], $0x1  }
0xa3: {  	[sflag:s23] =	ssyncset.done $0x0  }
0xa4: {  	s25 =	simm.s32 $0x1B8E;
	s24 =	sld [smem:$0x3FFE];
	[sflag:s23] =	ssyncadd.s32 $0xFFFFFFFF  }
0xa5: {  	s26 =	simm.s32 $execute0_lowered;
	[smem:$0x3FD2] =	sst s25  }
0xa6: {  	s5 =	sshll.u32 s26, $0x1;
	_ =	strace $0x80000049;
	[dreg:$0x1] =	wrdreg $0xFFFFFFFF  }
0xa7: {  	s28 =	simm.s32 $_size_execute0_lowered;
	s3 =	sadd.s32 s3, s5;
	[dreg:$0x0] =	wrdreg $0x0  }
0xa8: {  	s5 =	sshll.u32 s28, $0x1;
	[dreg:$0x2] =	wrdreg s3  }
0xa9: {  	[dreg:$0x3] =	wrdreg s5  }
0xaa: {  	[dreg:$0x4] =	wrdreg $0xC0  }
0xab: {  	_ =	task [dreg:s7], $0x5FFFF  }
0xac: {  	[dreg:$0x1] =	wrdreg $0xFFFFFFFF  }
0xad: {  	[dreg:$0x0] =	wrdreg $0x60  }
0xae: {  	[dreg:$0x2] =	wrdreg s2  }
0xaf: {  	[dreg:$0x3] =	wrdreg s24  }
0xb0: {  	[dreg:$0x4] =	wrdreg $0xA1000  }
0xb1: {  	[dreg:$0x5] =	wrdreg $0x9  }
0xb2: {  	_ =	task.clear_ibuf [dreg:s7], $0x6FFFF;
	_ =	strace $0x90000049  }
0xb3: {  	s29 =	simm.s32 $0x9;
	_ =	strace $0x8000004B  }
0xb4: {  	_ =	swait.ge [sflag:s29], $0x1  }
0xb5: {  	[sflag:s29] =	ssyncadd.s32 $0xFFFFFFFF  }
0xb6: {  	_ =	strace $0x9000004B  }
0xb7: {  	_ =	sfence  }
0xb8: {  	s30 =	sld [smem:$0x0];
	_ =	sdelay $0x2  }
0xb9: {  	s31 =	sshll.u32 s1, $0xD;
	s1 =	sshrl.u32 s1, $0x2  }
0xba: {  	s3 =	sand.u32 $0x4000, s31;
	s1 =	sadd.s32 s1, s30  }
0xbb: {  	s0 =	sor.u32 s3, s0;
	s1 =	sshll.u32 s1, $0x11  }
0xbc: {  	s0 =	sor.u32 s1, s0  }
0xbd: {  	s0 =	sadd.s32 $0x8F2B, s0  }
0xbe: {  	[sflag:s0] =	ssyncadd.remote.s32 $0x1  }
0xbf: {  	_ =	sfence.sel $0xFFFF  }
0xc0: {  	[dreg:$0x0] =	wrdreg $0xFFFFFFFF;
	(pc) =	sbr.abs _section_cstart, $3  }
0xc1: {  	[dreg:$0x1] =	wrdreg $0xFFFFFFFF  }
0xc2: {  	_ =	task.clear_ibuf [dreg:s7], $0x2FFFF;
	_ =	strace $0x9FFFFFFF  }
0xc3: {  	(tm) =	ssettm $0x7FFFFFFF  }
tec
execute0_lowered:
.L_overlay_start_1:
0x0: {  	(tag) =	ssettag $0x1  }
0x1: {  	s2 =	rddreg [dreg:$0x1];
	s1 =	simm.s32 $0x0;
	s0 =	srdreg.scid  }
0x2: {  	s30 =	stileid.u32;
	s31 =	simm.s32 $0x4F80;
	[smem:$0x7FF] =	sst s1  }
0x3: {  	s0 =	sand.u32 $0x1, s0;
	s11 =	smul.u32 $0x14000, s30;
	s6 =	sadd.s32 $0x18400, s2  }
0x4: {  	s3 =	sshll.u32 s0, $0x4;
	s8 =	smul.u32 $0x140000, s0;
	s0 =	ssub.s32 $0x2, s0  }
0x5: {  	s28 =	smul.u32 $0x50000, s30;
	s3 =	sor.u32 s30, s3;
	s13 =	sshrl.u32 s0, $0x1  }
0x6: {  	s29 =	sadd.s32 $0x12000, s11;
	s5 =	smul.u32 $0x4E2, s3;
	s4 =	sadd.s32 s11, s8  }
0x7: {  	s0 =	ssub.s32 s0, s13;
	s3 =	sor.u32 $0x1000, s11;
	s7 =	sshrl.u32 s4, $0x3  }
0x8: {  	s9 =	sadd.s32 s8, s3;
	s4 =	sor.u32 $0x2000, s11;
	s0 =	smax.u32 s0, $0x1  }
0x9: {  	s7 =	sadd.s32 s6, s7;
	s14 =	sshrl.u32 s9, $0x3;
	s15 =	sadd.s32 s8, s4  }
0xa: {  	[dreg:$0x4] =	wrdreg s7;
	s7 =	sadd.s32 s6, s14;
	s9 =	sshrl.u32 s15, $0x3  }
0xb: {  	[dreg:$0x5] =	wrdreg s7;
	s7 =	sor.u32 $0x3000, s11;
	s9 =	sadd.s32 s6, s9  }
0xc: {  	[dreg:$0x6] =	wrdreg s9;
	s10 =	sadd.s32 s8, s7;
	s9 =	sadd.s32 $0x4000, s11  }
0xd: {  	s12 =	sshrl.u32 s10, $0x3;
	s13 =	sadd.s32 s8, s9;
	s10 =	sadd.s32 $0x5000, s11  }
0xe: {  	s12 =	sadd.s32 s6, s12;
	s16 =	sshrl.u32 s13, $0x3;
	s17 =	sadd.s32 s8, s10  }
0xf: {  	[dreg:$0x7] =	wrdreg s12;
	s12 =	sadd.s32 s6, s16;
	s13 =	sshrl.u32 s17, $0x3  }
0x10: {  	[dreg:$0x8] =	wrdreg s12;
	s12 =	sadd.s32 $0x6000, s11;
	s13 =	sadd.s32 s6, s13  }
0x11: {  	[dreg:$0x9] =	wrdreg s13;
	s14 =	sadd.s32 s8, s12;
	s13 =	sadd.s32 $0x7000, s11  }
0x12: {  	s5 =	sadd.s32 s5, s2;
	s15 =	sshrl.u32 s14, $0x3;
	s16 =	sadd.s32 s8, s13  }
0x13: {  	s14 =	sadd.s32 $0x8000, s11;
	s15 =	sadd.s32 s6, s15;
	s18 =	sshrl.u32 s16, $0x3  }
0x14: {  	s19 =	sadd.s32 s8, s14;
	[dreg:$0xa] =	wrdreg s15;
	s15 =	sadd.s32 s6, s18  }
0x15: {  	s16 =	sshrl.u32 s19, $0x3;
	s19 =	sadd.s32 $0xB000, s11;
	[dreg:$0xb] =	wrdreg s15  }
0x16: {  	s15 =	sadd.s32 $0x9000, s11;
	s16 =	sadd.s32 s6, s16;
	s21 =	sadd.s32 s8, s19  }
0x17: {  	[dreg:$0xc] =	wrdreg s16;
	s17 =	sadd.s32 s8, s15;
	s16 =	sadd.s32 $0xA000, s11  }
0x18: {  	s22 =	sshrl.u32 s21, $0x3;
	s17 =	sshrl.u32 s17, $0x3;
	s18 =	sadd.s32 s8, s16  }
0x19: {  	s17 =	sadd.s32 s6, s17;
	s20 =	sshrl.u32 s18, $0x3;
	s18 =	sadd.s32 $0xC000, s11  }
0x1a: {  	[dreg:$0xd] =	wrdreg s17;
	s17 =	sadd.s32 s6, s20;
	s23 =	sadd.s32 s8, s18  }
0x1b: {  	s20 =	sadd.s32 $0xD000, s11;
	[dreg:$0xe] =	wrdreg s17;
	s17 =	sadd.s32 s6, s22  }
0x1c: {  	s21 =	sadd.s32 s8, s20;
	[dreg:$0xf] =	wrdreg s17;
	s17 =	sshrl.u32 s23, $0x3  }
0x1d: {  	s23 =	sadd.s32 $0xE000, s11;
	s24 =	sshrl.u32 s21, $0x3;
	s17 =	sadd.s32 s6, s17  }
0x1e: {  	s25 =	sadd.s32 s8, s23;
	[dreg:$0x10] =	wrdreg s17;
	s17 =	sadd.s32 s6, s24  }
0x1f: {  	s26 =	sshrl.u32 s25, $0x3;
	s24 =	sadd.s32 $0xF000, s11;
	s25 =	sadd.s32 $0x10000, s11  }
0x20: {  	[dreg:$0x11] =	wrdreg s17;
	s17 =	sadd.s32 s6, s26;
	s21 =	sadd.s32 s8, s24  }
0x21: {  	s22 =	sadd.s32 s8, s25;
	[dreg:$0x12] =	wrdreg s17;
	s17 =	sshrl.u32 s21, $0x3  }
0x22: {  	s26 =	sadd.s32 $0x11000, s11;
	s21 =	sshrl.u32 s22, $0x3;
	s17 =	sadd.s32 s6, s17  }
0x23: {  	s22 =	sadd.s32 s8, s26;
	[dreg:$0x13] =	wrdreg s17;
	s17 =	sadd.s32 s6, s21  }
0x24: {  	s11 =	sadd.s32 $0x13000, s11;
	s21 =	sshrl.u32 s22, $0x3;
	[dreg:$0x14] =	wrdreg s17  }
0x25: {  	s22 =	sadd.s32 s8, s29;
	s17 =	sadd.s32 s6, s21;
	s21 =	rddreg [dreg:$0x0]  }
0x26: {  	s8 =	sadd.s32 s8, s11;
	[dreg:$0x15] =	wrdreg s17;
	s17 =	sshrl.u32 s22, $0x3  }
0x27: {  	s8 =	sshrl.u32 s8, $0x3;
	s22 =	rddreg [dreg:$0x2];
	s17 =	sadd.s32 s6, s17  }
0x28: {  	s6 =	sadd.s32 s6, s8;
	s8 =	sshrl.u32 s28, $0x2;
	[dreg:$0x16] =	wrdreg s17  }
0x29: {  	s2 =	sadd.s32 $0x15C00, s2;
	[dreg:$0x17] =	wrdreg s6;
	s17 =	sadd.s32 s8, s22  }
0x2a: {  	s6 =	sshll.u32 s30, $0x6;
	_ =	strace $0x8000004A;
	[dreg:$0x18] =	wrdreg s2  }
0x2b: {  	s8 =	sadd.s32 $0xBE00, s5;
	s30 =	simm.s32 $0x1;
	[dreg:$0x19] =	wrdreg s17  }
0x2c: {  	s28 =	sor.u32 $0x1C03, s6;
	[dreg:$0x1a] =	wrdreg s8;
	s17 =	sadd.s32 $0x2000, s5  }
0x2d: {  	s2 =	sadd.s32 s3, s22;
	s3 =	sadd.s32 s4, s22;
	s4 =	sadd.s32 s7, s22  }
0x2e: {  	s5 =	sadd.s32 s9, s22;
	s6 =	sadd.s32 s10, s22;
	s7 =	sadd.s32 s12, s22  }
0x2f: {  	s8 =	sadd.s32 s13, s22;
	s9 =	sadd.s32 s14, s22;
	s10 =	sadd.s32 s15, s22  }
0x30: {  	s12 =	sadd.s32 s16, s22;
	s13 =	sadd.s32 s19, s22;
	s14 =	sadd.s32 s18, s22  }
0x31: {  	s15 =	sadd.s32 s20, s22;
	s16 =	sadd.s32 s23, s22;
	s18 =	sadd.s32 s25, s22  }
0x32: {  	s19 =	sadd.s32 s26, s22;
	s20 =	sadd.s32 s29, s22;
	s23 =	sadd.s32 s11, s22  }
0x33: {  	[dreg:$0x1c] =	wrdreg s0;
	s29 =	simm.s32 $0x7900;
	s0 =	simm.s32 $0x7880  }
0x34: {  	[dreg:$0x1b] =	wrdreg s17;
	s17 =	sadd.s32 s24, s22;
	s2 =	sshrl.u32 s2, $0x3  }
0x35: {  	s3 =	sshrl.u32 s3, $0x3;
	s4 =	sshrl.u32 s4, $0x3;
	s5 =	sshrl.u32 s5, $0x3  }
0x36: {  	s11 =	sshrl.u32 s6, $0x3;
	s24 =	sshrl.u32 s7, $0x3;
	[dreg:$0x1d] =	wrdreg s2  }
0x37: {  	s25 =	sshrl.u32 s8, $0x3;
	s26 =	sshrl.u32 s9, $0x3;
	[dreg:$0x1e] =	wrdreg s3  }
0x38: {  	s8 =	sshrl.u32 s10, $0x3;
	s9 =	sshrl.u32 s12, $0x3;
	[dreg:$0x1f] =	wrdreg s4  }
0x39: {  	s10 =	sshrl.u32 s13, $0x3;
	s12 =	sshrl.u32 s15, $0x3;
	[smem:$0x7F9] =	sst s5  }
0x3a: {  	s13 =	sshrl.u32 s16, $0x3;
	s15 =	sshrl.u32 s18, $0x3;
	[smem:$0x7FA] =	sst s11  }
0x3b: {  	s16 =	sshrl.u32 s19, $0x3;
	s18 =	sshrl.u32 s23, $0x3;
	[smem:$0x7FB] =	sst s24  }
0x3c: {  	s19 =	simm.s32 $0x3;
	s23 =	simm.s32 $0x50;
	[smem:$0x7FC] =	sst s25  }
0x3d: {  	[smem:$0x7FD] =	sst s26;
	s11 =	sshrl.u32 s14, $0x3;
	s14 =	sshrl.u32 s17, $0x3  }
0x3e: {  	s17 =	sshrl.u32 s20, $0x3;
	s24 =	simm.s32 $0x4F00;
	s25 =	simm.s32 $0x5000  }
0x3f: {  	s26 =	simm.s32 $0x7800;
	s20 =	simm.s32 $0x2;
	s2 =	simm.s32 $0x0  }
.LBB2_1:
0x40: {  	s3 =	rddreg [dreg:$0x19]  }
0x41: {  	s4 =	rddreg [dreg:$0x18];
	s3 =	sshrl.u32 s3, $0x3  }
0x42: {  	[spmem:s3], [sflag:s28] =	dma.local [hbm:s4], $0x2800  }
0x43: {  	_ =	swait.ge [sflag:s19], $0x2800  }
0x44: {  	[sflag:s19] =	ssyncset.done $0x0  }
0x45: {  	s6 =	rddreg [dreg:$0x1a];
	[sflag:s19] =	ssyncadd.s32 $0xFFFFD800  }
0x46: {  	[tilespmem:s1], [sflag:$0x3] =	stream.linear.gather [hbm4b:s6+s1], $0x2710, $0x38;
	[tilespmem:$0x1E100] =	vst v63  }
0x47: {  	_ =	swait.ge [sflag:s19], $0x2710  }
0x48: {  	[sflag:s19] =	ssyncset.done $0x0  }
0x49: {  	s5 =	simm.s32 $0x2780;
	s7 =	rddreg [dreg:$0x1b];
	[sflag:s19] =	ssyncadd.s32 $0xFFFFD8F0  }
0x4a: {  	[tilespmem:s5], [sflag:$0x3] =	stream.linear.gather [hbm4b:s7+s1], $0x2710, $0x38;
	[tilespmem:$0x1E100] =	vst v63  }
0x4b: {  	_ =	swait.ge [sflag:s19], $0x2710  }
0x4c: {  	[sflag:s19] =	ssyncset.done $0x0  }
0x4d: {  	[sflag:s19] =	ssyncadd.s32 $0xFFFFD8F0  }
0x4e: {  	[bflag:$0x0] =	sbarrier.arrive $0xFFFF  }
0x4f: {  	v0 =	vld [tilespmem:$0x0]  }
0x50: {  	v1 =	vld [tilespmem:$0x2780]  }
0x51: {  	v2 =	vld [tilespmem:$0x10]  }
0x52: {  	v3 =	vld [tilespmem:$0x2790]  }
0x53: {  	v4 =	vld [tilespmem:$0x20]  }
0x54: {  	v5 =	vld [tilespmem:$0x27A0]  }
0x55: {  	v6 =	vld [tilespmem:$0x30];
	vm0 =	veq.s32 v0, v1  }
0x56: {  	[tilespmem:$0x4F00] =	vst v0;
	v0 =	vsel vm0, $0x2710, v1;
	v1 =	vld [tilespmem:$0x27B0]  }
0x57: {  	vm0 =	veq.s32 v2, v3;
	[tilespmem:$0x4F80] =	vst v0;
	v0 =	vld [tilespmem:$0x40]  }
0x58: {  	[tilespmem:$0x4F10] =	vst v2;
	v2 =	vsel vm0, $0x2710, v3;
	v3 =	vld [tilespmem:$0x27C0]  }
0x59: {  	[tilespmem:$0x4F20] =	vst v4  }
0x5a: {  	[tilespmem:$0x4F30] =	vst v6;
	vm0 =	veq.s32 v4, v5  }
0x5b: {  	[tilespmem:$0x4F90] =	vst v2;
	v2 =	vsel vm0, $0x2710, v5  }
0x5c: {  	[tilespmem:$0x4FA0] =	vst v2;
	vm0 =	veq.s32 v6, v1  }
0x5d: {  	v1 =	vsel vm0, $0x2710, v1;
	vm0 =	veq.s32 v0, v3;
	[tilespmem:$0x4F40] =	vst v0  }
0x5e: {  	[tilespmem:$0x4FB0] =	vst v1;
	v0 =	vsel vm0, $0x2710, v3  }
0x5f: {  	s4 =	simm.s32 $0x70;
	[tilespmem:$0x4FC0] =	vst v0  }
0x60: {  	[tilespmem:s25], [sflag:$0x1] =	stream.indirect.gather [hbm4b:s21+s23], $0x80, s24, s23, $0xb8;
	[tilespmem:$0x1E100] =	vst v63  }
0x61: {  	s5 =	simm.s32 $0x27F0;
	v0 =	vld [tilespmem:s4+$0xFFFFFFE0]  }
0x62: {  	v1 =	vld [tilespmem:s5+$0xFFFFFFE0];
	_ =	sdelay $0x4  }
0x63: {  	vm0 =	veq.s32 v0, v1  }
0x64: {  	[tilespmem:$0x7800] =	vst v0;
	v0 =	vsel vm0, $0x2710, v1  }
0x65: {  	[tilespmem:$0x7880] =	vst v0  }
0x66: {  	v0 =	vld [tilespmem:s4+$0xFFFFFFF0]  }
0x67: {  	v1 =	vld [tilespmem:s5+$0xFFFFFFF0];
	_ =	sdelay $0x4  }
0x68: {  	vm0 =	veq.s32 v0, v1  }
0x69: {  	[tilespmem:$0x7810] =	vst v0;
	v0 =	vsel vm0, $0x2710, v1  }
0x6a: {  	[tilespmem:$0x7890] =	vst v0  }
0x6b: {  	v0 =	vld [tilespmem:s4+$0x0]  }
0x6c: {  	v1 =	vld [tilespmem:s5+$0x0];
	_ =	sdelay $0x4  }
0x6d: {  	vm0 =	veq.s32 v0, v1  }
0x6e: {  	[tilespmem:$0x7820] =	vst v0;
	v0 =	vsel vm0, $0x2710, v1  }
0x6f: {  	s6 =	sand.u32 $0x3FE0, s1;
	[tilespmem:$0x78A0] =	vst v0  }
0x70: {  	v0 =	vld [tilespmem:s6+$0x80]  }
0x71: {  	v1 =	vld [tilespmem:s6+$0x2800];
	_ =	sdelay $0x4  }
0x72: {  	vm0 =	veq.s32 v0, v1  }
0x73: {  	[tilespmem:$0x7830] =	vst v0;
	v0 =	vsel vm0, $0x2710, v1  }
0x74: {  	[tilespmem:$0x78B0] =	vst v0  }
0x75: {  	v0 =	vld [tilespmem:s4+$0x20]  }
0x76: {  	v1 =	vld [tilespmem:s5+$0x20];
	_ =	sdelay $0x4  }
0x77: {  	vm0 =	veq.s32 v0, v1  }
0x78: {  	[tilespmem:$0x7840] =	vst v0;
	v0 =	vsel vm0, $0x2710, v1  }
0x79: {  	[tilespmem:$0x78C0] =	vst v0  }
0x7a: {  	[tilespmem:s29], [sflag:$0x2] =	stream.indirect.gather [hbm4b:s21+s23], $0x80, s26, s23, $0xb8;
	[tilespmem:$0x1E100] =	vst v63  }
0x7b: {  	_ =	swait.ge [sflag:s30], $0x2800  }
0x7c: {  	[sflag:s30] =	ssyncset.done $0x0  }
0x7d: {  	[sflag:s30] =	ssyncadd.s32 $0xFFFFD800  }
0x7e: {  	[spmem:s22] =	stream.indirect.scatter.add.f32 [tilespmem:s25], [sflag:$0x3], $0x80, s31, s23, $0xb8;
	[tilespmem:$0x1E100] =	vst v63  }
0x7f: {  	_ =	swait.ge [sflag:s19], $0x2800  }
0x80: {  	[sflag:s19] =	ssyncset.done $0x0  }
0x81: {  	[sflag:s19] =	ssyncadd.s32 $0xFFFFD800  }
0x82: {  	v0 =	vld [tilespmem:s4+$0x30]  }
0x83: {  	v1 =	vld [tilespmem:s5+$0x30];
	_ =	sdelay $0x4  }
0x84: {  	vm0 =	veq.s32 v0, v1  }
0x85: {  	[tilespmem:$0x4F00] =	vst v0;
	v0 =	vsel vm0, $0x2710, v1  }
0x86: {  	[tilespmem:$0x4F80] =	vst v0  }
0x87: {  	v0 =	vld [tilespmem:s4+$0x40]  }
0x88: {  	v1 =	vld [tilespmem:s5+$0x40];
	_ =	sdelay $0x4  }
0x89: {  	vm0 =	veq.s32 v0, v1  }
0x8a: {  	[tilespmem:$0x4F10] =	vst v0;
	v0 =	vsel vm0, $0x2710, v1  }
0x8b: {  	[tilespmem:$0x4F90] =	vst v0  }
0x8c: {  	v0 =	vld [tilespmem:s4+$0x50]  }
0x8d: {  	v1 =	vld [tilespmem:s5+$0x50];
	_ =	sdelay $0x4  }
0x8e: {  	vm0 =	veq.s32 v0, v1  }
0x8f: {  	[tilespmem:$0x4F20] =	vst v0;
	v0 =	vsel vm0, $0x2710, v1  }
0x90: {  	[tilespmem:$0x4FA0] =	vst v0  }
0x91: {  	v0 =	vld [tilespmem:s4+$0x60]  }
0x92: {  	v1 =	vld [tilespmem:s5+$0x60];
	_ =	sdelay $0x4  }
0x93: {  	vm0 =	veq.s32 v0, v1  }
0x94: {  	[tilespmem:$0x4F30] =	vst v0;
	v0 =	vsel vm0, $0x2710, v1  }
0x95: {  	[tilespmem:$0x4FB0] =	vst v0  }
0x96: {  	v1 =	vld [tilespmem:s4+$0x70]  }
0x97: {  	v0 =	vld [tilespmem:s5+$0x70];
	_ =	sdelay $0x4  }
0x98: {  	s6 =	simm.s32 $0xA0;
	[tilespmem:$0x4F40] =	vst v1;
	vm0 =	veq.s32 v1, v0  }
.LBB2_2:
0x99: {  	p0 =	sne.s32 s6, $0x2620;
	v0 =	vsel vm0, $0x2710, v0;
	s5 =	sadd.s32 $0xA0, s5;
	s4 =	sadd.s32 $0xA0, s4  }
0x9a: {  	s7 =	smov.u32 s6;
	s6 =	sadd.s32 $0xA0, s6;
	[tilespmem:$0x4FC0] =	vst v0  }
0x9b: {  	[tilespmem:s25], [sflag:$0x1] =	stream.indirect.gather [hbm4b:s21+s23], $0x80, s24, s23, $0xb8;
	[tilespmem:$0x1E100] =	vst v63  }
0x9c: {  	_ =	swait.ge [sflag:s20], $0x2800  }
0x9d: {  	[sflag:s20] =	ssyncset.done $0x0  }
0x9e: {  	[sflag:s20] =	ssyncadd.s32 $0xFFFFD800  }
0x9f: {  	[spmem:s22] =	stream.indirect.scatter.add.f32 [tilespmem:s29], [sflag:$0x3], $0x80, s0, s23, $0xb8;
	[tilespmem:$0x1E100] =	vst v63  }
0xa0: {  	_ =	swait.ge [sflag:s19], $0x2800  }
0xa1: {  	[sflag:s19] =	ssyncset.done $0x0  }
0xa2: {  	[sflag:s19] =	ssyncadd.s32 $0xFFFFD800  }
0xa3: {  	v0 =	vld [tilespmem:s4+$0xFFFFFFE0]  }
0xa4: {  	v1 =	vld [tilespmem:s5+$0xFFFFFFE0];
	_ =	sdelay $0x4  }
0xa5: {  	vm0 =	veq.s32 v0, v1  }
0xa6: {  	[tilespmem:$0x7800] =	vst v0;
	v0 =	vsel vm0, $0x2710, v1  }
0xa7: {  	[tilespmem:$0x7880] =	vst v0  }
0xa8: {  	v0 =	vld [tilespmem:s4+$0xFFFFFFF0]  }
0xa9: {  	v1 =	vld [tilespmem:s5+$0xFFFFFFF0];
	_ =	sdelay $0x4  }
0xaa: {  	vm0 =	veq.s32 v0, v1  }
0xab: {  	[tilespmem:$0x7810] =	vst v0;
	v0 =	vsel vm0, $0x2710, v1  }
0xac: {  	[tilespmem:$0x7890] =	vst v0  }
0xad: {  	v0 =	vld [tilespmem:s4+$0x0]  }
0xae: {  	v1 =	vld [tilespmem:s5+$0x0];
	_ =	sdelay $0x3  }
0xaf: {  	[tilespmem:$0x7820] =	vst v0  }
0xb0: {  	vm0 =	veq.s32 v0, v1  }
0xb1: {  	v0 =	vsel vm0, $0x2710, v1  }
0xb2: {  	s7 =	sand.u32 $0x3FE0, s7;
	[tilespmem:$0x78A0] =	vst v0  }
0xb3: {  	v0 =	vld [tilespmem:s7+$0x80]  }
0xb4: {  	v1 =	vld [tilespmem:s7+$0x2800];
	_ =	sdelay $0x3  }
0xb5: {  	[tilespmem:$0x7830] =	vst v0  }
0xb6: {  	vm0 =	veq.s32 v0, v1  }
0xb7: {  	v0 =	vsel vm0, $0x2710, v1  }
0xb8: {  	[tilespmem:$0x78B0] =	vst v0  }
0xb9: {  	v0 =	vld [tilespmem:s4+$0x20]  }
0xba: {  	v1 =	vld [tilespmem:s5+$0x20];
	_ =	sdelay $0x3  }
0xbb: {  	[tilespmem:$0x7840] =	vst v0  }
0xbc: {  	vm0 =	veq.s32 v0, v1  }
0xbd: {  	v0 =	vsel vm0, $0x2710, v1  }
0xbe: {  	[tilespmem:$0x78C0] =	vst v0  }
0xbf: {  	[tilespmem:s29], [sflag:$0x2] =	stream.indirect.gather [hbm4b:s21+s23], $0x80, s26, s23, $0xb8;
	[tilespmem:$0x1E100] =	vst v63  }
0xc0: {  	_ =	swait.ge [sflag:s30], $0x2800  }
0xc1: {  	[sflag:s30] =	ssyncset.done $0x0  }
0xc2: {  	[sflag:s30] =	ssyncadd.s32 $0xFFFFD800  }
0xc3: {  	[spmem:s22] =	stream.indirect.scatter.add.f32 [tilespmem:s25], [sflag:$0x3], $0x80, s31, s23, $0xb8;
	[tilespmem:$0x1E100] =	vst v63  }
0xc4: {  	_ =	swait.ge [sflag:s19], $0x2800  }
0xc5: {  	[sflag:s19] =	ssyncset.done $0x0  }
0xc6: {  	[sflag:s19] =	ssyncadd.s32 $0xFFFFD800  }
0xc7: {  	v0 =	vld [tilespmem:s4+$0x30]  }
0xc8: {  	v1 =	vld [tilespmem:s5+$0x30];
	_ =	sdelay $0x3  }
0xc9: {  	[tilespmem:$0x4F00] =	vst v0  }
0xca: {  	vm0 =	veq.s32 v0, v1  }
0xcb: {  	v0 =	vsel vm0, $0x2710, v1  }
0xcc: {  	[tilespmem:$0x4F80] =	vst v0  }
0xcd: {  	v0 =	vld [tilespmem:s4+$0x40]  }
0xce: {  	v1 =	vld [tilespmem:s5+$0x40];
	_ =	sdelay $0x3  }
0xcf: {  	[tilespmem:$0x4F10] =	vst v0  }
0xd0: {  	vm0 =	veq.s32 v0, v1  }
0xd1: {  	v0 =	vsel vm0, $0x2710, v1  }
0xd2: {  	[tilespmem:$0x4F90] =	vst v0  }
0xd3: {  	v0 =	vld [tilespmem:s4+$0x50]  }
0xd4: {  	v1 =	vld [tilespmem:s5+$0x50];
	_ =	sdelay $0x3  }
0xd5: {  	[tilespmem:$0x4F20] =	vst v0  }
0xd6: {  	vm0 =	veq.s32 v0, v1  }
0xd7: {  	v0 =	vsel vm0, $0x2710, v1  }
0xd8: {  	[tilespmem:$0x4FA0] =	vst v0  }
0xd9: {  	v0 =	vld [tilespmem:s4+$0x60]  }
0xda: {  	v1 =	vld [tilespmem:s5+$0x60];
	_ =	sdelay $0x3  }
0xdb: {  	[tilespmem:$0x4F30] =	vst v0  }
0xdc: {  	vm0 =	veq.s32 v0, v1  }
0xdd: {  	v0 =	vsel vm0, $0x2710, v1  }
0xde: {  	[tilespmem:$0x4FB0] =	vst v0  }
0xdf: {  	v1 =	vld [tilespmem:s4+$0x70]  }
0xe0: {  	v0 =	vld [tilespmem:s5+$0x70]  }
.Ltmp0:
0xe1: {  	(pc) =	sbr.rel @p0 .LBB2_2-.Ltmp0, $3  }
0xe2: {  	_ =	sdelay $0x1  }
0xe3: {  	[tilespmem:$0x4F40] =	vst v1  }
0xe4: {  	vm0 =	veq.s32 v1, v0  }
0xe5: {  	v0 =	vsel vm0, $0x2710, v0  }
0xe6: {  	[tilespmem:$0x4FC0] =	vst v0  }
0xe7: {  	[tilespmem:s25], [sflag:$0x1] =	stream.indirect.gather [hbm4b:s21+s23], $0x80, s24, s23, $0xb8;
	[tilespmem:$0x1E100] =	vst v63  }
0xe8: {  	_ =	swait.ge [sflag:s20], $0x2800  }
0xe9: {  	[sflag:s20] =	ssyncset.done $0x0  }
0xea: {  	[sflag:s20] =	ssyncadd.s32 $0xFFFFD800  }
0xeb: {  	[spmem:s22] =	stream.indirect.scatter.add.f32 [tilespmem:s29], [sflag:$0x3], $0x80, s0, s23, $0xb8;
	[tilespmem:$0x1E100] =	vst v63  }
0xec: {  	_ =	swait.ge [sflag:s19], $0x2800  }
0xed: {  	[sflag:s19] =	ssyncset.done $0x0  }
0xee: {  	[sflag:s19] =	ssyncadd.s32 $0xFFFFD800  }
0xef: {  	_ =	swait.ge [sflag:s30], $0x2800  }
0xf0: {  	[sflag:s30] =	ssyncset.done $0x0  }
0xf1: {  	[sflag:s30] =	ssyncadd.s32 $0xFFFFD800  }
0xf2: {  	[spmem:s22] =	stream.indirect.scatter.add.f32 [tilespmem:s25], [sflag:$0x3], $0x80, s31, s23, $0xb8;
	[tilespmem:$0x1E100] =	vst v63  }
0xf3: {  	_ =	swait.ge [sflag:s19], $0x2800  }
0xf4: {  	[sflag:s19] =	ssyncset.done $0x0  }
0xf5: {  	[sflag:s19] =	ssyncadd.s32 $0xFFFFD800  }
0xf6: {  	[bflag:$0x0] =	sbarrier.arrive $0xFFFF  }
0xf7: {  	s4 =	rddreg [dreg:$0x4]  }
0xf8: {  	[hbm:s4], [sflag:s28] =	dma.local [spmem:s3], $0x200  }
0xf9: {  	_ =	swait.ge [sflag:s19], $0x200  }
0xfa: {  	[sflag:s19] =	ssyncset.done $0x0;
	s4 =	rddreg [dreg:$0x5]  }
0xfb: {  	s5 =	rddreg [dreg:$0x1d];
	[sflag:s19] =	ssyncadd.s32 $0xFFFFFE00  }
0xfc: {  	[hbm:s4], [sflag:s28] =	dma.local [spmem:s5], $0x200  }
0xfd: {  	_ =	swait.ge [sflag:s19], $0x200  }
0xfe: {  	[sflag:s19] =	ssyncset.done $0x0;
	s6 =	rddreg [dreg:$0x6]  }
0xff: {  	s7 =	rddreg [dreg:$0x1e];
	[sflag:s19] =	ssyncadd.s32 $0xFFFFFE00  }
0x100: {  	[hbm:s6], [sflag:s28] =	dma.local [spmem:s7], $0x200  }
0x101: {  	_ =	swait.ge [sflag:s19], $0x200  }
0x102: {  	[sflag:s19] =	ssyncset.done $0x0;
	s4 =	rddreg [dreg:$0x7]  }
0x103: {  	s5 =	rddreg [dreg:$0x1f];
	[sflag:s19] =	ssyncadd.s32 $0xFFFFFE00  }
0x104: {  	[hbm:s4], [sflag:s28] =	dma.local [spmem:s5], $0x200  }
0x105: {  	_ =	swait.ge [sflag:s19], $0x200  }
0x106: {  	s7 =	sld [smem:$0x7F9]  }
0x107: {  	[sflag:s19] =	ssyncset.done $0x0  }
0x108: {  	s6 =	rddreg [dreg:$0x8];
	[sflag:s19] =	ssyncadd.s32 $0xFFFFFE00  }
0x109: {  	[hbm:s6], [sflag:s28] =	dma.local [spmem:s7], $0x200  }
0x10a: {  	_ =	swait.ge [sflag:s19], $0x200  }
0x10b: {  	s5 =	sld [smem:$0x7FA]  }
0x10c: {  	[sflag:s19] =	ssyncset.done $0x0  }
0x10d: {  	s4 =	rddreg [dreg:$0x9];
	[sflag:s19] =	ssyncadd.s32 $0xFFFFFE00  }
0x10e: {  	[hbm:s4], [sflag:s28] =	dma.local [spmem:s5], $0x200  }
0x10f: {  	_ =	swait.ge [sflag:s19], $0x200  }
0x110: {  	s7 =	sld [smem:$0x7FB]  }
0x111: {  	[sflag:s19] =	ssyncset.done $0x0  }
0x112: {  	s6 =	rddreg [dreg:$0xa];
	[sflag:s19] =	ssyncadd.s32 $0xFFFFFE00  }
0x113: {  	[hbm:s6], [sflag:s28] =	dma.local [spmem:s7], $0x200  }
0x114: {  	_ =	swait.ge [sflag:s19], $0x200  }
0x115: {  	s5 =	sld [smem:$0x7FC]  }
0x116: {  	[sflag:s19] =	ssyncset.done $0x0  }
0x117: {  	s4 =	rddreg [dreg:$0xb];
	[sflag:s19] =	ssyncadd.s32 $0xFFFFFE00  }
0x118: {  	[hbm:s4], [sflag:s28] =	dma.local [spmem:s5], $0x200  }
0x119: {  	_ =	swait.ge [sflag:s19], $0x200  }
0x11a: {  	s7 =	sld [smem:$0x7FD]  }
0x11b: {  	[sflag:s19] =	ssyncset.done $0x0  }
0x11c: {  	s6 =	rddreg [dreg:$0xc];
	[sflag:s19] =	ssyncadd.s32 $0xFFFFFE00  }
0x11d: {  	[hbm:s6], [sflag:s28] =	dma.local [spmem:s7], $0x200  }
0x11e: {  	_ =	swait.ge [sflag:s19], $0x200  }
0x11f: {  	[sflag:s19] =	ssyncset.done $0x0  }
0x120: {  	s4 =	rddreg [dreg:$0xd];
	[sflag:s19] =	ssyncadd.s32 $0xFFFFFE00  }
0x121: {  	[hbm:s4], [sflag:s28] =	dma.local [spmem:s8], $0x200  }
0x122: {  	_ =	swait.ge [sflag:s19], $0x200  }
0x123: {  	[sflag:s19] =	ssyncset.done $0x0  }
0x124: {  	s5 =	rddreg [dreg:$0xe];
	[sflag:s19] =	ssyncadd.s32 $0xFFFFFE00  }
0x125: {  	[hbm:s5], [sflag:s28] =	dma.local [spmem:s9], $0x200  }
0x126: {  	_ =	swait.ge [sflag:s19], $0x200  }
0x127: {  	[sflag:s19] =	ssyncset.done $0x0  }
0x128: {  	s6 =	rddreg [dreg:$0xf];
	[sflag:s19] =	ssyncadd.s32 $0xFFFFFE00  }
0x129: {  	[hbm:s6], [sflag:s28] =	dma.local [spmem:s10], $0x200  }
0x12a: {  	_ =	swait.ge [sflag:s19], $0x200  }
0x12b: {  	[sflag:s19] =	ssyncset.done $0x0  }
0x12c: {  	s7 =	rddreg [dreg:$0x10];
	[sflag:s19] =	ssyncadd.s32 $0xFFFFFE00  }
0x12d: {  	[hbm:s7], [sflag:s28] =	dma.local [spmem:s11], $0x200  }
0x12e: {  	_ =	swait.ge [sflag:s19], $0x200  }
0x12f: {  	[sflag:s19] =	ssyncset.done $0x0  }
0x130: {  	s4 =	rddreg [dreg:$0x11];
	[sflag:s19] =	ssyncadd.s32 $0xFFFFFE00  }
0x131: {  	[hbm:s4], [sflag:s28] =	dma.local [spmem:s12], $0x200  }
0x132: {  	_ =	swait.ge [sflag:s19], $0x200  }
0x133: {  	[sflag:s19] =	ssyncset.done $0x0  }
0x134: {  	s5 =	rddreg [dreg:$0x12];
	[sflag:s19] =	ssyncadd.s32 $0xFFFFFE00  }
0x135: {  	[hbm:s5], [sflag:s28] =	dma.local [spmem:s13], $0x200  }
0x136: {  	_ =	swait.ge [sflag:s19], $0x200  }
0x137: {  	[sflag:s19] =	ssyncset.done $0x0  }
0x138: {  	s6 =	rddreg [dreg:$0x13];
	[sflag:s19] =	ssyncadd.s32 $0xFFFFFE00  }
0x139: {  	[hbm:s6], [sflag:s28] =	dma.local [spmem:s14], $0x200  }
0x13a: {  	_ =	swait.ge [sflag:s19], $0x200  }
0x13b: {  	[sflag:s19] =	ssyncset.done $0x0  }
0x13c: {  	s7 =	rddreg [dreg:$0x14];
	[sflag:s19] =	ssyncadd.s32 $0xFFFFFE00  }
0x13d: {  	[hbm:s7], [sflag:s28] =	dma.local [spmem:s15], $0x200  }
0x13e: {  	_ =	swait.ge [sflag:s19], $0x200  }
0x13f: {  	[sflag:s19] =	ssyncset.done $0x0  }
0x140: {  	s4 =	rddreg [dreg:$0x15];
	[sflag:s19] =	ssyncadd.s32 $0xFFFFFE00  }
0x141: {  	[hbm:s4], [sflag:s28] =	dma.local [spmem:s16], $0x200  }
0x142: {  	_ =	swait.ge [sflag:s19], $0x200  }
0x143: {  	[sflag:s19] =	ssyncset.done $0x0  }
0x144: {  	s5 =	rddreg [dreg:$0x16];
	[sflag:s19] =	ssyncadd.s32 $0xFFFFFE00  }
0x145: {  	[hbm:s5], [sflag:s28] =	dma.local [spmem:s17], $0x200  }
0x146: {  	_ =	swait.ge [sflag:s19], $0x200  }
0x147: {  	[sflag:s19] =	ssyncset.done $0x0  }
0x148: {  	s6 =	rddreg [dreg:$0x17];
	[sflag:s19] =	ssyncadd.s32 $0xFFFFFE00  }
0x149: {  	[hbm:s6], [sflag:s28] =	dma.local [spmem:s18], $0x200  }
0x14a: {  	_ =	swait.ge [sflag:s19], $0x200  }
0x14b: {  	s2 =	sadd.s32 $0x1, s2;
	s7 =	rddreg [dreg:$0x1c]  }
0x14c: {  	p0 =	sne.s32 s2, s7  }
.Ltmp1:
0x14d: {  	_ = 	snop;
	(pc) =	sbr.rel @p0 .LBB2_1-.Ltmp1, $3  }
0x14e: {  	_ =	sdelay $0x1  }
0x14f: {  	[sflag:s19] =	ssyncset.done $0x0  }
0x150: {  	[sflag:s19] =	ssyncadd.s32 $0xFFFFFE00  }
0x151: {  	_ =	sfence.sel $0x180000  }
0x152: {  	[bflag:$0x0] =	sbarrier.arrive $0xFFFF  }
0x153: {  	_ =	strace $0x9000004A  }
0x154: {  	s0 =	stileid.u32;
	[bflag:$0x2] =	sbarrier.arrive $0xFFFF  }
0x155: {  	p0 =	sne.s32 s0, $0x0;
	s0 =	rddreg [dreg:$0x3]  }
0x156: {  	s0 =	sadd.s32 @!p0 $0x100000, s0  }
0x157: {  	[sflag:s0] =	ssyncadd.tile.s32 @!p0 $0x1;
	_ =	shalt  }
.Lfunc_end2:
_tile_overlayer_lowered:
.L_overlay_start_2:
0x158: {  	(tag) =	ssettag $0x2  }
0x159: {  	s0 =	rddreg [dreg:$0x0];
	s2 =	stileid.u32  }
0x15a: {  	s1 =	rddreg [dreg:$0x1];
	p0 =	sne.s32 s2, $0x0  }
0x15b: {  	s3 =	rddreg [dreg:$0x2];
	[bflag:$0x3] =	sbarrier.arrive $0xFFFF;
	s2 =	simm.s32 @!p0 $0x1C03  }
0x15c: {  	[timem:s3], [sflag:s2] =	dma.local @!p0 [hbm:s0], s1  }
0x15d: {  	s0 =	simm.s32 @!p0 $0x3  }
0x15e: {  	_ =	swait.ge @!p0 [sflag:s0], s1  }
0x15f: {  	s1 =	ssub.s32 @!p0 $0x0, s1;
	[sflag:s0] =	ssyncset.done @!p0 $0x0  }
0x160: {  	[sflag:s0] =	ssyncadd.s32 @!p0 s1  }
0x161: {  	[bflag:$0x3] =	sbarrier.arrive $0xFFFF  }
0x162: {  	_ =	shalt  }

// kernel: kernel.15.cloned.1.call-start
scs
__scs_entry_jumppad:
0x0: {  	(pc) =	sbr.rel $0x88, $3  }
0x1: {  	(tag) =	ssettag $0x0;
	lr =	simm.s32 $0x1  }
0x2: {  	[smem:$0x3F9B] =	sst lr;
	_ =	strace $0xD0000000  }
0x3: {  	_ = 	snop  }
0x4: {  	_ = 	snop  }
0x5: {  	_ = 	snop  }
0x6: {  	_ = 	snop  }
0x7: {  	_ = 	snop  }
__scs_overlays_trampoline_lowered:
0x8: {  	[smem:$0x3FAA] =	sst s0  }
0x9: {  	[smem:$0x3FAB] =	sst s1  }
0xa: {  	[smem:$0x3FAC] =	sst s2  }
0xb: {  	[smem:$0x3FAD] =	sst s3  }
0xc: {  	[smem:$0x3FAE] =	sst s4  }
0xd: {  	[smem:$0x3FAF] =	sst s5  }
0xe: {  	[smem:$0x3FB0] =	sst s6  }
0xf: {  	[smem:$0x3FB1] =	sst s7  }
0x10: {  	[smem:$0x3FB2] =	sst s8  }
0x11: {  	[smem:$0x3FB3] =	sst s9;
	s0 =	simm.s32 @!p0 $0x0  }
0x12: {  	s1 =	sld [smem:$0x3F99];
	s0 =	simm.s32 @p0 $0x1  }
0x13: {  	[smem:$0x3FB4] =	sst s0;
	s0 =	simm.s32 @!p1 $0x0  }
0x14: {  	s2 =	sld [smem:$0x3F98];
	s0 =	simm.s32 @p1 $0x1  }
0x15: {  	[smem:$0x3FB5] =	sst s0;
	s0 =	simm.s32 @!p2 $0x0  }
0x16: {  	s3 =	sld [smem:$0x3FDB];
	s0 =	simm.s32 @p2 $0x1  }
0x17: {  	s4 =	simm.s32 $0x1BF5;
	[smem:$0x3FB7] =	sst s0  }
0x18: {  	s0 =	sld [smem:$0x3F9A];
	_ =	swait.ge [sflag:s4], $0x0  }
0x19: {  	s7 =	sld [smem:$0x3F9B]  }
0x1a: {  	s8 =	sadd.s32 $0xFFFFE003, lr  }
0x1b: {  	s9 =	sadd.s32 $0xFFFFFEF7, lr;
	s5 =	simm.s32 $0xFFFFFFFF;
	p2 =	slt.u32 s8, $0xFFFFF086  }
0x1c: {  	p1 =	slt.u32 s9, $0xF7A;
	s5 =	simm.s32 @!p2 $0x0  }
0x1d: {  	s5 =	simm.s32 @p1 $0x1;
	p0 =	seq.s32 s7, s2  }
0x1e: {  	s7 =	smul.u32 @!p0 $0xF7A, s2;
	p2 =	seq.s32 @!p0 s5, $0x0  }
0x1f: {  	s9 =	smul.u32 $0xF7A, s1;
	s8 =	simm.s32 @!p0 $0x1BF5;
	p2 =	por !p2, p0  }
0x20: {  	[sflag:s8] =	ssyncset.s32 @!p0 $0xFFFFF086;
	s6 =	sadd.s32 @!p0 s3, s7;
	s7 =	simm.s32 @!p0 $0x108  }
0x21: {  	s3 =	sadd.s32 s3, s9;
	s6 =	sadd.s32 @!p0 $0x88, s6;
	s7 =	simm.s32 @p2 $0x1082  }
0x22: {  	[simem:s7], [sflag:s8] =	dma.local @!p0 [hbm:s6], $0xF7A  }
0x23: {  	s9 =	sor.u32 $0xD0000000, s2;
	s6 =	simm.s32 $0x108;
	_ =	swait.ge @!p0 [sflag:s8], $0x0  }
0x24: {  	s3 =	sadd.s32 $0x88, s3;
	s6 =	simm.s32 @!p1 $0x1082;
	[sflag:s4] =	ssyncset.s32 $0xFFFFF086  }
0x25: {  	[simem:s6], [sflag:s4] =	dma.local [hbm:s3], $0xF7A  }
0x26: {  	[smem:$0x3F9B] =	sst s1;
	(tag) =	ssettag s2;
	_ =	strace s9  }
0x27: {  	s1 =	sld [smem:$0x3FAB]  }
0x28: {  	s2 =	sld [smem:$0x3FAC]  }
0x29: {  	s4 =	sld [smem:$0x3FAE]  }
0x2a: {  	p0 =	seq.s32 s5, $0x0;
	s5 =	sld [smem:$0x3FAF]  }
0x2b: {  	s6 =	sld [smem:$0x3FB0]  }
0x2c: {  	s7 =	sld [smem:$0x3FB1]  }
0x2d: {  	s3 =	simm.s32 $0x108;
	s8 =	sld [smem:$0x3FB2]  }
0x2e: {  	s3 =	simm.s32 @!p0 $0x1082;
	s9 =	sld [smem:$0x3FB3]  }
0x2f: {  	lr =	sadd.s32 s0, s3;
	s0 =	sld [smem:$0x3FAA]  }
0x30: {  	s3 =	sld [smem:$0x3FAD]  }
0x31: {  	[smem:$0x3FB6] =	sst s10  }
0x32: {  	s10 =	sld [smem:$0x3FB4];
	_ =	sdelay $0x3  }
0x33: {  	p0 =	seq.s32 s10, $0x1;
	s10 =	sld [smem:$0x3FB6];
	_ =	sdelay $0x3  }
0x34: {  	[smem:$0x3FB6] =	sst s10  }
0x35: {  	s10 =	sld [smem:$0x3FB5];
	_ =	sdelay $0x3  }
0x36: {  	p1 =	seq.s32 s10, $0x1;
	s10 =	sld [smem:$0x3FB6];
	_ =	sdelay $0x3  }
0x37: {  	[smem:$0x3FB6] =	sst s10  }
0x38: {  	s10 =	sld [smem:$0x3FB7]  }
0x39: {  	_ = 	snop;
	(pc) =	sbr.ind lr, $3  }
0x3a: {  	_ = 	snop  }
0x3b: {  	_ = 	snop  }
0x3c: {  	p2 =	seq.s32 s10, $0x1;
	s10 =	sld [smem:$0x3FB6]  }
0x3d: {  	_ =	shalt  }
0x3e: {  	_ =	shalt  }
0x3f: {  	_ =	shalt  }
0x40: {  	_ =	shalt  }
0x41: {  	_ =	shalt  }
0x42: {  	_ =	shalt  }
0x43: {  	_ =	shalt  }
0x44: {  	_ =	shalt  }
0x45: {  	_ =	shalt  }
0x46: {  	_ =	shalt  }
0x47: {  	_ =	shalt  }
0x48: {  	_ =	shalt  }
0x49: {  	_ =	shalt  }
0x4a: {  	_ =	shalt  }
0x4b: {  	_ =	shalt  }
0x4c: {  	_ =	shalt  }
0x4d: {  	_ =	shalt  }
0x4e: {  	_ =	shalt  }
0x4f: {  	_ =	shalt  }
0x50: {  	_ =	shalt  }
0x51: {  	_ =	shalt  }
0x52: {  	_ =	shalt  }
0x53: {  	_ =	shalt  }
0x54: {  	_ =	shalt  }
0x55: {  	_ =	shalt  }
0x56: {  	_ =	shalt  }
0x57: {  	_ =	shalt  }
0x58: {  	_ =	shalt  }
0x59: {  	_ =	shalt  }
0x5a: {  	_ =	shalt  }
0x5b: {  	_ =	shalt  }
0x5c: {  	_ =	shalt  }
0x5d: {  	_ =	shalt  }
0x5e: {  	_ =	shalt  }
0x5f: {  	_ =	shalt  }
0x60: {  	_ =	shalt  }
0x61: {  	_ =	shalt  }
0x62: {  	_ =	shalt  }
0x63: {  	_ =	shalt  }
0x64: {  	_ =	shalt  }
0x65: {  	_ =	shalt  }
0x66: {  	_ =	shalt  }
0x67: {  	_ =	shalt  }
0x68: {  	_ =	shalt  }
0x69: {  	_ =	shalt  }
0x6a: {  	_ =	shalt  }
0x6b: {  	_ =	shalt  }
0x6c: {  	_ =	shalt  }
0x6d: {  	_ =	shalt  }
0x6e: {  	_ =	shalt  }
0x6f: {  	_ =	shalt  }
0x70: {  	_ =	shalt  }
0x71: {  	_ =	shalt  }
0x72: {  	_ =	shalt  }
0x73: {  	_ =	shalt  }
0x74: {  	_ =	shalt  }
0x75: {  	_ =	shalt  }
0x76: {  	_ =	shalt  }
0x77: {  	_ =	shalt  }
0x78: {  	_ =	shalt  }
0x79: {  	_ =	shalt  }
0x7a: {  	_ =	shalt  }
0x7b: {  	_ =	shalt  }
0x7c: {  	_ =	shalt  }
0x7d: {  	_ =	shalt  }
0x7e: {  	_ =	shalt  }
0x7f: {  	_ =	shalt  }
0x80: {  	_ =	shalt  }
0x81: {  	_ =	shalt  }
0x82: {  	_ =	shalt  }
0x83: {  	_ =	shalt  }
0x84: {  	_ =	shalt  }
0x85: {  	_ =	shalt  }
0x86: {  	_ =	shalt  }
0x87: {  	_ =	shalt  }
.Lfunc_end0:
.L_simem_size_0:
called_computation.2_lowered:
.L_overlay_start_0:
0x88: {  	s2 =	sld [smem:$0x3FD9]  }
0x89: {  	s3 =	sld [smem:$0x3FFE];
	_ =	sdelay $0x1  }
0x8a: {  	s1 =	srdreg.scid  }
0x8b: {  	s0 =	sand.u32 $0x1, s1  }
0x8c: {  	s17 =	sshll.u32 s0, $0xA;
	s2 =	sadd.s32 s3, s2  }
0x8d: {  	s2 =	sadd.s32 s2, s17  }
0x8e: {  	[smem:$0x3FC2] =	sst s2  }
0x8f: {  	_ = 	snop  }
0x90: {  	s2 =	sld [smem:$0x3FD0];
	(tm) =	ssettm $0x1  }
0x91: {  	s18 =	sld [smem:$0x3FFB];
	_ =	sdelay $0x3  }
0x92: {  	_ =	strace s18  }
0x93: {  	s3 =	sld [smem:$0x3FFC];
	_ =	sdelay $0x3  }
0x94: {  	_ =	strace s3  }
0x95: {  	s3 =	sld [smem:$0x3FFD];
	_ =	sdelay $0x3  }
0x96: {  	_ =	strace s3  }
0x97: {  	_ =	strace $0x8FFFFFFF  }
0x98: {  	s19 =	sld [smem:$0x3FDB];
	_ =	sdelay $0x1  }
0x99: {  	s4 =	simm.s32 $_scs_section_size  }
0x9a: {  	s5 =	simm.s32 $_size__tile_overlayer_lowered;
	s6 =	simm.s32 $_tile_overlayer_lowered  }
0x9b: {  	s22 =	simm.s32 $0x1BFF;
	s21 =	sshll.u32 s6, $0x1;
	s3 =	sadd.s32 s4, s19  }
0x9c: {  	s7 =	simm.s32 $0x0;
	s20 =	sshll.u32 s5, $0x1;
	s5 =	sadd.s32 s21, s3  }
0x9d: {  	[timem:s7], [sflag:s22] =	dma.local [hbm:s5], s20  }
0x9e: {  	_ =	swait.ge [sflag:s22], s20  }
0x9f: {  	s4 =	ssub.s32 $0x0, s20;
	[sflag:s22] =	ssyncset.done $0x0  }
0xa0: {  	[sflag:s22] =	ssyncadd.s32 s4;
	_ =	sdelay $0x1  }
0xa1: {  	s23 =	simm.s32 $0x1B8B  }
0xa2: {  	_ =	swait.ge [sflag:s23], $0x1  }
0xa3: {  	[sflag:s23] =	ssyncset.done $0x0  }
0xa4: {  	s25 =	simm.s32 $0x1B8E;
	s24 =	sld [smem:$0x3FFE];
	[sflag:s23] =	ssyncadd.s32 $0xFFFFFFFF  }
0xa5: {  	s26 =	simm.s32 $execute0_lowered;
	[smem:$0x3FD2] =	sst s25  }
0xa6: {  	s5 =	sshll.u32 s26, $0x1;
	_ =	strace $0x8000004C;
	[dreg:$0x1] =	wrdreg $0xFFFFFFFF  }
0xa7: {  	s28 =	simm.s32 $_size_execute0_lowered;
	s3 =	sadd.s32 s3, s5;
	[dreg:$0x0] =	wrdreg $0x0  }
0xa8: {  	s5 =	sshll.u32 s28, $0x1;
	[dreg:$0x2] =	wrdreg s3  }
0xa9: {  	[dreg:$0x3] =	wrdreg s5  }
0xaa: {  	[dreg:$0x4] =	wrdreg $0xC0  }
0xab: {  	_ =	task [dreg:s7], $0x5FFFF  }
0xac: {  	[dreg:$0x1] =	wrdreg $0xFFFFFFFF  }
0xad: {  	[dreg:$0x0] =	wrdreg $0x60  }
0xae: {  	[dreg:$0x2] =	wrdreg s2  }
0xaf: {  	[dreg:$0x3] =	wrdreg s24  }
0xb0: {  	[dreg:$0x4] =	wrdreg $0xA1000  }
0xb1: {  	[dreg:$0x5] =	wrdreg $0x9  }
0xb2: {  	_ =	task.clear_ibuf [dreg:s7], $0x6FFFF;
	_ =	strace $0x9000004C  }
0xb3: {  	s29 =	simm.s32 $0x9;
	_ =	strace $0x8000004E  }
0xb4: {  	_ =	swait.ge [sflag:s29], $0x1  }
0xb5: {  	[sflag:s29] =	ssyncadd.s32 $0xFFFFFFFF  }
0xb6: {  	_ =	strace $0x9000004E  }
0xb7: {  	_ =	sfence  }
0xb8: {  	s30 =	sld [smem:$0x0];
	_ =	sdelay $0x2  }
0xb9: {  	s31 =	sshll.u32 s1, $0xD;
	s1 =	sshrl.u32 s1, $0x2  }
0xba: {  	s3 =	sand.u32 $0x4000, s31;
	s1 =	sadd.s32 s1, s30  }
0xbb: {  	s0 =	sor.u32 s3, s0;
	s1 =	sshll.u32 s1, $0x11  }
0xbc: {  	s0 =	sor.u32 s1, s0  }
0xbd: {  	s0 =	sadd.s32 $0x8F2B, s0  }
0xbe: {  	[sflag:s0] =	ssyncadd.remote.s32 $0x1  }
0xbf: {  	_ =	sfence.sel $0xFFFF  }
0xc0: {  	[dreg:$0x0] =	wrdreg $0xFFFFFFFF;
	(pc) =	sbr.abs _section_cstart, $3  }
0xc1: {  	[dreg:$0x1] =	wrdreg $0xFFFFFFFF  }
0xc2: {  	_ =	task.clear_ibuf [dreg:s7], $0x2FFFF;
	_ =	strace $0x9FFFFFFF  }
0xc3: {  	(tm) =	ssettm $0x7FFFFFFF  }
tec
execute0_lowered:
.L_overlay_start_1:
0x0: {  	(tag) =	ssettag $0x1  }
0x1: {  	s2 =	rddreg [dreg:$0x1];
	s1 =	simm.s32 $0x0;
	s0 =	srdreg.scid  }
0x2: {  	s30 =	stileid.u32;
	s31 =	simm.s32 $0x4F80;
	[smem:$0x7FF] =	sst s1  }
0x3: {  	s0 =	sand.u32 $0x1, s0;
	s11 =	smul.u32 $0x14000, s30;
	s6 =	sadd.s32 $0x18400, s2  }
0x4: {  	s3 =	sshll.u32 s0, $0x4;
	s8 =	smul.u32 $0x140000, s0;
	s0 =	ssub.s32 $0x2, s0  }
0x5: {  	s28 =	smul.u32 $0x50000, s30;
	s3 =	sor.u32 s30, s3;
	s13 =	sshrl.u32 s0, $0x1  }
0x6: {  	s29 =	sadd.s32 $0x12000, s11;
	s5 =	smul.u32 $0x4E2, s3;
	s4 =	sadd.s32 s11, s8  }
0x7: {  	s0 =	ssub.s32 s0, s13;
	s3 =	sor.u32 $0x1000, s11;
	s7 =	sshrl.u32 s4, $0x3  }
0x8: {  	s9 =	sadd.s32 s8, s3;
	s4 =	sor.u32 $0x2000, s11;
	s0 =	smax.u32 s0, $0x1  }
0x9: {  	s7 =	sadd.s32 s6, s7;
	s14 =	sshrl.u32 s9, $0x3;
	s15 =	sadd.s32 s8, s4  }
0xa: {  	[dreg:$0x4] =	wrdreg s7;
	s7 =	sadd.s32 s6, s14;
	s9 =	sshrl.u32 s15, $0x3  }
0xb: {  	[dreg:$0x5] =	wrdreg s7;
	s7 =	sor.u32 $0x3000, s11;
	s9 =	sadd.s32 s6, s9  }
0xc: {  	[dreg:$0x6] =	wrdreg s9;
	s10 =	sadd.s32 s8, s7;
	s9 =	sadd.s32 $0x4000, s11  }
0xd: {  	s12 =	sshrl.u32 s10, $0x3;
	s13 =	sadd.s32 s8, s9;
	s10 =	sadd.s32 $0x5000, s11  }
0xe: {  	s12 =	sadd.s32 s6, s12;
	s16 =	sshrl.u32 s13, $0x3;
	s17 =	sadd.s32 s8, s10  }
0xf: {  	[dreg:$0x7] =	wrdreg s12;
	s12 =	sadd.s32 s6, s16;
	s13 =	sshrl.u32 s17, $0x3  }
0x10: {  	[dreg:$0x8] =	wrdreg s12;
	s12 =	sadd.s32 $0x6000, s11;
	s13 =	sadd.s32 s6, s13  }
0x11: {  	[dreg:$0x9] =	wrdreg s13;
	s14 =	sadd.s32 s8, s12;
	s13 =	sadd.s32 $0x7000, s11  }
0x12: {  	s5 =	sadd.s32 s5, s2;
	s15 =	sshrl.u32 s14, $0x3;
	s16 =	sadd.s32 s8, s13  }
0x13: {  	s14 =	sadd.s32 $0x8000, s11;
	s15 =	sadd.s32 s6, s15;
	s18 =	sshrl.u32 s16, $0x3  }
0x14: {  	s19 =	sadd.s32 s8, s14;
	[dreg:$0xa] =	wrdreg s15;
	s15 =	sadd.s32 s6, s18  }
0x15: {  	s16 =	sshrl.u32 s19, $0x3;
	s19 =	sadd.s32 $0xB000, s11;
	[dreg:$0xb] =	wrdreg s15  }
0x16: {  	s15 =	sadd.s32 $0x9000, s11;
	s16 =	sadd.s32 s6, s16;
	s21 =	sadd.s32 s8, s19  }
0x17: {  	[dreg:$0xc] =	wrdreg s16;
	s17 =	sadd.s32 s8, s15;
	s16 =	sadd.s32 $0xA000, s11  }
0x18: {  	s22 =	sshrl.u32 s21, $0x3;
	s17 =	sshrl.u32 s17, $0x3;
	s18 =	sadd.s32 s8, s16  }
0x19: {  	s17 =	sadd.s32 s6, s17;
	s20 =	sshrl.u32 s18, $0x3;
	s18 =	sadd.s32 $0xC000, s11  }
0x1a: {  	[dreg:$0xd] =	wrdreg s17;
	s17 =	sadd.s32 s6, s20;
	s23 =	sadd.s32 s8, s18  }
0x1b: {  	s20 =	sadd.s32 $0xD000, s11;
	[dreg:$0xe] =	wrdreg s17;
	s17 =	sadd.s32 s6, s22  }
0x1c: {  	s21 =	sadd.s32 s8, s20;
	[dreg:$0xf] =	wrdreg s17;
	s17 =	sshrl.u32 s23, $0x3  }
0x1d: {  	s23 =	sadd.s32 $0xE000, s11;
	s24 =	sshrl.u32 s21, $0x3;
	s17 =	sadd.s32 s6, s17  }
0x1e: {  	s25 =	sadd.s32 s8, s23;
	[dreg:$0x10] =	wrdreg s17;
	s17 =	sadd.s32 s6, s24  }
0x1f: {  	s26 =	sshrl.u32 s25, $0x3;
	s24 =	sadd.s32 $0xF000, s11;
	s25 =	sadd.s32 $0x10000, s11  }
0x20: {  	[dreg:$0x11] =	wrdreg s17;
	s17 =	sadd.s32 s6, s26;
	s21 =	sadd.s32 s8, s24  }
0x21: {  	s22 =	sadd.s32 s8, s25;
	[dreg:$0x12] =	wrdreg s17;
	s17 =	sshrl.u32 s21, $0x3  }
0x22: {  	s26 =	sadd.s32 $0x11000, s11;
	s21 =	sshrl.u32 s22, $0x3;
	s17 =	sadd.s32 s6, s17  }
0x23: {  	s22 =	sadd.s32 s8, s26;
	[dreg:$0x13] =	wrdreg s17;
	s17 =	sadd.s32 s6, s21  }
0x24: {  	s11 =	sadd.s32 $0x13000, s11;
	s21 =	sshrl.u32 s22, $0x3;
	[dreg:$0x14] =	wrdreg s17  }
0x25: {  	s22 =	sadd.s32 s8, s29;
	s17 =	sadd.s32 s6, s21;
	s21 =	rddreg [dreg:$0x0]  }
0x26: {  	s8 =	sadd.s32 s8, s11;
	[dreg:$0x15] =	wrdreg s17;
	s17 =	sshrl.u32 s22, $0x3  }
0x27: {  	s8 =	sshrl.u32 s8, $0x3;
	s22 =	rddreg [dreg:$0x2];
	s17 =	sadd.s32 s6, s17  }
0x28: {  	s6 =	sadd.s32 s6, s8;
	s8 =	sshrl.u32 s28, $0x2;
	[dreg:$0x16] =	wrdreg s17  }
0x29: {  	s2 =	sadd.s32 $0x15C00, s2;
	[dreg:$0x17] =	wrdreg s6;
	s17 =	sadd.s32 s8, s22  }
0x2a: {  	s6 =	sshll.u32 s30, $0x6;
	_ =	strace $0x8000004D;
	[dreg:$0x18] =	wrdreg s2  }
0x2b: {  	s8 =	sadd.s32 $0xBE00, s5;
	s30 =	simm.s32 $0x1;
	[dreg:$0x19] =	wrdreg s17  }
0x2c: {  	s28 =	sor.u32 $0x1C03, s6;
	[dreg:$0x1a] =	wrdreg s8;
	s17 =	sadd.s32 $0x2000, s5  }
0x2d: {  	s2 =	sadd.s32 s3, s22;
	s3 =	sadd.s32 s4, s22;
	s4 =	sadd.s32 s7, s22  }
0x2e: {  	s5 =	sadd.s32 s9, s22;
	s6 =	sadd.s32 s10, s22;
	s7 =	sadd.s32 s12, s22  }
0x2f: {  	s8 =	sadd.s32 s13, s22;
	s9 =	sadd.s32 s14, s22;
	s10 =	sadd.s32 s15, s22  }
0x30: {  	s12 =	sadd.s32 s16, s22;
	s13 =	sadd.s32 s19, s22;
	s14 =	sadd.s32 s18, s22  }
0x31: {  	s15 =	sadd.s32 s20, s22;
	s16 =	sadd.s32 s23, s22;
	s18 =	sadd.s32 s25, s22  }
0x32: {  	s19 =	sadd.s32 s26, s22;
	s20 =	sadd.s32 s29, s22;
	s23 =	sadd.s32 s11, s22  }
0x33: {  	[dreg:$0x1c] =	wrdreg s0;
	s29 =	simm.s32 $0x7900;
	s0 =	simm.s32 $0x7880  }
0x34: {  	[dreg:$0x1b] =	wrdreg s17;
	s17 =	sadd.s32 s24, s22;
	s2 =	sshrl.u32 s2, $0x3  }
0x35: {  	s3 =	sshrl.u32 s3, $0x3;
	s4 =	sshrl.u32 s4, $0x3;
	s5 =	sshrl.u32 s5, $0x3  }
0x36: {  	s11 =	sshrl.u32 s6, $0x3;
	s24 =	sshrl.u32 s7, $0x3;
	[dreg:$0x1d] =	wrdreg s2  }
0x37: {  	s25 =	sshrl.u32 s8, $0x3;
	s26 =	sshrl.u32 s9, $0x3;
	[dreg:$0x1e] =	wrdreg s3  }
0x38: {  	s8 =	sshrl.u32 s10, $0x3;
	s9 =	sshrl.u32 s12, $0x3;
	[dreg:$0x1f] =	wrdreg s4  }
0x39: {  	s10 =	sshrl.u32 s13, $0x3;
	s12 =	sshrl.u32 s15, $0x3;
	[smem:$0x7F9] =	sst s5  }
0x3a: {  	s13 =	sshrl.u32 s16, $0x3;
	s15 =	sshrl.u32 s18, $0x3;
	[smem:$0x7FA] =	sst s11  }
0x3b: {  	s16 =	sshrl.u32 s19, $0x3;
	s18 =	sshrl.u32 s23, $0x3;
	[smem:$0x7FB] =	sst s24  }
0x3c: {  	s19 =	simm.s32 $0x3;
	s23 =	simm.s32 $0x50;
	[smem:$0x7FC] =	sst s25  }
0x3d: {  	[smem:$0x7FD] =	sst s26;
	s11 =	sshrl.u32 s14, $0x3;
	s14 =	sshrl.u32 s17, $0x3  }
0x3e: {  	s17 =	sshrl.u32 s20, $0x3;
	s24 =	simm.s32 $0x4F00;
	s25 =	simm.s32 $0x5000  }
0x3f: {  	s26 =	simm.s32 $0x7800;
	s20 =	simm.s32 $0x2;
	s2 =	simm.s32 $0x0  }
.LBB2_1:
0x40: {  	s3 =	rddreg [dreg:$0x19]  }
0x41: {  	s4 =	rddreg [dreg:$0x18];
	s3 =	sshrl.u32 s3, $0x3  }
0x42: {  	[spmem:s3], [sflag:s28] =	dma.local [hbm:s4], $0x2800  }
0x43: {  	_ =	swait.ge [sflag:s19], $0x2800  }
0x44: {  	[sflag:s19] =	ssyncset.done $0x0  }
0x45: {  	s6 =	rddreg [dreg:$0x1a];
	[sflag:s19] =	ssyncadd.s32 $0xFFFFD800  }
0x46: {  	[tilespmem:s1], [sflag:$0x3] =	stream.linear.gather [hbm4b:s6+s1], $0x2710, $0x38;
	[tilespmem:$0x1E100] =	vst v63  }
0x47: {  	_ =	swait.ge [sflag:s19], $0x2710  }
0x48: {  	[sflag:s19] =	ssyncset.done $0x0  }
0x49: {  	s5 =	simm.s32 $0x2780;
	s7 =	rddreg [dreg:$0x1b];
	[sflag:s19] =	ssyncadd.s32 $0xFFFFD8F0  }
0x4a: {  	[tilespmem:s5], [sflag:$0x3] =	stream.linear.gather [hbm4b:s7+s1], $0x2710, $0x38;
	[tilespmem:$0x1E100] =	vst v63  }
0x4b: {  	_ =	swait.ge [sflag:s19], $0x2710  }
0x4c: {  	[sflag:s19] =	ssyncset.done $0x0  }
0x4d: {  	[sflag:s19] =	ssyncadd.s32 $0xFFFFD8F0  }
0x4e: {  	[bflag:$0x0] =	sbarrier.arrive $0xFFFF  }
0x4f: {  	v0 =	vld [tilespmem:$0x0]  }
0x50: {  	v1 =	vld [tilespmem:$0x2780]  }
0x51: {  	v2 =	vld [tilespmem:$0x10]  }
0x52: {  	v3 =	vld [tilespmem:$0x2790]  }
0x53: {  	v4 =	vld [tilespmem:$0x20]  }
0x54: {  	v5 =	vld [tilespmem:$0x27A0]  }
0x55: {  	v6 =	vld [tilespmem:$0x30];
	vm0 =	veq.s32 v0, v1  }
0x56: {  	[tilespmem:$0x4F00] =	vst v0;
	v0 =	vsel vm0, $0x2710, v1;
	v1 =	vld [tilespmem:$0x27B0]  }
0x57: {  	vm0 =	veq.s32 v2, v3;
	[tilespmem:$0x4F80] =	vst v0;
	v0 =	vld [tilespmem:$0x40]  }
0x58: {  	[tilespmem:$0x4F10] =	vst v2;
	v2 =	vsel vm0, $0x2710, v3;
	v3 =	vld [tilespmem:$0x27C0]  }
0x59: {  	[tilespmem:$0x4F20] =	vst v4  }
0x5a: {  	[tilespmem:$0x4F30] =	vst v6;
	vm0 =	veq.s32 v4, v5  }
0x5b: {  	[tilespmem:$0x4F90] =	vst v2;
	v2 =	vsel vm0, $0x2710, v5  }
0x5c: {  	[tilespmem:$0x4FA0] =	vst v2;
	vm0 =	veq.s32 v6, v1  }
0x5d: {  	v1 =	vsel vm0, $0x2710, v1;
	vm0 =	veq.s32 v0, v3;
	[tilespmem:$0x4F40] =	vst v0  }
0x5e: {  	[tilespmem:$0x4FB0] =	vst v1;
	v0 =	vsel vm0, $0x2710, v3  }
0x5f: {  	s4 =	simm.s32 $0x70;
	[tilespmem:$0x4FC0] =	vst v0  }
0x60: {  	[tilespmem:s25], [sflag:$0x1] =	stream.indirect.gather [hbm4b:s21+s23], $0x80, s24, s23, $0xb8;
	[tilespmem:$0x1E100] =	vst v63  }
0x61: {  	s5 =	simm.s32 $0x27F0;
	v0 =	vld [tilespmem:s4+$0xFFFFFFE0]  }
0x62: {  	v1 =	vld [tilespmem:s5+$0xFFFFFFE0];
	_ =	sdelay $0x4  }
0x63: {  	vm0 =	veq.s32 v0, v1  }
0x64: {  	[tilespmem:$0x7800] =	vst v0;
	v0 =	vsel vm0, $0x2710, v1  }
0x65: {  	[tilespmem:$0x7880] =	vst v0  }
0x66: {  	v0 =	vld [tilespmem:s4+$0xFFFFFFF0]  }
0x67: {  	v1 =	vld [tilespmem:s5+$0xFFFFFFF0];
	_ =	sdelay $0x4  }
0x68: {  	vm0 =	veq.s32 v0, v1  }
0x69: {  	[tilespmem:$0x7810] =	vst v0;
	v0 =	vsel vm0, $0x2710, v1  }
0x6a: {  	[tilespmem:$0x7890] =	vst v0  }
0x6b: {  	v0 =	vld [tilespmem:s4+$0x0]  }
0x6c: {  	v1 =	vld [tilespmem:s5+$0x0];
	_ =	sdelay $0x4  }
0x6d: {  	vm0 =	veq.s32 v0, v1  }
0x6e: {  	[tilespmem:$0x7820] =	vst v0;
	v0 =	vsel vm0, $0x2710, v1  }
0x6f: {  	s6 =	sand.u32 $0x3FE0, s1;
	[tilespmem:$0x78A0] =	vst v0  }
0x70: {  	v0 =	vld [tilespmem:s6+$0x80]  }
0x71: {  	v1 =	vld [tilespmem:s6+$0x2800];
	_ =	sdelay $0x4  }
0x72: {  	vm0 =	veq.s32 v0, v1  }
0x73: {  	[tilespmem:$0x7830] =	vst v0;
	v0 =	vsel vm0, $0x2710, v1  }
0x74: {  	[tilespmem:$0x78B0] =	vst v0  }
0x75: {  	v0 =	vld [tilespmem:s4+$0x20]  }
0x76: {  	v1 =	vld [tilespmem:s5+$0x20];
	_ =	sdelay $0x4  }
0x77: {  	vm0 =	veq.s32 v0, v1  }
0x78: {  	[tilespmem:$0x7840] =	vst v0;
	v0 =	vsel vm0, $0x2710, v1  }
0x79: {  	[tilespmem:$0x78C0] =	vst v0  }
0x7a: {  	[tilespmem:s29], [sflag:$0x2] =	stream.indirect.gather [hbm4b:s21+s23], $0x80, s26, s23, $0xb8;
	[tilespmem:$0x1E100] =	vst v63  }
0x7b: {  	_ =	swait.ge [sflag:s30], $0x2800  }
0x7c: {  	[sflag:s30] =	ssyncset.done $0x0  }
0x7d: {  	[sflag:s30] =	ssyncadd.s32 $0xFFFFD800  }
0x7e: {  	[spmem:s22] =	stream.indirect.scatter.add.f32 [tilespmem:s25], [sflag:$0x3], $0x80, s31, s23, $0xb8;
	[tilespmem:$0x1E100] =	vst v63  }
0x7f: {  	_ =	swait.ge [sflag:s19], $0x2800  }
0x80: {  	[sflag:s19] =	ssyncset.done $0x0  }
0x81: {  	[sflag:s19] =	ssyncadd.s32 $0xFFFFD800  }
0x82: {  	v0 =	vld [tilespmem:s4+$0x30]  }
0x83: {  	v1 =	vld [tilespmem:s5+$0x30];
	_ =	sdelay $0x4  }
0x84: {  	vm0 =	veq.s32 v0, v1  }
0x85: {  	[tilespmem:$0x4F00] =	vst v0;
	v0 =	vsel vm0, $0x2710, v1  }
0x86: {  	[tilespmem:$0x4F80] =	vst v0  }
0x87: {  	v0 =	vld [tilespmem:s4+$0x40]  }
0x88: {  	v1 =	vld [tilespmem:s5+$0x40];
	_ =	sdelay $0x4  }
0x89: {  	vm0 =	veq.s32 v0, v1  }
0x8a: {  	[tilespmem:$0x4F10] =	vst v0;
	v0 =	vsel vm0, $0x2710, v1  }
0x8b: {  	[tilespmem:$0x4F90] =	vst v0  }
0x8c: {  	v0 =	vld [tilespmem:s4+$0x50]  }
0x8d: {  	v1 =	vld [tilespmem:s5+$0x50];
	_ =	sdelay $0x4  }
0x8e: {  	vm0 =	veq.s32 v0, v1  }
0x8f: {  	[tilespmem:$0x4F20] =	vst v0;
	v0 =	vsel vm0, $0x2710, v1  }
0x90: {  	[tilespmem:$0x4FA0] =	vst v0  }
0x91: {  	v0 =	vld [tilespmem:s4+$0x60]  }
0x92: {  	v1 =	vld [tilespmem:s5+$0x60];
	_ =	sdelay $0x4  }
0x93: {  	vm0 =	veq.s32 v0, v1  }
0x94: {  	[tilespmem:$0x4F30] =	vst v0;
	v0 =	vsel vm0, $0x2710, v1  }
0x95: {  	[tilespmem:$0x4FB0] =	vst v0  }
0x96: {  	v1 =	vld [tilespmem:s4+$0x70]  }
0x97: {  	v0 =	vld [tilespmem:s5+$0x70];
	_ =	sdelay $0x4  }
0x98: {  	s6 =	simm.s32 $0xA0;
	[tilespmem:$0x4F40] =	vst v1;
	vm0 =	veq.s32 v1, v0  }
.LBB2_2:
0x99: {  	p0 =	sne.s32 s6, $0x2620;
	v0 =	vsel vm0, $0x2710, v0;
	s5 =	sadd.s32 $0xA0, s5;
	s4 =	sadd.s32 $0xA0, s4  }
0x9a: {  	s7 =	smov.u32 s6;
	s6 =	sadd.s32 $0xA0, s6;
	[tilespmem:$0x4FC0] =	vst v0  }
0x9b: {  	[tilespmem:s25], [sflag:$0x1] =	stream.indirect.gather [hbm4b:s21+s23], $0x80, s24, s23, $0xb8;
	[tilespmem:$0x1E100] =	vst v63  }
0x9c: {  	_ =	swait.ge [sflag:s20], $0x2800  }
0x9d: {  	[sflag:s20] =	ssyncset.done $0x0  }
0x9e: {  	[sflag:s20] =	ssyncadd.s32 $0xFFFFD800  }
0x9f: {  	[spmem:s22] =	stream.indirect.scatter.add.f32 [tilespmem:s29], [sflag:$0x3], $0x80, s0, s23, $0xb8;
	[tilespmem:$0x1E100] =	vst v63  }
0xa0: {  	_ =	swait.ge [sflag:s19], $0x2800  }
0xa1: {  	[sflag:s19] =	ssyncset.done $0x0  }
0xa2: {  	[sflag:s19] =	ssyncadd.s32 $0xFFFFD800  }
0xa3: {  	v0 =	vld [tilespmem:s4+$0xFFFFFFE0]  }
0xa4: {  	v1 =	vld [tilespmem:s5+$0xFFFFFFE0];
	_ =	sdelay $0x4  }
0xa5: {  	vm0 =	veq.s32 v0, v1  }
0xa6: {  	[tilespmem:$0x7800] =	vst v0;
	v0 =	vsel vm0, $0x2710, v1  }
0xa7: {  	[tilespmem:$0x7880] =	vst v0  }
0xa8: {  	v0 =	vld [tilespmem:s4+$0xFFFFFFF0]  }
0xa9: {  	v1 =	vld [tilespmem:s5+$0xFFFFFFF0];
	_ =	sdelay $0x4  }
0xaa: {  	vm0 =	veq.s32 v0, v1  }
0xab: {  	[tilespmem:$0x7810] =	vst v0;
	v0 =	vsel vm0, $0x2710, v1  }
0xac: {  	[tilespmem:$0x7890] =	vst v0  }
0xad: {  	v0 =	vld [tilespmem:s4+$0x0]  }
0xae: {  	v1 =	vld [tilespmem:s5+$0x0];
	_ =	sdelay $0x3  }
0xaf: {  	[tilespmem:$0x7820] =	vst v0  }
0xb0: {  	vm0 =	veq.s32 v0, v1  }
0xb1: {  	v0 =	vsel vm0, $0x2710, v1  }
0xb2: {  	s7 =	sand.u32 $0x3FE0, s7;
	[tilespmem:$0x78A0] =	vst v0  }
0xb3: {  	v0 =	vld [tilespmem:s7+$0x80]  }
0xb4: {  	v1 =	vld [tilespmem:s7+$0x2800];
	_ =	sdelay $0x3  }
0xb5: {  	[tilespmem:$0x7830] =	vst v0  }
0xb6: {  	vm0 =	veq.s32 v0, v1  }
0xb7: {  	v0 =	vsel vm0, $0x2710, v1  }
0xb8: {  	[tilespmem:$0x78B0] =	vst v0  }
0xb9: {  	v0 =	vld [tilespmem:s4+$0x20]  }
0xba: {  	v1 =	vld [tilespmem:s5+$0x20];
	_ =	sdelay $0x3  }
0xbb: {  	[tilespmem:$0x7840] =	vst v0  }
0xbc: {  	vm0 =	veq.s32 v0, v1  }
0xbd: {  	v0 =	vsel vm0, $0x2710, v1  }
0xbe: {  	[tilespmem:$0x78C0] =	vst v0  }
0xbf: {  	[tilespmem:s29], [sflag:$0x2] =	stream.indirect.gather [hbm4b:s21+s23], $0x80, s26, s23, $0xb8;
	[tilespmem:$0x1E100] =	vst v63  }
0xc0: {  	_ =	swait.ge [sflag:s30], $0x2800  }
0xc1: {  	[sflag:s30] =	ssyncset.done $0x0  }
0xc2: {  	[sflag:s30] =	ssyncadd.s32 $0xFFFFD800  }
0xc3: {  	[spmem:s22] =	stream.indirect.scatter.add.f32 [tilespmem:s25], [sflag:$0x3], $0x80, s31, s23, $0xb8;
	[tilespmem:$0x1E100] =	vst v63  }
0xc4: {  	_ =	swait.ge [sflag:s19], $0x2800  }
0xc5: {  	[sflag:s19] =	ssyncset.done $0x0  }
0xc6: {  	[sflag:s19] =	ssyncadd.s32 $0xFFFFD800  }
0xc7: {  	v0 =	vld [tilespmem:s4+$0x30]  }
0xc8: {  	v1 =	vld [tilespmem:s5+$0x30];
	_ =	sdelay $0x3  }
0xc9: {  	[tilespmem:$0x4F00] =	vst v0  }
0xca: {  	vm0 =	veq.s32 v0, v1  }
0xcb: {  	v0 =	vsel vm0, $0x2710, v1  }
0xcc: {  	[tilespmem:$0x4F80] =	vst v0  }
0xcd: {  	v0 =	vld [tilespmem:s4+$0x40]  }
0xce: {  	v1 =	vld [tilespmem:s5+$0x40];
	_ =	sdelay $0x3  }
0xcf: {  	[tilespmem:$0x4F10] =	vst v0  }
0xd0: {  	vm0 =	veq.s32 v0, v1  }
0xd1: {  	v0 =	vsel vm0, $0x2710, v1  }
0xd2: {  	[tilespmem:$0x4F90] =	vst v0  }
0xd3: {  	v0 =	vld [tilespmem:s4+$0x50]  }
0xd4: {  	v1 =	vld [tilespmem:s5+$0x50];
	_ =	sdelay $0x3  }
0xd5: {  	[tilespmem:$0x4F20] =	vst v0  }
0xd6: {  	vm0 =	veq.s32 v0, v1  }
0xd7: {  	v0 =	vsel vm0, $0x2710, v1  }
0xd8: {  	[tilespmem:$0x4FA0] =	vst v0  }
0xd9: {  	v0 =	vld [tilespmem:s4+$0x60]  }
0xda: {  	v1 =	vld [tilespmem:s5+$0x60];
	_ =	sdelay $0x3  }
0xdb: {  	[tilespmem:$0x4F30] =	vst v0  }
0xdc: {  	vm0 =	veq.s32 v0, v1  }
0xdd: {  	v0 =	vsel vm0, $0x2710, v1  }
0xde: {  	[tilespmem:$0x4FB0] =	vst v0  }
0xdf: {  	v1 =	vld [tilespmem:s4+$0x70]  }
0xe0: {  	v0 =	vld [tilespmem:s5+$0x70]  }
.Ltmp0:
0xe1: {  	(pc) =	sbr.rel @p0 .LBB2_2-.Ltmp0, $3  }
0xe2: {  	_ =	sdelay $0x1  }
0xe3: {  	[tilespmem:$0x4F40] =	vst v1  }
0xe4: {  	vm0 =	veq.s32 v1, v0  }
0xe5: {  	v0 =	vsel vm0, $0x2710, v0  }
0xe6: {  	[tilespmem:$0x4FC0] =	vst v0  }
0xe7: {  	[tilespmem:s25], [sflag:$0x1] =	stream.indirect.gather [hbm4b:s21+s23], $0x80, s24, s23, $0xb8;
	[tilespmem:$0x1E100] =	vst v63  }
0xe8: {  	_ =	swait.ge [sflag:s20], $0x2800  }
0xe9: {  	[sflag:s20] =	ssyncset.done $0x0  }
0xea: {  	[sflag:s20] =	ssyncadd.s32 $0xFFFFD800  }
0xeb: {  	[spmem:s22] =	stream.indirect.scatter.add.f32 [tilespmem:s29], [sflag:$0x3], $0x80, s0, s23, $0xb8;
	[tilespmem:$0x1E100] =	vst v63  }
0xec: {  	_ =	swait.ge [sflag:s19], $0x2800  }
0xed: {  	[sflag:s19] =	ssyncset.done $0x0  }
0xee: {  	[sflag:s19] =	ssyncadd.s32 $0xFFFFD800  }
0xef: {  	_ =	swait.ge [sflag:s30], $0x2800  }
0xf0: {  	[sflag:s30] =	ssyncset.done $0x0  }
0xf1: {  	[sflag:s30] =	ssyncadd.s32 $0xFFFFD800  }
0xf2: {  	[spmem:s22] =	stream.indirect.scatter.add.f32 [tilespmem:s25], [sflag:$0x3], $0x80, s31, s23, $0xb8;
	[tilespmem:$0x1E100] =	vst v63  }
0xf3: {  	_ =	swait.ge [sflag:s19], $0x2800  }
0xf4: {  	[sflag:s19] =	ssyncset.done $0x0  }
0xf5: {  	[sflag:s19] =	ssyncadd.s32 $0xFFFFD800  }
0xf6: {  	[bflag:$0x0] =	sbarrier.arrive $0xFFFF  }
0xf7: {  	s4 =	rddreg [dreg:$0x4]  }
0xf8: {  	[hbm:s4], [sflag:s28] =	dma.local [spmem:s3], $0x200  }
0xf9: {  	_ =	swait.ge [sflag:s19], $0x200  }
0xfa: {  	[sflag:s19] =	ssyncset.done $0x0;
	s4 =	rddreg [dreg:$0x5]  }
0xfb: {  	s5 =	rddreg [dreg:$0x1d];
	[sflag:s19] =	ssyncadd.s32 $0xFFFFFE00  }
0xfc: {  	[hbm:s4], [sflag:s28] =	dma.local [spmem:s5], $0x200  }
0xfd: {  	_ =	swait.ge [sflag:s19], $0x200  }
0xfe: {  	[sflag:s19] =	ssyncset.done $0x0;
	s6 =	rddreg [dreg:$0x6]  }
0xff: {  	s7 =	rddreg [dreg:$0x1e];
	[sflag:s19] =	ssyncadd.s32 $0xFFFFFE00  }
0x100: {  	[hbm:s6], [sflag:s28] =	dma.local [spmem:s7], $0x200  }
0x101: {  	_ =	swait.ge [sflag:s19], $0x200  }
0x102: {  	[sflag:s19] =	ssyncset.done $0x0;
	s4 =	rddreg [dreg:$0x7]  }
0x103: {  	s5 =	rddreg [dreg:$0x1f];
	[sflag:s19] =	ssyncadd.s32 $0xFFFFFE00  }
0x104: {  	[hbm:s4], [sflag:s28] =	dma.local [spmem:s5], $0x200  }
0x105: {  	_ =	swait.ge [sflag:s19], $0x200  }
0x106: {  	s7 =	sld [smem:$0x7F9]  }
0x107: {  	[sflag:s19] =	ssyncset.done $0x0  }
0x108: {  	s6 =	rddreg [dreg:$0x8];
	[sflag:s19] =	ssyncadd.s32 $0xFFFFFE00  }
0x109: {  	[hbm:s6], [sflag:s28] =	dma.local [spmem:s7], $0x200  }
0x10a: {  	_ =	swait.ge [sflag:s19], $0x200  }
0x10b: {  	s5 =	sld [smem:$0x7FA]  }
0x10c: {  	[sflag:s19] =	ssyncset.done $0x0  }
0x10d: {  	s4 =	rddreg [dreg:$0x9];
	[sflag:s19] =	ssyncadd.s32 $0xFFFFFE00  }
0x10e: {  	[hbm:s4], [sflag:s28] =	dma.local [spmem:s5], $0x200  }
0x10f: {  	_ =	swait.ge [sflag:s19], $0x200  }
0x110: {  	s7 =	sld [smem:$0x7FB]  }
0x111: {  	[sflag:s19] =	ssyncset.done $0x0  }
0x112: {  	s6 =	rddreg [dreg:$0xa];
	[sflag:s19] =	ssyncadd.s32 $0xFFFFFE00  }
0x113: {  	[hbm:s6], [sflag:s28] =	dma.local [spmem:s7], $0x200  }
0x114: {  	_ =	swait.ge [sflag:s19], $0x200  }
0x115: {  	s5 =	sld [smem:$0x7FC]  }
0x116: {  	[sflag:s19] =	ssyncset.done $0x0  }
0x117: {  	s4 =	rddreg [dreg:$0xb];
	[sflag:s19] =	ssyncadd.s32 $0xFFFFFE00  }
0x118: {  	[hbm:s4], [sflag:s28] =	dma.local [spmem:s5], $0x200  }
0x119: {  	_ =	swait.ge [sflag:s19], $0x200  }
0x11a: {  	s7 =	sld [smem:$0x7FD]  }
0x11b: {  	[sflag:s19] =	ssyncset.done $0x0  }
0x11c: {  	s6 =	rddreg [dreg:$0xc];
	[sflag:s19] =	ssyncadd.s32 $0xFFFFFE00  }
0x11d: {  	[hbm:s6], [sflag:s28] =	dma.local [spmem:s7], $0x200  }
0x11e: {  	_ =	swait.ge [sflag:s19], $0x200  }
0x11f: {  	[sflag:s19] =	ssyncset.done $0x0  }
0x120: {  	s4 =	rddreg [dreg:$0xd];
	[sflag:s19] =	ssyncadd.s32 $0xFFFFFE00  }
0x121: {  	[hbm:s4], [sflag:s28] =	dma.local [spmem:s8], $0x200  }
0x122: {  	_ =	swait.ge [sflag:s19], $0x200  }
0x123: {  	[sflag:s19] =	ssyncset.done $0x0  }
0x124: {  	s5 =	rddreg [dreg:$0xe];
	[sflag:s19] =	ssyncadd.s32 $0xFFFFFE00  }
0x125: {  	[hbm:s5], [sflag:s28] =	dma.local [spmem:s9], $0x200  }
0x126: {  	_ =	swait.ge [sflag:s19], $0x200  }
0x127: {  	[sflag:s19] =	ssyncset.done $0x0  }
0x128: {  	s6 =	rddreg [dreg:$0xf];
	[sflag:s19] =	ssyncadd.s32 $0xFFFFFE00  }
0x129: {  	[hbm:s6], [sflag:s28] =	dma.local [spmem:s10], $0x200  }
0x12a: {  	_ =	swait.ge [sflag:s19], $0x200  }
0x12b: {  	[sflag:s19] =	ssyncset.done $0x0  }
0x12c: {  	s7 =	rddreg [dreg:$0x10];
	[sflag:s19] =	ssyncadd.s32 $0xFFFFFE00  }
0x12d: {  	[hbm:s7], [sflag:s28] =	dma.local [spmem:s11], $0x200  }
0x12e: {  	_ =	swait.ge [sflag:s19], $0x200  }
0x12f: {  	[sflag:s19] =	ssyncset.done $0x0  }
0x130: {  	s4 =	rddreg [dreg:$0x11];
	[sflag:s19] =	ssyncadd.s32 $0xFFFFFE00  }
0x131: {  	[hbm:s4], [sflag:s28] =	dma.local [spmem:s12], $0x200  }
0x132: {  	_ =	swait.ge [sflag:s19], $0x200  }
0x133: {  	[sflag:s19] =	ssyncset.done $0x0  }
0x134: {  	s5 =	rddreg [dreg:$0x12];
	[sflag:s19] =	ssyncadd.s32 $0xFFFFFE00  }
0x135: {  	[hbm:s5], [sflag:s28] =	dma.local [spmem:s13], $0x200  }
0x136: {  	_ =	swait.ge [sflag:s19], $0x200  }
0x137: {  	[sflag:s19] =	ssyncset.done $0x0  }
0x138: {  	s6 =	rddreg [dreg:$0x13];
	[sflag:s19] =	ssyncadd.s32 $0xFFFFFE00  }
0x139: {  	[hbm:s6], [sflag:s28] =	dma.local [spmem:s14], $0x200  }
0x13a: {  	_ =	swait.ge [sflag:s19], $0x200  }
0x13b: {  	[sflag:s19] =	ssyncset.done $0x0  }
0x13c: {  	s7 =	rddreg [dreg:$0x14];
	[sflag:s19] =	ssyncadd.s32 $0xFFFFFE00  }
0x13d: {  	[hbm:s7], [sflag:s28] =	dma.local [spmem:s15], $0x200  }
0x13e: {  	_ =	swait.ge [sflag:s19], $0x200  }
0x13f: {  	[sflag:s19] =	ssyncset.done $0x0  }
0x140: {  	s4 =	rddreg [dreg:$0x15];
	[sflag:s19] =	ssyncadd.s32 $0xFFFFFE00  }
0x141: {  	[hbm:s4], [sflag:s28] =	dma.local [spmem:s16], $0x200  }
0x142: {  	_ =	swait.ge [sflag:s19], $0x200  }
0x143: {  	[sflag:s19] =	ssyncset.done $0x0  }
0x144: {  	s5 =	rddreg [dreg:$0x16];
	[sflag:s19] =	ssyncadd.s32 $0xFFFFFE00  }
0x145: {  	[hbm:s5], [sflag:s28] =	dma.local [spmem:s17], $0x200  }
0x146: {  	_ =	swait.ge [sflag:s19], $0x200  }
0x147: {  	[sflag:s19] =	ssyncset.done $0x0  }
0x148: {  	s6 =	rddreg [dreg:$0x17];
	[sflag:s19] =	ssyncadd.s32 $0xFFFFFE00  }
0x149: {  	[hbm:s6], [sflag:s28] =	dma.local [spmem:s18], $0x200  }
0x14a: {  	_ =	swait.ge [sflag:s19], $0x200  }
0x14b: {  	s2 =	sadd.s32 $0x1, s2;
	s7 =	rddreg [dreg:$0x1c]  }
0x14c: {  	p0 =	sne.s32 s2, s7  }
.Ltmp1:
0x14d: {  	_ = 	snop;
	(pc) =	sbr.rel @p0 .LBB2_1-.Ltmp1, $3  }
0x14e: {  	_ =	sdelay $0x1  }
0x14f: {  	[sflag:s19] =	ssyncset.done $0x0  }
0x150: {  	[sflag:s19] =	ssyncadd.s32 $0xFFFFFE00  }
0x151: {  	_ =	sfence.sel $0x180000  }
0x152: {  	[bflag:$0x0] =	sbarrier.arrive $0xFFFF  }
0x153: {  	_ =	strace $0x9000004D  }
0x154: {  	s0 =	stileid.u32;
	[bflag:$0x2] =	sbarrier.arrive $0xFFFF  }
0x155: {  	p0 =	sne.s32 s0, $0x0;
	s0 =	rddreg [dreg:$0x3]  }
0x156: {  	s0 =	sadd.s32 @!p0 $0x100000, s0  }
0x157: {  	[sflag:s0] =	ssyncadd.tile.s32 @!p0 $0x1;
	_ =	shalt  }
.Lfunc_end2:
_tile_overlayer_lowered:
.L_overlay_start_2:
0x158: {  	(tag) =	ssettag $0x2  }
0x159: {  	s0 =	rddreg [dreg:$0x0];
	s2 =	stileid.u32  }
0x15a: {  	s1 =	rddreg [dreg:$0x1];
	p0 =	sne.s32 s2, $0x0  }
0x15b: {  	s3 =	rddreg [dreg:$0x2];
	[bflag:$0x3] =	sbarrier.arrive $0xFFFF;
	s2 =	simm.s32 @!p0 $0x1C03  }
0x15c: {  	[timem:s3], [sflag:s2] =	dma.local @!p0 [hbm:s0], s1  }
0x15d: {  	s0 =	simm.s32 @!p0 $0x3  }
0x15e: {  	_ =	swait.ge @!p0 [sflag:s0], s1  }
0x15f: {  	s1 =	ssub.s32 @!p0 $0x0, s1;
	[sflag:s0] =	ssyncset.done @!p0 $0x0  }
0x160: {  	[sflag:s0] =	ssyncadd.s32 @!p0 s1  }
0x161: {  	[bflag:$0x3] =	sbarrier.arrive $0xFFFF  }
0x162: {  	_ =	shalt  }

// kernel: kernel.9.cloned.1.call-start
scs
__scs_entry_jumppad:
0x0: {  	(pc) =	sbr.rel $0x88, $3  }
0x1: {  	(tag) =	ssettag $0x0;
	lr =	simm.s32 $0x1  }
0x2: {  	[smem:$0x3F9B] =	sst lr;
	_ =	strace $0xD0000000  }
0x3: {  	_ = 	snop  }
0x4: {  	_ = 	snop  }
0x5: {  	_ = 	snop  }
0x6: {  	_ = 	snop  }
0x7: {  	_ = 	snop  }
__scs_overlays_trampoline_lowered:
0x8: {  	[smem:$0x3FAA] =	sst s0  }
0x9: {  	[smem:$0x3FAB] =	sst s1  }
0xa: {  	[smem:$0x3FAC] =	sst s2  }
0xb: {  	[smem:$0x3FAD] =	sst s3  }
0xc: {  	[smem:$0x3FAE] =	sst s4  }
0xd: {  	[smem:$0x3FAF] =	sst s5  }
0xe: {  	[smem:$0x3FB0] =	sst s6  }
0xf: {  	[smem:$0x3FB1] =	sst s7  }
0x10: {  	[smem:$0x3FB2] =	sst s8  }
0x11: {  	[smem:$0x3FB3] =	sst s9;
	s0 =	simm.s32 @!p0 $0x0  }
0x12: {  	s1 =	sld [smem:$0x3F99];
	s0 =	simm.s32 @p0 $0x1  }
0x13: {  	[smem:$0x3FB4] =	sst s0;
	s0 =	simm.s32 @!p1 $0x0  }
0x14: {  	s2 =	sld [smem:$0x3F98];
	s0 =	simm.s32 @p1 $0x1  }
0x15: {  	[smem:$0x3FB5] =	sst s0;
	s0 =	simm.s32 @!p2 $0x0  }
0x16: {  	s3 =	sld [smem:$0x3FDB];
	s0 =	simm.s32 @p2 $0x1  }
0x17: {  	s4 =	simm.s32 $0x1BF5;
	[smem:$0x3FB7] =	sst s0  }
0x18: {  	s0 =	sld [smem:$0x3F9A];
	_ =	swait.ge [sflag:s4], $0x0  }
0x19: {  	s7 =	sld [smem:$0x3F9B]  }
0x1a: {  	s8 =	sadd.s32 $0xFFFFE003, lr  }
0x1b: {  	s9 =	sadd.s32 $0xFFFFFEF7, lr;
	s5 =	simm.s32 $0xFFFFFFFF;
	p2 =	slt.u32 s8, $0xFFFFF086  }
0x1c: {  	p1 =	slt.u32 s9, $0xF7A;
	s5 =	simm.s32 @!p2 $0x0  }
0x1d: {  	s5 =	simm.s32 @p1 $0x1;
	p0 =	seq.s32 s7, s2  }
0x1e: {  	s7 =	smul.u32 @!p0 $0xF7A, s2;
	p2 =	seq.s32 @!p0 s5, $0x0  }
0x1f: {  	s9 =	smul.u32 $0xF7A, s1;
	s8 =	simm.s32 @!p0 $0x1BF5;
	p2 =	por !p2, p0  }
0x20: {  	[sflag:s8] =	ssyncset.s32 @!p0 $0xFFFFF086;
	s6 =	sadd.s32 @!p0 s3, s7;
	s7 =	simm.s32 @!p0 $0x108  }
0x21: {  	s3 =	sadd.s32 s3, s9;
	s6 =	sadd.s32 @!p0 $0x88, s6;
	s7 =	simm.s32 @p2 $0x1082  }
0x22: {  	[simem:s7], [sflag:s8] =	dma.local @!p0 [hbm:s6], $0xF7A  }
0x23: {  	s9 =	sor.u32 $0xD0000000, s2;
	s6 =	simm.s32 $0x108;
	_ =	swait.ge @!p0 [sflag:s8], $0x0  }
0x24: {  	s3 =	sadd.s32 $0x88, s3;
	s6 =	simm.s32 @!p1 $0x1082;
	[sflag:s4] =	ssyncset.s32 $0xFFFFF086  }
0x25: {  	[simem:s6], [sflag:s4] =	dma.local [hbm:s3], $0xF7A  }
0x26: {  	[smem:$0x3F9B] =	sst s1;
	(tag) =	ssettag s2;
	_ =	strace s9  }
0x27: {  	s1 =	sld [smem:$0x3FAB]  }
0x28: {  	s2 =	sld [smem:$0x3FAC]  }
0x29: {  	s4 =	sld [smem:$0x3FAE]  }
0x2a: {  	p0 =	seq.s32 s5, $0x0;
	s5 =	sld [smem:$0x3FAF]  }
0x2b: {  	s6 =	sld [smem:$0x3FB0]  }
0x2c: {  	s7 =	sld [smem:$0x3FB1]  }
0x2d: {  	s3 =	simm.s32 $0x108;
	s8 =	sld [smem:$0x3FB2]  }
0x2e: {  	s3 =	simm.s32 @!p0 $0x1082;
	s9 =	sld [smem:$0x3FB3]  }
0x2f: {  	lr =	sadd.s32 s0, s3;
	s0 =	sld [smem:$0x3FAA]  }
0x30: {  	s3 =	sld [smem:$0x3FAD]  }
0x31: {  	[smem:$0x3FB6] =	sst s10  }
0x32: {  	s10 =	sld [smem:$0x3FB4];
	_ =	sdelay $0x3  }
0x33: {  	p0 =	seq.s32 s10, $0x1;
	s10 =	sld [smem:$0x3FB6];
	_ =	sdelay $0x3  }
0x34: {  	[smem:$0x3FB6] =	sst s10  }
0x35: {  	s10 =	sld [smem:$0x3FB5];
	_ =	sdelay $0x3  }
0x36: {  	p1 =	seq.s32 s10, $0x1;
	s10 =	sld [smem:$0x3FB6];
	_ =	sdelay $0x3  }
0x37: {  	[smem:$0x3FB6] =	sst s10  }
0x38: {  	s10 =	sld [smem:$0x3FB7]  }
0x39: {  	_ = 	snop;
	(pc) =	sbr.ind lr, $3  }
0x3a: {  	_ = 	snop  }
0x3b: {  	_ = 	snop  }
0x3c: {  	p2 =	seq.s32 s10, $0x1;
	s10 =	sld [smem:$0x3FB6]  }
0x3d: {  	_ =	shalt  }
0x3e: {  	_ =	shalt  }
0x3f: {  	_ =	shalt  }
0x40: {  	_ =	shalt  }
0x41: {  	_ =	shalt  }
0x42: {  	_ =	shalt  }
0x43: {  	_ =	shalt  }
0x44: {  	_ =	shalt  }
0x45: {  	_ =	shalt  }
0x46: {  	_ =	shalt  }
0x47: {  	_ =	shalt  }
0x48: {  	_ =	shalt  }
0x49: {  	_ =	shalt  }
0x4a: {  	_ =	shalt  }
0x4b: {  	_ =	shalt  }
0x4c: {  	_ =	shalt  }
0x4d: {  	_ =	shalt  }
0x4e: {  	_ =	shalt  }
0x4f: {  	_ =	shalt  }
0x50: {  	_ =	shalt  }
0x51: {  	_ =	shalt  }
0x52: {  	_ =	shalt  }
0x53: {  	_ =	shalt  }
0x54: {  	_ =	shalt  }
0x55: {  	_ =	shalt  }
0x56: {  	_ =	shalt  }
0x57: {  	_ =	shalt  }
0x58: {  	_ =	shalt  }
0x59: {  	_ =	shalt  }
0x5a: {  	_ =	shalt  }
0x5b: {  	_ =	shalt  }
0x5c: {  	_ =	shalt  }
0x5d: {  	_ =	shalt  }
0x5e: {  	_ =	shalt  }
0x5f: {  	_ =	shalt  }
0x60: {  	_ =	shalt  }
0x61: {  	_ =	shalt  }
0x62: {  	_ =	shalt  }
0x63: {  	_ =	shalt  }
0x64: {  	_ =	shalt  }
0x65: {  	_ =	shalt  }
0x66: {  	_ =	shalt  }
0x67: {  	_ =	shalt  }
0x68: {  	_ =	shalt  }
0x69: {  	_ =	shalt  }
0x6a: {  	_ =	shalt  }
0x6b: {  	_ =	shalt  }
0x6c: {  	_ =	shalt  }
0x6d: {  	_ =	shalt  }
0x6e: {  	_ =	shalt  }
0x6f: {  	_ =	shalt  }
0x70: {  	_ =	shalt  }
0x71: {  	_ =	shalt  }
0x72: {  	_ =	shalt  }
0x73: {  	_ =	shalt  }
0x74: {  	_ =	shalt  }
0x75: {  	_ =	shalt  }
0x76: {  	_ =	shalt  }
0x77: {  	_ =	shalt  }
0x78: {  	_ =	shalt  }
0x79: {  	_ =	shalt  }
0x7a: {  	_ =	shalt  }
0x7b: {  	_ =	shalt  }
0x7c: {  	_ =	shalt  }
0x7d: {  	_ =	shalt  }
0x7e: {  	_ =	shalt  }
0x7f: {  	_ =	shalt  }
0x80: {  	_ =	shalt  }
0x81: {  	_ =	shalt  }
0x82: {  	_ =	shalt  }
0x83: {  	_ =	shalt  }
0x84: {  	_ =	shalt  }
0x85: {  	_ =	shalt  }
0x86: {  	_ =	shalt  }
0x87: {  	_ =	shalt  }
.Lfunc_end0:
.L_simem_size_0:
called_computation_lowered:
.L_overlay_start_0:
0x88: {  	s2 =	sld [smem:$0x3FD9]  }
0x89: {  	s3 =	sld [smem:$0x3FFE];
	_ =	sdelay $0x1  }
0x8a: {  	s1 =	srdreg.scid  }
0x8b: {  	s0 =	sand.u32 $0x1, s1  }
0x8c: {  	s17 =	sshll.u32 s0, $0xA;
	s2 =	sadd.s32 s3, s2  }
0x8d: {  	s2 =	sadd.s32 s2, s17  }
0x8e: {  	[smem:$0x3FC2] =	sst s2  }
0x8f: {  	_ = 	snop  }
0x90: {  	s2 =	sld [smem:$0x3FD0];
	(tm) =	ssettm $0x1  }
0x91: {  	s18 =	sld [smem:$0x3FFB];
	_ =	sdelay $0x3  }
0x92: {  	_ =	strace s18  }
0x93: {  	s3 =	sld [smem:$0x3FFC];
	_ =	sdelay $0x3  }
0x94: {  	_ =	strace s3  }
0x95: {  	s3 =	sld [smem:$0x3FFD];
	_ =	sdelay $0x3  }
0x96: {  	_ =	strace s3  }
0x97: {  	_ =	strace $0x8FFFFFFF  }
0x98: {  	s19 =	sld [smem:$0x3FDB];
	_ =	sdelay $0x1  }
0x99: {  	s4 =	simm.s32 $_scs_section_size  }
0x9a: {  	s5 =	simm.s32 $_size__tile_overlayer_lowered;
	s6 =	simm.s32 $_tile_overlayer_lowered  }
0x9b: {  	s22 =	simm.s32 $0x1BFF;
	s21 =	sshll.u32 s6, $0x1;
	s3 =	sadd.s32 s4, s19  }
0x9c: {  	s7 =	simm.s32 $0x0;
	s20 =	sshll.u32 s5, $0x1;
	s5 =	sadd.s32 s21, s3  }
0x9d: {  	[timem:s7], [sflag:s22] =	dma.local [hbm:s5], s20  }
0x9e: {  	_ =	swait.ge [sflag:s22], s20  }
0x9f: {  	s4 =	ssub.s32 $0x0, s20;
	[sflag:s22] =	ssyncset.done $0x0  }
0xa0: {  	[sflag:s22] =	ssyncadd.s32 s4;
	_ =	sdelay $0x1  }
0xa1: {  	s23 =	simm.s32 $0x1B8B  }
0xa2: {  	_ =	swait.ge [sflag:s23], $0x1  }
0xa3: {  	[sflag:s23] =	ssyncset.done $0x0  }
0xa4: {  	s25 =	simm.s32 $0x1B8E;
	s24 =	sld [smem:$0x3FFE];
	[sflag:s23] =	ssyncadd.s32 $0xFFFFFFFF  }
0xa5: {  	s26 =	simm.s32 $execute0_lowered;
	[smem:$0x3FD2] =	sst s25  }
0xa6: {  	s5 =	sshll.u32 s26, $0x1;
	_ =	strace $0x80000046;
	[dreg:$0x1] =	wrdreg $0xFFFFFFFF  }
0xa7: {  	s28 =	simm.s32 $_size_execute0_lowered;
	s3 =	sadd.s32 s3, s5;
	[dreg:$0x0] =	wrdreg $0x0  }
0xa8: {  	s5 =	sshll.u32 s28, $0x1;
	[dreg:$0x2] =	wrdreg s3  }
0xa9: {  	[dreg:$0x3] =	wrdreg s5  }
0xaa: {  	[dreg:$0x4] =	wrdreg $0xC0  }
0xab: {  	_ =	task [dreg:s7], $0x5FFFF  }
0xac: {  	[dreg:$0x1] =	wrdreg $0xFFFFFFFF  }
0xad: {  	[dreg:$0x0] =	wrdreg $0x60  }
0xae: {  	[dreg:$0x2] =	wrdreg s24  }
0xaf: {  	[dreg:$0x3] =	wrdreg s2  }
0xb0: {  	[dreg:$0x4] =	wrdreg $0x77800  }
0xb1: {  	[dreg:$0x5] =	wrdreg $0x9  }
0xb2: {  	_ =	task.clear_ibuf [dreg:s7], $0x6FFFF;
	_ =	strace $0x90000046  }
0xb3: {  	s29 =	simm.s32 $0x9;
	_ =	strace $0x80000048  }
0xb4: {  	_ =	swait.ge [sflag:s29], $0x1  }
0xb5: {  	[sflag:s29] =	ssyncadd.s32 $0xFFFFFFFF  }
0xb6: {  	_ =	strace $0x90000048  }
0xb7: {  	_ =	sfence  }
0xb8: {  	s30 =	sld [smem:$0x0];
	_ =	sdelay $0x2  }
0xb9: {  	s31 =	sshll.u32 s1, $0xD;
	s1 =	sshrl.u32 s1, $0x2  }
0xba: {  	s3 =	sand.u32 $0x4000, s31;
	s1 =	sadd.s32 s1, s30  }
0xbb: {  	s0 =	sor.u32 s3, s0;
	s1 =	sshll.u32 s1, $0x11  }
0xbc: {  	s0 =	sor.u32 s1, s0  }
0xbd: {  	s0 =	sadd.s32 $0x8F2B, s0  }
0xbe: {  	[sflag:s0] =	ssyncadd.remote.s32 $0x1  }
0xbf: {  	_ =	sfence.sel $0xFFFF  }
0xc0: {  	[dreg:$0x0] =	wrdreg $0xFFFFFFFF;
	(pc) =	sbr.abs _section_cstart, $3  }
0xc1: {  	[dreg:$0x1] =	wrdreg $0xFFFFFFFF  }
0xc2: {  	_ =	task.clear_ibuf [dreg:s7], $0x2FFFF;
	_ =	strace $0x9FFFFFFF  }
0xc3: {  	(tm) =	ssettm $0x7FFFFFFF  }
tec
execute0_lowered:
.L_overlay_start_1:
0x0: {  	(tag) =	ssettag $0x1  }
0x1: {  	s2 =	rddreg [dreg:$0x0];
	s1 =	simm.s32 $0x0;
	s0 =	srdreg.scid  }
0x2: {  	s29 =	stileid.u32;
	[smem:$0x7FF] =	sst s1  }
0x3: {  	s0 =	sand.u32 $0x1, s0;
	s11 =	smul.u32 $0x14000, s29;
	s6 =	sadd.s32 $0x16200, s2  }
0x4: {  	s3 =	sshll.u32 s0, $0x4;
	s8 =	smul.u32 $0x140000, s0;
	s0 =	ssub.s32 $0x2, s0  }
0x5: {  	s28 =	smul.u32 $0x50000, s29;
	s3 =	sor.u32 s29, s3;
	s13 =	sshrl.u32 s0, $0x1  }
0x6: {  	s5 =	smul.u32 $0x4E2, s3;
	s4 =	sadd.s32 s11, s8;
	s3 =	sor.u32 $0x1000, s11  }
0x7: {  	s0 =	ssub.s32 s0, s13;
	s7 =	sshrl.u32 s4, $0x3;
	s9 =	sadd.s32 s8, s3  }
0x8: {  	s4 =	sor.u32 $0x2000, s11;
	s31 =	smax.u32 s0, $0x1;
	s7 =	sadd.s32 s6, s7  }
0x9: {  	s14 =	sshrl.u32 s9, $0x3;
	s15 =	sadd.s32 s8, s4;
	s5 =	sadd.s32 s5, s2  }
0xa: {  	[dreg:$0x4] =	wrdreg s7;
	s7 =	sadd.s32 s6, s14;
	s9 =	sshrl.u32 s15, $0x3  }
0xb: {  	[dreg:$0x5] =	wrdreg s7;
	s7 =	sor.u32 $0x3000, s11;
	s9 =	sadd.s32 s6, s9  }
0xc: {  	[dreg:$0x6] =	wrdreg s9;
	s10 =	sadd.s32 s8, s7;
	s9 =	sadd.s32 $0x4000, s11  }
0xd: {  	s12 =	sshrl.u32 s10, $0x3;
	s13 =	sadd.s32 s8, s9;
	s10 =	sadd.s32 $0x5000, s11  }
0xe: {  	s12 =	sadd.s32 s6, s12;
	s16 =	sshrl.u32 s13, $0x3;
	s17 =	sadd.s32 s8, s10  }
0xf: {  	[dreg:$0x7] =	wrdreg s12;
	s12 =	sadd.s32 s6, s16;
	s13 =	sshrl.u32 s17, $0x3  }
0x10: {  	[dreg:$0x8] =	wrdreg s12;
	s12 =	sadd.s32 $0x6000, s11;
	s13 =	sadd.s32 s6, s13  }
0x11: {  	[dreg:$0x9] =	wrdreg s13;
	s14 =	sadd.s32 s8, s12;
	s13 =	sadd.s32 $0x7000, s11  }
0x12: {  	s15 =	sshrl.u32 s14, $0x3;
	s16 =	sadd.s32 s8, s13;
	s14 =	sadd.s32 $0x8000, s11  }
0x13: {  	s15 =	sadd.s32 s6, s15;
	s18 =	sshrl.u32 s16, $0x3;
	s19 =	sadd.s32 s8, s14  }
0x14: {  	[dreg:$0xa] =	wrdreg s15;
	s15 =	sadd.s32 s6, s18;
	s16 =	sshrl.u32 s19, $0x3  }
0x15: {  	s19 =	sadd.s32 $0xB000, s11;
	[dreg:$0xb] =	wrdreg s15;
	s15 =	sadd.s32 $0x9000, s11  }
0x16: {  	s16 =	sadd.s32 s6, s16;
	s21 =	sadd.s32 s8, s19;
	s17 =	sadd.s32 s8, s15  }
0x17: {  	[dreg:$0xc] =	wrdreg s16;
	s16 =	sadd.s32 $0xA000, s11;
	s17 =	sshrl.u32 s17, $0x3  }
0x18: {  	s22 =	sshrl.u32 s21, $0x3;
	s18 =	sadd.s32 s8, s16;
	s17 =	sadd.s32 s6, s17  }
0x19: {  	s20 =	sshrl.u32 s18, $0x3;
	s18 =	sadd.s32 $0xC000, s11;
	[dreg:$0xd] =	wrdreg s17  }
0x1a: {  	s17 =	sadd.s32 s6, s20;
	s23 =	sadd.s32 s8, s18;
	s20 =	sadd.s32 $0xD000, s11  }
0x1b: {  	[dreg:$0xe] =	wrdreg s17;
	s17 =	sadd.s32 s6, s22;
	s21 =	sadd.s32 s8, s20  }
0x1c: {  	[dreg:$0xf] =	wrdreg s17;
	s17 =	sshrl.u32 s23, $0x3;
	s23 =	sadd.s32 $0xE000, s11  }
0x1d: {  	s24 =	sshrl.u32 s21, $0x3;
	s21 =	sadd.s32 $0xF000, s11;
	s17 =	sadd.s32 s6, s17  }
0x1e: {  	s25 =	sadd.s32 s8, s23;
	s30 =	sadd.s32 s8, s21;
	[dreg:$0x10] =	wrdreg s17  }
0x1f: {  	s17 =	sadd.s32 s6, s24;
	s26 =	sshrl.u32 s25, $0x3;
	s24 =	sadd.s32 $0x10000, s11  }
0x20: {  	s25 =	sadd.s32 $0x11000, s11;
	[dreg:$0x11] =	wrdreg s17;
	s17 =	sadd.s32 s6, s26  }
0x21: {  	s22 =	sadd.s32 s8, s24;
	s26 =	sadd.s32 s8, s25;
	[dreg:$0x12] =	wrdreg s17  }
0x22: {  	s17 =	sshrl.u32 s30, $0x3;
	s22 =	sshrl.u32 s22, $0x3;
	s30 =	sshrl.u32 s26, $0x3  }
0x23: {  	s26 =	sadd.s32 $0x12000, s11;
	s11 =	sadd.s32 $0x13000, s11;
	s17 =	sadd.s32 s6, s17  }
0x24: {  	[dreg:$0x13] =	wrdreg s17;
	s17 =	sadd.s32 s6, s22;
	s22 =	sadd.s32 s8, s26  }
0x25: {  	s8 =	sadd.s32 s8, s11;
	[dreg:$0x14] =	wrdreg s17;
	s17 =	sadd.s32 s6, s30  }
0x26: {  	s2 =	sadd.s32 $0x15C00, s2;
	s8 =	sshrl.u32 s8, $0x3;
	[dreg:$0x15] =	wrdreg s17  }
0x27: {  	s30 =	sshrl.u32 s28, $0x2;
	s17 =	sshrl.u32 s22, $0x3;
	s22 =	rddreg [dreg:$0x2]  }
0x28: {  	s17 =	sadd.s32 s6, s17;
	s6 =	sadd.s32 s6, s8;
	s8 =	sadd.s32 s30, s22  }
0x29: {  	s30 =	sadd.s32 $0x2000, s5;
	s7 =	sadd.s32 s7, s22;
	[dreg:$0x16] =	wrdreg s17  }
0x2a: {  	s24 =	sadd.s32 s24, s22;
	s25 =	sadd.s32 s25, s22;
	[dreg:$0x17] =	wrdreg s6  }
0x2b: {  	s17 =	sshll.u32 s29, $0x6;
	_ =	strace $0x80000047;
	[dreg:$0x18] =	wrdreg s2  }
0x2c: {  	s29 =	sadd.s32 $0xBE00, s5;
	s5 =	sadd.s32 s3, s22;
	[dreg:$0x19] =	wrdreg s8  }
0x2d: {  	s6 =	sadd.s32 s4, s22;
	s28 =	sor.u32 $0x1C01, s17;
	[dreg:$0x1a] =	wrdreg s29  }
0x2e: {  	[dreg:$0x1b] =	wrdreg s30;
	s8 =	sadd.s32 s9, s22;
	s9 =	sadd.s32 s10, s22  }
0x2f: {  	s10 =	sadd.s32 s12, s22;
	s12 =	sadd.s32 s13, s22;
	s13 =	sadd.s32 s14, s22  }
0x30: {  	s14 =	sadd.s32 s15, s22;
	s15 =	sadd.s32 s16, s22;
	s16 =	sadd.s32 s19, s22  }
0x31: {  	s17 =	sadd.s32 s18, s22;
	s18 =	sadd.s32 s20, s22;
	s19 =	sadd.s32 s23, s22  }
0x32: {  	s23 =	sadd.s32 s21, s22;
	s29 =	sadd.s32 s26, s22;
	s30 =	sadd.s32 s11, s22  }
0x33: {  	s20 =	sshrl.u32 s5, $0x3;
	s0 =	sshrl.u32 s6, $0x3;
	s21 =	sshrl.u32 s7, $0x3  }
0x34: {  	s2 =	sshrl.u32 s8, $0x3;
	s3 =	sshrl.u32 s9, $0x3;
	s4 =	sshrl.u32 s10, $0x3  }
0x35: {  	s5 =	sshrl.u32 s12, $0x3;
	s6 =	sshrl.u32 s13, $0x3;
	s7 =	sshrl.u32 s14, $0x3  }
0x36: {  	s8 =	sshrl.u32 s15, $0x3;
	s9 =	sshrl.u32 s16, $0x3;
	s10 =	sshrl.u32 s17, $0x3  }
0x37: {  	s11 =	sshrl.u32 s18, $0x3;
	s12 =	sshrl.u32 s19, $0x3;
	s13 =	sshrl.u32 s23, $0x3  }
0x38: {  	s14 =	sshrl.u32 s24, $0x3;
	s15 =	sshrl.u32 s25, $0x3;
	s16 =	sshrl.u32 s29, $0x3  }
0x39: {  	s17 =	sshrl.u32 s30, $0x3;
	s18 =	simm.s32 $0x1;
	s19 =	simm.s32 $0x4F80  }
0x3a: {  	s23 =	simm.s32 $0x50;
	s24 =	simm.s32 $0x4F00;
	s25 =	simm.s32 $0x0  }
.LBB2_1:
0x3b: {  	s26 =	rddreg [dreg:$0x19]  }
0x3c: {  	s29 =	rddreg [dreg:$0x1];
	s26 =	sshrl.u32 s26, $0x3  }
0x3d: {  	[spmem:s26], [sflag:s28] =	dma.local [hbm:s29], $0x2800  }
0x3e: {  	_ =	swait.ge [sflag:s18], $0x2800  }
0x3f: {  	[sflag:s18] =	ssyncset.done $0x0  }
0x40: {  	s29 =	rddreg [dreg:$0x18];
	[sflag:s18] =	ssyncadd.s32 $0xFFFFD800  }
0x41: {  	[tilespmem:s19], [sflag:$0x1] =	stream.linear.gather [hbm4b:s29+s1], $0x2800, $0x38;
	[tilespmem:$0x9F80] =	vst v63  }
0x42: {  	_ =	swait.ge [sflag:s18], $0x2800  }
0x43: {  	[sflag:s18] =	ssyncset.done $0x0  }
0x44: {  	s29 =	rddreg [dreg:$0x1a];
	[sflag:s18] =	ssyncadd.s32 $0xFFFFD800  }
0x45: {  	[tilespmem:s1], [sflag:$0x1] =	stream.linear.gather [hbm4b:s29+s1], $0x2710, $0x38;
	[tilespmem:$0x9F80] =	vst v63  }
0x46: {  	_ =	swait.ge [sflag:s18], $0x2710  }
0x47: {  	[sflag:s18] =	ssyncset.done $0x0  }
0x48: {  	s30 =	simm.s32 $0x2780;
	s29 =	rddreg [dreg:$0x1b];
	[sflag:s18] =	ssyncadd.s32 $0xFFFFD8F0  }
0x49: {  	[tilespmem:s30], [sflag:$0x1] =	stream.linear.gather [hbm4b:s29+s1], $0x2710, $0x38;
	[tilespmem:$0x9F80] =	vst v63  }
0x4a: {  	_ =	swait.ge [sflag:s18], $0x2710  }
0x4b: {  	[sflag:s18] =	ssyncset.done $0x0  }
0x4c: {  	[sflag:s18] =	ssyncadd.s32 $0xFFFFD8F0  }
0x4d: {  	s29 =	simm.s32 $0x0;
	[bflag:$0x0] =	sbarrier.arrive $0xFFFF  }
0x4e: {  	v0 =	vld [tilespmem:s29+$0x0]  }
0x4f: {  	v1 =	vld [tilespmem:s29+$0x2780];
	_ =	sdelay $0x4  }
0x50: {  	vm0 =	veq.s32 v0, v1  }
0x51: {  	v0 =	vsel vm0, $0x2710, v1  }
0x52: {  	[tilespmem:$0x4F00] =	vst v0  }
0x53: {  	v0 =	vld [tilespmem:s29+$0x10]  }
0x54: {  	v1 =	vld [tilespmem:s29+$0x2790];
	_ =	sdelay $0x4  }
0x55: {  	vm0 =	veq.s32 v0, v1  }
0x56: {  	v0 =	vsel vm0, $0x2710, v1  }
0x57: {  	[tilespmem:$0x4F10] =	vst v0  }
0x58: {  	v0 =	vld [tilespmem:s29+$0x20]  }
0x59: {  	v1 =	vld [tilespmem:s29+$0x27A0];
	_ =	sdelay $0x4  }
0x5a: {  	vm0 =	veq.s32 v0, v1  }
0x5b: {  	v0 =	vsel vm0, $0x2710, v1  }
0x5c: {  	[tilespmem:$0x4F20] =	vst v0  }
0x5d: {  	v0 =	vld [tilespmem:s29+$0x30]  }
0x5e: {  	v1 =	vld [tilespmem:s29+$0x27B0];
	_ =	sdelay $0x4  }
0x5f: {  	vm0 =	veq.s32 v0, v1  }
0x60: {  	v0 =	vsel vm0, $0x2710, v1  }
0x61: {  	[tilespmem:$0x4F30] =	vst v0  }
0x62: {  	v1 =	vld [tilespmem:s29+$0x40]  }
0x63: {  	v0 =	vld [tilespmem:s29+$0x27C0];
	_ =	sdelay $0x4  }
0x64: {  	s29 =	simm.s32 $0x140;
	vm0 =	veq.s32 v1, v0  }
.LBB2_2:
0x65: {  	p0 =	sne.s32 s29, $0x9B00;
	v0 =	vsel vm0, $0x2710, v0;
	s30 =	smov.u32 s29;
	s29 =	sadd.s32 $0x140, s29  }
0x66: {  	[tilespmem:$0x4F40] =	vst v0  }
0x67: {  	[spmem:s22] =	stream.indirect.scatter.add.f32 [tilespmem:s19], [sflag:$0x1], $0x10, s24, s23, $0xb8;
	[tilespmem:$0x9F80] =	vst v63  }
0x68: {  	_ =	swait.ge [sflag:s18], $0x500  }
0x69: {  	[sflag:s18] =	ssyncset.done $0x0  }
0x6a: {  	s30 =	sshra.s32 s30, $0x2;
	[sflag:s18] =	ssyncadd.s32 $0xFFFFFB00  }
0x6b: {  	v0 =	vld [tilespmem:s30+$0x0]  }
0x6c: {  	v1 =	vld [tilespmem:s30+$0x2780];
	_ =	sdelay $0x4  }
0x6d: {  	vm0 =	veq.s32 v0, v1  }
0x6e: {  	v0 =	vsel vm0, $0x2710, v1  }
0x6f: {  	[tilespmem:$0x4F00] =	vst v0  }
0x70: {  	v0 =	vld [tilespmem:s30+$0x10]  }
0x71: {  	v1 =	vld [tilespmem:s30+$0x2790];
	_ =	sdelay $0x4  }
0x72: {  	vm0 =	veq.s32 v0, v1  }
0x73: {  	v0 =	vsel vm0, $0x2710, v1  }
0x74: {  	[tilespmem:$0x4F10] =	vst v0  }
0x75: {  	v0 =	vld [tilespmem:s30+$0x20]  }
0x76: {  	v1 =	vld [tilespmem:s30+$0x27A0];
	_ =	sdelay $0x4  }
0x77: {  	vm0 =	veq.s32 v0, v1  }
0x78: {  	v0 =	vsel vm0, $0x2710, v1  }
0x79: {  	[tilespmem:$0x4F20] =	vst v0  }
0x7a: {  	v0 =	vld [tilespmem:s30+$0x30]  }
0x7b: {  	v1 =	vld [tilespmem:s30+$0x27B0];
	_ =	sdelay $0x4  }
0x7c: {  	vm0 =	veq.s32 v0, v1  }
0x7d: {  	v0 =	vsel vm0, $0x2710, v1  }
0x7e: {  	[tilespmem:$0x4F30] =	vst v0  }
0x7f: {  	v1 =	vld [tilespmem:s30+$0x40]  }
0x80: {  	v0 =	vld [tilespmem:s30+$0x27C0]  }
.Ltmp0:
0x81: {  	(pc) =	sbr.rel @p0 .LBB2_2-.Ltmp0, $2  }
0x82: {  	_ =	sdelay $0x2  }
0x83: {  	vm0 =	veq.s32 v1, v0  }
0x84: {  	v0 =	vsel vm0, $0x2710, v0  }
0x85: {  	[tilespmem:$0x4F40] =	vst v0  }
0x86: {  	[spmem:s22] =	stream.indirect.scatter.add.f32 [tilespmem:s19], [sflag:$0x1], $0x10, s24, s23, $0xb8;
	[tilespmem:$0x9F80] =	vst v63  }
0x87: {  	_ =	swait.ge [sflag:s18], $0x500  }
0x88: {  	[sflag:s18] =	ssyncset.done $0x0  }
0x89: {  	[sflag:s18] =	ssyncadd.s32 $0xFFFFFB00  }
0x8a: {  	[bflag:$0x0] =	sbarrier.arrive $0xFFFF  }
0x8b: {  	s29 =	rddreg [dreg:$0x4]  }
0x8c: {  	[hbm:s29], [sflag:s28] =	dma.local [spmem:s26], $0x200  }
0x8d: {  	_ =	swait.ge [sflag:s18], $0x200  }
0x8e: {  	[sflag:s18] =	ssyncset.done $0x0  }
0x8f: {  	s30 =	rddreg [dreg:$0x5];
	[sflag:s18] =	ssyncadd.s32 $0xFFFFFE00  }
0x90: {  	[hbm:s30], [sflag:s28] =	dma.local [spmem:s20], $0x200  }
0x91: {  	_ =	swait.ge [sflag:s18], $0x200  }
0x92: {  	[sflag:s18] =	ssyncset.done $0x0  }
0x93: {  	s29 =	rddreg [dreg:$0x6];
	[sflag:s18] =	ssyncadd.s32 $0xFFFFFE00  }
0x94: {  	[hbm:s29], [sflag:s28] =	dma.local [spmem:s0], $0x200  }
0x95: {  	_ =	swait.ge [sflag:s18], $0x200  }
0x96: {  	[sflag:s18] =	ssyncset.done $0x0  }
0x97: {  	s30 =	rddreg [dreg:$0x7];
	[sflag:s18] =	ssyncadd.s32 $0xFFFFFE00  }
0x98: {  	[hbm:s30], [sflag:s28] =	dma.local [spmem:s21], $0x200  }
0x99: {  	_ =	swait.ge [sflag:s18], $0x200  }
0x9a: {  	[sflag:s18] =	ssyncset.done $0x0  }
0x9b: {  	s29 =	rddreg [dreg:$0x8];
	[sflag:s18] =	ssyncadd.s32 $0xFFFFFE00  }
0x9c: {  	[hbm:s29], [sflag:s28] =	dma.local [spmem:s2], $0x200  }
0x9d: {  	_ =	swait.ge [sflag:s18], $0x200  }
0x9e: {  	[sflag:s18] =	ssyncset.done $0x0  }
0x9f: {  	s30 =	rddreg [dreg:$0x9];
	[sflag:s18] =	ssyncadd.s32 $0xFFFFFE00  }
0xa0: {  	[hbm:s30], [sflag:s28] =	dma.local [spmem:s3], $0x200  }
0xa1: {  	_ =	swait.ge [sflag:s18], $0x200  }
0xa2: {  	[sflag:s18] =	ssyncset.done $0x0  }
0xa3: {  	s29 =	rddreg [dreg:$0xa];
	[sflag:s18] =	ssyncadd.s32 $0xFFFFFE00  }
0xa4: {  	[hbm:s29], [sflag:s28] =	dma.local [spmem:s4], $0x200  }
0xa5: {  	_ =	swait.ge [sflag:s18], $0x200  }
0xa6: {  	[sflag:s18] =	ssyncset.done $0x0  }
0xa7: {  	s30 =	rddreg [dreg:$0xb];
	[sflag:s18] =	ssyncadd.s32 $0xFFFFFE00  }
0xa8: {  	[hbm:s30], [sflag:s28] =	dma.local [spmem:s5], $0x200  }
0xa9: {  	_ =	swait.ge [sflag:s18], $0x200  }
0xaa: {  	[sflag:s18] =	ssyncset.done $0x0  }
0xab: {  	s29 =	rddreg [dreg:$0xc];
	[sflag:s18] =	ssyncadd.s32 $0xFFFFFE00  }
0xac: {  	[hbm:s29], [sflag:s28] =	dma.local [spmem:s6], $0x200  }
0xad: {  	_ =	swait.ge [sflag:s18], $0x200  }
0xae: {  	[sflag:s18] =	ssyncset.done $0x0  }
0xaf: {  	s30 =	rddreg [dreg:$0xd];
	[sflag:s18] =	ssyncadd.s32 $0xFFFFFE00  }
0xb0: {  	[hbm:s30], [sflag:s28] =	dma.local [spmem:s7], $0x200  }
0xb1: {  	_ =	swait.ge [sflag:s18], $0x200  }
0xb2: {  	[sflag:s18] =	ssyncset.done $0x0  }
0xb3: {  	s29 =	rddreg [dreg:$0xe];
	[sflag:s18] =	ssyncadd.s32 $0xFFFFFE00  }
0xb4: {  	[hbm:s29], [sflag:s28] =	dma.local [spmem:s8], $0x200  }
0xb5: {  	_ =	swait.ge [sflag:s18], $0x200  }
0xb6: {  	[sflag:s18] =	ssyncset.done $0x0  }
0xb7: {  	s30 =	rddreg [dreg:$0xf];
	[sflag:s18] =	ssyncadd.s32 $0xFFFFFE00  }
0xb8: {  	[hbm:s30], [sflag:s28] =	dma.local [spmem:s9], $0x200  }
0xb9: {  	_ =	swait.ge [sflag:s18], $0x200  }
0xba: {  	[sflag:s18] =	ssyncset.done $0x0  }
0xbb: {  	s29 =	rddreg [dreg:$0x10];
	[sflag:s18] =	ssyncadd.s32 $0xFFFFFE00  }
0xbc: {  	[hbm:s29], [sflag:s28] =	dma.local [spmem:s10], $0x200  }
0xbd: {  	_ =	swait.ge [sflag:s18], $0x200  }
0xbe: {  	[sflag:s18] =	ssyncset.done $0x0  }
0xbf: {  	s30 =	rddreg [dreg:$0x11];
	[sflag:s18] =	ssyncadd.s32 $0xFFFFFE00  }
0xc0: {  	[hbm:s30], [sflag:s28] =	dma.local [spmem:s11], $0x200  }
0xc1: {  	_ =	swait.ge [sflag:s18], $0x200  }
0xc2: {  	[sflag:s18] =	ssyncset.done $0x0  }
0xc3: {  	s29 =	rddreg [dreg:$0x12];
	[sflag:s18] =	ssyncadd.s32 $0xFFFFFE00  }
0xc4: {  	[hbm:s29], [sflag:s28] =	dma.local [spmem:s12], $0x200  }
0xc5: {  	_ =	swait.ge [sflag:s18], $0x200  }
0xc6: {  	[sflag:s18] =	ssyncset.done $0x0  }
0xc7: {  	s30 =	rddreg [dreg:$0x13];
	[sflag:s18] =	ssyncadd.s32 $0xFFFFFE00  }
0xc8: {  	[hbm:s30], [sflag:s28] =	dma.local [spmem:s13], $0x200  }
0xc9: {  	_ =	swait.ge [sflag:s18], $0x200  }
0xca: {  	[sflag:s18] =	ssyncset.done $0x0  }
0xcb: {  	s29 =	rddreg [dreg:$0x14];
	[sflag:s18] =	ssyncadd.s32 $0xFFFFFE00  }
0xcc: {  	[hbm:s29], [sflag:s28] =	dma.local [spmem:s14], $0x200  }
0xcd: {  	_ =	swait.ge [sflag:s18], $0x200  }
0xce: {  	[sflag:s18] =	ssyncset.done $0x0  }
0xcf: {  	s30 =	rddreg [dreg:$0x15];
	[sflag:s18] =	ssyncadd.s32 $0xFFFFFE00  }
0xd0: {  	[hbm:s30], [sflag:s28] =	dma.local [spmem:s15], $0x200  }
0xd1: {  	_ =	swait.ge [sflag:s18], $0x200  }
0xd2: {  	[sflag:s18] =	ssyncset.done $0x0  }
0xd3: {  	s29 =	rddreg [dreg:$0x16];
	[sflag:s18] =	ssyncadd.s32 $0xFFFFFE00  }
0xd4: {  	[hbm:s29], [sflag:s28] =	dma.local [spmem:s16], $0x200  }
0xd5: {  	s25 =	sadd.s32 $0x1, s25;
	_ =	swait.ge [sflag:s18], $0x200  }
0xd6: {  	p0 =	sne.s32 s25, s31;
	[sflag:s18] =	ssyncset.done $0x0  }
.Ltmp1:
0xd7: {  	s30 =	rddreg [dreg:$0x17];
	[sflag:s18] =	ssyncadd.s32 $0xFFFFFE00;
	(pc) =	sbr.rel @p0 .LBB2_1-.Ltmp1, $4  }
0xd8: {  	[hbm:s30], [sflag:s28] =	dma.local [spmem:s17], $0x200  }
0xd9: {  	_ =	swait.ge [sflag:s18], $0x200  }
0xda: {  	[sflag:s18] =	ssyncset.done $0x0  }
0xdb: {  	[sflag:s18] =	ssyncadd.s32 $0xFFFFFE00  }
0xdc: {  	_ =	sfence.sel $0x180000  }
0xdd: {  	[bflag:$0x0] =	sbarrier.arrive $0xFFFF  }
0xde: {  	_ =	strace $0x90000047  }
0xdf: {  	s0 =	stileid.u32;
	[bflag:$0x2] =	sbarrier.arrive $0xFFFF  }
0xe0: {  	p0 =	sne.s32 s0, $0x0;
	s0 =	rddreg [dreg:$0x3]  }
0xe1: {  	s0 =	sadd.s32 @!p0 $0x100000, s0  }
0xe2: {  	[sflag:s0] =	ssyncadd.tile.s32 @!p0 $0x1;
	_ =	shalt  }
.Lfunc_end2:
_tile_overlayer_lowered:
.L_overlay_start_2:
0xe3: {  	(tag) =	ssettag $0x2  }
0xe4: {  	s0 =	rddreg [dreg:$0x0];
	s2 =	stileid.u32  }
0xe5: {  	s1 =	rddreg [dreg:$0x1];
	p0 =	sne.s32 s2, $0x0  }
0xe6: {  	s3 =	rddreg [dreg:$0x2];
	[bflag:$0x3] =	sbarrier.arrive $0xFFFF;
	s2 =	simm.s32 @!p0 $0x1C01  }
0xe7: {  	[timem:s3], [sflag:s2] =	dma.local @!p0 [hbm:s0], s1  }
0xe8: {  	s0 =	simm.s32 @!p0 $0x1  }
0xe9: {  	_ =	swait.ge @!p0 [sflag:s0], s1  }
0xea: {  	s1 =	ssub.s32 @!p0 $0x0, s1;
	[sflag:s0] =	ssyncset.done @!p0 $0x0  }
0xeb: {  	[sflag:s0] =	ssyncadd.s32 @!p0 s1  }
0xec: {  	[bflag:$0x3] =	sbarrier.arrive $0xFFFF  }
0xed: {  	_ =	shalt  }

</sc_bundles>
